<compile_context>
chip_gen: v7x
topology: tpu7x:2x2x1
jax: 0.10.2.dev20260603
libtpu: 0.0.44.dev20260713+nightly
codegen_flags: <defaults>
</compile_context>

<pallas_src>
import functools

import jax
import jax.numpy as jnp
from jax import lax
from jax.experimental import pallas as pl
from jax.experimental.pallas import tpu as pltpu
from jax.experimental.pallas import tpu_sc as plsc

BATCH = 16384
VOCAB = 1000000
EMB = 64
LANES = 16
WIN = 128

NC = 2
NS = 16
NW = NC * NS
B_PER_W = BATCH // NW
SG = 16
N_SG = B_PER_W // SG
N_PAIRS = SG // 2


def _make_kernel():
    mesh = plsc.VectorSubcoreMesh(core_axis_name="c", subcore_axis_name="s")

    @functools.partial(
        pl.kernel,
        mesh=mesh,
        out_type=jax.ShapeDtypeStruct((EMB, BATCH), jnp.float32),
        scratch_types=[
            pltpu.VMEM((B_PER_W,), jnp.int32),
            pltpu.VMEM((B_PER_W,), jnp.int32),
            pltpu.VMEM((4, EMB, WIN), jnp.float32),
            pltpu.VMEM((4, EMB, WIN), jnp.float32),
            pltpu.VMEM((EMB, B_PER_W), jnp.float32),
            pltpu.SemaphoreType.DMA((4,)),
            pltpu.SemaphoreType.DMA((4,)),
        ],
        compiler_params=pltpu.CompilerParams(needs_layout_passes=False),
    )
    def k(tbl_a_t, tbl_b_t, idx_t_hbm, out_t_hbm,
          idx_a_v, idx_b_v, blk_a, blk_b, out_v, sem_a, sem_b):
        wid = lax.axis_index("s") * NC + lax.axis_index("c")
        base = wid * B_PER_W

        pltpu.sync_copy(idx_t_hbm.at[0, pl.ds(base, B_PER_W)], idx_a_v)
        pltpu.sync_copy(idx_t_hbm.at[1, pl.ds(base, B_PER_W)], idx_b_v)

        lane_ids = lax.iota(jnp.int32, LANES)

        DEPTH = 3

        def fire_one(slot, ra, rb):
            ca = pl.multiple_of((ra >> 7) * WIN, WIN)
            cb = pl.multiple_of((rb >> 7) * WIN, WIN)
            pltpu.async_copy(
                tbl_a_t.at[:, pl.ds(ca, WIN)], blk_a.at[slot],
                sem_a.at[slot])
            pltpu.async_copy(
                tbl_b_t.at[:, pl.ds(cb, WIN)], blk_b.at[slot],
                sem_b.at[slot])

        def drain(slot):
            pltpu.make_async_copy(
                tbl_a_t.at[:, pl.ds(0, WIN)], blk_a.at[slot],
                sem_a.at[slot]).wait()
            pltpu.make_async_copy(
                tbl_b_t.at[:, pl.ds(0, WIN)], blk_b.at[slot],
                sem_b.at[slot]).wait()

        def process(slot, ra, rb, row):
            la = jnp.full((LANES,), ra & (WIN - 1), jnp.int32)
            lb = jnp.full((LANES,), rb & (WIN - 1), jnp.int32)
            col = jnp.full((LANES,), row, jnp.int32)
            for c4 in range(EMB // LANES):
                feat = lane_ids + (c4 * LANES)
                ea = plsc.load_gather(blk_a.at[slot], [feat, la])
                eb = plsc.load_gather(blk_b.at[slot], [feat, lb])
                plsc.store_scatter(out_v, [feat, col], ea * eb)

        va0 = idx_a_v[pl.ds(0, SG)]
        vb0 = idx_b_v[pl.ds(0, SG)]
        for j in range(DEPTH):
            fire_one(j & 3, va0[j], vb0[j])

        def body(sg, carry):
            va = idx_a_v[pl.ds(sg * SG, SG)]
            vb = idx_b_v[pl.ds(sg * SG, SG)]
            nxt = jnp.minimum(sg + 1, N_SG - 1) * SG
            va_n = idx_a_v[pl.ds(nxt, SG)]
            vb_n = idx_b_v[pl.ds(nxt, SG)]
            for j in range(SG):
                jn = j + DEPTH
                if jn < SG:
                    fire_one(jn & 3, va[jn], vb[jn])
                else:
                    @pl.when(sg < N_SG - 1)
                    def _():
                        fire_one(jn & 3, va_n[jn - SG], vb_n[jn - SG])
                drain(j & 3)
                process(j & 3, va[j], vb[j], sg * SG + j)
            return carry

        lax.fori_loop(0, N_SG, body, 0)

        pltpu.sync_copy(out_v, out_t_hbm.at[:, pl.ds(base, B_PER_W)])

    return k


_sc_kernel = _make_kernel()


def kernel(inputs, emb_inst_table, emb_cont_table):
    out_t = _sc_kernel(emb_inst_table.T, emb_cont_table.T,
                       inputs.T.astype(jnp.int32))
    return out_t.T

# --- scband reference (transcript-rebuilt; emitter-appended) ---
"""Pipeline reference for scband-planetoid-t-24481313587363 (READ-ONLY COPY).

The authoritative reference and input builder live on the scoring server;
editing this copy changes nothing except your own understanding.
"""

import jax, jax.numpy as jnp
import numpy as np

BATCH = 16384
VOCAB = 1000000
EMB = 64

def setup_inputs(seed: int = 0) -> dict:
    key = jax.random.key(seed)
    k1, k2, k3 = jax.random.split(key, 3)
    # (instance_idx, context_idx) pairs, as in Planetoid_T unsupervised modality 'u'
    inputs = jax.random.randint(k1, (BATCH, 2), 0, VOCAB, dtype=jnp.int64 if jax.config.jax_enable_x64 else jnp.int32)
    # learned embedding tables (emb_inst and emb_cont, since r1 > 0)
    emb_inst_table = jax.random.normal(k2, (VOCAB, EMB), dtype=jnp.float32) * 0.05
    emb_cont_table = jax.random.normal(k3, (VOCAB, EMB), dtype=jnp.float32) * 0.05
    return {"inputs": inputs, "emb_inst_table": emb_inst_table, "emb_cont_table": emb_cont_table}

def reference(inputs, emb_inst_table, emb_cont_table):
    # Planetoid_T.call(inputs, modality='u') with self.r1 > 0:
    #   emb_i = self.emb_inst(inputs[:, 0])
    #   emb_c = self.emb_cont(inputs[:, 1])
    #   out   = emb_i * emb_c
    emb_i = jnp.take(emb_inst_table, inputs[:, 0], axis=0)
    emb_c = jnp.take(emb_cont_table, inputs[:, 1], axis=0)
    out = emb_i * emb_c
    return out

if __name__ == "__main__":
    import jax
    _d = setup_inputs()
    print(jax.jit(kernel)(*tuple(_d.values())))

</pallas_src>

<mosaic_0001>
#map = affine_map<(d0, d1) -> (0, 0)>
module attributes {stable_mosaic.version = 14 : i64} {
  func.func @k(%arg0: i32, %arg1: i32, %arg2: memref<64x1000000xf32, #tpu.memory_space<hbm>>, %arg3: memref<64x1000000xf32, #tpu.memory_space<hbm>>, %arg4: memref<2x16384xi32, #tpu.memory_space<hbm>>, %arg5: memref<64x16384xf32, #tpu.memory_space<hbm>>, %arg6: memref<512xi32, #tpu.memory_space<vmem>>, %arg7: memref<512xi32, #tpu.memory_space<vmem>>, %arg8: memref<4x64x128xf32, #tpu.memory_space<vmem>>, %arg9: memref<4x64x128xf32, #tpu.memory_space<vmem>>, %arg10: memref<64x512xf32, #tpu.memory_space<vmem>>, %arg11: memref<4x!tpu.dma_semaphore, #tpu.memory_space<semaphore_mem>>, %arg12: memref<4x!tpu.dma_semaphore, #tpu.memory_space<semaphore_mem>>) attributes {dimension_semantics = [#tpu.dimension_semantics<core_parallel>, #tpu.dimension_semantics<subcore_parallel>], iteration_bounds = array<i64: 2, 16>, scalar_prefetch = 0 : i64, scratch_operands = 7 : i64, tpu.core_type = #tpu.core_type<sc_vector_subcore>, window_params = [{transform_indices = #map}, {transform_indices = #map}, {transform_indices = #map}, {transform_indices = #map}]} {
    %mul3A = arith.constant 2 : i32
    %mul3A_0 = arith.muli %arg1, %mul3A : i32
    %add3A = arith.addi %mul3A_0, %arg0 : i32
    %mul3A_1 = arith.constant 512 : i32
    %mul3A_2 = arith.muli %add3A, %mul3A_1 : i32
    %run_scoped3A = arith.constant 0 : i32
    "tpu.region"() ({
      %run_scoped3A_145 = tpu.sem_alloc : memref<!tpu.dma_semaphore, #tpu.memory_space<semaphore_mem>>
      %dma_start3A_146 = tpu.memref_slice %arg4[%run_scoped3A, %mul3A_2] : memref<2x16384xi32, #tpu.memory_space<hbm>> -> memref<1x512xi32, #tpu.memory_space<hbm>>
      %dma_start3A_147 = tpu.memref_squeeze %dma_start3A_146 : memref<1x512xi32, #tpu.memory_space<hbm>> -> memref<512xi32, #tpu.memory_space<hbm>>
      %dma_start3A_148 = tpu.memref_slice %arg4[%run_scoped3A, %mul3A_2] : memref<2x16384xi32, #tpu.memory_space<hbm>> -> memref<1x512xi32, #tpu.memory_space<hbm>>
      %dma_start3A_149 = tpu.memref_squeeze %dma_start3A_148 : memref<1x512xi32, #tpu.memory_space<hbm>> -> memref<512xi32, #tpu.memory_space<hbm>>
      tpu.enqueue_dma source(%dma_start3A_149 : memref<512xi32, #tpu.memory_space<hbm>>) target(%arg6 : memref<512xi32, #tpu.memory_space<vmem>>) target_semaphore(%run_scoped3A_145 : memref<!tpu.dma_semaphore, #tpu.memory_space<semaphore_mem>>)
      %dma_wait3A = tpu.memref_slice %arg4[%run_scoped3A, %mul3A_2] : memref<2x16384xi32, #tpu.memory_space<hbm>> -> memref<1x512xi32, #tpu.memory_space<hbm>>
      %dma_wait3A_150 = tpu.memref_squeeze %dma_wait3A : memref<1x512xi32, #tpu.memory_space<hbm>> -> memref<512xi32, #tpu.memory_space<hbm>>
      %dma_wait3A_151 = tpu.memref_slice %arg4[%run_scoped3A, %mul3A_2] : memref<2x16384xi32, #tpu.memory_space<hbm>> -> memref<1x512xi32, #tpu.memory_space<hbm>>
      %dma_wait3A_152 = tpu.memref_squeeze %dma_wait3A_151 : memref<1x512xi32, #tpu.memory_space<hbm>> -> memref<512xi32, #tpu.memory_space<hbm>>
      tpu.wait_dma2 semaphore(%run_scoped3A_145 : memref<!tpu.dma_semaphore, #tpu.memory_space<semaphore_mem>>) src(%dma_wait3A_152 : memref<512xi32, #tpu.memory_space<hbm>>) dst(%arg6 : memref<512xi32, #tpu.memory_space<vmem>>)
      tpu.yield
    }) : () -> ()
    %run_scoped3A_3 = arith.constant 1 : i32
    "tpu.region"() ({
      %run_scoped3A_145 = tpu.sem_alloc : memref<!tpu.dma_semaphore, #tpu.memory_space<semaphore_mem>>
      %dma_start3A_146 = tpu.memref_slice %arg4[%run_scoped3A_3, %mul3A_2] : memref<2x16384xi32, #tpu.memory_space<hbm>> -> memref<1x512xi32, #tpu.memory_space<hbm>>
      %dma_start3A_147 = tpu.memref_squeeze %dma_start3A_146 : memref<1x512xi32, #tpu.memory_space<hbm>> -> memref<512xi32, #tpu.memory_space<hbm>>
      %dma_start3A_148 = tpu.memref_slice %arg4[%run_scoped3A_3, %mul3A_2] : memref<2x16384xi32, #tpu.memory_space<hbm>> -> memref<1x512xi32, #tpu.memory_space<hbm>>
      %dma_start3A_149 = tpu.memref_squeeze %dma_start3A_148 : memref<1x512xi32, #tpu.memory_space<hbm>> -> memref<512xi32, #tpu.memory_space<hbm>>
      tpu.enqueue_dma source(%dma_start3A_149 : memref<512xi32, #tpu.memory_space<hbm>>) target(%arg7 : memref<512xi32, #tpu.memory_space<vmem>>) target_semaphore(%run_scoped3A_145 : memref<!tpu.dma_semaphore, #tpu.memory_space<semaphore_mem>>)
      %dma_wait3A = tpu.memref_slice %arg4[%run_scoped3A_3, %mul3A_2] : memref<2x16384xi32, #tpu.memory_space<hbm>> -> memref<1x512xi32, #tpu.memory_space<hbm>>
      %dma_wait3A_150 = tpu.memref_squeeze %dma_wait3A : memref<1x512xi32, #tpu.memory_space<hbm>> -> memref<512xi32, #tpu.memory_space<hbm>>
      %dma_wait3A_151 = tpu.memref_slice %arg4[%run_scoped3A_3, %mul3A_2] : memref<2x16384xi32, #tpu.memory_space<hbm>> -> memref<1x512xi32, #tpu.memory_space<hbm>>
      %dma_wait3A_152 = tpu.memref_squeeze %dma_wait3A_151 : memref<1x512xi32, #tpu.memory_space<hbm>> -> memref<512xi32, #tpu.memory_space<hbm>>
      tpu.wait_dma2 semaphore(%run_scoped3A_145 : memref<!tpu.dma_semaphore, #tpu.memory_space<semaphore_mem>>) src(%dma_wait3A_152 : memref<512xi32, #tpu.memory_space<hbm>>) dst(%arg7 : memref<512xi32, #tpu.memory_space<vmem>>)
      tpu.yield
    }) : () -> ()
    %iota3A = tpu.iota {dimensions = array<i32: 0>} : vector<16xi32>
    %get3A = arith.constant 0 : index
    %get3A_4 = tpu.vector_load %arg6[%get3A] {strides = array<i32>} : memref<512xi32, #tpu.memory_space<vmem>>, vector<16xi32>,
    %get3A_5 = arith.constant 0 : index
    %get3A_6 = tpu.vector_load %arg7[%get3A_5] {strides = array<i32>} : memref<512xi32, #tpu.memory_space<vmem>>, vector<16xi32>,
    %slice3A = vector.extract_strided_slice %get3A_4 {offsets = [0], sizes = [1], strides = [1]} : vector<16xi32> to vector<1xi32>
    %squeeze3A = vector.extract %slice3A[0] : i32 from vector<1xi32>
    %slice3A_7 = vector.extract_strided_slice %get3A_6 {offsets = [0], sizes = [1], strides = [1]} : vector<16xi32> to vector<1xi32>
    %squeeze3A_8 = vector.extract %slice3A_7[0] : i32 from vector<1xi32>
    %shift_right_arithmetic3A = arith.constant 7 : i32
    %shift_right_arithmetic3A_9 = arith.shrsi %squeeze3A, %shift_right_arithmetic3A : i32
    %mul3A_10 = arith.constant 128 : i32
    %mul3A_11 = arith.muli %shift_right_arithmetic3A_9, %mul3A_10 : i32
    %multiple_of3A = tpu.assume_multiple %mul3A_11, 128 : i32
    %shift_right_arithmetic3A_12 = arith.constant 7 : i32
    %shift_right_arithmetic3A_13 = arith.shrsi %squeeze3A_8, %shift_right_arithmetic3A_12 : i32
    %mul3A_14 = arith.constant 128 : i32
    %mul3A_15 = arith.muli %shift_right_arithmetic3A_13, %mul3A_14 : i32
    %multiple_of3A_16 = tpu.assume_multiple %mul3A_15, 128 : i32
    %dma_start3A = arith.constant 0 : i32
    %dma_start3A_17 = arith.constant 0 : i32
    %dma_start3A_18 = arith.constant 0 : i32
    %dma_start3A_19 = arith.constant 0 : i32
    %dma_start3A_20 = tpu.memref_slice %arg8[%dma_start3A, %dma_start3A_18, %dma_start3A_19] : memref<4x64x128xf32, #tpu.memory_space<vmem>> -> memref<1x64x128xf32, #tpu.memory_space<vmem>>
    %dma_start3A_21 = tpu.memref_squeeze %dma_start3A_20 : memref<1x64x128xf32, #tpu.memory_space<vmem>> -> memref<64x128xf32, #tpu.memory_space<vmem>>
    %dma_start3A_22 = arith.constant 0 : i32
    %dma_start3A_23 = tpu.memref_slice %arg2[%dma_start3A_22, %multiple_of3A] : memref<64x1000000xf32, #tpu.memory_space<hbm>> -> memref<64x128xf32, #tpu.memory_space<hbm>>
    %dma_start3A_24 = tpu.memref_slice %arg11[%dma_start3A_17] : memref<4x!tpu.dma_semaphore, #tpu.memory_space<semaphore_mem>> -> memref<1x!tpu.dma_semaphore, #tpu.memory_space<semaphore_mem>>
    %dma_start3A_25 = tpu.memref_squeeze %dma_start3A_24 : memref<1x!tpu.dma_semaphore, #tpu.memory_space<semaphore_mem>> -> memref<!tpu.dma_semaphore, #tpu.memory_space<semaphore_mem>>
    %dma_start3A_26 = arith.constant 0 : i32
    %dma_start3A_27 = arith.constant 0 : i32
    %dma_start3A_28 = tpu.memref_slice %arg8[%dma_start3A, %dma_start3A_26, %dma_start3A_27] : memref<4x64x128xf32, #tpu.memory_space<vmem>> -> memref<1x64x128xf32, #tpu.memory_space<vmem>>
    %dma_start3A_29 = tpu.memref_squeeze %dma_start3A_28 : memref<1x64x128xf32, #tpu.memory_space<vmem>> -> memref<64x128xf32, #tpu.memory_space<vmem>>
    %dma_start3A_30 = arith.constant 0 : i32
    %dma_start3A_31 = tpu.memref_slice %arg2[%dma_start3A_30, %multiple_of3A] : memref<64x1000000xf32, #tpu.memory_space<hbm>> -> memref<64x128xf32, #tpu.memory_space<hbm>>
    tpu.enqueue_dma source(%dma_start3A_31 : memref<64x128xf32, #tpu.memory_space<hbm>>) target(%dma_start3A_29 : memref<64x128xf32, #tpu.memory_space<vmem>>) target_semaphore(%dma_start3A_25 : memref<!tpu.dma_semaphore, #tpu.memory_space<semaphore_mem>>)
    %dma_start3A_32 = arith.constant 0 : i32
    %dma_start3A_33 = arith.constant 0 : i32
    %dma_start3A_34 = arith.constant 0 : i32
    %dma_start3A_35 = arith.constant 0 : i32
    %dma_start3A_36 = tpu.memref_slice %arg9[%dma_start3A_32, %dma_start3A_34, %dma_start3A_35] : memref<4x64x128xf32, #tpu.memory_space<vmem>> -> memref<1x64x128xf32, #tpu.memory_space<vmem>>
    %dma_start3A_37 = tpu.memref_squeeze %dma_start3A_36 : memref<1x64x128xf32, #tpu.memory_space<vmem>> -> memref<64x128xf32, #tpu.memory_space<vmem>>
    %dma_start3A_38 = arith.constant 0 : i32
    %dma_start3A_39 = tpu.memref_slice %arg3[%dma_start3A_38, %multiple_of3A_16] : memref<64x1000000xf32, #tpu.memory_space<hbm>> -> memref<64x128xf32, #tpu.memory_space<hbm>>
    %dma_start3A_40 = tpu.memref_slice %arg12[%dma_start3A_33] : memref<4x!tpu.dma_semaphore, #tpu.memory_space<semaphore_mem>> -> memref<1x!tpu.dma_semaphore, #tpu.memory_space<semaphore_mem>>
    %dma_start3A_41 = tpu.memref_squeeze %dma_start3A_40 : memref<1x!tpu.dma_semaphore, #tpu.memory_space<semaphore_mem>> -> memref<!tpu.dma_semaphore, #tpu.memory_space<semaphore_mem>>
    %dma_start3A_42 = arith.constant 0 : i32
    %dma_start3A_43 = arith.constant 0 : i32
    %dma_start3A_44 = tpu.memref_slice %arg9[%dma_start3A_32, %dma_start3A_42, %dma_start3A_43] : memref<4x64x128xf32, #tpu.memory_space<vmem>> -> memref<1x64x128xf32, #tpu.memory_space<vmem>>
    %dma_start3A_45 = tpu.memref_squeeze %dma_start3A_44 : memref<1x64x128xf32, #tpu.memory_space<vmem>> -> memref<64x128xf32, #tpu.memory_space<vmem>>
    %dma_start3A_46 = arith.constant 0 : i32
    %dma_start3A_47 = tpu.memref_slice %arg3[%dma_start3A_46, %multiple_of3A_16] : memref<64x1000000xf32, #tpu.memory_space<hbm>> -> memref<64x128xf32, #tpu.memory_space<hbm>>
    tpu.enqueue_dma source(%dma_start3A_47 : memref<64x128xf32, #tpu.memory_space<hbm>>) target(%dma_start3A_45 : memref<64x128xf32, #tpu.memory_space<vmem>>) target_semaphore(%dma_start3A_41 : memref<!tpu.dma_semaphore, #tpu.memory_space<semaphore_mem>>)
    %slice3A_48 = vector.extract_strided_slice %get3A_4 {offsets = [1], sizes = [1], strides = [1]} : vector<16xi32> to vector<1xi32>
    %squeeze3A_49 = vector.extract %slice3A_48[0] : i32 from vector<1xi32>
    %slice3A_50 = vector.extract_strided_slice %get3A_6 {offsets = [1], sizes = [1], strides = [1]} : vector<16xi32> to vector<1xi32>
    %squeeze3A_51 = vector.extract %slice3A_50[0] : i32 from vector<1xi32>
    %shift_right_arithmetic3A_52 = arith.constant 7 : i32
    %shift_right_arithmetic3A_53 = arith.shrsi %squeeze3A_49, %shift_right_arithmetic3A_52 : i32
    %mul3A_54 = arith.constant 128 : i32
    %mul3A_55 = arith.muli %shift_right_arithmetic3A_53, %mul3A_54 : i32
    %multiple_of3A_56 = tpu.assume_multiple %mul3A_55, 128 : i32
    %shift_right_arithmetic3A_57 = arith.constant 7 : i32
    %shift_right_arithmetic3A_58 = arith.shrsi %squeeze3A_51, %shift_right_arithmetic3A_57 : i32
    %mul3A_59 = arith.constant 128 : i32
    %mul3A_60 = arith.muli %shift_right_arithmetic3A_58, %mul3A_59 : i32
    %multiple_of3A_61 = tpu.assume_multiple %mul3A_60, 128 : i32
    %dma_start3A_62 = arith.constant 1 : i32
    %dma_start3A_63 = arith.constant 1 : i32
    %dma_start3A_64 = arith.constant 0 : i32
    %dma_start3A_65 = arith.constant 0 : i32
    %dma_start3A_66 = tpu.memref_slice %arg8[%dma_start3A_62, %dma_start3A_64, %dma_start3A_65] : memref<4x64x128xf32, #tpu.memory_space<vmem>> -> memref<1x64x128xf32, #tpu.memory_space<vmem>>
    %dma_start3A_67 = tpu.memref_squeeze %dma_start3A_66 : memref<1x64x128xf32, #tpu.memory_space<vmem>> -> memref<64x128xf32, #tpu.memory_space<vmem>>
    %dma_start3A_68 = arith.constant 0 : i32
    %dma_start3A_69 = tpu.memref_slice %arg2[%dma_start3A_68, %multiple_of3A_56] : memref<64x1000000xf32, #tpu.memory_space<hbm>> -> memref<64x128xf32, #tpu.memory_space<hbm>>
    %dma_start3A_70 = tpu.memref_slice %arg11[%dma_start3A_63] : memref<4x!tpu.dma_semaphore, #tpu.memory_space<semaphore_mem>> -> memref<1x!tpu.dma_semaphore, #tpu.memory_space<semaphore_mem>>
    %dma_start3A_71 = tpu.memref_squeeze %dma_start3A_70 : memref<1x!tpu.dma_semaphore, #tpu.memory_space<semaphore_mem>> -> memref<!tpu.dma_semaphore, #tpu.memory_space<semaphore_mem>>
    %dma_start3A_72 = arith.constant 0 : i32
    %dma_start3A_73 = arith.constant 0 : i32
    %dma_start3A_74 = tpu.memref_slice %arg8[%dma_start3A_62, %dma_start3A_72, %dma_start3A_73] : memref<4x64x128xf32, #tpu.memory_space<vmem>> -> memref<1x64x128xf32, #tpu.memory_space<vmem>>
    %dma_start3A_75 = tpu.memref_squeeze %dma_start3A_74 : memref<1x64x128xf32, #tpu.memory_space<vmem>> -> memref<64x128xf32, #tpu.memory_space<vmem>>
    %dma_start3A_76 = arith.constant 0 : i32
    %dma_start3A_77 = tpu.memref_slice %arg2[%dma_start3A_76, %multiple_of3A_56] : memref<64x1000000xf32, #tpu.memory_space<hbm>> -> memref<64x128xf32, #tpu.memory_space<hbm>>
    tpu.enqueue_dma source(%dma_start3A_77 : memref<64x128xf32, #tpu.memory_space<hbm>>) target(%dma_start3A_75 : memref<64x128xf32, #tpu.memory_space<vmem>>) target_semaphore(%dma_start3A_71 : memref<!tpu.dma_semaphore, #tpu.memory_space<semaphore_mem>>)
    %dma_start3A_78 = arith.constant 1 : i32
    %dma_start3A_79 = arith.constant 1 : i32
    %dma_start3A_80 = arith.constant 0 : i32
    %dma_start3A_81 = arith.constant 0 : i32
    %dma_start3A_82 = tpu.memref_slice %arg9[%dma_start3A_78, %dma_start3A_80, %dma_start3A_81] : memref<4x64x128xf32, #tpu.memory_space<vmem>> -> memref<1x64x128xf32, #tpu.memory_space<vmem>>
    %dma_start3A_83 = tpu.memref_squeeze %dma_start3A_82 : memref<1x64x128xf32, #tpu.memory_space<vmem>> -> memref<64x128xf32, #tpu.memory_space<vmem>>
    %dma_start3A_84 = arith.constant 0 : i32
    %dma_start3A_85 = tpu.memref_slice %arg3[%dma_start3A_84, %multiple_of3A_61] : memref<64x1000000xf32, #tpu.memory_space<hbm>> -> memref<64x128xf32, #tpu.memory_space<hbm>>
    %dma_start3A_86 = tpu.memref_slice %arg12[%dma_start3A_79] : memref<4x!tpu.dma_semaphore, #tpu.memory_space<semaphore_mem>> -> memref<1x!tpu.dma_semaphore, #tpu.memory_space<semaphore_mem>>
    %dma_start3A_87 = tpu.memref_squeeze %dma_start3A_86 : memref<1x!tpu.dma_semaphore, #tpu.memory_space<semaphore_mem>> -> memref<!tpu.dma_semaphore, #tpu.memory_space<semaphore_mem>>
    %dma_start3A_88 = arith.constant 0 : i32
    %dma_start3A_89 = arith.constant 0 : i32
    %dma_start3A_90 = tpu.memref_slice %arg9[%dma_start3A_78, %dma_start3A_88, %dma_start3A_89] : memref<4x64x128xf32, #tpu.memory_space<vmem>> -> memref<1x64x128xf32, #tpu.memory_space<vmem>>
    %dma_start3A_91 = tpu.memref_squeeze %dma_start3A_90 : memref<1x64x128xf32, #tpu.memory_space<vmem>> -> memref<64x128xf32, #tpu.memory_space<vmem>>
    %dma_start3A_92 = arith.constant 0 : i32
    %dma_start3A_93 = tpu.memref_slice %arg3[%dma_start3A_92, %multiple_of3A_61] : memref<64x1000000xf32, #tpu.memory_space<hbm>> -> memref<64x128xf32, #tpu.memory_space<hbm>>
    tpu.enqueue_dma source(%dma_start3A_93 : memref<64x128xf32, #tpu.memory_space<hbm>>) target(%dma_start3A_91 : memref<64x128xf32, #tpu.memory_space<vmem>>) target_semaphore(%dma_start3A_87 : memref<!tpu.dma_semaphore, #tpu.memory_space<semaphore_mem>>)
    %slice3A_94 = vector.extract_strided_slice %get3A_4 {offsets = [2], sizes = [1], strides = [1]} : vector<16xi32> to vector<1xi32>
    %squeeze3A_95 = vector.extract %slice3A_94[0] : i32 from vector<1xi32>
    %slice3A_96 = vector.extract_strided_slice %get3A_6 {offsets = [2], sizes = [1], strides = [1]} : vector<16xi32> to vector<1xi32>
    %squeeze3A_97 = vector.extract %slice3A_96[0] : i32 from vector<1xi32>
    %shift_right_arithmetic3A_98 = arith.constant 7 : i32
    %shift_right_arithmetic3A_99 = arith.shrsi %squeeze3A_95, %shift_right_arithmetic3A_98 : i32
    %mul3A_100 = arith.constant 128 : i32
    %mul3A_101 = arith.muli %shift_right_arithmetic3A_99, %mul3A_100 : i32
    %multiple_of3A_102 = tpu.assume_multiple %mul3A_101, 128 : i32
    %shift_right_arithmetic3A_103 = arith.constant 7 : i32
    %shift_right_arithmetic3A_104 = arith.shrsi %squeeze3A_97, %shift_right_arithmetic3A_103 : i32
    %mul3A_105 = arith.constant 128 : i32
    %mul3A_106 = arith.muli %shift_right_arithmetic3A_104, %mul3A_105 : i32
    %multiple_of3A_107 = tpu.assume_multiple %mul3A_106, 128 : i32
    %dma_start3A_108 = arith.constant 2 : i32
    %dma_start3A_109 = arith.constant 2 : i32
    %dma_start3A_110 = arith.constant 0 : i32
    %dma_start3A_111 = arith.constant 0 : i32
    %dma_start3A_112 = tpu.memref_slice %arg8[%dma_start3A_108, %dma_start3A_110, %dma_start3A_111] : memref<4x64x128xf32, #tpu.memory_space<vmem>> -> memref<1x64x128xf32, #tpu.memory_space<vmem>>
    %dma_start3A_113 = tpu.memref_squeeze %dma_start3A_112 : memref<1x64x128xf32, #tpu.memory_space<vmem>> -> memref<64x128xf32, #tpu.memory_space<vmem>>
    %dma_start3A_114 = arith.constant 0 : i32
    %dma_start3A_115 = tpu.memref_slice %arg2[%dma_start3A_114, %multiple_of3A_102] : memref<64x1000000xf32, #tpu.memory_space<hbm>> -> memref<64x128xf32, #tpu.memory_space<hbm>>
    %dma_start3A_116 = tpu.memref_slice %arg11[%dma_start3A_109] : memref<4x!tpu.dma_semaphore, #tpu.memory_space<semaphore_mem>> -> memref<1x!tpu.dma_semaphore, #tpu.memory_space<semaphore_mem>>
    %dma_start3A_117 = tpu.memref_squeeze %dma_start3A_116 : memref<1x!tpu.dma_semaphore, #tpu.memory_space<semaphore_mem>> -> memref<!tpu.dma_semaphore, #tpu.memory_space<semaphore_mem>>
    %dma_start3A_118 = arith.constant 0 : i32
    %dma_start3A_119 = arith.constant 0 : i32
    %dma_start3A_120 = tpu.memref_slice %arg8[%dma_start3A_108, %dma_start3A_118, %dma_start3A_119] : memref<4x64x128xf32, #tpu.memory_space<vmem>> -> memref<1x64x128xf32, #tpu.memory_space<vmem>>
    %dma_start3A_121 = tpu.memref_squeeze %dma_start3A_120 : memref<1x64x128xf32, #tpu.memory_space<vmem>> -> memref<64x128xf32, #tpu.memory_space<vmem>>
    %dma_start3A_122 = arith.constant 0 : i32
    %dma_start3A_123 = tpu.memref_slice %arg2[%dma_start3A_122, %multiple_of3A_102] : memref<64x1000000xf32, #tpu.memory_space<hbm>> -> memref<64x128xf32, #tpu.memory_space<hbm>>
    tpu.enqueue_dma source(%dma_start3A_123 : memref<64x128xf32, #tpu.memory_space<hbm>>) target(%dma_start3A_121 : memref<64x128xf32, #tpu.memory_space<vmem>>) target_semaphore(%dma_start3A_117 : memref<!tpu.dma_semaphore, #tpu.memory_space<semaphore_mem>>)
    %dma_start3A_124 = arith.constant 2 : i32
    %dma_start3A_125 = arith.constant 2 : i32
    %dma_start3A_126 = arith.constant 0 : i32
    %dma_start3A_127 = arith.constant 0 : i32
    %dma_start3A_128 = tpu.memref_slice %arg9[%dma_start3A_124, %dma_start3A_126, %dma_start3A_127] : memref<4x64x128xf32, #tpu.memory_space<vmem>> -> memref<1x64x128xf32, #tpu.memory_space<vmem>>
    %dma_start3A_129 = tpu.memref_squeeze %dma_start3A_128 : memref<1x64x128xf32, #tpu.memory_space<vmem>> -> memref<64x128xf32, #tpu.memory_space<vmem>>
    %dma_start3A_130 = arith.constant 0 : i32
    %dma_start3A_131 = tpu.memref_slice %arg3[%dma_start3A_130, %multiple_of3A_107] : memref<64x1000000xf32, #tpu.memory_space<hbm>> -> memref<64x128xf32, #tpu.memory_space<hbm>>
    %dma_start3A_132 = tpu.memref_slice %arg12[%dma_start3A_125] : memref<4x!tpu.dma_semaphore, #tpu.memory_space<semaphore_mem>> -> memref<1x!tpu.dma_semaphore, #tpu.memory_space<semaphore_mem>>
    %dma_start3A_133 = tpu.memref_squeeze %dma_start3A_132 : memref<1x!tpu.dma_semaphore, #tpu.memory_space<semaphore_mem>> -> memref<!tpu.dma_semaphore, #tpu.memory_space<semaphore_mem>>
    %dma_start3A_134 = arith.constant 0 : i32
    %dma_start3A_135 = arith.constant 0 : i32
    %dma_start3A_136 = tpu.memref_slice %arg9[%dma_start3A_124, %dma_start3A_134, %dma_start3A_135] : memref<4x64x128xf32, #tpu.memory_space<vmem>> -> memref<1x64x128xf32, #tpu.memory_space<vmem>>
    %dma_start3A_137 = tpu.memref_squeeze %dma_start3A_136 : memref<1x64x128xf32, #tpu.memory_space<vmem>> -> memref<64x128xf32, #tpu.memory_space<vmem>>
    %dma_start3A_138 = arith.constant 0 : i32
    %dma_start3A_139 = tpu.memref_slice %arg3[%dma_start3A_138, %multiple_of3A_107] : memref<64x1000000xf32, #tpu.memory_space<hbm>> -> memref<64x128xf32, #tpu.memory_space<hbm>>
    tpu.enqueue_dma source(%dma_start3A_139 : memref<64x128xf32, #tpu.memory_space<hbm>>) target(%dma_start3A_137 : memref<64x128xf32, #tpu.memory_space<vmem>>) target_semaphore(%dma_start3A_133 : memref<!tpu.dma_semaphore, #tpu.memory_space<semaphore_mem>>)
    %scan3A = arith.constant 0 : i32
    %scan3A_140 = arith.constant 0 : i32
    %scan3A_141 = arith.constant 32 : i32
    %scan3A_142 = arith.addi %scan3A_140, %scan3A_141 : i32
    %scan3A_143 = arith.constant 1 : i32
    scf.for %scan3A_145 = %scan3A_140 to %scan3A_142 step %scan3A_143  : i32 {
      %mul3A_146 = arith.constant 16 : i32
      %mul3A_147 = arith.muli %scan3A_145, %mul3A_146 : i32
      %get3A_148 = arith.index_cast %mul3A_147 : i32 to index
      %get3A_149 = tpu.vector_load %arg6[%get3A_148] {strides = array<i32>} : memref<512xi32, #tpu.memory_space<vmem>>, vector<16xi32>,
      %mul3A_150 = arith.constant 16 : i32
      %mul3A_151 = arith.muli %scan3A_145, %mul3A_150 : i32
      %get3A_152 = arith.index_cast %mul3A_151 : i32 to index
      %get3A_153 = tpu.vector_load %arg7[%get3A_152] {strides = array<i32>} : memref<512xi32, #tpu.memory_space<vmem>>, vector<16xi32>,
      %add3A_154 = arith.constant 1 : i32
      %add3A_155 = arith.addi %scan3A_145, %add3A_154 : i32
      %min3A = arith.constant 31 : i32
      %min3A_156 = arith.minsi %add3A_155, %min3A : i32
      %mul3A_157 = arith.constant 16 : i32
      %mul3A_158 = arith.muli %min3A_156, %mul3A_157 : i32
      %get3A_159 = arith.index_cast %mul3A_158 : i32 to index
      %get3A_160 = tpu.vector_load %arg6[%get3A_159] {strides = array<i32>} : memref<512xi32, #tpu.memory_space<vmem>>, vector<16xi32>,
      %get3A_161 = arith.index_cast %mul3A_158 : i32 to index
      %get3A_162 = tpu.vector_load %arg7[%get3A_161] {strides = array<i32>} : memref<512xi32, #tpu.memory_space<vmem>>, vector<16xi32>,
      %slice3A_163 = vector.extract_strided_slice %get3A_149 {offsets = [3], sizes = [1], strides = [1]} : vector<16xi32> to vector<1xi32>
      %squeeze3A_164 = vector.extract %slice3A_163[0] : i32 from vector<1xi32>
      %slice3A_165 = vector.extract_strided_slice %get3A_153 {offsets = [3], sizes = [1], strides = [1]} : vector<16xi32> to vector<1xi32>
      %squeeze3A_166 = vector.extract %slice3A_165[0] : i32 from vector<1xi32>
      %shift_right_arithmetic3A_167 = arith.constant 7 : i32
      %shift_right_arithmetic3A_168 = arith.shrsi %squeeze3A_164, %shift_right_arithmetic3A_167 : i32
      %mul3A_169 = arith.constant 128 : i32
      %mul3A_170 = arith.muli %shift_right_arithmetic3A_168, %mul3A_169 : i32
      %multiple_of3A_171 = tpu.assume_multiple %mul3A_170, 128 : i32
      %shift_right_arithmetic3A_172 = arith.constant 7 : i32
      %shift_right_arithmetic3A_173 = arith.shrsi %squeeze3A_166, %shift_right_arithmetic3A_172 : i32
      %mul3A_174 = arith.constant 128 : i32
      %mul3A_175 = arith.muli %shift_right_arithmetic3A_173, %mul3A_174 : i32
      %multiple_of3A_176 = tpu.assume_multiple %mul3A_175, 128 : i32
      %dma_start3A_177 = arith.constant 3 : i32
      %dma_start3A_178 = arith.constant 3 : i32
      %dma_start3A_179 = arith.constant 0 : i32
      %dma_start3A_180 = arith.constant 0 : i32
      %dma_start3A_181 = tpu.memref_slice %arg8[%dma_start3A_177, %dma_start3A_179, %dma_start3A_180] : memref<4x64x128xf32, #tpu.memory_space<vmem>> -> memref<1x64x128xf32, #tpu.memory_space<vmem>>
      %dma_start3A_182 = tpu.memref_squeeze %dma_start3A_181 : memref<1x64x128xf32, #tpu.memory_space<vmem>> -> memref<64x128xf32, #tpu.memory_space<vmem>>
      %dma_start3A_183 = arith.constant 0 : i32
      %dma_start3A_184 = tpu.memref_slice %arg2[%dma_start3A_183, %multiple_of3A_171] : memref<64x1000000xf32, #tpu.memory_space<hbm>> -> memref<64x128xf32, #tpu.memory_space<hbm>>
      %dma_start3A_185 = tpu.memref_slice %arg11[%dma_start3A_178] : memref<4x!tpu.dma_semaphore, #tpu.memory_space<semaphore_mem>> -> memref<1x!tpu.dma_semaphore, #tpu.memory_space<semaphore_mem>>
      %dma_start3A_186 = tpu.memref_squeeze %dma_start3A_185 : memref<1x!tpu.dma_semaphore, #tpu.memory_space<semaphore_mem>> -> memref<!tpu.dma_semaphore, #tpu.memory_space<semaphore_mem>>
      %dma_start3A_187 = arith.constant 0 : i32
      %dma_start3A_188 = arith.constant 0 : i32
      %dma_start3A_189 = tpu.memref_slice %arg8[%dma_start3A_177, %dma_start3A_187, %dma_start3A_188] : memref<4x64x128xf32, #tpu.memory_space<vmem>> -> memref<1x64x128xf32, #tpu.memory_space<vmem>>
      %dma_start3A_190 = tpu.memref_squeeze %dma_start3A_189 : memref<1x64x128xf32, #tpu.memory_space<vmem>> -> memref<64x128xf32, #tpu.memory_space<vmem>>
      %dma_start3A_191 = arith.constant 0 : i32
      %dma_start3A_192 = tpu.memref_slice %arg2[%dma_start3A_191, %multiple_of3A_171] : memref<64x1000000xf32, #tpu.memory_space<hbm>> -> memref<64x128xf32, #tpu.memory_space<hbm>>
      tpu.enqueue_dma source(%dma_start3A_192 : memref<64x128xf32, #tpu.memory_space<hbm>>) target(%dma_start3A_190 : memref<64x128xf32, #tpu.memory_space<vmem>>) target_semaphore(%dma_start3A_186 : memref<!tpu.dma_semaphore, #tpu.memory_space<semaphore_mem>>)
      %dma_start3A_193 = arith.constant 3 : i32
      %dma_start3A_194 = arith.constant 3 : i32
      %dma_start3A_195 = arith.constant 0 : i32
      %dma_start3A_196 = arith.constant 0 : i32
      %dma_start3A_197 = tpu.memref_slice %arg9[%dma_start3A_193, %dma_start3A_195, %dma_start3A_196] : memref<4x64x128xf32, #tpu.memory_space<vmem>> -> memref<1x64x128xf32, #tpu.memory_space<vmem>>
      %dma_start3A_198 = tpu.memref_squeeze %dma_start3A_197 : memref<1x64x128xf32, #tpu.memory_space<vmem>> -> memref<64x128xf32, #tpu.memory_space<vmem>>
      %dma_start3A_199 = arith.constant 0 : i32
      %dma_start3A_200 = tpu.memref_slice %arg3[%dma_start3A_199, %multiple_of3A_176] : memref<64x1000000xf32, #tpu.memory_space<hbm>> -> memref<64x128xf32, #tpu.memory_space<hbm>>
      %dma_start3A_201 = tpu.memref_slice %arg12[%dma_start3A_194] : memref<4x!tpu.dma_semaphore, #tpu.memory_space<semaphore_mem>> -> memref<1x!tpu.dma_semaphore, #tpu.memory_space<semaphore_mem>>
      %dma_start3A_202 = tpu.memref_squeeze %dma_start3A_201 : memref<1x!tpu.dma_semaphore, #tpu.memory_space<semaphore_mem>> -> memref<!tpu.dma_semaphore, #tpu.memory_space<semaphore_mem>>
      %dma_start3A_203 = arith.constant 0 : i32
      %dma_start3A_204 = arith.constant 0 : i32
      %dma_start3A_205 = tpu.memref_slice %arg9[%dma_start3A_193, %dma_start3A_203, %dma_start3A_204] : memref<4x64x128xf32, #tpu.memory_space<vmem>> -> memref<1x64x128xf32, #tpu.memory_space<vmem>>
      %dma_start3A_206 = tpu.memref_squeeze %dma_start3A_205 : memref<1x64x128xf32, #tpu.memory_space<vmem>> -> memref<64x128xf32, #tpu.memory_space<vmem>>
      %dma_start3A_207 = arith.constant 0 : i32
      %dma_start3A_208 = tpu.memref_slice %arg3[%dma_start3A_207, %multiple_of3A_176] : memref<64x1000000xf32, #tpu.memory_space<hbm>> -> memref<64x128xf32, #tpu.memory_space<hbm>>
      tpu.enqueue_dma source(%dma_start3A_208 : memref<64x128xf32, #tpu.memory_space<hbm>>) target(%dma_start3A_206 : memref<64x128xf32, #tpu.memory_space<vmem>>) target_semaphore(%dma_start3A_202 : memref<!tpu.dma_semaphore, #tpu.memory_space<semaphore_mem>>)
      %dma_wait3A = arith.constant 0 : i32
      %dma_wait3A_209 = arith.constant 0 : i32
      %dma_wait3A_210 = arith.constant 0 : i32
      %dma_wait3A_211 = arith.constant 0 : i32
      %dma_wait3A_212 = tpu.memref_slice %arg8[%dma_wait3A, %dma_wait3A_210, %dma_wait3A_211] : memref<4x64x128xf32, #tpu.memory_space<vmem>> -> memref<1x64x128xf32, #tpu.memory_space<vmem>>
      %dma_wait3A_213 = tpu.memref_squeeze %dma_wait3A_212 : memref<1x64x128xf32, #tpu.memory_space<vmem>> -> memref<64x128xf32, #tpu.memory_space<vmem>>
      %dma_wait3A_214 = arith.constant 0 : i32
      %dma_wait3A_215 = arith.constant 0 : i32
      %dma_wait3A_216 = tpu.memref_slice %arg2[%dma_wait3A_214, %dma_wait3A_215] : memref<64x1000000xf32, #tpu.memory_space<hbm>> -> memref<64x128xf32, #tpu.memory_space<hbm>>
      %dma_wait3A_217 = tpu.memref_slice %arg11[%dma_wait3A_209] : memref<4x!tpu.dma_semaphore, #tpu.memory_space<semaphore_mem>> -> memref<1x!tpu.dma_semaphore, #tpu.memory_space<semaphore_mem>>
      %dma_wait3A_218 = tpu.memref_squeeze %dma_wait3A_217 : memref<1x!tpu.dma_semaphore, #tpu.memory_space<semaphore_mem>> -> memref<!tpu.dma_semaphore, #tpu.memory_space<semaphore_mem>>
      %dma_wait3A_219 = arith.constant 0 : i32
      %dma_wait3A_220 = arith.constant 0 : i32
      %dma_wait3A_221 = tpu.memref_slice %arg8[%dma_wait3A, %dma_wait3A_219, %dma_wait3A_220] : memref<4x64x128xf32, #tpu.memory_space<vmem>> -> memref<1x64x128xf32, #tpu.memory_space<vmem>>
      %dma_wait3A_222 = tpu.memref_squeeze %dma_wait3A_221 : memref<1x64x128xf32, #tpu.memory_space<vmem>> -> memref<64x128xf32, #tpu.memory_space<vmem>>
      %dma_wait3A_223 = arith.constant 0 : i32
      %dma_wait3A_224 = arith.constant 0 : i32
      %dma_wait3A_225 = tpu.memref_slice %arg2[%dma_wait3A_223, %dma_wait3A_224] : memref<64x1000000xf32, #tpu.memory_space<hbm>> -> memref<64x128xf32, #tpu.memory_space<hbm>>
      tpu.wait_dma2 semaphore(%dma_wait3A_218 : memref<!tpu.dma_semaphore, #tpu.memory_space<semaphore_mem>>) src(%dma_wait3A_225 : memref<64x128xf32, #tpu.memory_space<hbm>>) dst(%dma_wait3A_222 : memref<64x128xf32, #tpu.memory_space<vmem>>)
      %dma_wait3A_226 = arith.constant 0 : i32
      %dma_wait3A_227 = arith.constant 0 : i32
      %dma_wait3A_228 = arith.constant 0 : i32
      %dma_wait3A_229 = arith.constant 0 : i32
      %dma_wait3A_230 = tpu.memref_slice %arg9[%dma_wait3A_226, %dma_wait3A_228, %dma_wait3A_229] : memref<4x64x128xf32, #tpu.memory_space<vmem>> -> memref<1x64x128xf32, #tpu.memory_space<vmem>>
      %dma_wait3A_231 = tpu.memref_squeeze %dma_wait3A_230 : memref<1x64x128xf32, #tpu.memory_space<vmem>> -> memref<64x128xf32, #tpu.memory_space<vmem>>
      %dma_wait3A_232 = arith.constant 0 : i32
      %dma_wait3A_233 = arith.constant 0 : i32
      %dma_wait3A_234 = tpu.memref_slice %arg3[%dma_wait3A_232, %dma_wait3A_233] : memref<64x1000000xf32, #tpu.memory_space<hbm>> -> memref<64x128xf32, #tpu.memory_space<hbm>>
      %dma_wait3A_235 = tpu.memref_slice %arg12[%dma_wait3A_227] : memref<4x!tpu.dma_semaphore, #tpu.memory_space<semaphore_mem>> -> memref<1x!tpu.dma_semaphore, #tpu.memory_space<semaphore_mem>>
      %dma_wait3A_236 = tpu.memref_squeeze %dma_wait3A_235 : memref<1x!tpu.dma_semaphore, #tpu.memory_space<semaphore_mem>> -> memref<!tpu.dma_semaphore, #tpu.memory_space<semaphore_mem>>
      %dma_wait3A_237 = arith.constant 0 : i32
      %dma_wait3A_238 = arith.constant 0 : i32
      %dma_wait3A_239 = tpu.memref_slice %arg9[%dma_wait3A_226, %dma_wait3A_237, %dma_wait3A_238] : memref<4x64x128xf32, #tpu.memory_space<vmem>> -> memref<1x64x128xf32, #tpu.memory_space<vmem>>
      %dma_wait3A_240 = tpu.memref_squeeze %dma_wait3A_239 : memref<1x64x128xf32, #tpu.memory_space<vmem>> -> memref<64x128xf32, #tpu.memory_space<vmem>>
      %dma_wait3A_241 = arith.constant 0 : i32
      %dma_wait3A_242 = arith.constant 0 : i32
      %dma_wait3A_243 = tpu.memref_slice %arg3[%dma_wait3A_241, %dma_wait3A_242] : memref<64x1000000xf32, #tpu.memory_space<hbm>> -> memref<64x128xf32, #tpu.memory_space<hbm>>
      tpu.wait_dma2 semaphore(%dma_wait3A_236 : memref<!tpu.dma_semaphore, #tpu.memory_space<semaphore_mem>>) src(%dma_wait3A_243 : memref<64x128xf32, #tpu.memory_space<hbm>>) dst(%dma_wait3A_240 : memref<64x128xf32, #tpu.memory_space<vmem>>)
      %slice3A_244 = vector.extract_strided_slice %get3A_149 {offsets = [0], sizes = [1], strides = [1]} : vector<16xi32> to vector<1xi32>
      %squeeze3A_245 = vector.extract %slice3A_244[0] : i32 from vector<1xi32>
      %slice3A_246 = vector.extract_strided_slice %get3A_153 {offsets = [0], sizes = [1], strides = [1]} : vector<16xi32> to vector<1xi32>
      %squeeze3A_247 = vector.extract %slice3A_246[0] : i32 from vector<1xi32>
      %mul3A_248 = arith.constant 16 : i32
      %mul3A_249 = arith.muli %scan3A_145, %mul3A_248 : i32
      %add3A_250 = arith.constant 0 : i32
      %add3A_251 = arith.addi %mul3A_249, %add3A_250 : i32
      %and3A = arith.constant 127 : i32
      %and3A_252 = arith.andi %squeeze3A_245, %and3A : i32
      %broadcast_in_dim3A = vector.broadcast %and3A_252 : i32 to vector<16xi32>
      %and3A_253 = arith.constant 127 : i32
      %and3A_254 = arith.andi %squeeze3A_247, %and3A_253 : i32
      %broadcast_in_dim3A_255 = vector.broadcast %and3A_254 : i32 to vector<16xi32>
      %broadcast_in_dim3A_256 = vector.broadcast %add3A_251 : i32 to vector<16xi32>
      %add3A_257 = arith.constant 0 : i32
      %add3A_258 = vector.broadcast %add3A_257 : i32 to vector<16xi32>
      %add3A_259 = arith.addi %iota3A, %add3A_258 : vector<16xi32>
      %gather3A = arith.constant 0 : i32
      %gather3A_260 = arith.constant 0 : i32
      %gather3A_261 = arith.constant 0 : i32
      %gather3A_262 = tpu.memref_slice %arg8[%gather3A, %gather3A_260, %gather3A_261] : memref<4x64x128xf32, #tpu.memory_space<vmem>> -> memref<1x64x128xf32, #tpu.memory_space<vmem>>
      %gather3A_263 = tpu.memref_squeeze %gather3A_262 : memref<1x64x128xf32, #tpu.memory_space<vmem>> -> memref<64x128xf32, #tpu.memory_space<vmem>>
      %gather3A_264 = tpu.vector_load_idx %gather3A_263[%add3A_259, %broadcast_in_dim3A] : memref<64x128xf32, #tpu.memory_space<vmem>>[vector<16xi32>, vector<16xi32>], vector<16xf32>,
      %gather3A_265 = arith.constant 0 : i32
      %gather3A_266 = arith.constant 0 : i32
      %gather3A_267 = arith.constant 0 : i32
      %gather3A_268 = tpu.memref_slice %arg9[%gather3A_265, %gather3A_266, %gather3A_267] : memref<4x64x128xf32, #tpu.memory_space<vmem>> -> memref<1x64x128xf32, #tpu.memory_space<vmem>>
      %gather3A_269 = tpu.memref_squeeze %gather3A_268 : memref<1x64x128xf32, #tpu.memory_space<vmem>> -> memref<64x128xf32, #tpu.memory_space<vmem>>
      %gather3A_270 = tpu.vector_load_idx %gather3A_269[%add3A_259, %broadcast_in_dim3A_255] : memref<64x128xf32, #tpu.memory_space<vmem>>[vector<16xi32>, vector<16xi32>], vector<16xf32>,
      %mul3A_271 = arith.mulf %gather3A_264, %gather3A_270 : vector<16xf32>
      tpu.vector_store_idx %arg10[%add3A_259, %broadcast_in_dim3A_256], %mul3A_271 : memref<64x512xf32, #tpu.memory_space<vmem>>[vector<16xi32>, vector<16xi32>], vector<16xf32>,
      %add3A_272 = arith.constant 16 : i32
      %add3A_273 = vector.broadcast %add3A_272 : i32 to vector<16xi32>
      %add3A_274 = arith.addi %iota3A, %add3A_273 : vector<16xi32>
      %gather3A_275 = arith.constant 0 : i32
      %gather3A_276 = arith.constant 0 : i32
      %gather3A_277 = arith.constant 0 : i32
      %gather3A_278 = tpu.memref_slice %arg8[%gather3A_275, %gather3A_276, %gather3A_277] : memref<4x64x128xf32, #tpu.memory_space<vmem>> -> memref<1x64x128xf32, #tpu.memory_space<vmem>>
      %gather3A_279 = tpu.memref_squeeze %gather3A_278 : memref<1x64x128xf32, #tpu.memory_space<vmem>> -> memref<64x128xf32, #tpu.memory_space<vmem>>
      %gather3A_280 = tpu.vector_load_idx %gather3A_279[%add3A_274, %broadcast_in_dim3A] : memref<64x128xf32, #tpu.memory_space<vmem>>[vector<16xi32>, vector<16xi32>], vector<16xf32>,
      %gather3A_281 = arith.constant 0 : i32
      %gather3A_282 = arith.constant 0 : i32
      %gather3A_283 = arith.constant 0 : i32
      %gather3A_284 = tpu.memref_slice %arg9[%gather3A_281, %gather3A_282, %gather3A_283] : memref<4x64x128xf32, #tpu.memory_space<vmem>> -> memref<1x64x128xf32, #tpu.memory_space<vmem>>
      %gather3A_285 = tpu.memref_squeeze %gather3A_284 : memref<1x64x128xf32, #tpu.memory_space<vmem>> -> memref<64x128xf32, #tpu.memory_space<vmem>>
      %gather3A_286 = tpu.vector_load_idx %gather3A_285[%add3A_274, %broadcast_in_dim3A_255] : memref<64x128xf32, #tpu.memory_space<vmem>>[vector<16xi32>, vector<16xi32>], vector<16xf32>,
      %mul3A_287 = arith.mulf %gather3A_280, %gather3A_286 : vector<16xf32>
      tpu.vector_store_idx %arg10[%add3A_274, %broadcast_in_dim3A_256], %mul3A_287 : memref<64x512xf32, #tpu.memory_space<vmem>>[vector<16xi32>, vector<16xi32>], vector<16xf32>,
      %add3A_288 = arith.constant 32 : i32
      %add3A_289 = vector.broadcast %add3A_288 : i32 to vector<16xi32>
      %add3A_290 = arith.addi %iota3A, %add3A_289 : vector<16xi32>
      %gather3A_291 = arith.constant 0 : i32
      %gather3A_292 = arith.constant 0 : i32
      %gather3A_293 = arith.constant 0 : i32
      %gather3A_294 = tpu.memref_slice %arg8[%gather3A_291, %gather3A_292, %gather3A_293] : memref<4x64x128xf32, #tpu.memory_space<vmem>> -> memref<1x64x128xf32, #tpu.memory_space<vmem>>
      %gather3A_295 = tpu.memref_squeeze %gather3A_294 : memref<1x64x128xf32, #tpu.memory_space<vmem>> -> memref<64x128xf32, #tpu.memory_space<vmem>>
      %gather3A_296 = tpu.vector_load_idx %gather3A_295[%add3A_290, %broadcast_in_dim3A] : memref<64x128xf32, #tpu.memory_space<vmem>>[vector<16xi32>, vector<16xi32>], vector<16xf32>,
      %gather3A_297 = arith.constant 0 : i32
      %gather3A_298 = arith.constant 0 : i32
      %gather3A_299 = arith.constant 0 : i32
      %gather3A_300 = tpu.memref_slice %arg9[%gather3A_297, %gather3A_298, %gather3A_299] : memref<4x64x128xf32, #tpu.memory_space<vmem>> -> memref<1x64x128xf32, #tpu.memory_space<vmem>>
      %gather3A_301 = tpu.memref_squeeze %gather3A_300 : memref<1x64x128xf32, #tpu.memory_space<vmem>> -> memref<64x128xf32, #tpu.memory_space<vmem>>
      %gather3A_302 = tpu.vector_load_idx %gather3A_301[%add3A_290, %broadcast_in_dim3A_255] : memref<64x128xf32, #tpu.memory_space<vmem>>[vector<16xi32>, vector<16xi32>], vector<16xf32>,
      %mul3A_303 = arith.mulf %gather3A_296, %gather3A_302 : vector<16xf32>
      tpu.vector_store_idx %arg10[%add3A_290, %broadcast_in_dim3A_256], %mul3A_303 : memref<64x512xf32, #tpu.memory_space<vmem>>[vector<16xi32>, vector<16xi32>], vector<16xf32>,
      %add3A_304 = arith.constant 48 : i32
      %add3A_305 = vector.broadcast %add3A_304 : i32 to vector<16xi32>
      %add3A_306 = arith.addi %iota3A, %add3A_305 : vector<16xi32>
      %gather3A_307 = arith.constant 0 : i32
      %gather3A_308 = arith.constant 0 : i32
      %gather3A_309 = arith.constant 0 : i32
      %gather3A_310 = tpu.memref_slice %arg8[%gather3A_307, %gather3A_308, %gather3A_309] : memref<4x64x128xf32, #tpu.memory_space<vmem>> -> memref<1x64x128xf32, #tpu.memory_space<vmem>>
      %gather3A_311 = tpu.memref_squeeze %gather3A_310 : memref<1x64x128xf32, #tpu.memory_space<vmem>> -> memref<64x128xf32, #tpu.memory_space<vmem>>
      %gather3A_312 = tpu.vector_load_idx %gather3A_311[%add3A_306, %broadcast_in_dim3A] : memref<64x128xf32, #tpu.memory_space<vmem>>[vector<16xi32>, vector<16xi32>], vector<16xf32>,
      %gather3A_313 = arith.constant 0 : i32
      %gather3A_314 = arith.constant 0 : i32
      %gather3A_315 = arith.constant 0 : i32
      %gather3A_316 = tpu.memref_slice %arg9[%gather3A_313, %gather3A_314, %gather3A_315] : memref<4x64x128xf32, #tpu.memory_space<vmem>> -> memref<1x64x128xf32, #tpu.memory_space<vmem>>
      %gather3A_317 = tpu.memref_squeeze %gather3A_316 : memref<1x64x128xf32, #tpu.memory_space<vmem>> -> memref<64x128xf32, #tpu.memory_space<vmem>>
      %gather3A_318 = tpu.vector_load_idx %gather3A_317[%add3A_306, %broadcast_in_dim3A_255] : memref<64x128xf32, #tpu.memory_space<vmem>>[vector<16xi32>, vector<16xi32>], vector<16xf32>,
      %mul3A_319 = arith.mulf %gather3A_312, %gather3A_318 : vector<16xf32>
      tpu.vector_store_idx %arg10[%add3A_306, %broadcast_in_dim3A_256], %mul3A_319 : memref<64x512xf32, #tpu.memory_space<vmem>>[vector<16xi32>, vector<16xi32>], vector<16xf32>,
      %slice3A_320 = vector.extract_strided_slice %get3A_149 {offsets = [4], sizes = [1], strides = [1]} : vector<16xi32> to vector<1xi32>
      %squeeze3A_321 = vector.extract %slice3A_320[0] : i32 from vector<1xi32>
      %slice3A_322 = vector.extract_strided_slice %get3A_153 {offsets = [4], sizes = [1], strides = [1]} : vector<16xi32> to vector<1xi32>
      %squeeze3A_323 = vector.extract %slice3A_322[0] : i32 from vector<1xi32>
      %shift_right_arithmetic3A_324 = arith.constant 7 : i32
      %shift_right_arithmetic3A_325 = arith.shrsi %squeeze3A_321, %shift_right_arithmetic3A_324 : i32
      %mul3A_326 = arith.constant 128 : i32
      %mul3A_327 = arith.muli %shift_right_arithmetic3A_325, %mul3A_326 : i32
      %multiple_of3A_328 = tpu.assume_multiple %mul3A_327, 128 : i32
      %shift_right_arithmetic3A_329 = arith.constant 7 : i32
      %shift_right_arithmetic3A_330 = arith.shrsi %squeeze3A_323, %shift_right_arithmetic3A_329 : i32
      %mul3A_331 = arith.constant 128 : i32
      %mul3A_332 = arith.muli %shift_right_arithmetic3A_330, %mul3A_331 : i32
      %multiple_of3A_333 = tpu.assume_multiple %mul3A_332, 128 : i32
      %dma_start3A_334 = arith.constant 0 : i32
      %dma_start3A_335 = arith.constant 0 : i32
      %dma_start3A_336 = arith.constant 0 : i32
      %dma_start3A_337 = arith.constant 0 : i32
      %dma_start3A_338 = tpu.memref_slice %arg8[%dma_start3A_334, %dma_start3A_336, %dma_start3A_337] : memref<4x64x128xf32, #tpu.memory_space<vmem>> -> memref<1x64x128xf32, #tpu.memory_space<vmem>>
      %dma_start3A_339 = tpu.memref_squeeze %dma_start3A_338 : memref<1x64x128xf32, #tpu.memory_space<vmem>> -> memref<64x128xf32, #tpu.memory_space<vmem>>
      %dma_start3A_340 = arith.constant 0 : i32
      %dma_start3A_341 = tpu.memref_slice %arg2[%dma_start3A_340, %multiple_of3A_328] : memref<64x1000000xf32, #tpu.memory_space<hbm>> -> memref<64x128xf32, #tpu.memory_space<hbm>>
      %dma_start3A_342 = tpu.memref_slice %arg11[%dma_start3A_335] : memref<4x!tpu.dma_semaphore, #tpu.memory_space<semaphore_mem>> -> memref<1x!tpu.dma_semaphore, #tpu.memory_space<semaphore_mem>>
      %dma_start3A_343 = tpu.memref_squeeze %dma_start3A_342 : memref<1x!tpu.dma_semaphore, #tpu.memory_space<semaphore_mem>> -> memref<!tpu.dma_semaphore, #tpu.memory_space<semaphore_mem>>
      %dma_start3A_344 = arith.constant 0 : i32
      %dma_start3A_345 = arith.constant 0 : i32
      %dma_start3A_346 = tpu.memref_slice %arg8[%dma_start3A_334, %dma_start3A_344, %dma_start3A_345] : memref<4x64x128xf32, #tpu.memory_space<vmem>> -> memref<1x64x128xf32, #tpu.memory_space<vmem>>
      %dma_start3A_347 = tpu.memref_squeeze %dma_start3A_346 : memref<1x64x128xf32, #tpu.memory_space<vmem>> -> memref<64x128xf32, #tpu.memory_space<vmem>>
      %dma_start3A_348 = arith.constant 0 : i32
      %dma_start3A_349 = tpu.memref_slice %arg2[%dma_start3A_348, %multiple_of3A_328] : memref<64x1000000xf32, #tpu.memory_space<hbm>> -> memref<64x128xf32, #tpu.memory_space<hbm>>
      tpu.enqueue_dma source(%dma_start3A_349 : memref<64x128xf32, #tpu.memory_space<hbm>>) target(%dma_start3A_347 : memref<64x128xf32, #tpu.memory_space<vmem>>) target_semaphore(%dma_start3A_343 : memref<!tpu.dma_semaphore, #tpu.memory_space<semaphore_mem>>)
      %dma_start3A_350 = arith.constant 0 : i32
      %dma_start3A_351 = arith.constant 0 : i32
      %dma_start3A_352 = arith.constant 0 : i32
      %dma_start3A_353 = arith.constant 0 : i32
      %dma_start3A_354 = tpu.memref_slice %arg9[%dma_start3A_350, %dma_start3A_352, %dma_start3A_353] : memref<4x64x128xf32, #tpu.memory_space<vmem>> -> memref<1x64x128xf32, #tpu.memory_space<vmem>>
      %dma_start3A_355 = tpu.memref_squeeze %dma_start3A_354 : memref<1x64x128xf32, #tpu.memory_space<vmem>> -> memref<64x128xf32, #tpu.memory_space<vmem>>
      %dma_start3A_356 = arith.constant 0 : i32
      %dma_start3A_357 = tpu.memref_slice %arg3[%dma_start3A_356, %multiple_of3A_333] : memref<64x1000000xf32, #tpu.memory_space<hbm>> -> memref<64x128xf32, #tpu.memory_space<hbm>>
      %dma_start3A_358 = tpu.memref_slice %arg12[%dma_start3A_351] : memref<4x!tpu.dma_semaphore, #tpu.memory_space<semaphore_mem>> -> memref<1x!tpu.dma_semaphore, #tpu.memory_space<semaphore_mem>>
      %dma_start3A_359 = tpu.memref_squeeze %dma_start3A_358 : memref<1x!tpu.dma_semaphore, #tpu.memory_space<semaphore_mem>> -> memref<!tpu.dma_semaphore, #tpu.memory_space<semaphore_mem>>
      %dma_start3A_360 = arith.constant 0 : i32
      %dma_start3A_361 = arith.constant 0 : i32
      %dma_start3A_362 = tpu.memref_slice %arg9[%dma_start3A_350, %dma_start3A_360, %dma_start3A_361] : memref<4x64x128xf32, #tpu.memory_space<vmem>> -> memref<1x64x128xf32, #tpu.memory_space<vmem>>
      %dma_start3A_363 = tpu.memref_squeeze %dma_start3A_362 : memref<1x64x128xf32, #tpu.memory_space<vmem>> -> memref<64x128xf32, #tpu.memory_space<vmem>>
      %dma_start3A_364 = arith.constant 0 : i32
      %dma_start3A_365 = tpu.memref_slice %arg3[%dma_start3A_364, %multiple_of3A_333] : memref<64x1000000xf32, #tpu.memory_space<hbm>> -> memref<64x128xf32, #tpu.memory_space<hbm>>
      tpu.enqueue_dma source(%dma_start3A_365 : memref<64x128xf32, #tpu.memory_space<hbm>>) target(%dma_start3A_363 : memref<64x128xf32, #tpu.memory_space<vmem>>) target_semaphore(%dma_start3A_359 : memref<!tpu.dma_semaphore, #tpu.memory_space<semaphore_mem>>)
      %dma_wait3A_366 = arith.constant 1 : i32
      %dma_wait3A_367 = arith.constant 1 : i32
      %dma_wait3A_368 = arith.constant 0 : i32
      %dma_wait3A_369 = arith.constant 0 : i32
      %dma_wait3A_370 = tpu.memref_slice %arg8[%dma_wait3A_366, %dma_wait3A_368, %dma_wait3A_369] : memref<4x64x128xf32, #tpu.memory_space<vmem>> -> memref<1x64x128xf32, #tpu.memory_space<vmem>>
      %dma_wait3A_371 = tpu.memref_squeeze %dma_wait3A_370 : memref<1x64x128xf32, #tpu.memory_space<vmem>> -> memref<64x128xf32, #tpu.memory_space<vmem>>
      %dma_wait3A_372 = arith.constant 0 : i32
      %dma_wait3A_373 = arith.constant 0 : i32
      %dma_wait3A_374 = tpu.memref_slice %arg2[%dma_wait3A_372, %dma_wait3A_373] : memref<64x1000000xf32, #tpu.memory_space<hbm>> -> memref<64x128xf32, #tpu.memory_space<hbm>>
      %dma_wait3A_375 = tpu.memref_slice %arg11[%dma_wait3A_367] : memref<4x!tpu.dma_semaphore, #tpu.memory_space<semaphore_mem>> -> memref<1x!tpu.dma_semaphore, #tpu.memory_space<semaphore_mem>>
      %dma_wait3A_376 = tpu.memref_squeeze %dma_wait3A_375 : memref<1x!tpu.dma_semaphore, #tpu.memory_space<semaphore_mem>> -> memref<!tpu.dma_semaphore, #tpu.memory_space<semaphore_mem>>
      %dma_wait3A_377 = arith.constant 0 : i32
      %dma_wait3A_378 = arith.constant 0 : i32
      %dma_wait3A_379 = tpu.memref_slice %arg8[%dma_wait3A_366, %dma_wait3A_377, %dma_wait3A_378] : memref<4x64x128xf32, #tpu.memory_space<vmem>> -> memref<1x64x128xf32, #tpu.memory_space<vmem>>
      %dma_wait3A_380 = tpu.memref_squeeze %dma_wait3A_379 : memref<1x64x128xf32, #tpu.memory_space<vmem>> -> memref<64x128xf32, #tpu.memory_space<vmem>>
      %dma_wait3A_381 = arith.constant 0 : i32
      %dma_wait3A_382 = arith.constant 0 : i32
      %dma_wait3A_383 = tpu.memref_slice %arg2[%dma_wait3A_381, %dma_wait3A_382] : memref<64x1000000xf32, #tpu.memory_space<hbm>> -> memref<64x128xf32, #tpu.memory_space<hbm>>
      tpu.wait_dma2 semaphore(%dma_wait3A_376 : memref<!tpu.dma_semaphore, #tpu.memory_space<semaphore_mem>>) src(%dma_wait3A_383 : memref<64x128xf32, #tpu.memory_space<hbm>>) dst(%dma_wait3A_380 : memref<64x128xf32, #tpu.memory_space<vmem>>)
      %dma_wait3A_384 = arith.constant 1 : i32
      %dma_wait3A_385 = arith.constant 1 : i32
      %dma_wait3A_386 = arith.constant 0 : i32
      %dma_wait3A_387 = arith.constant 0 : i32
      %dma_wait3A_388 = tpu.memref_slice %arg9[%dma_wait3A_384, %dma_wait3A_386, %dma_wait3A_387] : memref<4x64x128xf32, #tpu.memory_space<vmem>> -> memref<1x64x128xf32, #tpu.memory_space<vmem>>
      %dma_wait3A_389 = tpu.memref_squeeze %dma_wait3A_388 : memref<1x64x128xf32, #tpu.memory_space<vmem>> -> memref<64x128xf32, #tpu.memory_space<vmem>>
      %dma_wait3A_390 = arith.constant 0 : i32
      %dma_wait3A_391 = arith.constant 0 : i32
      %dma_wait3A_392 = tpu.memref_slice %arg3[%dma_wait3A_390, %dma_wait3A_391] : memref<64x1000000xf32, #tpu.memory_space<hbm>> -> memref<64x128xf32, #tpu.memory_space<hbm>>
      %dma_wait3A_393 = tpu.memref_slice %arg12[%dma_wait3A_385] : memref<4x!tpu.dma_semaphore, #tpu.memory_space<semaphore_mem>> -> memref<1x!tpu.dma_semaphore, #tpu.memory_space<semaphore_mem>>
      %dma_wait3A_394 = tpu.memref_squeeze %dma_wait3A_393 : memref<1x!tpu.dma_semaphore, #tpu.memory_space<semaphore_mem>> -> memref<!tpu.dma_semaphore, #tpu.memory_space<semaphore_mem>>
      %dma_wait3A_395 = arith.constant 0 : i32
      %dma_wait3A_396 = arith.constant 0 : i32
      %dma_wait3A_397 = tpu.memref_slice %arg9[%dma_wait3A_384, %dma_wait3A_395, %dma_wait3A_396] : memref<4x64x128xf32, #tpu.memory_space<vmem>> -> memref<1x64x128xf32, #tpu.memory_space<vmem>>
      %dma_wait3A_398 = tpu.memref_squeeze %dma_wait3A_397 : memref<1x64x128xf32, #tpu.memory_space<vmem>> -> memref<64x128xf32, #tpu.memory_space<vmem>>
      %dma_wait3A_399 = arith.constant 0 : i32
      %dma_wait3A_400 = arith.constant 0 : i32
      %dma_wait3A_401 = tpu.memref_slice %arg3[%dma_wait3A_399, %dma_wait3A_400] : memref<64x1000000xf32, #tpu.memory_space<hbm>> -> memref<64x128xf32, #tpu.memory_space<hbm>>
      tpu.wait_dma2 semaphore(%dma_wait3A_394 : memref<!tpu.dma_semaphore, #tpu.memory_space<semaphore_mem>>) src(%dma_wait3A_401 : memref<64x128xf32, #tpu.memory_space<hbm>>) dst(%dma_wait3A_398 : memref<64x128xf32, #tpu.memory_space<vmem>>)
      %slice3A_402 = vector.extract_strided_slice %get3A_149 {offsets = [1], sizes = [1], strides = [1]} : vector<16xi32> to vector<1xi32>
      %squeeze3A_403 = vector.extract %slice3A_402[0] : i32 from vector<1xi32>
      %slice3A_404 = vector.extract_strided_slice %get3A_153 {offsets = [1], sizes = [1], strides = [1]} : vector<16xi32> to vector<1xi32>
      %squeeze3A_405 = vector.extract %slice3A_404[0] : i32 from vector<1xi32>
      %mul3A_406 = arith.constant 16 : i32
      %mul3A_407 = arith.muli %scan3A_145, %mul3A_406 : i32
      %add3A_408 = arith.constant 1 : i32
      %add3A_409 = arith.addi %mul3A_407, %add3A_408 : i32
      %and3A_410 = arith.constant 127 : i32
      %and3A_411 = arith.andi %squeeze3A_403, %and3A_410 : i32
      %broadcast_in_dim3A_412 = vector.broadcast %and3A_411 : i32 to vector<16xi32>
      %and3A_413 = arith.constant 127 : i32
      %and3A_414 = arith.andi %squeeze3A_405, %and3A_413 : i32
      %broadcast_in_dim3A_415 = vector.broadcast %and3A_414 : i32 to vector<16xi32>
      %broadcast_in_dim3A_416 = vector.broadcast %add3A_409 : i32 to vector<16xi32>
      %add3A_417 = arith.constant 0 : i32
      %add3A_418 = vector.broadcast %add3A_417 : i32 to vector<16xi32>
      %add3A_419 = arith.addi %iota3A, %add3A_418 : vector<16xi32>
      %gather3A_420 = arith.constant 1 : i32
      %gather3A_421 = arith.constant 0 : i32
      %gather3A_422 = arith.constant 0 : i32
      %gather3A_423 = tpu.memref_slice %arg8[%gather3A_420, %gather3A_421, %gather3A_422] : memref<4x64x128xf32, #tpu.memory_space<vmem>> -> memref<1x64x128xf32, #tpu.memory_space<vmem>>
      %gather3A_424 = tpu.memref_squeeze %gather3A_423 : memref<1x64x128xf32, #tpu.memory_space<vmem>> -> memref<64x128xf32, #tpu.memory_space<vmem>>
      %gather3A_425 = tpu.vector_load_idx %gather3A_424[%add3A_419, %broadcast_in_dim3A_412] : memref<64x128xf32, #tpu.memory_space<vmem>>[vector<16xi32>, vector<16xi32>], vector<16xf32>,
      %gather3A_426 = arith.constant 1 : i32
      %gather3A_427 = arith.constant 0 : i32
      %gather3A_428 = arith.constant 0 : i32
      %gather3A_429 = tpu.memref_slice %arg9[%gather3A_426, %gather3A_427, %gather3A_428] : memref<4x64x128xf32, #tpu.memory_space<vmem>> -> memref<1x64x128xf32, #tpu.memory_space<vmem>>
      %gather3A_430 = tpu.memref_squeeze %gather3A_429 : memref<1x64x128xf32, #tpu.memory_space<vmem>> -> memref<64x128xf32, #tpu.memory_space<vmem>>
      %gather3A_431 = tpu.vector_load_idx %gather3A_430[%add3A_419, %broadcast_in_dim3A_415] : memref<64x128xf32, #tpu.memory_space<vmem>>[vector<16xi32>, vector<16xi32>], vector<16xf32>,
      %mul3A_432 = arith.mulf %gather3A_425, %gather3A_431 : vector<16xf32>
      tpu.vector_store_idx %arg10[%add3A_419, %broadcast_in_dim3A_416], %mul3A_432 : memref<64x512xf32, #tpu.memory_space<vmem>>[vector<16xi32>, vector<16xi32>], vector<16xf32>,
      %add3A_433 = arith.constant 16 : i32
      %add3A_434 = vector.broadcast %add3A_433 : i32 to vector<16xi32>
      %add3A_435 = arith.addi %iota3A, %add3A_434 : vector<16xi32>
      %gather3A_436 = arith.constant 1 : i32
      %gather3A_437 = arith.constant 0 : i32
      %gather3A_438 = arith.constant 0 : i32
      %gather3A_439 = tpu.memref_slice %arg8[%gather3A_436, %gather3A_437, %gather3A_438] : memref<4x64x128xf32, #tpu.memory_space<vmem>> -> memref<1x64x128xf32, #tpu.memory_space<vmem>>
      %gather3A_440 = tpu.memref_squeeze %gather3A_439 : memref<1x64x128xf32, #tpu.memory_space<vmem>> -> memref<64x128xf32, #tpu.memory_space<vmem>>
      %gather3A_441 = tpu.vector_load_idx %gather3A_440[%add3A_435, %broadcast_in_dim3A_412] : memref<64x128xf32, #tpu.memory_space<vmem>>[vector<16xi32>, vector<16xi32>], vector<16xf32>,
      %gather3A_442 = arith.constant 1 : i32
      %gather3A_443 = arith.constant 0 : i32
      %gather3A_444 = arith.constant 0 : i32
      %gather3A_445 = tpu.memref_slice %arg9[%gather3A_442, %gather3A_443, %gather3A_444] : memref<4x64x128xf32, #tpu.memory_space<vmem>> -> memref<1x64x128xf32, #tpu.memory_space<vmem>>
      %gather3A_446 = tpu.memref_squeeze %gather3A_445 : memref<1x64x128xf32, #tpu.memory_space<vmem>> -> memref<64x128xf32, #tpu.memory_space<vmem>>
      %gather3A_447 = tpu.vector_load_idx %gather3A_446[%add3A_435, %broadcast_in_dim3A_415] : memref<64x128xf32, #tpu.memory_space<vmem>>[vector<16xi32>, vector<16xi32>], vector<16xf32>,
      %mul3A_448 = arith.mulf %gather3A_441, %gather3A_447 : vector<16xf32>
      tpu.vector_store_idx %arg10[%add3A_435, %broadcast_in_dim3A_416], %mul3A_448 : memref<64x512xf32, #tpu.memory_space<vmem>>[vector<16xi32>, vector<16xi32>], vector<16xf32>,
      %add3A_449 = arith.constant 32 : i32
      %add3A_450 = vector.broadcast %add3A_449 : i32 to vector<16xi32>
      %add3A_451 = arith.addi %iota3A, %add3A_450 : vector<16xi32>
      %gather3A_452 = arith.constant 1 : i32
      %gather3A_453 = arith.constant 0 : i32
      %gather3A_454 = arith.constant 0 : i32
      %gather3A_455 = tpu.memref_slice %arg8[%gather3A_452, %gather3A_453, %gather3A_454] : memref<4x64x128xf32, #tpu.memory_space<vmem>> -> memref<1x64x128xf32, #tpu.memory_space<vmem>>
      %gather3A_456 = tpu.memref_squeeze %gather3A_455 : memref<1x64x128xf32, #tpu.memory_space<vmem>> -> memref<64x128xf32, #tpu.memory_space<vmem>>
      %gather3A_457 = tpu.vector_load_idx %gather3A_456[%add3A_451, %broadcast_in_dim3A_412] : memref<64x128xf32, #tpu.memory_space<vmem>>[vector<16xi32>, vector<16xi32>], vector<16xf32>,
      %gather3A_458 = arith.constant 1 : i32
      %gather3A_459 = arith.constant 0 : i32
      %gather3A_460 = arith.constant 0 : i32
      %gather3A_461 = tpu.memref_slice %arg9[%gather3A_458, %gather3A_459, %gather3A_460] : memref<4x64x128xf32, #tpu.memory_space<vmem>> -> memref<1x64x128xf32, #tpu.memory_space<vmem>>
      %gather3A_462 = tpu.memref_squeeze %gather3A_461 : memref<1x64x128xf32, #tpu.memory_space<vmem>> -> memref<64x128xf32, #tpu.memory_space<vmem>>
      %gather3A_463 = tpu.vector_load_idx %gather3A_462[%add3A_451, %broadcast_in_dim3A_415] : memref<64x128xf32, #tpu.memory_space<vmem>>[vector<16xi32>, vector<16xi32>], vector<16xf32>,
      %mul3A_464 = arith.mulf %gather3A_457, %gather3A_463 : vector<16xf32>
      tpu.vector_store_idx %arg10[%add3A_451, %broadcast_in_dim3A_416], %mul3A_464 : memref<64x512xf32, #tpu.memory_space<vmem>>[vector<16xi32>, vector<16xi32>], vector<16xf32>,
      %add3A_465 = arith.constant 48 : i32
      %add3A_466 = vector.broadcast %add3A_465 : i32 to vector<16xi32>
      %add3A_467 = arith.addi %iota3A, %add3A_466 : vector<16xi32>
      %gather3A_468 = arith.constant 1 : i32
      %gather3A_469 = arith.constant 0 : i32
      %gather3A_470 = arith.constant 0 : i32
      %gather3A_471 = tpu.memref_slice %arg8[%gather3A_468, %gather3A_469, %gather3A_470] : memref<4x64x128xf32, #tpu.memory_space<vmem>> -> memref<1x64x128xf32, #tpu.memory_space<vmem>>
      %gather3A_472 = tpu.memref_squeeze %gather3A_471 : memref<1x64x128xf32, #tpu.memory_space<vmem>> -> memref<64x128xf32, #tpu.memory_space<vmem>>
      %gather3A_473 = tpu.vector_load_idx %gather3A_472[%add3A_467, %broadcast_in_dim3A_412] : memref<64x128xf32, #tpu.memory_space<vmem>>[vector<16xi32>, vector<16xi32>], vector<16xf32>,
      %gather3A_474 = arith.constant 1 : i32
      %gather3A_475 = arith.constant 0 : i32
      %gather3A_476 = arith.constant 0 : i32
      %gather3A_477 = tpu.memref_slice %arg9[%gather3A_474, %gather3A_475, %gather3A_476] : memref<4x64x128xf32, #tpu.memory_space<vmem>> -> memref<1x64x128xf32, #tpu.memory_space<vmem>>
      %gather3A_478 = tpu.memref_squeeze %gather3A_477 : memref<1x64x128xf32, #tpu.memory_space<vmem>> -> memref<64x128xf32, #tpu.memory_space<vmem>>
      %gather3A_479 = tpu.vector_load_idx %gather3A_478[%add3A_467, %broadcast_in_dim3A_415] : memref<64x128xf32, #tpu.memory_space<vmem>>[vector<16xi32>, vector<16xi32>], vector<16xf32>,
      %mul3A_480 = arith.mulf %gather3A_473, %gather3A_479 : vector<16xf32>
      tpu.vector_store_idx %arg10[%add3A_467, %broadcast_in_dim3A_416], %mul3A_480 : memref<64x512xf32, #tpu.memory_space<vmem>>[vector<16xi32>, vector<16xi32>], vector<16xf32>,
      %slice3A_481 = vector.extract_strided_slice %get3A_149 {offsets = [5], sizes = [1], strides = [1]} : vector<16xi32> to vector<1xi32>
      %squeeze3A_482 = vector.extract %slice3A_481[0] : i32 from vector<1xi32>
      %slice3A_483 = vector.extract_strided_slice %get3A_153 {offsets = [5], sizes = [1], strides = [1]} : vector<16xi32> to vector<1xi32>
      %squeeze3A_484 = vector.extract %slice3A_483[0] : i32 from vector<1xi32>
      %shift_right_arithmetic3A_485 = arith.constant 7 : i32
      %shift_right_arithmetic3A_486 = arith.shrsi %squeeze3A_482, %shift_right_arithmetic3A_485 : i32
      %mul3A_487 = arith.constant 128 : i32
      %mul3A_488 = arith.muli %shift_right_arithmetic3A_486, %mul3A_487 : i32
      %multiple_of3A_489 = tpu.assume_multiple %mul3A_488, 128 : i32
      %shift_right_arithmetic3A_490 = arith.constant 7 : i32
      %shift_right_arithmetic3A_491 = arith.shrsi %squeeze3A_484, %shift_right_arithmetic3A_490 : i32
      %mul3A_492 = arith.constant 128 : i32
      %mul3A_493 = arith.muli %shift_right_arithmetic3A_491, %mul3A_492 : i32
      %multiple_of3A_494 = tpu.assume_multiple %mul3A_493, 128 : i32
      %dma_start3A_495 = arith.constant 1 : i32
      %dma_start3A_496 = arith.constant 1 : i32
      %dma_start3A_497 = arith.constant 0 : i32
      %dma_start3A_498 = arith.constant 0 : i32
      %dma_start3A_499 = tpu.memref_slice %arg8[%dma_start3A_495, %dma_start3A_497, %dma_start3A_498] : memref<4x64x128xf32, #tpu.memory_space<vmem>> -> memref<1x64x128xf32, #tpu.memory_space<vmem>>
      %dma_start3A_500 = tpu.memref_squeeze %dma_start3A_499 : memref<1x64x128xf32, #tpu.memory_space<vmem>> -> memref<64x128xf32, #tpu.memory_space<vmem>>
      %dma_start3A_501 = arith.constant 0 : i32
      %dma_start3A_502 = tpu.memref_slice %arg2[%dma_start3A_501, %multiple_of3A_489] : memref<64x1000000xf32, #tpu.memory_space<hbm>> -> memref<64x128xf32, #tpu.memory_space<hbm>>
      %dma_start3A_503 = tpu.memref_slice %arg11[%dma_start3A_496] : memref<4x!tpu.dma_semaphore, #tpu.memory_space<semaphore_mem>> -> memref<1x!tpu.dma_semaphore, #tpu.memory_space<semaphore_mem>>
      %dma_start3A_504 = tpu.memref_squeeze %dma_start3A_503 : memref<1x!tpu.dma_semaphore, #tpu.memory_space<semaphore_mem>> -> memref<!tpu.dma_semaphore, #tpu.memory_space<semaphore_mem>>
      %dma_start3A_505 = arith.constant 0 : i32
      %dma_start3A_506 = arith.constant 0 : i32
      %dma_start3A_507 = tpu.memref_slice %arg8[%dma_start3A_495, %dma_start3A_505, %dma_start3A_506] : memref<4x64x128xf32, #tpu.memory_space<vmem>> -> memref<1x64x128xf32, #tpu.memory_space<vmem>>
      %dma_start3A_508 = tpu.memref_squeeze %dma_start3A_507 : memref<1x64x128xf32, #tpu.memory_space<vmem>> -> memref<64x128xf32, #tpu.memory_space<vmem>>
      %dma_start3A_509 = arith.constant 0 : i32
      %dma_start3A_510 = tpu.memref_slice %arg2[%dma_start3A_509, %multiple_of3A_489] : memref<64x1000000xf32, #tpu.memory_space<hbm>> -> memref<64x128xf32, #tpu.memory_space<hbm>>
      tpu.enqueue_dma source(%dma_start3A_510 : memref<64x128xf32, #tpu.memory_space<hbm>>) target(%dma_start3A_508 : memref<64x128xf32, #tpu.memory_space<vmem>>) target_semaphore(%dma_start3A_504 : memref<!tpu.dma_semaphore, #tpu.memory_space<semaphore_mem>>)
      %dma_start3A_511 = arith.constant 1 : i32
      %dma_start3A_512 = arith.constant 1 : i32
      %dma_start3A_513 = arith.constant 0 : i32
      %dma_start3A_514 = arith.constant 0 : i32
      %dma_start3A_515 = tpu.memref_slice %arg9[%dma_start3A_511, %dma_start3A_513, %dma_start3A_514] : memref<4x64x128xf32, #tpu.memory_space<vmem>> -> memref<1x64x128xf32, #tpu.memory_space<vmem>>
      %dma_start3A_516 = tpu.memref_squeeze %dma_start3A_515 : memref<1x64x128xf32, #tpu.memory_space<vmem>> -> memref<64x128xf32, #tpu.memory_space<vmem>>
      %dma_start3A_517 = arith.constant 0 : i32
      %dma_start3A_518 = tpu.memref_slice %arg3[%dma_start3A_517, %multiple_of3A_494] : memref<64x1000000xf32, #tpu.memory_space<hbm>> -> memref<64x128xf32, #tpu.memory_space<hbm>>
      %dma_start3A_519 = tpu.memref_slice %arg12[%dma_start3A_512] : memref<4x!tpu.dma_semaphore, #tpu.memory_space<semaphore_mem>> -> memref<1x!tpu.dma_semaphore, #tpu.memory_space<semaphore_mem>>
      %dma_start3A_520 = tpu.memref_squeeze %dma_start3A_519 : memref<1x!tpu.dma_semaphore, #tpu.memory_space<semaphore_mem>> -> memref<!tpu.dma_semaphore, #tpu.memory_space<semaphore_mem>>
      %dma_start3A_521 = arith.constant 0 : i32
      %dma_start3A_522 = arith.constant 0 : i32
      %dma_start3A_523 = tpu.memref_slice %arg9[%dma_start3A_511, %dma_start3A_521, %dma_start3A_522] : memref<4x64x128xf32, #tpu.memory_space<vmem>> -> memref<1x64x128xf32, #tpu.memory_space<vmem>>
      %dma_start3A_524 = tpu.memref_squeeze %dma_start3A_523 : memref<1x64x128xf32, #tpu.memory_space<vmem>> -> memref<64x128xf32, #tpu.memory_space<vmem>>
      %dma_start3A_525 = arith.constant 0 : i32
      %dma_start3A_526 = tpu.memref_slice %arg3[%dma_start3A_525, %multiple_of3A_494] : memref<64x1000000xf32, #tpu.memory_space<hbm>> -> memref<64x128xf32, #tpu.memory_space<hbm>>
      tpu.enqueue_dma source(%dma_start3A_526 : memref<64x128xf32, #tpu.memory_space<hbm>>) target(%dma_start3A_524 : memref<64x128xf32, #tpu.memory_space<vmem>>) target_semaphore(%dma_start3A_520 : memref<!tpu.dma_semaphore, #tpu.memory_space<semaphore_mem>>)
      %dma_wait3A_527 = arith.constant 2 : i32
      %dma_wait3A_528 = arith.constant 2 : i32
      %dma_wait3A_529 = arith.constant 0 : i32
      %dma_wait3A_530 = arith.constant 0 : i32
      %dma_wait3A_531 = tpu.memref_slice %arg8[%dma_wait3A_527, %dma_wait3A_529, %dma_wait3A_530] : memref<4x64x128xf32, #tpu.memory_space<vmem>> -> memref<1x64x128xf32, #tpu.memory_space<vmem>>
      %dma_wait3A_532 = tpu.memref_squeeze %dma_wait3A_531 : memref<1x64x128xf32, #tpu.memory_space<vmem>> -> memref<64x128xf32, #tpu.memory_space<vmem>>
      %dma_wait3A_533 = arith.constant 0 : i32
      %dma_wait3A_534 = arith.constant 0 : i32
      %dma_wait3A_535 = tpu.memref_slice %arg2[%dma_wait3A_533, %dma_wait3A_534] : memref<64x1000000xf32, #tpu.memory_space<hbm>> -> memref<64x128xf32, #tpu.memory_space<hbm>>
      %dma_wait3A_536 = tpu.memref_slice %arg11[%dma_wait3A_528] : memref<4x!tpu.dma_semaphore, #tpu.memory_space<semaphore_mem>> -> memref<1x!tpu.dma_semaphore, #tpu.memory_space<semaphore_mem>>
      %dma_wait3A_537 = tpu.memref_squeeze %dma_wait3A_536 : memref<1x!tpu.dma_semaphore, #tpu.memory_space<semaphore_mem>> -> memref<!tpu.dma_semaphore, #tpu.memory_space<semaphore_mem>>
      %dma_wait3A_538 = arith.constant 0 : i32
      %dma_wait3A_539 = arith.constant 0 : i32
      %dma_wait3A_540 = tpu.memref_slice %arg8[%dma_wait3A_527, %dma_wait3A_538, %dma_wait3A_539] : memref<4x64x128xf32, #tpu.memory_space<vmem>> -> memref<1x64x128xf32, #tpu.memory_space<vmem>>
      %dma_wait3A_541 = tpu.memref_squeeze %dma_wait3A_540 : memref<1x64x128xf32, #tpu.memory_space<vmem>> -> memref<64x128xf32, #tpu.memory_space<vmem>>
      %dma_wait3A_542 = arith.constant 0 : i32
      %dma_wait3A_543 = arith.constant 0 : i32
      %dma_wait3A_544 = tpu.memref_slice %arg2[%dma_wait3A_542, %dma_wait3A_543] : memref<64x1000000xf32, #tpu.memory_space<hbm>> -> memref<64x128xf32, #tpu.memory_space<hbm>>
      tpu.wait_dma2 semaphore(%dma_wait3A_537 : memref<!tpu.dma_semaphore, #tpu.memory_space<semaphore_mem>>) src(%dma_wait3A_544 : memref<64x128xf32, #tpu.memory_space<hbm>>) dst(%dma_wait3A_541 : memref<64x128xf32, #tpu.memory_space<vmem>>)
      %dma_wait3A_545 = arith.constant 2 : i32
      %dma_wait3A_546 = arith.constant 2 : i32
      %dma_wait3A_547 = arith.constant 0 : i32
      %dma_wait3A_548 = arith.constant 0 : i32
      %dma_wait3A_549 = tpu.memref_slice %arg9[%dma_wait3A_545, %dma_wait3A_547, %dma_wait3A_548] : memref<4x64x128xf32, #tpu.memory_space<vmem>> -> memref<1x64x128xf32, #tpu.memory_space<vmem>>
      %dma_wait3A_550 = tpu.memref_squeeze %dma_wait3A_549 : memref<1x64x128xf32, #tpu.memory_space<vmem>> -> memref<64x128xf32, #tpu.memory_space<vmem>>
      %dma_wait3A_551 = arith.constant 0 : i32
      %dma_wait3A_552 = arith.constant 0 : i32
      %dma_wait3A_553 = tpu.memref_slice %arg3[%dma_wait3A_551, %dma_wait3A_552] : memref<64x1000000xf32, #tpu.memory_space<hbm>> -> memref<64x128xf32, #tpu.memory_space<hbm>>
      %dma_wait3A_554 = tpu.memref_slice %arg12[%dma_wait3A_546] : memref<4x!tpu.dma_semaphore, #tpu.memory_space<semaphore_mem>> -> memref<1x!tpu.dma_semaphore, #tpu.memory_space<semaphore_mem>>
      %dma_wait3A_555 = tpu.memref_squeeze %dma_wait3A_554 : memref<1x!tpu.dma_semaphore, #tpu.memory_space<semaphore_mem>> -> memref<!tpu.dma_semaphore, #tpu.memory_space<semaphore_mem>>
      %dma_wait3A_556 = arith.constant 0 : i32
      %dma_wait3A_557 = arith.constant 0 : i32
      %dma_wait3A_558 = tpu.memref_slice %arg9[%dma_wait3A_545, %dma_wait3A_556, %dma_wait3A_557] : memref<4x64x128xf32, #tpu.memory_space<vmem>> -> memref<1x64x128xf32, #tpu.memory_space<vmem>>
      %dma_wait3A_559 = tpu.memref_squeeze %dma_wait3A_558 : memref<1x64x128xf32, #tpu.memory_space<vmem>> -> memref<64x128xf32, #tpu.memory_space<vmem>>
      %dma_wait3A_560 = arith.constant 0 : i32
      %dma_wait3A_561 = arith.constant 0 : i32
      %dma_wait3A_562 = tpu.memref_slice %arg3[%dma_wait3A_560, %dma_wait3A_561] : memref<64x1000000xf32, #tpu.memory_space<hbm>> -> memref<64x128xf32, #tpu.memory_space<hbm>>
      tpu.wait_dma2 semaphore(%dma_wait3A_555 : memref<!tpu.dma_semaphore, #tpu.memory_space<semaphore_mem>>) src(%dma_wait3A_562 : memref<64x128xf32, #tpu.memory_space<hbm>>) dst(%dma_wait3A_559 : memref<64x128xf32, #tpu.memory_space<vmem>>)
      %slice3A_563 = vector.extract_strided_slice %get3A_149 {offsets = [2], sizes = [1], strides = [1]} : vector<16xi32> to vector<1xi32>
      %squeeze3A_564 = vector.extract %slice3A_563[0] : i32 from vector<1xi32>
      %slice3A_565 = vector.extract_strided_slice %get3A_153 {offsets = [2], sizes = [1], strides = [1]} : vector<16xi32> to vector<1xi32>
      %squeeze3A_566 = vector.extract %slice3A_565[0] : i32 from vector<1xi32>
      %mul3A_567 = arith.constant 16 : i32
      %mul3A_568 = arith.muli %scan3A_145, %mul3A_567 : i32
      %add3A_569 = arith.constant 2 : i32
      %add3A_570 = arith.addi %mul3A_568, %add3A_569 : i32
      %and3A_571 = arith.constant 127 : i32
      %and3A_572 = arith.andi %squeeze3A_564, %and3A_571 : i32
      %broadcast_in_dim3A_573 = vector.broadcast %and3A_572 : i32 to vector<16xi32>
      %and3A_574 = arith.constant 127 : i32
      %and3A_575 = arith.andi %squeeze3A_566, %and3A_574 : i32
      %broadcast_in_dim3A_576 = vector.broadcast %and3A_575 : i32 to vector<16xi32>
      %broadcast_in_dim3A_577 = vector.broadcast %add3A_570 : i32 to vector<16xi32>
      %add3A_578 = arith.constant 0 : i32
      %add3A_579 = vector.broadcast %add3A_578 : i32 to vector<16xi32>
      %add3A_580 = arith.addi %iota3A, %add3A_579 : vector<16xi32>
      %gather3A_581 = arith.constant 2 : i32
      %gather3A_582 = arith.constant 0 : i32
      %gather3A_583 = arith.constant 0 : i32
      %gather3A_584 = tpu.memref_slice %arg8[%gather3A_581, %gather3A_582, %gather3A_583] : memref<4x64x128xf32, #tpu.memory_space<vmem>> -> memref<1x64x128xf32, #tpu.memory_space<vmem>>
      %gather3A_585 = tpu.memref_squeeze %gather3A_584 : memref<1x64x128xf32, #tpu.memory_space<vmem>> -> memref<64x128xf32, #tpu.memory_space<vmem>>
      %gather3A_586 = tpu.vector_load_idx %gather3A_585[%add3A_580, %broadcast_in_dim3A_573] : memref<64x128xf32, #tpu.memory_space<vmem>>[vector<16xi32>, vector<16xi32>], vector<16xf32>,
      %gather3A_587 = arith.constant 2 : i32
      %gather3A_588 = arith.constant 0 : i32
      %gather3A_589 = arith.constant 0 : i32
      %gather3A_590 = tpu.memref_slice %arg9[%gather3A_587, %gather3A_588, %gather3A_589] : memref<4x64x128xf32, #tpu.memory_space<vmem>> -> memref<1x64x128xf32, #tpu.memory_space<vmem>>
      %gather3A_591 = tpu.memref_squeeze %gather3A_590 : memref<1x64x128xf32, #tpu.memory_space<vmem>> -> memref<64x128xf32, #tpu.memory_space<vmem>>
      %gather3A_592 = tpu.vector_load_idx %gather3A_591[%add3A_580, %broadcast_in_dim3A_576] : memref<64x128xf32, #tpu.memory_space<vmem>>[vector<16xi32>, vector<16xi32>], vector<16xf32>,
      %mul3A_593 = arith.mulf %gather3A_586, %gather3A_592 : vector<16xf32>
      tpu.vector_store_idx %arg10[%add3A_580, %broadcast_in_dim3A_577], %mul3A_593 : memref<64x512xf32, #tpu.memory_space<vmem>>[vector<16xi32>, vector<16xi32>], vector<16xf32>,
      %add3A_594 = arith.constant 16 : i32
      %add3A_595 = vector.broadcast %add3A_594 : i32 to vector<16xi32>
      %add3A_596 = arith.addi %iota3A, %add3A_595 : vector<16xi32>
      %gather3A_597 = arith.constant 2 : i32
      %gather3A_598 = arith.constant 0 : i32
      %gather3A_599 = arith.constant 0 : i32
      %gather3A_600 = tpu.memref_slice %arg8[%gather3A_597, %gather3A_598, %gather3A_599] : memref<4x64x128xf32, #tpu.memory_space<vmem>> -> memref<1x64x128xf32, #tpu.memory_space<vmem>>
      %gather3A_601 = tpu.memref_squeeze %gather3A_600 : memref<1x64x128xf32, #tpu.memory_space<vmem>> -> memref<64x128xf32, #tpu.memory_space<vmem>>
      %gather3A_602 = tpu.vector_load_idx %gather3A_601[%add3A_596, %broadcast_in_dim3A_573] : memref<64x128xf32, #tpu.memory_space<vmem>>[vector<16xi32>, vector<16xi32>], vector<16xf32>,
      %gather3A_603 = arith.constant 2 : i32
      %gather3A_604 = arith.constant 0 : i32
      %gather3A_605 = arith.constant 0 : i32
      %gather3A_606 = tpu.memref_slice %arg9[%gather3A_603, %gather3A_604, %gather3A_605] : memref<4x64x128xf32, #tpu.memory_space<vmem>> -> memref<1x64x128xf32, #tpu.memory_space<vmem>>
      %gather3A_607 = tpu.memref_squeeze %gather3A_606 : memref<1x64x128xf32, #tpu.memory_space<vmem>> -> memref<64x128xf32, #tpu.memory_space<vmem>>
      %gather3A_608 = tpu.vector_load_idx %gather3A_607[%add3A_596, %broadcast_in_dim3A_576] : memref<64x128xf32, #tpu.memory_space<vmem>>[vector<16xi32>, vector<16xi32>], vector<16xf32>,
      %mul3A_609 = arith.mulf %gather3A_602, %gather3A_608 : vector<16xf32>
      tpu.vector_store_idx %arg10[%add3A_596, %broadcast_in_dim3A_577], %mul3A_609 : memref<64x512xf32, #tpu.memory_space<vmem>>[vector<16xi32>, vector<16xi32>], vector<16xf32>,
      %add3A_610 = arith.constant 32 : i32
      %add3A_611 = vector.broadcast %add3A_610 : i32 to vector<16xi32>
      %add3A_612 = arith.addi %iota3A, %add3A_611 : vector<16xi32>
      %gather3A_613 = arith.constant 2 : i32
      %gather3A_614 = arith.constant 0 : i32
      %gather3A_615 = arith.constant 0 : i32
      %gather3A_616 = tpu.memref_slice %arg8[%gather3A_613, %gather3A_614, %gather3A_615] : memref<4x64x128xf32, #tpu.memory_space<vmem>> -> memref<1x64x128xf32, #tpu.memory_space<vmem>>
      %gather3A_617 = tpu.memref_squeeze %gather3A_616 : memref<1x64x128xf32, #tpu.memory_space<vmem>> -> memref<64x128xf32, #tpu.memory_space<vmem>>
      %gather3A_618 = tpu.vector_load_idx %gather3A_617[%add3A_612, %broadcast_in_dim3A_573] : memref<64x128xf32, #tpu.memory_space<vmem>>[vector<16xi32>, vector<16xi32>], vector<16xf32>,
      %gather3A_619 = arith.constant 2 : i32
      %gather3A_620 = arith.constant 0 : i32
      %gather3A_621 = arith.constant 0 : i32
      %gather3A_622 = tpu.memref_slice %arg9[%gather3A_619, %gather3A_620, %gather3A_621] : memref<4x64x128xf32, #tpu.memory_space<vmem>> -> memref<1x64x128xf32, #tpu.memory_space<vmem>>
      %gather3A_623 = tpu.memref_squeeze %gather3A_622 : memref<1x64x128xf32, #tpu.memory_space<vmem>> -> memref<64x128xf32, #tpu.memory_space<vmem>>
      %gather3A_624 = tpu.vector_load_idx %gather3A_623[%add3A_612, %broadcast_in_dim3A_576] : memref<64x128xf32, #tpu.memory_space<vmem>>[vector<16xi32>, vector<16xi32>], vector<16xf32>,
      %mul3A_625 = arith.mulf %gather3A_618, %gather3A_624 : vector<16xf32>
      tpu.vector_store_idx %arg10[%add3A_612, %broadcast_in_dim3A_577], %mul3A_625 : memref<64x512xf32, #tpu.memory_space<vmem>>[vector<16xi32>, vector<16xi32>], vector<16xf32>,
      %add3A_626 = arith.constant 48 : i32
      %add3A_627 = vector.broadcast %add3A_626 : i32 to vector<16xi32>
      %add3A_628 = arith.addi %iota3A, %add3A_627 : vector<16xi32>
      %gather3A_629 = arith.constant 2 : i32
      %gather3A_630 = arith.constant 0 : i32
      %gather3A_631 = arith.constant 0 : i32
      %gather3A_632 = tpu.memref_slice %arg8[%gather3A_629, %gather3A_630, %gather3A_631] : memref<4x64x128xf32, #tpu.memory_space<vmem>> -> memref<1x64x128xf32, #tpu.memory_space<vmem>>
      %gather3A_633 = tpu.memref_squeeze %gather3A_632 : memref<1x64x128xf32, #tpu.memory_space<vmem>> -> memref<64x128xf32, #tpu.memory_space<vmem>>
      %gather3A_634 = tpu.vector_load_idx %gather3A_633[%add3A_628, %broadcast_in_dim3A_573] : memref<64x128xf32, #tpu.memory_space<vmem>>[vector<16xi32>, vector<16xi32>], vector<16xf32>,
      %gather3A_635 = arith.constant 2 : i32
      %gather3A_636 = arith.constant 0 : i32
      %gather3A_637 = arith.constant 0 : i32
      %gather3A_638 = tpu.memref_slice %arg9[%gather3A_635, %gather3A_636, %gather3A_637] : memref<4x64x128xf32, #tpu.memory_space<vmem>> -> memref<1x64x128xf32, #tpu.memory_space<vmem>>
      %gather3A_639 = tpu.memref_squeeze %gather3A_638 : memref<1x64x128xf32, #tpu.memory_space<vmem>> -> memref<64x128xf32, #tpu.memory_space<vmem>>
      %gather3A_640 = tpu.vector_load_idx %gather3A_639[%add3A_628, %broadcast_in_dim3A_576] : memref<64x128xf32, #tpu.memory_space<vmem>>[vector<16xi32>, vector<16xi32>], vector<16xf32>,
      %mul3A_641 = arith.mulf %gather3A_634, %gather3A_640 : vector<16xf32>
      tpu.vector_store_idx %arg10[%add3A_628, %broadcast_in_dim3A_577], %mul3A_641 : memref<64x512xf32, #tpu.memory_space<vmem>>[vector<16xi32>, vector<16xi32>], vector<16xf32>,
      %slice3A_642 = vector.extract_strided_slice %get3A_149 {offsets = [6], sizes = [1], strides = [1]} : vector<16xi32> to vector<1xi32>
      %squeeze3A_643 = vector.extract %slice3A_642[0] : i32 from vector<1xi32>
      %slice3A_644 = vector.extract_strided_slice %get3A_153 {offsets = [6], sizes = [1], strides = [1]} : vector<16xi32> to vector<1xi32>
      %squeeze3A_645 = vector.extract %slice3A_644[0] : i32 from vector<1xi32>
      %shift_right_arithmetic3A_646 = arith.constant 7 : i32
      %shift_right_arithmetic3A_647 = arith.shrsi %squeeze3A_643, %shift_right_arithmetic3A_646 : i32
      %mul3A_648 = arith.constant 128 : i32
      %mul3A_649 = arith.muli %shift_right_arithmetic3A_647, %mul3A_648 : i32
      %multiple_of3A_650 = tpu.assume_multiple %mul3A_649, 128 : i32
      %shift_right_arithmetic3A_651 = arith.constant 7 : i32
      %shift_right_arithmetic3A_652 = arith.shrsi %squeeze3A_645, %shift_right_arithmetic3A_651 : i32
      %mul3A_653 = arith.constant 128 : i32
      %mul3A_654 = arith.muli %shift_right_arithmetic3A_652, %mul3A_653 : i32
      %multiple_of3A_655 = tpu.assume_multiple %mul3A_654, 128 : i32
      %dma_start3A_656 = arith.constant 2 : i32
      %dma_start3A_657 = arith.constant 2 : i32
      %dma_start3A_658 = arith.constant 0 : i32
      %dma_start3A_659 = arith.constant 0 : i32
      %dma_start3A_660 = tpu.memref_slice %arg8[%dma_start3A_656, %dma_start3A_658, %dma_start3A_659] : memref<4x64x128xf32, #tpu.memory_space<vmem>> -> memref<1x64x128xf32, #tpu.memory_space<vmem>>
      %dma_start3A_661 = tpu.memref_squeeze %dma_start3A_660 : memref<1x64x128xf32, #tpu.memory_space<vmem>> -> memref<64x128xf32, #tpu.memory_space<vmem>>
      %dma_start3A_662 = arith.constant 0 : i32
      %dma_start3A_663 = tpu.memref_slice %arg2[%dma_start3A_662, %multiple_of3A_650] : memref<64x1000000xf32, #tpu.memory_space<hbm>> -> memref<64x128xf32, #tpu.memory_space<hbm>>
      %dma_start3A_664 = tpu.memref_slice %arg11[%dma_start3A_657] : memref<4x!tpu.dma_semaphore, #tpu.memory_space<semaphore_mem>> -> memref<1x!tpu.dma_semaphore, #tpu.memory_space<semaphore_mem>>
      %dma_start3A_665 = tpu.memref_squeeze %dma_start3A_664 : memref<1x!tpu.dma_semaphore, #tpu.memory_space<semaphore_mem>> -> memref<!tpu.dma_semaphore, #tpu.memory_space<semaphore_mem>>
      %dma_start3A_666 = arith.constant 0 : i32
      %dma_start3A_667 = arith.constant 0 : i32
      %dma_start3A_668 = tpu.memref_slice %arg8[%dma_start3A_656, %dma_start3A_666, %dma_start3A_667] : memref<4x64x128xf32, #tpu.memory_space<vmem>> -> memref<1x64x128xf32, #tpu.memory_space<vmem>>
      %dma_start3A_669 = tpu.memref_squeeze %dma_start3A_668 : memref<1x64x128xf32, #tpu.memory_space<vmem>> -> memref<64x128xf32, #tpu.memory_space<vmem>>
      %dma_start3A_670 = arith.constant 0 : i32
      %dma_start3A_671 = tpu.memref_slice %arg2[%dma_start3A_670, %multiple_of3A_650] : memref<64x1000000xf32, #tpu.memory_space<hbm>> -> memref<64x128xf32, #tpu.memory_space<hbm>>
      tpu.enqueue_dma source(%dma_start3A_671 : memref<64x128xf32, #tpu.memory_space<hbm>>) target(%dma_start3A_669 : memref<64x128xf32, #tpu.memory_space<vmem>>) target_semaphore(%dma_start3A_665 : memref<!tpu.dma_semaphore, #tpu.memory_space<semaphore_mem>>)
      %dma_start3A_672 = arith.constant 2 : i32
      %dma_start3A_673 = arith.constant 2 : i32
      %dma_start3A_674 = arith.constant 0 : i32
      %dma_start3A_675 = arith.constant 0 : i32
      %dma_start3A_676 = tpu.memref_slice %arg9[%dma_start3A_672, %dma_start3A_674, %dma_start3A_675] : memref<4x64x128xf32, #tpu.memory_space<vmem>> -> memref<1x64x128xf32, #tpu.memory_space<vmem>>
      %dma_start3A_677 = tpu.memref_squeeze %dma_start3A_676 : memref<1x64x128xf32, #tpu.memory_space<vmem>> -> memref<64x128xf32, #tpu.memory_space<vmem>>
      %dma_start3A_678 = arith.constant 0 : i32
      %dma_start3A_679 = tpu.memref_slice %arg3[%dma_start3A_678, %multiple_of3A_655] : memref<64x1000000xf32, #tpu.memory_space<hbm>> -> memref<64x128xf32, #tpu.memory_space<hbm>>
      %dma_start3A_680 = tpu.memref_slice %arg12[%dma_start3A_673] : memref<4x!tpu.dma_semaphore, #tpu.memory_space<semaphore_mem>> -> memref<1x!tpu.dma_semaphore, #tpu.memory_space<semaphore_mem>>
      %dma_start3A_681 = tpu.memref_squeeze %dma_start3A_680 : memref<1x!tpu.dma_semaphore, #tpu.memory_space<semaphore_mem>> -> memref<!tpu.dma_semaphore, #tpu.memory_space<semaphore_mem>>
      %dma_start3A_682 = arith.constant 0 : i32
      %dma_start3A_683 = arith.constant 0 : i32
      %dma_start3A_684 = tpu.memref_slice %arg9[%dma_start3A_672, %dma_start3A_682, %dma_start3A_683] : memref<4x64x128xf32, #tpu.memory_space<vmem>> -> memref<1x64x128xf32, #tpu.memory_space<vmem>>
      %dma_start3A_685 = tpu.memref_squeeze %dma_start3A_684 : memref<1x64x128xf32, #tpu.memory_space<vmem>> -> memref<64x128xf32, #tpu.memory_space<vmem>>
      %dma_start3A_686 = arith.constant 0 : i32
      %dma_start3A_687 = tpu.memref_slice %arg3[%dma_start3A_686, %multiple_of3A_655] : memref<64x1000000xf32, #tpu.memory_space<hbm>> -> memref<64x128xf32, #tpu.memory_space<hbm>>
      tpu.enqueue_dma source(%dma_start3A_687 : memref<64x128xf32, #tpu.memory_space<hbm>>) target(%dma_start3A_685 : memref<64x128xf32, #tpu.memory_space<vmem>>) target_semaphore(%dma_start3A_681 : memref<!tpu.dma_semaphore, #tpu.memory_space<semaphore_mem>>)
      %dma_wait3A_688 = arith.constant 3 : i32
      %dma_wait3A_689 = arith.constant 3 : i32
      %dma_wait3A_690 = arith.constant 0 : i32
      %dma_wait3A_691 = arith.constant 0 : i32
      %dma_wait3A_692 = tpu.memref_slice %arg8[%dma_wait3A_688, %dma_wait3A_690, %dma_wait3A_691] : memref<4x64x128xf32, #tpu.memory_space<vmem>> -> memref<1x64x128xf32, #tpu.memory_space<vmem>>
      %dma_wait3A_693 = tpu.memref_squeeze %dma_wait3A_692 : memref<1x64x128xf32, #tpu.memory_space<vmem>> -> memref<64x128xf32, #tpu.memory_space<vmem>>
      %dma_wait3A_694 = arith.constant 0 : i32
      %dma_wait3A_695 = arith.constant 0 : i32
      %dma_wait3A_696 = tpu.memref_slice %arg2[%dma_wait3A_694, %dma_wait3A_695] : memref<64x1000000xf32, #tpu.memory_space<hbm>> -> memref<64x128xf32, #tpu.memory_space<hbm>>
      %dma_wait3A_697 = tpu.memref_slice %arg11[%dma_wait3A_689] : memref<4x!tpu.dma_semaphore, #tpu.memory_space<semaphore_mem>> -> memref<1x!tpu.dma_semaphore, #tpu.memory_space<semaphore_mem>>
      %dma_wait3A_698 = tpu.memref_squeeze %dma_wait3A_697 : memref<1x!tpu.dma_semaphore, #tpu.memory_space<semaphore_mem>> -> memref<!tpu.dma_semaphore, #tpu.memory_space<semaphore_mem>>
      %dma_wait3A_699 = arith.constant 0 : i32
      %dma_wait3A_700 = arith.constant 0 : i32
      %dma_wait3A_701 = tpu.memref_slice %arg8[%dma_wait3A_688, %dma_wait3A_699, %dma_wait3A_700] : memref<4x64x128xf32, #tpu.memory_space<vmem>> -> memref<1x64x128xf32, #tpu.memory_space<vmem>>
      %dma_wait3A_702 = tpu.memref_squeeze %dma_wait3A_701 : memref<1x64x128xf32, #tpu.memory_space<vmem>> -> memref<64x128xf32, #tpu.memory_space<vmem>>
      %dma_wait3A_703 = arith.constant 0 : i32
      %dma_wait3A_704 = arith.constant 0 : i32
      %dma_wait3A_705 = tpu.memref_slice %arg2[%dma_wait3A_703, %dma_wait3A_704] : memref<64x1000000xf32, #tpu.memory_space<hbm>> -> memref<64x128xf32, #tpu.memory_space<hbm>>
      tpu.wait_dma2 semaphore(%dma_wait3A_698 : memref<!tpu.dma_semaphore, #tpu.memory_space<semaphore_mem>>) src(%dma_wait3A_705 : memref<64x128xf32, #tpu.memory_space<hbm>>) dst(%dma_wait3A_702 : memref<64x128xf32, #tpu.memory_space<vmem>>)
      %dma_wait3A_706 = arith.constant 3 : i32
      %dma_wait3A_707 = arith.constant 3 : i32
      %dma_wait3A_708 = arith.constant 0 : i32
      %dma_wait3A_709 = arith.constant 0 : i32
      %dma_wait3A_710 = tpu.memref_slice %arg9[%dma_wait3A_706, %dma_wait3A_708, %dma_wait3A_709] : memref<4x64x128xf32, #tpu.memory_space<vmem>> -> memref<1x64x128xf32, #tpu.memory_space<vmem>>
      %dma_wait3A_711 = tpu.memref_squeeze %dma_wait3A_710 : memref<1x64x128xf32, #tpu.memory_space<vmem>> -> memref<64x128xf32, #tpu.memory_space<vmem>>
      %dma_wait3A_712 = arith.constant 0 : i32
      %dma_wait3A_713 = arith.constant 0 : i32
      %dma_wait3A_714 = tpu.memref_slice %arg3[%dma_wait3A_712, %dma_wait3A_713] : memref<64x1000000xf32, #tpu.memory_space<hbm>> -> memref<64x128xf32, #tpu.memory_space<hbm>>
      %dma_wait3A_715 = tpu.memref_slice %arg12[%dma_wait3A_707] : memref<4x!tpu.dma_semaphore, #tpu.memory_space<semaphore_mem>> -> memref<1x!tpu.dma_semaphore, #tpu.memory_space<semaphore_mem>>
      %dma_wait3A_716 = tpu.memref_squeeze %dma_wait3A_715 : memref<1x!tpu.dma_semaphore, #tpu.memory_space<semaphore_mem>> -> memref<!tpu.dma_semaphore, #tpu.memory_space<semaphore_mem>>
      %dma_wait3A_717 = arith.constant 0 : i32
      %dma_wait3A_718 = arith.constant 0 : i32
      %dma_wait3A_719 = tpu.memref_slice %arg9[%dma_wait3A_706, %dma_wait3A_717, %dma_wait3A_718] : memref<4x64x128xf32, #tpu.memory_space<vmem>> -> memref<1x64x128xf32, #tpu.memory_space<vmem>>
      %dma_wait3A_720 = tpu.memref_squeeze %dma_wait3A_719 : memref<1x64x128xf32, #tpu.memory_space<vmem>> -> memref<64x128xf32, #tpu.memory_space<vmem>>
      %dma_wait3A_721 = arith.constant 0 : i32
      %dma_wait3A_722 = arith.constant 0 : i32
      %dma_wait3A_723 = tpu.memref_slice %arg3[%dma_wait3A_721, %dma_wait3A_722] : memref<64x1000000xf32, #tpu.memory_space<hbm>> -> memref<64x128xf32, #tpu.memory_space<hbm>>
      tpu.wait_dma2 semaphore(%dma_wait3A_716 : memref<!tpu.dma_semaphore, #tpu.memory_space<semaphore_mem>>) src(%dma_wait3A_723 : memref<64x128xf32, #tpu.memory_space<hbm>>) dst(%dma_wait3A_720 : memref<64x128xf32, #tpu.memory_space<vmem>>)
      %slice3A_724 = vector.extract_strided_slice %get3A_149 {offsets = [3], sizes = [1], strides = [1]} : vector<16xi32> to vector<1xi32>
      %squeeze3A_725 = vector.extract %slice3A_724[0] : i32 from vector<1xi32>
      %slice3A_726 = vector.extract_strided_slice %get3A_153 {offsets = [3], sizes = [1], strides = [1]} : vector<16xi32> to vector<1xi32>
      %squeeze3A_727 = vector.extract %slice3A_726[0] : i32 from vector<1xi32>
      %mul3A_728 = arith.constant 16 : i32
      %mul3A_729 = arith.muli %scan3A_145, %mul3A_728 : i32
      %add3A_730 = arith.constant 3 : i32
      %add3A_731 = arith.addi %mul3A_729, %add3A_730 : i32
      %and3A_732 = arith.constant 127 : i32
      %and3A_733 = arith.andi %squeeze3A_725, %and3A_732 : i32
      %broadcast_in_dim3A_734 = vector.broadcast %and3A_733 : i32 to vector<16xi32>
      %and3A_735 = arith.constant 127 : i32
      %and3A_736 = arith.andi %squeeze3A_727, %and3A_735 : i32
      %broadcast_in_dim3A_737 = vector.broadcast %and3A_736 : i32 to vector<16xi32>
      %broadcast_in_dim3A_738 = vector.broadcast %add3A_731 : i32 to vector<16xi32>
      %add3A_739 = arith.constant 0 : i32
      %add3A_740 = vector.broadcast %add3A_739 : i32 to vector<16xi32>
      %add3A_741 = arith.addi %iota3A, %add3A_740 : vector<16xi32>
      %gather3A_742 = arith.constant 3 : i32
      %gather3A_743 = arith.constant 0 : i32
      %gather3A_744 = arith.constant 0 : i32
      %gather3A_745 = tpu.memref_slice %arg8[%gather3A_742, %gather3A_743, %gather3A_744] : memref<4x64x128xf32, #tpu.memory_space<vmem>> -> memref<1x64x128xf32, #tpu.memory_space<vmem>>
      %gather3A_746 = tpu.memref_squeeze %gather3A_745 : memref<1x64x128xf32, #tpu.memory_space<vmem>> -> memref<64x128xf32, #tpu.memory_space<vmem>>
      %gather3A_747 = tpu.vector_load_idx %gather3A_746[%add3A_741, %broadcast_in_dim3A_734] : memref<64x128xf32, #tpu.memory_space<vmem>>[vector<16xi32>, vector<16xi32>], vector<16xf32>,
      %gather3A_748 = arith.constant 3 : i32
      %gather3A_749 = arith.constant 0 : i32
      %gather3A_750 = arith.constant 0 : i32
      %gather3A_751 = tpu.memref_slice %arg9[%gather3A_748, %gather3A_749, %gather3A_750] : memref<4x64x128xf32, #tpu.memory_space<vmem>> -> memref<1x64x128xf32, #tpu.memory_space<vmem>>
      %gather3A_752 = tpu.memref_squeeze %gather3A_751 : memref<1x64x128xf32, #tpu.memory_space<vmem>> -> memref<64x128xf32, #tpu.memory_space<vmem>>
      %gather3A_753 = tpu.vector_load_idx %gather3A_752[%add3A_741, %broadcast_in_dim3A_737] : memref<64x128xf32, #tpu.memory_space<vmem>>[vector<16xi32>, vector<16xi32>], vector<16xf32>,
      %mul3A_754 = arith.mulf %gather3A_747, %gather3A_753 : vector<16xf32>
      tpu.vector_store_idx %arg10[%add3A_741, %broadcast_in_dim3A_738], %mul3A_754 : memref<64x512xf32, #tpu.memory_space<vmem>>[vector<16xi32>, vector<16xi32>], vector<16xf32>,
      %add3A_755 = arith.constant 16 : i32
      %add3A_756 = vector.broadcast %add3A_755 : i32 to vector<16xi32>
      %add3A_757 = arith.addi %iota3A, %add3A_756 : vector<16xi32>
      %gather3A_758 = arith.constant 3 : i32
      %gather3A_759 = arith.constant 0 : i32
      %gather3A_760 = arith.constant 0 : i32
      %gather3A_761 = tpu.memref_slice %arg8[%gather3A_758, %gather3A_759, %gather3A_760] : memref<4x64x128xf32, #tpu.memory_space<vmem>> -> memref<1x64x128xf32, #tpu.memory_space<vmem>>
      %gather3A_762 = tpu.memref_squeeze %gather3A_761 : memref<1x64x128xf32, #tpu.memory_space<vmem>> -> memref<64x128xf32, #tpu.memory_space<vmem>>
      %gather3A_763 = tpu.vector_load_idx %gather3A_762[%add3A_757, %broadcast_in_dim3A_734] : memref<64x128xf32, #tpu.memory_space<vmem>>[vector<16xi32>, vector<16xi32>], vector<16xf32>,
      %gather3A_764 = arith.constant 3 : i32
      %gather3A_765 = arith.constant 0 : i32
      %gather3A_766 = arith.constant 0 : i32
      %gather3A_767 = tpu.memref_slice %arg9[%gather3A_764, %gather3A_765, %gather3A_766] : memref<4x64x128xf32, #tpu.memory_space<vmem>> -> memref<1x64x128xf32, #tpu.memory_space<vmem>>
      %gather3A_768 = tpu.memref_squeeze %gather3A_767 : memref<1x64x128xf32, #tpu.memory_space<vmem>> -> memref<64x128xf32, #tpu.memory_space<vmem>>
      %gather3A_769 = tpu.vector_load_idx %gather3A_768[%add3A_757, %broadcast_in_dim3A_737] : memref<64x128xf32, #tpu.memory_space<vmem>>[vector<16xi32>, vector<16xi32>], vector<16xf32>,
      %mul3A_770 = arith.mulf %gather3A_763, %gather3A_769 : vector<16xf32>
      tpu.vector_store_idx %arg10[%add3A_757, %broadcast_in_dim3A_738], %mul3A_770 : memref<64x512xf32, #tpu.memory_space<vmem>>[vector<16xi32>, vector<16xi32>], vector<16xf32>,
      %add3A_771 = arith.constant 32 : i32
      %add3A_772 = vector.broadcast %add3A_771 : i32 to vector<16xi32>
      %add3A_773 = arith.addi %iota3A, %add3A_772 : vector<16xi32>
      %gather3A_774 = arith.constant 3 : i32
      %gather3A_775 = arith.constant 0 : i32
      %gather3A_776 = arith.constant 0 : i32
      %gather3A_777 = tpu.memref_slice %arg8[%gather3A_774, %gather3A_775, %gather3A_776] : memref<4x64x128xf32, #tpu.memory_space<vmem>> -> memref<1x64x128xf32, #tpu.memory_space<vmem>>
      %gather3A_778 = tpu.memref_squeeze %gather3A_777 : memref<1x64x128xf32, #tpu.memory_space<vmem>> -> memref<64x128xf32, #tpu.memory_space<vmem>>
      %gather3A_779 = tpu.vector_load_idx %gather3A_778[%add3A_773, %broadcast_in_dim3A_734] : memref<64x128xf32, #tpu.memory_space<vmem>>[vector<16xi32>, vector<16xi32>], vector<16xf32>,
      %gather3A_780 = arith.constant 3 : i32
      %gather3A_781 = arith.constant 0 : i32
      %gather3A_782 = arith.constant 0 : i32
      %gather3A_783 = tpu.memref_slice %arg9[%gather3A_780, %gather3A_781, %gather3A_782] : memref<4x64x128xf32, #tpu.memory_space<vmem>> -> memref<1x64x128xf32, #tpu.memory_space<vmem>>
      %gather3A_784 = tpu.memref_squeeze %gather3A_783 : memref<1x64x128xf32, #tpu.memory_space<vmem>> -> memref<64x128xf32, #tpu.memory_space<vmem>>
      %gather3A_785 = tpu.vector_load_idx %gather3A_784[%add3A_773, %broadcast_in_dim3A_737] : memref<64x128xf32, #tpu.memory_space<vmem>>[vector<16xi32>, vector<16xi32>], vector<16xf32>,
      %mul3A_786 = arith.mulf %gather3A_779, %gather3A_785 : vector<16xf32>
      tpu.vector_store_idx %arg10[%add3A_773, %broadcast_in_dim3A_738], %mul3A_786 : memref<64x512xf32, #tpu.memory_space<vmem>>[vector<16xi32>, vector<16xi32>], vector<16xf32>,
      %add3A_787 = arith.constant 48 : i32
      %add3A_788 = vector.broadcast %add3A_787 : i32 to vector<16xi32>
      %add3A_789 = arith.addi %iota3A, %add3A_788 : vector<16xi32>
      %gather3A_790 = arith.constant 3 : i32
      %gather3A_791 = arith.constant 0 : i32
      %gather3A_792 = arith.constant 0 : i32
      %gather3A_793 = tpu.memref_slice %arg8[%gather3A_790, %gather3A_791, %gather3A_792] : memref<4x64x128xf32, #tpu.memory_space<vmem>> -> memref<1x64x128xf32, #tpu.memory_space<vmem>>
      %gather3A_794 = tpu.memref_squeeze %gather3A_793 : memref<1x64x128xf32, #tpu.memory_space<vmem>> -> memref<64x128xf32, #tpu.memory_space<vmem>>
      %gather3A_795 = tpu.vector_load_idx %gather3A_794[%add3A_789, %broadcast_in_dim3A_734] : memref<64x128xf32, #tpu.memory_space<vmem>>[vector<16xi32>, vector<16xi32>], vector<16xf32>,
      %gather3A_796 = arith.constant 3 : i32
      %gather3A_797 = arith.constant 0 : i32
      %gather3A_798 = arith.constant 0 : i32
      %gather3A_799 = tpu.memref_slice %arg9[%gather3A_796, %gather3A_797, %gather3A_798] : memref<4x64x128xf32, #tpu.memory_space<vmem>> -> memref<1x64x128xf32, #tpu.memory_space<vmem>>
      %gather3A_800 = tpu.memref_squeeze %gather3A_799 : memref<1x64x128xf32, #tpu.memory_space<vmem>> -> memref<64x128xf32, #tpu.memory_space<vmem>>
      %gather3A_801 = tpu.vector_load_idx %gather3A_800[%add3A_789, %broadcast_in_dim3A_737] : memref<64x128xf32, #tpu.memory_space<vmem>>[vector<16xi32>, vector<16xi32>], vector<16xf32>,
      %mul3A_802 = arith.mulf %gather3A_795, %gather3A_801 : vector<16xf32>
      tpu.vector_store_idx %arg10[%add3A_789, %broadcast_in_dim3A_738], %mul3A_802 : memref<64x512xf32, #tpu.memory_space<vmem>>[vector<16xi32>, vector<16xi32>], vector<16xf32>,
      %slice3A_803 = vector.extract_strided_slice %get3A_149 {offsets = [7], sizes = [1], strides = [1]} : vector<16xi32> to vector<1xi32>
      %squeeze3A_804 = vector.extract %slice3A_803[0] : i32 from vector<1xi32>
      %slice3A_805 = vector.extract_strided_slice %get3A_153 {offsets = [7], sizes = [1], strides = [1]} : vector<16xi32> to vector<1xi32>
      %squeeze3A_806 = vector.extract %slice3A_805[0] : i32 from vector<1xi32>
      %shift_right_arithmetic3A_807 = arith.constant 7 : i32
      %shift_right_arithmetic3A_808 = arith.shrsi %squeeze3A_804, %shift_right_arithmetic3A_807 : i32
      %mul3A_809 = arith.constant 128 : i32
      %mul3A_810 = arith.muli %shift_right_arithmetic3A_808, %mul3A_809 : i32
      %multiple_of3A_811 = tpu.assume_multiple %mul3A_810, 128 : i32
      %shift_right_arithmetic3A_812 = arith.constant 7 : i32
      %shift_right_arithmetic3A_813 = arith.shrsi %squeeze3A_806, %shift_right_arithmetic3A_812 : i32
      %mul3A_814 = arith.constant 128 : i32
      %mul3A_815 = arith.muli %shift_right_arithmetic3A_813, %mul3A_814 : i32
      %multiple_of3A_816 = tpu.assume_multiple %mul3A_815, 128 : i32
      %dma_start3A_817 = arith.constant 3 : i32
      %dma_start3A_818 = arith.constant 3 : i32
      %dma_start3A_819 = arith.constant 0 : i32
      %dma_start3A_820 = arith.constant 0 : i32
      %dma_start3A_821 = tpu.memref_slice %arg8[%dma_start3A_817, %dma_start3A_819, %dma_start3A_820] : memref<4x64x128xf32, #tpu.memory_space<vmem>> -> memref<1x64x128xf32, #tpu.memory_space<vmem>>
      %dma_start3A_822 = tpu.memref_squeeze %dma_start3A_821 : memref<1x64x128xf32, #tpu.memory_space<vmem>> -> memref<64x128xf32, #tpu.memory_space<vmem>>
      %dma_start3A_823 = arith.constant 0 : i32
      %dma_start3A_824 = tpu.memref_slice %arg2[%dma_start3A_823, %multiple_of3A_811] : memref<64x1000000xf32, #tpu.memory_space<hbm>> -> memref<64x128xf32, #tpu.memory_space<hbm>>
      %dma_start3A_825 = tpu.memref_slice %arg11[%dma_start3A_818] : memref<4x!tpu.dma_semaphore, #tpu.memory_space<semaphore_mem>> -> memref<1x!tpu.dma_semaphore, #tpu.memory_space<semaphore_mem>>
      %dma_start3A_826 = tpu.memref_squeeze %dma_start3A_825 : memref<1x!tpu.dma_semaphore, #tpu.memory_space<semaphore_mem>> -> memref<!tpu.dma_semaphore, #tpu.memory_space<semaphore_mem>>
      %dma_start3A_827 = arith.constant 0 : i32
      %dma_start3A_828 = arith.constant 0 : i32
      %dma_start3A_829 = tpu.memref_slice %arg8[%dma_start3A_817, %dma_start3A_827, %dma_start3A_828] : memref<4x64x128xf32, #tpu.memory_space<vmem>> -> memref<1x64x128xf32, #tpu.memory_space<vmem>>
      %dma_start3A_830 = tpu.memref_squeeze %dma_start3A_829 : memref<1x64x128xf32, #tpu.memory_space<vmem>> -> memref<64x128xf32, #tpu.memory_space<vmem>>
      %dma_start3A_831 = arith.constant 0 : i32
      %dma_start3A_832 = tpu.memref_slice %arg2[%dma_start3A_831, %multiple_of3A_811] : memref<64x1000000xf32, #tpu.memory_space<hbm>> -> memref<64x128xf32, #tpu.memory_space<hbm>>
      tpu.enqueue_dma source(%dma_start3A_832 : memref<64x128xf32, #tpu.memory_space<hbm>>) target(%dma_start3A_830 : memref<64x128xf32, #tpu.memory_space<vmem>>) target_semaphore(%dma_start3A_826 : memref<!tpu.dma_semaphore, #tpu.memory_space<semaphore_mem>>)
      %dma_start3A_833 = arith.constant 3 : i32
      %dma_start3A_834 = arith.constant 3 : i32
      %dma_start3A_835 = arith.constant 0 : i32
      %dma_start3A_836 = arith.constant 0 : i32
      %dma_start3A_837 = tpu.memref_slice %arg9[%dma_start3A_833, %dma_start3A_835, %dma_start3A_836] : memref<4x64x128xf32, #tpu.memory_space<vmem>> -> memref<1x64x128xf32, #tpu.memory_space<vmem>>
      %dma_start3A_838 = tpu.memref_squeeze %dma_start3A_837 : memref<1x64x128xf32, #tpu.memory_space<vmem>> -> memref<64x128xf32, #tpu.memory_space<vmem>>
      %dma_start3A_839 = arith.constant 0 : i32
      %dma_start3A_840 = tpu.memref_slice %arg3[%dma_start3A_839, %multiple_of3A_816] : memref<64x1000000xf32, #tpu.memory_space<hbm>> -> memref<64x128xf32, #tpu.memory_space<hbm>>
      %dma_start3A_841 = tpu.memref_slice %arg12[%dma_start3A_834] : memref<4x!tpu.dma_semaphore, #tpu.memory_space<semaphore_mem>> -> memref<1x!tpu.dma_semaphore, #tpu.memory_space<semaphore_mem>>
      %dma_start3A_842 = tpu.memref_squeeze %dma_start3A_841 : memref<1x!tpu.dma_semaphore, #tpu.memory_space<semaphore_mem>> -> memref<!tpu.dma_semaphore, #tpu.memory_space<semaphore_mem>>
      %dma_start3A_843 = arith.constant 0 : i32
      %dma_start3A_844 = arith.constant 0 : i32
      %dma_start3A_845 = tpu.memref_slice %arg9[%dma_start3A_833, %dma_start3A_843, %dma_start3A_844] : memref<4x64x128xf32, #tpu.memory_space<vmem>> -> memref<1x64x128xf32, #tpu.memory_space<vmem>>
      %dma_start3A_846 = tpu.memref_squeeze %dma_start3A_845 : memref<1x64x128xf32, #tpu.memory_space<vmem>> -> memref<64x128xf32, #tpu.memory_space<vmem>>
      %dma_start3A_847 = arith.constant 0 : i32
      %dma_start3A_848 = tpu.memref_slice %arg3[%dma_start3A_847, %multiple_of3A_816] : memref<64x1000000xf32, #tpu.memory_space<hbm>> -> memref<64x128xf32, #tpu.memory_space<hbm>>
      tpu.enqueue_dma source(%dma_start3A_848 : memref<64x128xf32, #tpu.memory_space<hbm>>) target(%dma_start3A_846 : memref<64x128xf32, #tpu.memory_space<vmem>>) target_semaphore(%dma_start3A_842 : memref<!tpu.dma_semaphore, #tpu.memory_space<semaphore_mem>>)
      %dma_wait3A_849 = arith.constant 0 : i32
      %dma_wait3A_850 = arith.constant 0 : i32
      %dma_wait3A_851 = arith.constant 0 : i32
      %dma_wait3A_852 = arith.constant 0 : i32
      %dma_wait3A_853 = tpu.memref_slice %arg8[%dma_wait3A_849, %dma_wait3A_851, %dma_wait3A_852] : memref<4x64x128xf32, #tpu.memory_space<vmem>> -> memref<1x64x128xf32, #tpu.memory_space<vmem>>
      %dma_wait3A_854 = tpu.memref_squeeze %dma_wait3A_853 : memref<1x64x128xf32, #tpu.memory_space<vmem>> -> memref<64x128xf32, #tpu.memory_space<vmem>>
      %dma_wait3A_855 = arith.constant 0 : i32
      %dma_wait3A_856 = arith.constant 0 : i32
      %dma_wait3A_857 = tpu.memref_slice %arg2[%dma_wait3A_855, %dma_wait3A_856] : memref<64x1000000xf32, #tpu.memory_space<hbm>> -> memref<64x128xf32, #tpu.memory_space<hbm>>
      %dma_wait3A_858 = tpu.memref_slice %arg11[%dma_wait3A_850] : memref<4x!tpu.dma_semaphore, #tpu.memory_space<semaphore_mem>> -> memref<1x!tpu.dma_semaphore, #tpu.memory_space<semaphore_mem>>
      %dma_wait3A_859 = tpu.memref_squeeze %dma_wait3A_858 : memref<1x!tpu.dma_semaphore, #tpu.memory_space<semaphore_mem>> -> memref<!tpu.dma_semaphore, #tpu.memory_space<semaphore_mem>>
      %dma_wait3A_860 = arith.constant 0 : i32
      %dma_wait3A_861 = arith.constant 0 : i32
      %dma_wait3A_862 = tpu.memref_slice %arg8[%dma_wait3A_849, %dma_wait3A_860, %dma_wait3A_861] : memref<4x64x128xf32, #tpu.memory_space<vmem>> -> memref<1x64x128xf32, #tpu.memory_space<vmem>>
      %dma_wait3A_863 = tpu.memref_squeeze %dma_wait3A_862 : memref<1x64x128xf32, #tpu.memory_space<vmem>> -> memref<64x128xf32, #tpu.memory_space<vmem>>
      %dma_wait3A_864 = arith.constant 0 : i32
      %dma_wait3A_865 = arith.constant 0 : i32
      %dma_wait3A_866 = tpu.memref_slice %arg2[%dma_wait3A_864, %dma_wait3A_865] : memref<64x1000000xf32, #tpu.memory_space<hbm>> -> memref<64x128xf32, #tpu.memory_space<hbm>>
      tpu.wait_dma2 semaphore(%dma_wait3A_859 : memref<!tpu.dma_semaphore, #tpu.memory_space<semaphore_mem>>) src(%dma_wait3A_866 : memref<64x128xf32, #tpu.memory_space<hbm>>) dst(%dma_wait3A_863 : memref<64x128xf32, #tpu.memory_space<vmem>>)
      %dma_wait3A_867 = arith.constant 0 : i32
      %dma_wait3A_868 = arith.constant 0 : i32
      %dma_wait3A_869 = arith.constant 0 : i32
      %dma_wait3A_870 = arith.constant 0 : i32
      %dma_wait3A_871 = tpu.memref_slice %arg9[%dma_wait3A_867, %dma_wait3A_869, %dma_wait3A_870] : memref<4x64x128xf32, #tpu.memory_space<vmem>> -> memref<1x64x128xf32, #tpu.memory_space<vmem>>
      %dma_wait3A_872 = tpu.memref_squeeze %dma_wait3A_871 : memref<1x64x128xf32, #tpu.memory_space<vmem>> -> memref<64x128xf32, #tpu.memory_space<vmem>>
      %dma_wait3A_873 = arith.constant 0 : i32
      %dma_wait3A_874 = arith.constant 0 : i32
      %dma_wait3A_875 = tpu.memref_slice %arg3[%dma_wait3A_873, %dma_wait3A_874] : memref<64x1000000xf32, #tpu.memory_space<hbm>> -> memref<64x128xf32, #tpu.memory_space<hbm>>
      %dma_wait3A_876 = tpu.memref_slice %arg12[%dma_wait3A_868] : memref<4x!tpu.dma_semaphore, #tpu.memory_space<semaphore_mem>> -> memref<1x!tpu.dma_semaphore, #tpu.memory_space<semaphore_mem>>
      %dma_wait3A_877 = tpu.memref_squeeze %dma_wait3A_876 : memref<1x!tpu.dma_semaphore, #tpu.memory_space<semaphore_mem>> -> memref<!tpu.dma_semaphore, #tpu.memory_space<semaphore_mem>>
      %dma_wait3A_878 = arith.constant 0 : i32
      %dma_wait3A_879 = arith.constant 0 : i32
      %dma_wait3A_880 = tpu.memref_slice %arg9[%dma_wait3A_867, %dma_wait3A_878, %dma_wait3A_879] : memref<4x64x128xf32, #tpu.memory_space<vmem>> -> memref<1x64x128xf32, #tpu.memory_space<vmem>>
      %dma_wait3A_881 = tpu.memref_squeeze %dma_wait3A_880 : memref<1x64x128xf32, #tpu.memory_space<vmem>> -> memref<64x128xf32, #tpu.memory_space<vmem>>
      %dma_wait3A_882 = arith.constant 0 : i32
      %dma_wait3A_883 = arith.constant 0 : i32
      %dma_wait3A_884 = tpu.memref_slice %arg3[%dma_wait3A_882, %dma_wait3A_883] : memref<64x1000000xf32, #tpu.memory_space<hbm>> -> memref<64x128xf32, #tpu.memory_space<hbm>>
      tpu.wait_dma2 semaphore(%dma_wait3A_877 : memref<!tpu.dma_semaphore, #tpu.memory_space<semaphore_mem>>) src(%dma_wait3A_884 : memref<64x128xf32, #tpu.memory_space<hbm>>) dst(%dma_wait3A_881 : memref<64x128xf32, #tpu.memory_space<vmem>>)
      %slice3A_885 = vector.extract_strided_slice %get3A_149 {offsets = [4], sizes = [1], strides = [1]} : vector<16xi32> to vector<1xi32>
      %squeeze3A_886 = vector.extract %slice3A_885[0] : i32 from vector<1xi32>
      %slice3A_887 = vector.extract_strided_slice %get3A_153 {offsets = [4], sizes = [1], strides = [1]} : vector<16xi32> to vector<1xi32>
      %squeeze3A_888 = vector.extract %slice3A_887[0] : i32 from vector<1xi32>
      %mul3A_889 = arith.constant 16 : i32
      %mul3A_890 = arith.muli %scan3A_145, %mul3A_889 : i32
      %add3A_891 = arith.constant 4 : i32
      %add3A_892 = arith.addi %mul3A_890, %add3A_891 : i32
      %and3A_893 = arith.constant 127 : i32
      %and3A_894 = arith.andi %squeeze3A_886, %and3A_893 : i32
      %broadcast_in_dim3A_895 = vector.broadcast %and3A_894 : i32 to vector<16xi32>
      %and3A_896 = arith.constant 127 : i32
      %and3A_897 = arith.andi %squeeze3A_888, %and3A_896 : i32
      %broadcast_in_dim3A_898 = vector.broadcast %and3A_897 : i32 to vector<16xi32>
      %broadcast_in_dim3A_899 = vector.broadcast %add3A_892 : i32 to vector<16xi32>
      %add3A_900 = arith.constant 0 : i32
      %add3A_901 = vector.broadcast %add3A_900 : i32 to vector<16xi32>
      %add3A_902 = arith.addi %iota3A, %add3A_901 : vector<16xi32>
      %gather3A_903 = arith.constant 0 : i32
      %gather3A_904 = arith.constant 0 : i32
      %gather3A_905 = arith.constant 0 : i32
      %gather3A_906 = tpu.memref_slice %arg8[%gather3A_903, %gather3A_904, %gather3A_905] : memref<4x64x128xf32, #tpu.memory_space<vmem>> -> memref<1x64x128xf32, #tpu.memory_space<vmem>>
      %gather3A_907 = tpu.memref_squeeze %gather3A_906 : memref<1x64x128xf32, #tpu.memory_space<vmem>> -> memref<64x128xf32, #tpu.memory_space<vmem>>
      %gather3A_908 = tpu.vector_load_idx %gather3A_907[%add3A_902, %broadcast_in_dim3A_895] : memref<64x128xf32, #tpu.memory_space<vmem>>[vector<16xi32>, vector<16xi32>], vector<16xf32>,
      %gather3A_909 = arith.constant 0 : i32
      %gather3A_910 = arith.constant 0 : i32
      %gather3A_911 = arith.constant 0 : i32
      %gather3A_912 = tpu.memref_slice %arg9[%gather3A_909, %gather3A_910, %gather3A_911] : memref<4x64x128xf32, #tpu.memory_space<vmem>> -> memref<1x64x128xf32, #tpu.memory_space<vmem>>
      %gather3A_913 = tpu.memref_squeeze %gather3A_912 : memref<1x64x128xf32, #tpu.memory_space<vmem>> -> memref<64x128xf32, #tpu.memory_space<vmem>>
      %gather3A_914 = tpu.vector_load_idx %gather3A_913[%add3A_902, %broadcast_in_dim3A_898] : memref<64x128xf32, #tpu.memory_space<vmem>>[vector<16xi32>, vector<16xi32>], vector<16xf32>,
      %mul3A_915 = arith.mulf %gather3A_908, %gather3A_914 : vector<16xf32>
      tpu.vector_store_idx %arg10[%add3A_902, %broadcast_in_dim3A_899], %mul3A_915 : memref<64x512xf32, #tpu.memory_space<vmem>>[vector<16xi32>, vector<16xi32>], vector<16xf32>,
      %add3A_916 = arith.constant 16 : i32
      %add3A_917 = vector.broadcast %add3A_916 : i32 to vector<16xi32>
      %add3A_918 = arith.addi %iota3A, %add3A_917 : vector<16xi32>
      %gather3A_919 = arith.constant 0 : i32
      %gather3A_920 = arith.constant 0 : i32
      %gather3A_921 = arith.constant 0 : i32
      %gather3A_922 = tpu.memref_slice %arg8[%gather3A_919, %gather3A_920, %gather3A_921] : memref<4x64x128xf32, #tpu.memory_space<vmem>> -> memref<1x64x128xf32, #tpu.memory_space<vmem>>
      %gather3A_923 = tpu.memref_squeeze %gather3A_922 : memref<1x64x128xf32, #tpu.memory_space<vmem>> -> memref<64x128xf32, #tpu.memory_space<vmem>>
      %gather3A_924 = tpu.vector_load_idx %gather3A_923[%add3A_918, %broadcast_in_dim3A_895] : memref<64x128xf32, #tpu.memory_space<vmem>>[vector<16xi32>, vector<16xi32>], vector<16xf32>,
      %gather3A_925 = arith.constant 0 : i32
      %gather3A_926 = arith.constant 0 : i32
      %gather3A_927 = arith.constant 0 : i32
      %gather3A_928 = tpu.memref_slice %arg9[%gather3A_925, %gather3A_926, %gather3A_927] : memref<4x64x128xf32, #tpu.memory_space<vmem>> -> memref<1x64x128xf32, #tpu.memory_space<vmem>>
      %gather3A_929 = tpu.memref_squeeze %gather3A_928 : memref<1x64x128xf32, #tpu.memory_space<vmem>> -> memref<64x128xf32, #tpu.memory_space<vmem>>
      %gather3A_930 = tpu.vector_load_idx %gather3A_929[%add3A_918, %broadcast_in_dim3A_898] : memref<64x128xf32, #tpu.memory_space<vmem>>[vector<16xi32>, vector<16xi32>], vector<16xf32>,
      %mul3A_931 = arith.mulf %gather3A_924, %gather3A_930 : vector<16xf32>
      tpu.vector_store_idx %arg10[%add3A_918, %broadcast_in_dim3A_899], %mul3A_931 : memref<64x512xf32, #tpu.memory_space<vmem>>[vector<16xi32>, vector<16xi32>], vector<16xf32>,
      %add3A_932 = arith.constant 32 : i32
      %add3A_933 = vector.broadcast %add3A_932 : i32 to vector<16xi32>
      %add3A_934 = arith.addi %iota3A, %add3A_933 : vector<16xi32>
      %gather3A_935 = arith.constant 0 : i32
      %gather3A_936 = arith.constant 0 : i32
      %gather3A_937 = arith.constant 0 : i32
      %gather3A_938 = tpu.memref_slice %arg8[%gather3A_935, %gather3A_936, %gather3A_937] : memref<4x64x128xf32, #tpu.memory_space<vmem>> -> memref<1x64x128xf32, #tpu.memory_space<vmem>>
      %gather3A_939 = tpu.memref_squeeze %gather3A_938 : memref<1x64x128xf32, #tpu.memory_space<vmem>> -> memref<64x128xf32, #tpu.memory_space<vmem>>
      %gather3A_940 = tpu.vector_load_idx %gather3A_939[%add3A_934, %broadcast_in_dim3A_895] : memref<64x128xf32, #tpu.memory_space<vmem>>[vector<16xi32>, vector<16xi32>], vector<16xf32>,
      %gather3A_941 = arith.constant 0 : i32
      %gather3A_942 = arith.constant 0 : i32
      %gather3A_943 = arith.constant 0 : i32
      %gather3A_944 = tpu.memref_slice %arg9[%gather3A_941, %gather3A_942, %gather3A_943] : memref<4x64x128xf32, #tpu.memory_space<vmem>> -> memref<1x64x128xf32, #tpu.memory_space<vmem>>
      %gather3A_945 = tpu.memref_squeeze %gather3A_944 : memref<1x64x128xf32, #tpu.memory_space<vmem>> -> memref<64x128xf32, #tpu.memory_space<vmem>>
      %gather3A_946 = tpu.vector_load_idx %gather3A_945[%add3A_934, %broadcast_in_dim3A_898] : memref<64x128xf32, #tpu.memory_space<vmem>>[vector<16xi32>, vector<16xi32>], vector<16xf32>,
      %mul3A_947 = arith.mulf %gather3A_940, %gather3A_946 : vector<16xf32>
      tpu.vector_store_idx %arg10[%add3A_934, %broadcast_in_dim3A_899], %mul3A_947 : memref<64x512xf32, #tpu.memory_space<vmem>>[vector<16xi32>, vector<16xi32>], vector<16xf32>,
      %add3A_948 = arith.constant 48 : i32
      %add3A_949 = vector.broadcast %add3A_948 : i32 to vector<16xi32>
      %add3A_950 = arith.addi %iota3A, %add3A_949 : vector<16xi32>
      %gather3A_951 = arith.constant 0 : i32
      %gather3A_952 = arith.constant 0 : i32
      %gather3A_953 = arith.constant 0 : i32
      %gather3A_954 = tpu.memref_slice %arg8[%gather3A_951, %gather3A_952, %gather3A_953] : memref<4x64x128xf32, #tpu.memory_space<vmem>> -> memref<1x64x128xf32, #tpu.memory_space<vmem>>
      %gather3A_955 = tpu.memref_squeeze %gather3A_954 : memref<1x64x128xf32, #tpu.memory_space<vmem>> -> memref<64x128xf32, #tpu.memory_space<vmem>>
      %gather3A_956 = tpu.vector_load_idx %gather3A_955[%add3A_950, %broadcast_in_dim3A_895] : memref<64x128xf32, #tpu.memory_space<vmem>>[vector<16xi32>, vector<16xi32>], vector<16xf32>,
      %gather3A_957 = arith.constant 0 : i32
      %gather3A_958 = arith.constant 0 : i32
      %gather3A_959 = arith.constant 0 : i32
      %gather3A_960 = tpu.memref_slice %arg9[%gather3A_957, %gather3A_958, %gather3A_959] : memref<4x64x128xf32, #tpu.memory_space<vmem>> -> memref<1x64x128xf32, #tpu.memory_space<vmem>>
      %gather3A_961 = tpu.memref_squeeze %gather3A_960 : memref<1x64x128xf32, #tpu.memory_space<vmem>> -> memref<64x128xf32, #tpu.memory_space<vmem>>
      %gather3A_962 = tpu.vector_load_idx %gather3A_961[%add3A_950, %broadcast_in_dim3A_898] : memref<64x128xf32, #tpu.memory_space<vmem>>[vector<16xi32>, vector<16xi32>], vector<16xf32>,
      %mul3A_963 = arith.mulf %gather3A_956, %gather3A_962 : vector<16xf32>
      tpu.vector_store_idx %arg10[%add3A_950, %broadcast_in_dim3A_899], %mul3A_963 : memref<64x512xf32, #tpu.memory_space<vmem>>[vector<16xi32>, vector<16xi32>], vector<16xf32>,
      %slice3A_964 = vector.extract_strided_slice %get3A_149 {offsets = [8], sizes = [1], strides = [1]} : vector<16xi32> to vector<1xi32>
      %squeeze3A_965 = vector.extract %slice3A_964[0] : i32 from vector<1xi32>
      %slice3A_966 = vector.extract_strided_slice %get3A_153 {offsets = [8], sizes = [1], strides = [1]} : vector<16xi32> to vector<1xi32>
      %squeeze3A_967 = vector.extract %slice3A_966[0] : i32 from vector<1xi32>
      %shift_right_arithmetic3A_968 = arith.constant 7 : i32
      %shift_right_arithmetic3A_969 = arith.shrsi %squeeze3A_965, %shift_right_arithmetic3A_968 : i32
      %mul3A_970 = arith.constant 128 : i32
      %mul3A_971 = arith.muli %shift_right_arithmetic3A_969, %mul3A_970 : i32
      %multiple_of3A_972 = tpu.assume_multiple %mul3A_971, 128 : i32
      %shift_right_arithmetic3A_973 = arith.constant 7 : i32
      %shift_right_arithmetic3A_974 = arith.shrsi %squeeze3A_967, %shift_right_arithmetic3A_973 : i32
      %mul3A_975 = arith.constant 128 : i32
      %mul3A_976 = arith.muli %shift_right_arithmetic3A_974, %mul3A_975 : i32
      %multiple_of3A_977 = tpu.assume_multiple %mul3A_976, 128 : i32
      %dma_start3A_978 = arith.constant 0 : i32
      %dma_start3A_979 = arith.constant 0 : i32
      %dma_start3A_980 = arith.constant 0 : i32
      %dma_start3A_981 = arith.constant 0 : i32
      %dma_start3A_982 = tpu.memref_slice %arg8[%dma_start3A_978, %dma_start3A_980, %dma_start3A_981] : memref<4x64x128xf32, #tpu.memory_space<vmem>> -> memref<1x64x128xf32, #tpu.memory_space<vmem>>
      %dma_start3A_983 = tpu.memref_squeeze %dma_start3A_982 : memref<1x64x128xf32, #tpu.memory_space<vmem>> -> memref<64x128xf32, #tpu.memory_space<vmem>>
      %dma_start3A_984 = arith.constant 0 : i32
      %dma_start3A_985 = tpu.memref_slice %arg2[%dma_start3A_984, %multiple_of3A_972] : memref<64x1000000xf32, #tpu.memory_space<hbm>> -> memref<64x128xf32, #tpu.memory_space<hbm>>
      %dma_start3A_986 = tpu.memref_slice %arg11[%dma_start3A_979] : memref<4x!tpu.dma_semaphore, #tpu.memory_space<semaphore_mem>> -> memref<1x!tpu.dma_semaphore, #tpu.memory_space<semaphore_mem>>
      %dma_start3A_987 = tpu.memref_squeeze %dma_start3A_986 : memref<1x!tpu.dma_semaphore, #tpu.memory_space<semaphore_mem>> -> memref<!tpu.dma_semaphore, #tpu.memory_space<semaphore_mem>>
      %dma_start3A_988 = arith.constant 0 : i32
      %dma_start3A_989 = arith.constant 0 : i32
      %dma_start3A_990 = tpu.memref_slice %arg8[%dma_start3A_978, %dma_start3A_988, %dma_start3A_989] : memref<4x64x128xf32, #tpu.memory_space<vmem>> -> memref<1x64x128xf32, #tpu.memory_space<vmem>>
      %dma_start3A_991 = tpu.memref_squeeze %dma_start3A_990 : memref<1x64x128xf32, #tpu.memory_space<vmem>> -> memref<64x128xf32, #tpu.memory_space<vmem>>
      %dma_start3A_992 = arith.constant 0 : i32
      %dma_start3A_993 = tpu.memref_slice %arg2[%dma_start3A_992, %multiple_of3A_972] : memref<64x1000000xf32, #tpu.memory_space<hbm>> -> memref<64x128xf32, #tpu.memory_space<hbm>>
      tpu.enqueue_dma source(%dma_start3A_993 : memref<64x128xf32, #tpu.memory_space<hbm>>) target(%dma_start3A_991 : memref<64x128xf32, #tpu.memory_space<vmem>>) target_semaphore(%dma_start3A_987 : memref<!tpu.dma_semaphore, #tpu.memory_space<semaphore_mem>>)
      %dma_start3A_994 = arith.constant 0 : i32
      %dma_start3A_995 = arith.constant 0 : i32
      %dma_start3A_996 = arith.constant 0 : i32
      %dma_start3A_997 = arith.constant 0 : i32
      %dma_start3A_998 = tpu.memref_slice %arg9[%dma_start3A_994, %dma_start3A_996, %dma_start3A_997] : memref<4x64x128xf32, #tpu.memory_space<vmem>> -> memref<1x64x128xf32, #tpu.memory_space<vmem>>
      %dma_start3A_999 = tpu.memref_squeeze %dma_start3A_998 : memref<1x64x128xf32, #tpu.memory_space<vmem>> -> memref<64x128xf32, #tpu.memory_space<vmem>>
      %dma_start3A_1000 = arith.constant 0 : i32
      %dma_start3A_1001 = tpu.memref_slice %arg3[%dma_start3A_1000, %multiple_of3A_977] : memref<64x1000000xf32, #tpu.memory_space<hbm>> -> memref<64x128xf32, #tpu.memory_space<hbm>>
      %dma_start3A_1002 = tpu.memref_slice %arg12[%dma_start3A_995] : memref<4x!tpu.dma_semaphore, #tpu.memory_space<semaphore_mem>> -> memref<1x!tpu.dma_semaphore, #tpu.memory_space<semaphore_mem>>
      %dma_start3A_1003 = tpu.memref_squeeze %dma_start3A_1002 : memref<1x!tpu.dma_semaphore, #tpu.memory_space<semaphore_mem>> -> memref<!tpu.dma_semaphore, #tpu.memory_space<semaphore_mem>>
      %dma_start3A_1004 = arith.constant 0 : i32
      %dma_start3A_1005 = arith.constant 0 : i32
      %dma_start3A_1006 = tpu.memref_slice %arg9[%dma_start3A_994, %dma_start3A_1004, %dma_start3A_1005] : memref<4x64x128xf32, #tpu.memory_space<vmem>> -> memref<1x64x128xf32, #tpu.memory_space<vmem>>
      %dma_start3A_1007 = tpu.memref_squeeze %dma_start3A_1006 : memref<1x64x128xf32, #tpu.memory_space<vmem>> -> memref<64x128xf32, #tpu.memory_space<vmem>>
      %dma_start3A_1008 = arith.constant 0 : i32
      %dma_start3A_1009 = tpu.memref_slice %arg3[%dma_start3A_1008, %multiple_of3A_977] : memref<64x1000000xf32, #tpu.memory_space<hbm>> -> memref<64x128xf32, #tpu.memory_space<hbm>>
      tpu.enqueue_dma source(%dma_start3A_1009 : memref<64x128xf32, #tpu.memory_space<hbm>>) target(%dma_start3A_1007 : memref<64x128xf32, #tpu.memory_space<vmem>>) target_semaphore(%dma_start3A_1003 : memref<!tpu.dma_semaphore, #tpu.memory_space<semaphore_mem>>)
      %dma_wait3A_1010 = arith.constant 1 : i32
      %dma_wait3A_1011 = arith.constant 1 : i32
      %dma_wait3A_1012 = arith.constant 0 : i32
      %dma_wait3A_1013 = arith.constant 0 : i32
      %dma_wait3A_1014 = tpu.memref_slice %arg8[%dma_wait3A_1010, %dma_wait3A_1012, %dma_wait3A_1013] : memref<4x64x128xf32, #tpu.memory_space<vmem>> -> memref<1x64x128xf32, #tpu.memory_space<vmem>>
      %dma_wait3A_1015 = tpu.memref_squeeze %dma_wait3A_1014 : memref<1x64x128xf32, #tpu.memory_space<vmem>> -> memref<64x128xf32, #tpu.memory_space<vmem>>
      %dma_wait3A_1016 = arith.constant 0 : i32
      %dma_wait3A_1017 = arith.constant 0 : i32
      %dma_wait3A_1018 = tpu.memref_slice %arg2[%dma_wait3A_1016, %dma_wait3A_1017] : memref<64x1000000xf32, #tpu.memory_space<hbm>> -> memref<64x128xf32, #tpu.memory_space<hbm>>
      %dma_wait3A_1019 = tpu.memref_slice %arg11[%dma_wait3A_1011] : memref<4x!tpu.dma_semaphore, #tpu.memory_space<semaphore_mem>> -> memref<1x!tpu.dma_semaphore, #tpu.memory_space<semaphore_mem>>
      %dma_wait3A_1020 = tpu.memref_squeeze %dma_wait3A_1019 : memref<1x!tpu.dma_semaphore, #tpu.memory_space<semaphore_mem>> -> memref<!tpu.dma_semaphore, #tpu.memory_space<semaphore_mem>>
      %dma_wait3A_1021 = arith.constant 0 : i32
      %dma_wait3A_1022 = arith.constant 0 : i32
      %dma_wait3A_1023 = tpu.memref_slice %arg8[%dma_wait3A_1010, %dma_wait3A_1021, %dma_wait3A_1022] : memref<4x64x128xf32, #tpu.memory_space<vmem>> -> memref<1x64x128xf32, #tpu.memory_space<vmem>>
      %dma_wait3A_1024 = tpu.memref_squeeze %dma_wait3A_1023 : memref<1x64x128xf32, #tpu.memory_space<vmem>> -> memref<64x128xf32, #tpu.memory_space<vmem>>
      %dma_wait3A_1025 = arith.constant 0 : i32
      %dma_wait3A_1026 = arith.constant 0 : i32
      %dma_wait3A_1027 = tpu.memref_slice %arg2[%dma_wait3A_1025, %dma_wait3A_1026] : memref<64x1000000xf32, #tpu.memory_space<hbm>> -> memref<64x128xf32, #tpu.memory_space<hbm>>
      tpu.wait_dma2 semaphore(%dma_wait3A_1020 : memref<!tpu.dma_semaphore, #tpu.memory_space<semaphore_mem>>) src(%dma_wait3A_1027 : memref<64x128xf32, #tpu.memory_space<hbm>>) dst(%dma_wait3A_1024 : memref<64x128xf32, #tpu.memory_space<vmem>>)
      %dma_wait3A_1028 = arith.constant 1 : i32
      %dma_wait3A_1029 = arith.constant 1 : i32
      %dma_wait3A_1030 = arith.constant 0 : i32
      %dma_wait3A_1031 = arith.constant 0 : i32
      %dma_wait3A_1032 = tpu.memref_slice %arg9[%dma_wait3A_1028, %dma_wait3A_1030, %dma_wait3A_1031] : memref<4x64x128xf32, #tpu.memory_space<vmem>> -> memref<1x64x128xf32, #tpu.memory_space<vmem>>
      %dma_wait3A_1033 = tpu.memref_squeeze %dma_wait3A_1032 : memref<1x64x128xf32, #tpu.memory_space<vmem>> -> memref<64x128xf32, #tpu.memory_space<vmem>>
      %dma_wait3A_1034 = arith.constant 0 : i32
      %dma_wait3A_1035 = arith.constant 0 : i32
      %dma_wait3A_1036 = tpu.memref_slice %arg3[%dma_wait3A_1034, %dma_wait3A_1035] : memref<64x1000000xf32, #tpu.memory_space<hbm>> -> memref<64x128xf32, #tpu.memory_space<hbm>>
      %dma_wait3A_1037 = tpu.memref_slice %arg12[%dma_wait3A_1029] : memref<4x!tpu.dma_semaphore, #tpu.memory_space<semaphore_mem>> -> memref<1x!tpu.dma_semaphore, #tpu.memory_space<semaphore_mem>>
      %dma_wait3A_1038 = tpu.memref_squeeze %dma_wait3A_1037 : memref<1x!tpu.dma_semaphore, #tpu.memory_space<semaphore_mem>> -> memref<!tpu.dma_semaphore, #tpu.memory_space<semaphore_mem>>
      %dma_wait3A_1039 = arith.constant 0 : i32
      %dma_wait3A_1040 = arith.constant 0 : i32
      %dma_wait3A_1041 = tpu.memref_slice %arg9[%dma_wait3A_1028, %dma_wait3A_1039, %dma_wait3A_1040] : memref<4x64x128xf32, #tpu.memory_space<vmem>> -> memref<1x64x128xf32, #tpu.memory_space<vmem>>
      %dma_wait3A_1042 = tpu.memref_squeeze %dma_wait3A_1041 : memref<1x64x128xf32, #tpu.memory_space<vmem>> -> memref<64x128xf32, #tpu.memory_space<vmem>>
      %dma_wait3A_1043 = arith.constant 0 : i32
      %dma_wait3A_1044 = arith.constant 0 : i32
      %dma_wait3A_1045 = tpu.memref_slice %arg3[%dma_wait3A_1043, %dma_wait3A_1044] : memref<64x1000000xf32, #tpu.memory_space<hbm>> -> memref<64x128xf32, #tpu.memory_space<hbm>>
      tpu.wait_dma2 semaphore(%dma_wait3A_1038 : memref<!tpu.dma_semaphore, #tpu.memory_space<semaphore_mem>>) src(%dma_wait3A_1045 : memref<64x128xf32, #tpu.memory_space<hbm>>) dst(%dma_wait3A_1042 : memref<64x128xf32, #tpu.memory_space<vmem>>)
      %slice3A_1046 = vector.extract_strided_slice %get3A_149 {offsets = [5], sizes = [1], strides = [1]} : vector<16xi32> to vector<1xi32>
      %squeeze3A_1047 = vector.extract %slice3A_1046[0] : i32 from vector<1xi32>
      %slice3A_1048 = vector.extract_strided_slice %get3A_153 {offsets = [5], sizes = [1], strides = [1]} : vector<16xi32> to vector<1xi32>
      %squeeze3A_1049 = vector.extract %slice3A_1048[0] : i32 from vector<1xi32>
      %mul3A_1050 = arith.constant 16 : i32
      %mul3A_1051 = arith.muli %scan3A_145, %mul3A_1050 : i32
      %add3A_1052 = arith.constant 5 : i32
      %add3A_1053 = arith.addi %mul3A_1051, %add3A_1052 : i32
      %and3A_1054 = arith.constant 127 : i32
      %and3A_1055 = arith.andi %squeeze3A_1047, %and3A_1054 : i32
      %broadcast_in_dim3A_1056 = vector.broadcast %and3A_1055 : i32 to vector<16xi32>
      %and3A_1057 = arith.constant 127 : i32
      %and3A_1058 = arith.andi %squeeze3A_1049, %and3A_1057 : i32
      %broadcast_in_dim3A_1059 = vector.broadcast %and3A_1058 : i32 to vector<16xi32>
      %broadcast_in_dim3A_1060 = vector.broadcast %add3A_1053 : i32 to vector<16xi32>
      %add3A_1061 = arith.constant 0 : i32
      %add3A_1062 = vector.broadcast %add3A_1061 : i32 to vector<16xi32>
      %add3A_1063 = arith.addi %iota3A, %add3A_1062 : vector<16xi32>
      %gather3A_1064 = arith.constant 1 : i32
      %gather3A_1065 = arith.constant 0 : i32
      %gather3A_1066 = arith.constant 0 : i32
      %gather3A_1067 = tpu.memref_slice %arg8[%gather3A_1064, %gather3A_1065, %gather3A_1066] : memref<4x64x128xf32, #tpu.memory_space<vmem>> -> memref<1x64x128xf32, #tpu.memory_space<vmem>>
      %gather3A_1068 = tpu.memref_squeeze %gather3A_1067 : memref<1x64x128xf32, #tpu.memory_space<vmem>> -> memref<64x128xf32, #tpu.memory_space<vmem>>
      %gather3A_1069 = tpu.vector_load_idx %gather3A_1068[%add3A_1063, %broadcast_in_dim3A_1056] : memref<64x128xf32, #tpu.memory_space<vmem>>[vector<16xi32>, vector<16xi32>], vector<16xf32>,
      %gather3A_1070 = arith.constant 1 : i32
      %gather3A_1071 = arith.constant 0 : i32
      %gather3A_1072 = arith.constant 0 : i32
      %gather3A_1073 = tpu.memref_slice %arg9[%gather3A_1070, %gather3A_1071, %gather3A_1072] : memref<4x64x128xf32, #tpu.memory_space<vmem>> -> memref<1x64x128xf32, #tpu.memory_space<vmem>>
      %gather3A_1074 = tpu.memref_squeeze %gather3A_1073 : memref<1x64x128xf32, #tpu.memory_space<vmem>> -> memref<64x128xf32, #tpu.memory_space<vmem>>
      %gather3A_1075 = tpu.vector_load_idx %gather3A_1074[%add3A_1063, %broadcast_in_dim3A_1059] : memref<64x128xf32, #tpu.memory_space<vmem>>[vector<16xi32>, vector<16xi32>], vector<16xf32>,
      %mul3A_1076 = arith.mulf %gather3A_1069, %gather3A_1075 : vector<16xf32>
      tpu.vector_store_idx %arg10[%add3A_1063, %broadcast_in_dim3A_1060], %mul3A_1076 : memref<64x512xf32, #tpu.memory_space<vmem>>[vector<16xi32>, vector<16xi32>], vector<16xf32>,
      %add3A_1077 = arith.constant 16 : i32
      %add3A_1078 = vector.broadcast %add3A_1077 : i32 to vector<16xi32>
      %add3A_1079 = arith.addi %iota3A, %add3A_1078 : vector<16xi32>
      %gather3A_1080 = arith.constant 1 : i32
      %gather3A_1081 = arith.constant 0 : i32
      %gather3A_1082 = arith.constant 0 : i32
      %gather3A_1083 = tpu.memref_slice %arg8[%gather3A_1080, %gather3A_1081, %gather3A_1082] : memref<4x64x128xf32, #tpu.memory_space<vmem>> -> memref<1x64x128xf32, #tpu.memory_space<vmem>>
      %gather3A_1084 = tpu.memref_squeeze %gather3A_1083 : memref<1x64x128xf32, #tpu.memory_space<vmem>> -> memref<64x128xf32, #tpu.memory_space<vmem>>
      %gather3A_1085 = tpu.vector_load_idx %gather3A_1084[%add3A_1079, %broadcast_in_dim3A_1056] : memref<64x128xf32, #tpu.memory_space<vmem>>[vector<16xi32>, vector<16xi32>], vector<16xf32>,
      %gather3A_1086 = arith.constant 1 : i32
      %gather3A_1087 = arith.constant 0 : i32
      %gather3A_1088 = arith.constant 0 : i32
      %gather3A_1089 = tpu.memref_slice %arg9[%gather3A_1086, %gather3A_1087, %gather3A_1088] : memref<4x64x128xf32, #tpu.memory_space<vmem>> -> memref<1x64x128xf32, #tpu.memory_space<vmem>>
      %gather3A_1090 = tpu.memref_squeeze %gather3A_1089 : memref<1x64x128xf32, #tpu.memory_space<vmem>> -> memref<64x128xf32, #tpu.memory_space<vmem>>
      %gather3A_1091 = tpu.vector_load_idx %gather3A_1090[%add3A_1079, %broadcast_in_dim3A_1059] : memref<64x128xf32, #tpu.memory_space<vmem>>[vector<16xi32>, vector<16xi32>], vector<16xf32>,
      %mul3A_1092 = arith.mulf %gather3A_1085, %gather3A_1091 : vector<16xf32>
      tpu.vector_store_idx %arg10[%add3A_1079, %broadcast_in_dim3A_1060], %mul3A_1092 : memref<64x512xf32, #tpu.memory_space<vmem>>[vector<16xi32>, vector<16xi32>], vector<16xf32>,
      %add3A_1093 = arith.constant 32 : i32
      %add3A_1094 = vector.broadcast %add3A_1093 : i32 to vector<16xi32>
      %add3A_1095 = arith.addi %iota3A, %add3A_1094 : vector<16xi32>
      %gather3A_1096 = arith.constant 1 : i32
      %gather3A_1097 = arith.constant 0 : i32
      %gather3A_1098 = arith.constant 0 : i32
      %gather3A_1099 = tpu.memref_slice %arg8[%gather3A_1096, %gather3A_1097, %gather3A_1098] : memref<4x64x128xf32, #tpu.memory_space<vmem>> -> memref<1x64x128xf32, #tpu.memory_space<vmem>>
      %gather3A_1100 = tpu.memref_squeeze %gather3A_1099 : memref<1x64x128xf32, #tpu.memory_space<vmem>> -> memref<64x128xf32, #tpu.memory_space<vmem>>
      %gather3A_1101 = tpu.vector_load_idx %gather3A_1100[%add3A_1095, %broadcast_in_dim3A_1056] : memref<64x128xf32, #tpu.memory_space<vmem>>[vector<16xi32>, vector<16xi32>], vector<16xf32>,
      %gather3A_1102 = arith.constant 1 : i32
      %gather3A_1103 = arith.constant 0 : i32
      %gather3A_1104 = arith.constant 0 : i32
      %gather3A_1105 = tpu.memref_slice %arg9[%gather3A_1102, %gather3A_1103, %gather3A_1104] : memref<4x64x128xf32, #tpu.memory_space<vmem>> -> memref<1x64x128xf32, #tpu.memory_space<vmem>>
      %gather3A_1106 = tpu.memref_squeeze %gather3A_1105 : memref<1x64x128xf32, #tpu.memory_space<vmem>> -> memref<64x128xf32, #tpu.memory_space<vmem>>
      %gather3A_1107 = tpu.vector_load_idx %gather3A_1106[%add3A_1095, %broadcast_in_dim3A_1059] : memref<64x128xf32, #tpu.memory_space<vmem>>[vector<16xi32>, vector<16xi32>], vector<16xf32>,
      %mul3A_1108 = arith.mulf %gather3A_1101, %gather3A_1107 : vector<16xf32>
      tpu.vector_store_idx %arg10[%add3A_1095, %broadcast_in_dim3A_1060], %mul3A_1108 : memref<64x512xf32, #tpu.memory_space<vmem>>[vector<16xi32>, vector<16xi32>], vector<16xf32>,
      %add3A_1109 = arith.constant 48 : i32
      %add3A_1110 = vector.broadcast %add3A_1109 : i32 to vector<16xi32>
      %add3A_1111 = arith.addi %iota3A, %add3A_1110 : vector<16xi32>
      %gather3A_1112 = arith.constant 1 : i32
      %gather3A_1113 = arith.constant 0 : i32
      %gather3A_1114 = arith.constant 0 : i32
      %gather3A_1115 = tpu.memref_slice %arg8[%gather3A_1112, %gather3A_1113, %gather3A_1114] : memref<4x64x128xf32, #tpu.memory_space<vmem>> -> memref<1x64x128xf32, #tpu.memory_space<vmem>>
      %gather3A_1116 = tpu.memref_squeeze %gather3A_1115 : memref<1x64x128xf32, #tpu.memory_space<vmem>> -> memref<64x128xf32, #tpu.memory_space<vmem>>
      %gather3A_1117 = tpu.vector_load_idx %gather3A_1116[%add3A_1111, %broadcast_in_dim3A_1056] : memref<64x128xf32, #tpu.memory_space<vmem>>[vector<16xi32>, vector<16xi32>], vector<16xf32>,
      %gather3A_1118 = arith.constant 1 : i32
      %gather3A_1119 = arith.constant 0 : i32
      %gather3A_1120 = arith.constant 0 : i32
      %gather3A_1121 = tpu.memref_slice %arg9[%gather3A_1118, %gather3A_1119, %gather3A_1120] : memref<4x64x128xf32, #tpu.memory_space<vmem>> -> memref<1x64x128xf32, #tpu.memory_space<vmem>>
      %gather3A_1122 = tpu.memref_squeeze %gather3A_1121 : memref<1x64x128xf32, #tpu.memory_space<vmem>> -> memref<64x128xf32, #tpu.memory_space<vmem>>
      %gather3A_1123 = tpu.vector_load_idx %gather3A_1122[%add3A_1111, %broadcast_in_dim3A_1059] : memref<64x128xf32, #tpu.memory_space<vmem>>[vector<16xi32>, vector<16xi32>], vector<16xf32>,
      %mul3A_1124 = arith.mulf %gather3A_1117, %gather3A_1123 : vector<16xf32>
      tpu.vector_store_idx %arg10[%add3A_1111, %broadcast_in_dim3A_1060], %mul3A_1124 : memref<64x512xf32, #tpu.memory_space<vmem>>[vector<16xi32>, vector<16xi32>], vector<16xf32>,
      %slice3A_1125 = vector.extract_strided_slice %get3A_149 {offsets = [9], sizes = [1], strides = [1]} : vector<16xi32> to vector<1xi32>
      %squeeze3A_1126 = vector.extract %slice3A_1125[0] : i32 from vector<1xi32>
      %slice3A_1127 = vector.extract_strided_slice %get3A_153 {offsets = [9], sizes = [1], strides = [1]} : vector<16xi32> to vector<1xi32>
      %squeeze3A_1128 = vector.extract %slice3A_1127[0] : i32 from vector<1xi32>
      %shift_right_arithmetic3A_1129 = arith.constant 7 : i32
      %shift_right_arithmetic3A_1130 = arith.shrsi %squeeze3A_1126, %shift_right_arithmetic3A_1129 : i32
      %mul3A_1131 = arith.constant 128 : i32
      %mul3A_1132 = arith.muli %shift_right_arithmetic3A_1130, %mul3A_1131 : i32
      %multiple_of3A_1133 = tpu.assume_multiple %mul3A_1132, 128 : i32
      %shift_right_arithmetic3A_1134 = arith.constant 7 : i32
      %shift_right_arithmetic3A_1135 = arith.shrsi %squeeze3A_1128, %shift_right_arithmetic3A_1134 : i32
      %mul3A_1136 = arith.constant 128 : i32
      %mul3A_1137 = arith.muli %shift_right_arithmetic3A_1135, %mul3A_1136 : i32
      %multiple_of3A_1138 = tpu.assume_multiple %mul3A_1137, 128 : i32
      %dma_start3A_1139 = arith.constant 1 : i32
      %dma_start3A_1140 = arith.constant 1 : i32
      %dma_start3A_1141 = arith.constant 0 : i32
      %dma_start3A_1142 = arith.constant 0 : i32
      %dma_start3A_1143 = tpu.memref_slice %arg8[%dma_start3A_1139, %dma_start3A_1141, %dma_start3A_1142] : memref<4x64x128xf32, #tpu.memory_space<vmem>> -> memref<1x64x128xf32, #tpu.memory_space<vmem>>
      %dma_start3A_1144 = tpu.memref_squeeze %dma_start3A_1143 : memref<1x64x128xf32, #tpu.memory_space<vmem>> -> memref<64x128xf32, #tpu.memory_space<vmem>>
      %dma_start3A_1145 = arith.constant 0 : i32
      %dma_start3A_1146 = tpu.memref_slice %arg2[%dma_start3A_1145, %multiple_of3A_1133] : memref<64x1000000xf32, #tpu.memory_space<hbm>> -> memref<64x128xf32, #tpu.memory_space<hbm>>
      %dma_start3A_1147 = tpu.memref_slice %arg11[%dma_start3A_1140] : memref<4x!tpu.dma_semaphore, #tpu.memory_space<semaphore_mem>> -> memref<1x!tpu.dma_semaphore, #tpu.memory_space<semaphore_mem>>
      %dma_start3A_1148 = tpu.memref_squeeze %dma_start3A_1147 : memref<1x!tpu.dma_semaphore, #tpu.memory_space<semaphore_mem>> -> memref<!tpu.dma_semaphore, #tpu.memory_space<semaphore_mem>>
      %dma_start3A_1149 = arith.constant 0 : i32
      %dma_start3A_1150 = arith.constant 0 : i32
      %dma_start3A_1151 = tpu.memref_slice %arg8[%dma_start3A_1139, %dma_start3A_1149, %dma_start3A_1150] : memref<4x64x128xf32, #tpu.memory_space<vmem>> -> memref<1x64x128xf32, #tpu.memory_space<vmem>>
      %dma_start3A_1152 = tpu.memref_squeeze %dma_start3A_1151 : memref<1x64x128xf32, #tpu.memory_space<vmem>> -> memref<64x128xf32, #tpu.memory_space<vmem>>
      %dma_start3A_1153 = arith.constant 0 : i32
      %dma_start3A_1154 = tpu.memref_slice %arg2[%dma_start3A_1153, %multiple_of3A_1133] : memref<64x1000000xf32, #tpu.memory_space<hbm>> -> memref<64x128xf32, #tpu.memory_space<hbm>>
      tpu.enqueue_dma source(%dma_start3A_1154 : memref<64x128xf32, #tpu.memory_space<hbm>>) target(%dma_start3A_1152 : memref<64x128xf32, #tpu.memory_space<vmem>>) target_semaphore(%dma_start3A_1148 : memref<!tpu.dma_semaphore, #tpu.memory_space<semaphore_mem>>)
      %dma_start3A_1155 = arith.constant 1 : i32
      %dma_start3A_1156 = arith.constant 1 : i32
      %dma_start3A_1157 = arith.constant 0 : i32
      %dma_start3A_1158 = arith.constant 0 : i32
      %dma_start3A_1159 = tpu.memref_slice %arg9[%dma_start3A_1155, %dma_start3A_1157, %dma_start3A_1158] : memref<4x64x128xf32, #tpu.memory_space<vmem>> -> memref<1x64x128xf32, #tpu.memory_space<vmem>>
      %dma_start3A_1160 = tpu.memref_squeeze %dma_start3A_1159 : memref<1x64x128xf32, #tpu.memory_space<vmem>> -> memref<64x128xf32, #tpu.memory_space<vmem>>
      %dma_start3A_1161 = arith.constant 0 : i32
      %dma_start3A_1162 = tpu.memref_slice %arg3[%dma_start3A_1161, %multiple_of3A_1138] : memref<64x1000000xf32, #tpu.memory_space<hbm>> -> memref<64x128xf32, #tpu.memory_space<hbm>>
      %dma_start3A_1163 = tpu.memref_slice %arg12[%dma_start3A_1156] : memref<4x!tpu.dma_semaphore, #tpu.memory_space<semaphore_mem>> -> memref<1x!tpu.dma_semaphore, #tpu.memory_space<semaphore_mem>>
      %dma_start3A_1164 = tpu.memref_squeeze %dma_start3A_1163 : memref<1x!tpu.dma_semaphore, #tpu.memory_space<semaphore_mem>> -> memref<!tpu.dma_semaphore, #tpu.memory_space<semaphore_mem>>
      %dma_start3A_1165 = arith.constant 0 : i32
      %dma_start3A_1166 = arith.constant 0 : i32
      %dma_start3A_1167 = tpu.memref_slice %arg9[%dma_start3A_1155, %dma_start3A_1165, %dma_start3A_1166] : memref<4x64x128xf32, #tpu.memory_space<vmem>> -> memref<1x64x128xf32, #tpu.memory_space<vmem>>
      %dma_start3A_1168 = tpu.memref_squeeze %dma_start3A_1167 : memref<1x64x128xf32, #tpu.memory_space<vmem>> -> memref<64x128xf32, #tpu.memory_space<vmem>>
      %dma_start3A_1169 = arith.constant 0 : i32
      %dma_start3A_1170 = tpu.memref_slice %arg3[%dma_start3A_1169, %multiple_of3A_1138] : memref<64x1000000xf32, #tpu.memory_space<hbm>> -> memref<64x128xf32, #tpu.memory_space<hbm>>
      tpu.enqueue_dma source(%dma_start3A_1170 : memref<64x128xf32, #tpu.memory_space<hbm>>) target(%dma_start3A_1168 : memref<64x128xf32, #tpu.memory_space<vmem>>) target_semaphore(%dma_start3A_1164 : memref<!tpu.dma_semaphore, #tpu.memory_space<semaphore_mem>>)
      %dma_wait3A_1171 = arith.constant 2 : i32
      %dma_wait3A_1172 = arith.constant 2 : i32
      %dma_wait3A_1173 = arith.constant 0 : i32
      %dma_wait3A_1174 = arith.constant 0 : i32
      %dma_wait3A_1175 = tpu.memref_slice %arg8[%dma_wait3A_1171, %dma_wait3A_1173, %dma_wait3A_1174] : memref<4x64x128xf32, #tpu.memory_space<vmem>> -> memref<1x64x128xf32, #tpu.memory_space<vmem>>
      %dma_wait3A_1176 = tpu.memref_squeeze %dma_wait3A_1175 : memref<1x64x128xf32, #tpu.memory_space<vmem>> -> memref<64x128xf32, #tpu.memory_space<vmem>>
      %dma_wait3A_1177 = arith.constant 0 : i32
      %dma_wait3A_1178 = arith.constant 0 : i32
      %dma_wait3A_1179 = tpu.memref_slice %arg2[%dma_wait3A_1177, %dma_wait3A_1178] : memref<64x1000000xf32, #tpu.memory_space<hbm>> -> memref<64x128xf32, #tpu.memory_space<hbm>>
      %dma_wait3A_1180 = tpu.memref_slice %arg11[%dma_wait3A_1172] : memref<4x!tpu.dma_semaphore, #tpu.memory_space<semaphore_mem>> -> memref<1x!tpu.dma_semaphore, #tpu.memory_space<semaphore_mem>>
      %dma_wait3A_1181 = tpu.memref_squeeze %dma_wait3A_1180 : memref<1x!tpu.dma_semaphore, #tpu.memory_space<semaphore_mem>> -> memref<!tpu.dma_semaphore, #tpu.memory_space<semaphore_mem>>
      %dma_wait3A_1182 = arith.constant 0 : i32
      %dma_wait3A_1183 = arith.constant 0 : i32
      %dma_wait3A_1184 = tpu.memref_slice %arg8[%dma_wait3A_1171, %dma_wait3A_1182, %dma_wait3A_1183] : memref<4x64x128xf32, #tpu.memory_space<vmem>> -> memref<1x64x128xf32, #tpu.memory_space<vmem>>
      %dma_wait3A_1185 = tpu.memref_squeeze %dma_wait3A_1184 : memref<1x64x128xf32, #tpu.memory_space<vmem>> -> memref<64x128xf32, #tpu.memory_space<vmem>>
      %dma_wait3A_1186 = arith.constant 0 : i32
      %dma_wait3A_1187 = arith.constant 0 : i32
      %dma_wait3A_1188 = tpu.memref_slice %arg2[%dma_wait3A_1186, %dma_wait3A_1187] : memref<64x1000000xf32, #tpu.memory_space<hbm>> -> memref<64x128xf32, #tpu.memory_space<hbm>>
      tpu.wait_dma2 semaphore(%dma_wait3A_1181 : memref<!tpu.dma_semaphore, #tpu.memory_space<semaphore_mem>>) src(%dma_wait3A_1188 : memref<64x128xf32, #tpu.memory_space<hbm>>) dst(%dma_wait3A_1185 : memref<64x128xf32, #tpu.memory_space<vmem>>)
      %dma_wait3A_1189 = arith.constant 2 : i32
      %dma_wait3A_1190 = arith.constant 2 : i32
      %dma_wait3A_1191 = arith.constant 0 : i32
      %dma_wait3A_1192 = arith.constant 0 : i32
      %dma_wait3A_1193 = tpu.memref_slice %arg9[%dma_wait3A_1189, %dma_wait3A_1191, %dma_wait3A_1192] : memref<4x64x128xf32, #tpu.memory_space<vmem>> -> memref<1x64x128xf32, #tpu.memory_space<vmem>>
      %dma_wait3A_1194 = tpu.memref_squeeze %dma_wait3A_1193 : memref<1x64x128xf32, #tpu.memory_space<vmem>> -> memref<64x128xf32, #tpu.memory_space<vmem>>
      %dma_wait3A_1195 = arith.constant 0 : i32
      %dma_wait3A_1196 = arith.constant 0 : i32
      %dma_wait3A_1197 = tpu.memref_slice %arg3[%dma_wait3A_1195, %dma_wait3A_1196] : memref<64x1000000xf32, #tpu.memory_space<hbm>> -> memref<64x128xf32, #tpu.memory_space<hbm>>
      %dma_wait3A_1198 = tpu.memref_slice %arg12[%dma_wait3A_1190] : memref<4x!tpu.dma_semaphore, #tpu.memory_space<semaphore_mem>> -> memref<1x!tpu.dma_semaphore, #tpu.memory_space<semaphore_mem>>
      %dma_wait3A_1199 = tpu.memref_squeeze %dma_wait3A_1198 : memref<1x!tpu.dma_semaphore, #tpu.memory_space<semaphore_mem>> -> memref<!tpu.dma_semaphore, #tpu.memory_space<semaphore_mem>>
      %dma_wait3A_1200 = arith.constant 0 : i32
      %dma_wait3A_1201 = arith.constant 0 : i32
      %dma_wait3A_1202 = tpu.memref_slice %arg9[%dma_wait3A_1189, %dma_wait3A_1200, %dma_wait3A_1201] : memref<4x64x128xf32, #tpu.memory_space<vmem>> -> memref<1x64x128xf32, #tpu.memory_space<vmem>>
      %dma_wait3A_1203 = tpu.memref_squeeze %dma_wait3A_1202 : memref<1x64x128xf32, #tpu.memory_space<vmem>> -> memref<64x128xf32, #tpu.memory_space<vmem>>
      %dma_wait3A_1204 = arith.constant 0 : i32
      %dma_wait3A_1205 = arith.constant 0 : i32
      %dma_wait3A_1206 = tpu.memref_slice %arg3[%dma_wait3A_1204, %dma_wait3A_1205] : memref<64x1000000xf32, #tpu.memory_space<hbm>> -> memref<64x128xf32, #tpu.memory_space<hbm>>
      tpu.wait_dma2 semaphore(%dma_wait3A_1199 : memref<!tpu.dma_semaphore, #tpu.memory_space<semaphore_mem>>) src(%dma_wait3A_1206 : memref<64x128xf32, #tpu.memory_space<hbm>>) dst(%dma_wait3A_1203 : memref<64x128xf32, #tpu.memory_space<vmem>>)
      %slice3A_1207 = vector.extract_strided_slice %get3A_149 {offsets = [6], sizes = [1], strides = [1]} : vector<16xi32> to vector<1xi32>
      %squeeze3A_1208 = vector.extract %slice3A_1207[0] : i32 from vector<1xi32>
      %slice3A_1209 = vector.extract_strided_slice %get3A_153 {offsets = [6], sizes = [1], strides = [1]} : vector<16xi32> to vector<1xi32>
      %squeeze3A_1210 = vector.extract %slice3A_1209[0] : i32 from vector<1xi32>
      %mul3A_1211 = arith.constant 16 : i32
      %mul3A_1212 = arith.muli %scan3A_145, %mul3A_1211 : i32
      %add3A_1213 = arith.constant 6 : i32
      %add3A_1214 = arith.addi %mul3A_1212, %add3A_1213 : i32
      %and3A_1215 = arith.constant 127 : i32
      %and3A_1216 = arith.andi %squeeze3A_1208, %and3A_1215 : i32
      %broadcast_in_dim3A_1217 = vector.broadcast %and3A_1216 : i32 to vector<16xi32>
      %and3A_1218 = arith.constant 127 : i32
      %and3A_1219 = arith.andi %squeeze3A_1210, %and3A_1218 : i32
      %broadcast_in_dim3A_1220 = vector.broadcast %and3A_1219 : i32 to vector<16xi32>
      %broadcast_in_dim3A_1221 = vector.broadcast %add3A_1214 : i32 to vector<16xi32>
      %add3A_1222 = arith.constant 0 : i32
      %add3A_1223 = vector.broadcast %add3A_1222 : i32 to vector<16xi32>
      %add3A_1224 = arith.addi %iota3A, %add3A_1223 : vector<16xi32>
      %gather3A_1225 = arith.constant 2 : i32
      %gather3A_1226 = arith.constant 0 : i32
      %gather3A_1227 = arith.constant 0 : i32
      %gather3A_1228 = tpu.memref_slice %arg8[%gather3A_1225, %gather3A_1226, %gather3A_1227] : memref<4x64x128xf32, #tpu.memory_space<vmem>> -> memref<1x64x128xf32, #tpu.memory_space<vmem>>
      %gather3A_1229 = tpu.memref_squeeze %gather3A_1228 : memref<1x64x128xf32, #tpu.memory_space<vmem>> -> memref<64x128xf32, #tpu.memory_space<vmem>>
      %gather3A_1230 = tpu.vector_load_idx %gather3A_1229[%add3A_1224, %broadcast_in_dim3A_1217] : memref<64x128xf32, #tpu.memory_space<vmem>>[vector<16xi32>, vector<16xi32>], vector<16xf32>,
      %gather3A_1231 = arith.constant 2 : i32
      %gather3A_1232 = arith.constant 0 : i32
      %gather3A_1233 = arith.constant 0 : i32
      %gather3A_1234 = tpu.memref_slice %arg9[%gather3A_1231, %gather3A_1232, %gather3A_1233] : memref<4x64x128xf32, #tpu.memory_space<vmem>> -> memref<1x64x128xf32, #tpu.memory_space<vmem>>
      %gather3A_1235 = tpu.memref_squeeze %gather3A_1234 : memref<1x64x128xf32, #tpu.memory_space<vmem>> -> memref<64x128xf32, #tpu.memory_space<vmem>>
      %gather3A_1236 = tpu.vector_load_idx %gather3A_1235[%add3A_1224, %broadcast_in_dim3A_1220] : memref<64x128xf32, #tpu.memory_space<vmem>>[vector<16xi32>, vector<16xi32>], vector<16xf32>,
      %mul3A_1237 = arith.mulf %gather3A_1230, %gather3A_1236 : vector<16xf32>
      tpu.vector_store_idx %arg10[%add3A_1224, %broadcast_in_dim3A_1221], %mul3A_1237 : memref<64x512xf32, #tpu.memory_space<vmem>>[vector<16xi32>, vector<16xi32>], vector<16xf32>,
      %add3A_1238 = arith.constant 16 : i32
      %add3A_1239 = vector.broadcast %add3A_1238 : i32 to vector<16xi32>
      %add3A_1240 = arith.addi %iota3A, %add3A_1239 : vector<16xi32>
      %gather3A_1241 = arith.constant 2 : i32
      %gather3A_1242 = arith.constant 0 : i32
      %gather3A_1243 = arith.constant 0 : i32
      %gather3A_1244 = tpu.memref_slice %arg8[%gather3A_1241, %gather3A_1242, %gather3A_1243] : memref<4x64x128xf32, #tpu.memory_space<vmem>> -> memref<1x64x128xf32, #tpu.memory_space<vmem>>
      %gather3A_1245 = tpu.memref_squeeze %gather3A_1244 : memref<1x64x128xf32, #tpu.memory_space<vmem>> -> memref<64x128xf32, #tpu.memory_space<vmem>>
      %gather3A_1246 = tpu.vector_load_idx %gather3A_1245[%add3A_1240, %broadcast_in_dim3A_1217] : memref<64x128xf32, #tpu.memory_space<vmem>>[vector<16xi32>, vector<16xi32>], vector<16xf32>,
      %gather3A_1247 = arith.constant 2 : i32
      %gather3A_1248 = arith.constant 0 : i32
      %gather3A_1249 = arith.constant 0 : i32
      %gather3A_1250 = tpu.memref_slice %arg9[%gather3A_1247, %gather3A_1248, %gather3A_1249] : memref<4x64x128xf32, #tpu.memory_space<vmem>> -> memref<1x64x128xf32, #tpu.memory_space<vmem>>
      %gather3A_1251 = tpu.memref_squeeze %gather3A_1250 : memref<1x64x128xf32, #tpu.memory_space<vmem>> -> memref<64x128xf32, #tpu.memory_space<vmem>>
      %gather3A_1252 = tpu.vector_load_idx %gather3A_1251[%add3A_1240, %broadcast_in_dim3A_1220] : memref<64x128xf32, #tpu.memory_space<vmem>>[vector<16xi32>, vector<16xi32>], vector<16xf32>,
      %mul3A_1253 = arith.mulf %gather3A_1246, %gather3A_1252 : vector<16xf32>
      tpu.vector_store_idx %arg10[%add3A_1240, %broadcast_in_dim3A_1221], %mul3A_1253 : memref<64x512xf32, #tpu.memory_space<vmem>>[vector<16xi32>, vector<16xi32>], vector<16xf32>,
      %add3A_1254 = arith.constant 32 : i32
      %add3A_1255 = vector.broadcast %add3A_1254 : i32 to vector<16xi32>
      %add3A_1256 = arith.addi %iota3A, %add3A_1255 : vector<16xi32>
      %gather3A_1257 = arith.constant 2 : i32
      %gather3A_1258 = arith.constant 0 : i32
      %gather3A_1259 = arith.constant 0 : i32
      %gather3A_1260 = tpu.memref_slice %arg8[%gather3A_1257, %gather3A_1258, %gather3A_1259] : memref<4x64x128xf32, #tpu.memory_space<vmem>> -> memref<1x64x128xf32, #tpu.memory_space<vmem>>
      %gather3A_1261 = tpu.memref_squeeze %gather3A_1260 : memref<1x64x128xf32, #tpu.memory_space<vmem>> -> memref<64x128xf32, #tpu.memory_space<vmem>>
      %gather3A_1262 = tpu.vector_load_idx %gather3A_1261[%add3A_1256, %broadcast_in_dim3A_1217] : memref<64x128xf32, #tpu.memory_space<vmem>>[vector<16xi32>, vector<16xi32>], vector<16xf32>,
      %gather3A_1263 = arith.constant 2 : i32
      %gather3A_1264 = arith.constant 0 : i32
      %gather3A_1265 = arith.constant 0 : i32
      %gather3A_1266 = tpu.memref_slice %arg9[%gather3A_1263, %gather3A_1264, %gather3A_1265] : memref<4x64x128xf32, #tpu.memory_space<vmem>> -> memref<1x64x128xf32, #tpu.memory_space<vmem>>
      %gather3A_1267 = tpu.memref_squeeze %gather3A_1266 : memref<1x64x128xf32, #tpu.memory_space<vmem>> -> memref<64x128xf32, #tpu.memory_space<vmem>>
      %gather3A_1268 = tpu.vector_load_idx %gather3A_1267[%add3A_1256, %broadcast_in_dim3A_1220] : memref<64x128xf32, #tpu.memory_space<vmem>>[vector<16xi32>, vector<16xi32>], vector<16xf32>,
      %mul3A_1269 = arith.mulf %gather3A_1262, %gather3A_1268 : vector<16xf32>
      tpu.vector_store_idx %arg10[%add3A_1256, %broadcast_in_dim3A_1221], %mul3A_1269 : memref<64x512xf32, #tpu.memory_space<vmem>>[vector<16xi32>, vector<16xi32>], vector<16xf32>,
      %add3A_1270 = arith.constant 48 : i32
      %add3A_1271 = vector.broadcast %add3A_1270 : i32 to vector<16xi32>
      %add3A_1272 = arith.addi %iota3A, %add3A_1271 : vector<16xi32>
      %gather3A_1273 = arith.constant 2 : i32
      %gather3A_1274 = arith.constant 0 : i32
      %gather3A_1275 = arith.constant 0 : i32
      %gather3A_1276 = tpu.memref_slice %arg8[%gather3A_1273, %gather3A_1274, %gather3A_1275] : memref<4x64x128xf32, #tpu.memory_space<vmem>> -> memref<1x64x128xf32, #tpu.memory_space<vmem>>
      %gather3A_1277 = tpu.memref_squeeze %gather3A_1276 : memref<1x64x128xf32, #tpu.memory_space<vmem>> -> memref<64x128xf32, #tpu.memory_space<vmem>>
      %gather3A_1278 = tpu.vector_load_idx %gather3A_1277[%add3A_1272, %broadcast_in_dim3A_1217] : memref<64x128xf32, #tpu.memory_space<vmem>>[vector<16xi32>, vector<16xi32>], vector<16xf32>,
      %gather3A_1279 = arith.constant 2 : i32
      %gather3A_1280 = arith.constant 0 : i32
      %gather3A_1281 = arith.constant 0 : i32
      %gather3A_1282 = tpu.memref_slice %arg9[%gather3A_1279, %gather3A_1280, %gather3A_1281] : memref<4x64x128xf32, #tpu.memory_space<vmem>> -> memref<1x64x128xf32, #tpu.memory_space<vmem>>
      %gather3A_1283 = tpu.memref_squeeze %gather3A_1282 : memref<1x64x128xf32, #tpu.memory_space<vmem>> -> memref<64x128xf32, #tpu.memory_space<vmem>>
      %gather3A_1284 = tpu.vector_load_idx %gather3A_1283[%add3A_1272, %broadcast_in_dim3A_1220] : memref<64x128xf32, #tpu.memory_space<vmem>>[vector<16xi32>, vector<16xi32>], vector<16xf32>,
      %mul3A_1285 = arith.mulf %gather3A_1278, %gather3A_1284 : vector<16xf32>
      tpu.vector_store_idx %arg10[%add3A_1272, %broadcast_in_dim3A_1221], %mul3A_1285 : memref<64x512xf32, #tpu.memory_space<vmem>>[vector<16xi32>, vector<16xi32>], vector<16xf32>,
      %slice3A_1286 = vector.extract_strided_slice %get3A_149 {offsets = [10], sizes = [1], strides = [1]} : vector<16xi32> to vector<1xi32>
      %squeeze3A_1287 = vector.extract %slice3A_1286[0] : i32 from vector<1xi32>
      %slice3A_1288 = vector.extract_strided_slice %get3A_153 {offsets = [10], sizes = [1], strides = [1]} : vector<16xi32> to vector<1xi32>
      %squeeze3A_1289 = vector.extract %slice3A_1288[0] : i32 from vector<1xi32>
      %shift_right_arithmetic3A_1290 = arith.constant 7 : i32
      %shift_right_arithmetic3A_1291 = arith.shrsi %squeeze3A_1287, %shift_right_arithmetic3A_1290 : i32
      %mul3A_1292 = arith.constant 128 : i32
      %mul3A_1293 = arith.muli %shift_right_arithmetic3A_1291, %mul3A_1292 : i32
      %multiple_of3A_1294 = tpu.assume_multiple %mul3A_1293, 128 : i32
      %shift_right_arithmetic3A_1295 = arith.constant 7 : i32
      %shift_right_arithmetic3A_1296 = arith.shrsi %squeeze3A_1289, %shift_right_arithmetic3A_1295 : i32
      %mul3A_1297 = arith.constant 128 : i32
      %mul3A_1298 = arith.muli %shift_right_arithmetic3A_1296, %mul3A_1297 : i32
      %multiple_of3A_1299 = tpu.assume_multiple %mul3A_1298, 128 : i32
      %dma_start3A_1300 = arith.constant 2 : i32
      %dma_start3A_1301 = arith.constant 2 : i32
      %dma_start3A_1302 = arith.constant 0 : i32
      %dma_start3A_1303 = arith.constant 0 : i32
      %dma_start3A_1304 = tpu.memref_slice %arg8[%dma_start3A_1300, %dma_start3A_1302, %dma_start3A_1303] : memref<4x64x128xf32, #tpu.memory_space<vmem>> -> memref<1x64x128xf32, #tpu.memory_space<vmem>>
      %dma_start3A_1305 = tpu.memref_squeeze %dma_start3A_1304 : memref<1x64x128xf32, #tpu.memory_space<vmem>> -> memref<64x128xf32, #tpu.memory_space<vmem>>
      %dma_start3A_1306 = arith.constant 0 : i32
      %dma_start3A_1307 = tpu.memref_slice %arg2[%dma_start3A_1306, %multiple_of3A_1294] : memref<64x1000000xf32, #tpu.memory_space<hbm>> -> memref<64x128xf32, #tpu.memory_space<hbm>>
      %dma_start3A_1308 = tpu.memref_slice %arg11[%dma_start3A_1301] : memref<4x!tpu.dma_semaphore, #tpu.memory_space<semaphore_mem>> -> memref<1x!tpu.dma_semaphore, #tpu.memory_space<semaphore_mem>>
      %dma_start3A_1309 = tpu.memref_squeeze %dma_start3A_1308 : memref<1x!tpu.dma_semaphore, #tpu.memory_space<semaphore_mem>> -> memref<!tpu.dma_semaphore, #tpu.memory_space<semaphore_mem>>
      %dma_start3A_1310 = arith.constant 0 : i32
      %dma_start3A_1311 = arith.constant 0 : i32
      %dma_start3A_1312 = tpu.memref_slice %arg8[%dma_start3A_1300, %dma_start3A_1310, %dma_start3A_1311] : memref<4x64x128xf32, #tpu.memory_space<vmem>> -> memref<1x64x128xf32, #tpu.memory_space<vmem>>
      %dma_start3A_1313 = tpu.memref_squeeze %dma_start3A_1312 : memref<1x64x128xf32, #tpu.memory_space<vmem>> -> memref<64x128xf32, #tpu.memory_space<vmem>>
      %dma_start3A_1314 = arith.constant 0 : i32
      %dma_start3A_1315 = tpu.memref_slice %arg2[%dma_start3A_1314, %multiple_of3A_1294] : memref<64x1000000xf32, #tpu.memory_space<hbm>> -> memref<64x128xf32, #tpu.memory_space<hbm>>
      tpu.enqueue_dma source(%dma_start3A_1315 : memref<64x128xf32, #tpu.memory_space<hbm>>) target(%dma_start3A_1313 : memref<64x128xf32, #tpu.memory_space<vmem>>) target_semaphore(%dma_start3A_1309 : memref<!tpu.dma_semaphore, #tpu.memory_space<semaphore_mem>>)
      %dma_start3A_1316 = arith.constant 2 : i32
      %dma_start3A_1317 = arith.constant 2 : i32
      %dma_start3A_1318 = arith.constant 0 : i32
      %dma_start3A_1319 = arith.constant 0 : i32
      %dma_start3A_1320 = tpu.memref_slice %arg9[%dma_start3A_1316, %dma_start3A_1318, %dma_start3A_1319] : memref<4x64x128xf32, #tpu.memory_space<vmem>> -> memref<1x64x128xf32, #tpu.memory_space<vmem>>
      %dma_start3A_1321 = tpu.memref_squeeze %dma_start3A_1320 : memref<1x64x128xf32, #tpu.memory_space<vmem>> -> memref<64x128xf32, #tpu.memory_space<vmem>>
      %dma_start3A_1322 = arith.constant 0 : i32
      %dma_start3A_1323 = tpu.memref_slice %arg3[%dma_start3A_1322, %multiple_of3A_1299] : memref<64x1000000xf32, #tpu.memory_space<hbm>> -> memref<64x128xf32, #tpu.memory_space<hbm>>
      %dma_start3A_1324 = tpu.memref_slice %arg12[%dma_start3A_1317] : memref<4x!tpu.dma_semaphore, #tpu.memory_space<semaphore_mem>> -> memref<1x!tpu.dma_semaphore, #tpu.memory_space<semaphore_mem>>
      %dma_start3A_1325 = tpu.memref_squeeze %dma_start3A_1324 : memref<1x!tpu.dma_semaphore, #tpu.memory_space<semaphore_mem>> -> memref<!tpu.dma_semaphore, #tpu.memory_space<semaphore_mem>>
      %dma_start3A_1326 = arith.constant 0 : i32
      %dma_start3A_1327 = arith.constant 0 : i32
      %dma_start3A_1328 = tpu.memref_slice %arg9[%dma_start3A_1316, %dma_start3A_1326, %dma_start3A_1327] : memref<4x64x128xf32, #tpu.memory_space<vmem>> -> memref<1x64x128xf32, #tpu.memory_space<vmem>>
      %dma_start3A_1329 = tpu.memref_squeeze %dma_start3A_1328 : memref<1x64x128xf32, #tpu.memory_space<vmem>> -> memref<64x128xf32, #tpu.memory_space<vmem>>
      %dma_start3A_1330 = arith.constant 0 : i32
      %dma_start3A_1331 = tpu.memref_slice %arg3[%dma_start3A_1330, %multiple_of3A_1299] : memref<64x1000000xf32, #tpu.memory_space<hbm>> -> memref<64x128xf32, #tpu.memory_space<hbm>>
      tpu.enqueue_dma source(%dma_start3A_1331 : memref<64x128xf32, #tpu.memory_space<hbm>>) target(%dma_start3A_1329 : memref<64x128xf32, #tpu.memory_space<vmem>>) target_semaphore(%dma_start3A_1325 : memref<!tpu.dma_semaphore, #tpu.memory_space<semaphore_mem>>)
      %dma_wait3A_1332 = arith.constant 3 : i32
      %dma_wait3A_1333 = arith.constant 3 : i32
      %dma_wait3A_1334 = arith.constant 0 : i32
      %dma_wait3A_1335 = arith.constant 0 : i32
      %dma_wait3A_1336 = tpu.memref_slice %arg8[%dma_wait3A_1332, %dma_wait3A_1334, %dma_wait3A_1335] : memref<4x64x128xf32, #tpu.memory_space<vmem>> -> memref<1x64x128xf32, #tpu.memory_space<vmem>>
      %dma_wait3A_1337 = tpu.memref_squeeze %dma_wait3A_1336 : memref<1x64x128xf32, #tpu.memory_space<vmem>> -> memref<64x128xf32, #tpu.memory_space<vmem>>
      %dma_wait3A_1338 = arith.constant 0 : i32
      %dma_wait3A_1339 = arith.constant 0 : i32
      %dma_wait3A_1340 = tpu.memref_slice %arg2[%dma_wait3A_1338, %dma_wait3A_1339] : memref<64x1000000xf32, #tpu.memory_space<hbm>> -> memref<64x128xf32, #tpu.memory_space<hbm>>
      %dma_wait3A_1341 = tpu.memref_slice %arg11[%dma_wait3A_1333] : memref<4x!tpu.dma_semaphore, #tpu.memory_space<semaphore_mem>> -> memref<1x!tpu.dma_semaphore, #tpu.memory_space<semaphore_mem>>
      %dma_wait3A_1342 = tpu.memref_squeeze %dma_wait3A_1341 : memref<1x!tpu.dma_semaphore, #tpu.memory_space<semaphore_mem>> -> memref<!tpu.dma_semaphore, #tpu.memory_space<semaphore_mem>>
      %dma_wait3A_1343 = arith.constant 0 : i32
      %dma_wait3A_1344 = arith.constant 0 : i32
      %dma_wait3A_1345 = tpu.memref_slice %arg8[%dma_wait3A_1332, %dma_wait3A_1343, %dma_wait3A_1344] : memref<4x64x128xf32, #tpu.memory_space<vmem>> -> memref<1x64x128xf32, #tpu.memory_space<vmem>>
      %dma_wait3A_1346 = tpu.memref_squeeze %dma_wait3A_1345 : memref<1x64x128xf32, #tpu.memory_space<vmem>> -> memref<64x128xf32, #tpu.memory_space<vmem>>
      %dma_wait3A_1347 = arith.constant 0 : i32
      %dma_wait3A_1348 = arith.constant 0 : i32
      %dma_wait3A_1349 = tpu.memref_slice %arg2[%dma_wait3A_1347, %dma_wait3A_1348] : memref<64x1000000xf32, #tpu.memory_space<hbm>> -> memref<64x128xf32, #tpu.memory_space<hbm>>
      tpu.wait_dma2 semaphore(%dma_wait3A_1342 : memref<!tpu.dma_semaphore, #tpu.memory_space<semaphore_mem>>) src(%dma_wait3A_1349 : memref<64x128xf32, #tpu.memory_space<hbm>>) dst(%dma_wait3A_1346 : memref<64x128xf32, #tpu.memory_space<vmem>>)
      %dma_wait3A_1350 = arith.constant 3 : i32
      %dma_wait3A_1351 = arith.constant 3 : i32
      %dma_wait3A_1352 = arith.constant 0 : i32
      %dma_wait3A_1353 = arith.constant 0 : i32
      %dma_wait3A_1354 = tpu.memref_slice %arg9[%dma_wait3A_1350, %dma_wait3A_1352, %dma_wait3A_1353] : memref<4x64x128xf32, #tpu.memory_space<vmem>> -> memref<1x64x128xf32, #tpu.memory_space<vmem>>
      %dma_wait3A_1355 = tpu.memref_squeeze %dma_wait3A_1354 : memref<1x64x128xf32, #tpu.memory_space<vmem>> -> memref<64x128xf32, #tpu.memory_space<vmem>>
      %dma_wait3A_1356 = arith.constant 0 : i32
      %dma_wait3A_1357 = arith.constant 0 : i32
      %dma_wait3A_1358 = tpu.memref_slice %arg3[%dma_wait3A_1356, %dma_wait3A_1357] : memref<64x1000000xf32, #tpu.memory_space<hbm>> -> memref<64x128xf32, #tpu.memory_space<hbm>>
      %dma_wait3A_1359 = tpu.memref_slice %arg12[%dma_wait3A_1351] : memref<4x!tpu.dma_semaphore, #tpu.memory_space<semaphore_mem>> -> memref<1x!tpu.dma_semaphore, #tpu.memory_space<semaphore_mem>>
      %dma_wait3A_1360 = tpu.memref_squeeze %dma_wait3A_1359 : memref<1x!tpu.dma_semaphore, #tpu.memory_space<semaphore_mem>> -> memref<!tpu.dma_semaphore, #tpu.memory_space<semaphore_mem>>
      %dma_wait3A_1361 = arith.constant 0 : i32
      %dma_wait3A_1362 = arith.constant 0 : i32
      %dma_wait3A_1363 = tpu.memref_slice %arg9[%dma_wait3A_1350, %dma_wait3A_1361, %dma_wait3A_1362] : memref<4x64x128xf32, #tpu.memory_space<vmem>> -> memref<1x64x128xf32, #tpu.memory_space<vmem>>
      %dma_wait3A_1364 = tpu.memref_squeeze %dma_wait3A_1363 : memref<1x64x128xf32, #tpu.memory_space<vmem>> -> memref<64x128xf32, #tpu.memory_space<vmem>>
      %dma_wait3A_1365 = arith.constant 0 : i32
      %dma_wait3A_1366 = arith.constant 0 : i32
      %dma_wait3A_1367 = tpu.memref_slice %arg3[%dma_wait3A_1365, %dma_wait3A_1366] : memref<64x1000000xf32, #tpu.memory_space<hbm>> -> memref<64x128xf32, #tpu.memory_space<hbm>>
      tpu.wait_dma2 semaphore(%dma_wait3A_1360 : memref<!tpu.dma_semaphore, #tpu.memory_space<semaphore_mem>>) src(%dma_wait3A_1367 : memref<64x128xf32, #tpu.memory_space<hbm>>) dst(%dma_wait3A_1364 : memref<64x128xf32, #tpu.memory_space<vmem>>)
      %slice3A_1368 = vector.extract_strided_slice %get3A_149 {offsets = [7], sizes = [1], strides = [1]} : vector<16xi32> to vector<1xi32>
      %squeeze3A_1369 = vector.extract %slice3A_1368[0] : i32 from vector<1xi32>
      %slice3A_1370 = vector.extract_strided_slice %get3A_153 {offsets = [7], sizes = [1], strides = [1]} : vector<16xi32> to vector<1xi32>
      %squeeze3A_1371 = vector.extract %slice3A_1370[0] : i32 from vector<1xi32>
      %mul3A_1372 = arith.constant 16 : i32
      %mul3A_1373 = arith.muli %scan3A_145, %mul3A_1372 : i32
      %add3A_1374 = arith.constant 7 : i32
      %add3A_1375 = arith.addi %mul3A_1373, %add3A_1374 : i32
      %and3A_1376 = arith.constant 127 : i32
      %and3A_1377 = arith.andi %squeeze3A_1369, %and3A_1376 : i32
      %broadcast_in_dim3A_1378 = vector.broadcast %and3A_1377 : i32 to vector<16xi32>
      %and3A_1379 = arith.constant 127 : i32
      %and3A_1380 = arith.andi %squeeze3A_1371, %and3A_1379 : i32
      %broadcast_in_dim3A_1381 = vector.broadcast %and3A_1380 : i32 to vector<16xi32>
      %broadcast_in_dim3A_1382 = vector.broadcast %add3A_1375 : i32 to vector<16xi32>
      %add3A_1383 = arith.constant 0 : i32
      %add3A_1384 = vector.broadcast %add3A_1383 : i32 to vector<16xi32>
      %add3A_1385 = arith.addi %iota3A, %add3A_1384 : vector<16xi32>
      %gather3A_1386 = arith.constant 3 : i32
      %gather3A_1387 = arith.constant 0 : i32
      %gather3A_1388 = arith.constant 0 : i32
      %gather3A_1389 = tpu.memref_slice %arg8[%gather3A_1386, %gather3A_1387, %gather3A_1388] : memref<4x64x128xf32, #tpu.memory_space<vmem>> -> memref<1x64x128xf32, #tpu.memory_space<vmem>>
      %gather3A_1390 = tpu.memref_squeeze %gather3A_1389 : memref<1x64x128xf32, #tpu.memory_space<vmem>> -> memref<64x128xf32, #tpu.memory_space<vmem>>
      %gather3A_1391 = tpu.vector_load_idx %gather3A_1390[%add3A_1385, %broadcast_in_dim3A_1378] : memref<64x128xf32, #tpu.memory_space<vmem>>[vector<16xi32>, vector<16xi32>], vector<16xf32>,
      %gather3A_1392 = arith.constant 3 : i32
      %gather3A_1393 = arith.constant 0 : i32
      %gather3A_1394 = arith.constant 0 : i32
      %gather3A_1395 = tpu.memref_slice %arg9[%gather3A_1392, %gather3A_1393, %gather3A_1394] : memref<4x64x128xf32, #tpu.memory_space<vmem>> -> memref<1x64x128xf32, #tpu.memory_space<vmem>>
      %gather3A_1396 = tpu.memref_squeeze %gather3A_1395 : memref<1x64x128xf32, #tpu.memory_space<vmem>> -> memref<64x128xf32, #tpu.memory_space<vmem>>
      %gather3A_1397 = tpu.vector_load_idx %gather3A_1396[%add3A_1385, %broadcast_in_dim3A_1381] : memref<64x128xf32, #tpu.memory_space<vmem>>[vector<16xi32>, vector<16xi32>], vector<16xf32>,
      %mul3A_1398 = arith.mulf %gather3A_1391, %gather3A_1397 : vector<16xf32>
      tpu.vector_store_idx %arg10[%add3A_1385, %broadcast_in_dim3A_1382], %mul3A_1398 : memref<64x512xf32, #tpu.memory_space<vmem>>[vector<16xi32>, vector<16xi32>], vector<16xf32>,
      %add3A_1399 = arith.constant 16 : i32
      %add3A_1400 = vector.broadcast %add3A_1399 : i32 to vector<16xi32>
      %add3A_1401 = arith.addi %iota3A, %add3A_1400 : vector<16xi32>
      %gather3A_1402 = arith.constant 3 : i32
      %gather3A_1403 = arith.constant 0 : i32
      %gather3A_1404 = arith.constant 0 : i32
      %gather3A_1405 = tpu.memref_slice %arg8[%gather3A_1402, %gather3A_1403, %gather3A_1404] : memref<4x64x128xf32, #tpu.memory_space<vmem>> -> memref<1x64x128xf32, #tpu.memory_space<vmem>>
      %gather3A_1406 = tpu.memref_squeeze %gather3A_1405 : memref<1x64x128xf32, #tpu.memory_space<vmem>> -> memref<64x128xf32, #tpu.memory_space<vmem>>
      %gather3A_1407 = tpu.vector_load_idx %gather3A_1406[%add3A_1401, %broadcast_in_dim3A_1378] : memref<64x128xf32, #tpu.memory_space<vmem>>[vector<16xi32>, vector<16xi32>], vector<16xf32>,
      %gather3A_1408 = arith.constant 3 : i32
      %gather3A_1409 = arith.constant 0 : i32
      %gather3A_1410 = arith.constant 0 : i32
      %gather3A_1411 = tpu.memref_slice %arg9[%gather3A_1408, %gather3A_1409, %gather3A_1410] : memref<4x64x128xf32, #tpu.memory_space<vmem>> -> memref<1x64x128xf32, #tpu.memory_space<vmem>>
      %gather3A_1412 = tpu.memref_squeeze %gather3A_1411 : memref<1x64x128xf32, #tpu.memory_space<vmem>> -> memref<64x128xf32, #tpu.memory_space<vmem>>
      %gather3A_1413 = tpu.vector_load_idx %gather3A_1412[%add3A_1401, %broadcast_in_dim3A_1381] : memref<64x128xf32, #tpu.memory_space<vmem>>[vector<16xi32>, vector<16xi32>], vector<16xf32>,
      %mul3A_1414 = arith.mulf %gather3A_1407, %gather3A_1413 : vector<16xf32>
      tpu.vector_store_idx %arg10[%add3A_1401, %broadcast_in_dim3A_1382], %mul3A_1414 : memref<64x512xf32, #tpu.memory_space<vmem>>[vector<16xi32>, vector<16xi32>], vector<16xf32>,
      %add3A_1415 = arith.constant 32 : i32
      %add3A_1416 = vector.broadcast %add3A_1415 : i32 to vector<16xi32>
      %add3A_1417 = arith.addi %iota3A, %add3A_1416 : vector<16xi32>
      %gather3A_1418 = arith.constant 3 : i32
      %gather3A_1419 = arith.constant 0 : i32
      %gather3A_1420 = arith.constant 0 : i32
      %gather3A_1421 = tpu.memref_slice %arg8[%gather3A_1418, %gather3A_1419, %gather3A_1420] : memref<4x64x128xf32, #tpu.memory_space<vmem>> -> memref<1x64x128xf32, #tpu.memory_space<vmem>>
      %gather3A_1422 = tpu.memref_squeeze %gather3A_1421 : memref<1x64x128xf32, #tpu.memory_space<vmem>> -> memref<64x128xf32, #tpu.memory_space<vmem>>
      %gather3A_1423 = tpu.vector_load_idx %gather3A_1422[%add3A_1417, %broadcast_in_dim3A_1378] : memref<64x128xf32, #tpu.memory_space<vmem>>[vector<16xi32>, vector<16xi32>], vector<16xf32>,
      %gather3A_1424 = arith.constant 3 : i32
      %gather3A_1425 = arith.constant 0 : i32
      %gather3A_1426 = arith.constant 0 : i32
      %gather3A_1427 = tpu.memref_slice %arg9[%gather3A_1424, %gather3A_1425, %gather3A_1426] : memref<4x64x128xf32, #tpu.memory_space<vmem>> -> memref<1x64x128xf32, #tpu.memory_space<vmem>>
      %gather3A_1428 = tpu.memref_squeeze %gather3A_1427 : memref<1x64x128xf32, #tpu.memory_space<vmem>> -> memref<64x128xf32, #tpu.memory_space<vmem>>
      %gather3A_1429 = tpu.vector_load_idx %gather3A_1428[%add3A_1417, %broadcast_in_dim3A_1381] : memref<64x128xf32, #tpu.memory_space<vmem>>[vector<16xi32>, vector<16xi32>], vector<16xf32>,
      %mul3A_1430 = arith.mulf %gather3A_1423, %gather3A_1429 : vector<16xf32>
      tpu.vector_store_idx %arg10[%add3A_1417, %broadcast_in_dim3A_1382], %mul3A_1430 : memref<64x512xf32, #tpu.memory_space<vmem>>[vector<16xi32>, vector<16xi32>], vector<16xf32>,
      %add3A_1431 = arith.constant 48 : i32
      %add3A_1432 = vector.broadcast %add3A_1431 : i32 to vector<16xi32>
      %add3A_1433 = arith.addi %iota3A, %add3A_1432 : vector<16xi32>
      %gather3A_1434 = arith.constant 3 : i32
      %gather3A_1435 = arith.constant 0 : i32
      %gather3A_1436 = arith.constant 0 : i32
      %gather3A_1437 = tpu.memref_slice %arg8[%gather3A_1434, %gather3A_1435, %gather3A_1436] : memref<4x64x128xf32, #tpu.memory_space<vmem>> -> memref<1x64x128xf32, #tpu.memory_space<vmem>>
      %gather3A_1438 = tpu.memref_squeeze %gather3A_1437 : memref<1x64x128xf32, #tpu.memory_space<vmem>> -> memref<64x128xf32, #tpu.memory_space<vmem>>
      %gather3A_1439 = tpu.vector_load_idx %gather3A_1438[%add3A_1433, %broadcast_in_dim3A_1378] : memref<64x128xf32, #tpu.memory_space<vmem>>[vector<16xi32>, vector<16xi32>], vector<16xf32>,
      %gather3A_1440 = arith.constant 3 : i32
      %gather3A_1441 = arith.constant 0 : i32
      %gather3A_1442 = arith.constant 0 : i32
      %gather3A_1443 = tpu.memref_slice %arg9[%gather3A_1440, %gather3A_1441, %gather3A_1442] : memref<4x64x128xf32, #tpu.memory_space<vmem>> -> memref<1x64x128xf32, #tpu.memory_space<vmem>>
      %gather3A_1444 = tpu.memref_squeeze %gather3A_1443 : memref<1x64x128xf32, #tpu.memory_space<vmem>> -> memref<64x128xf32, #tpu.memory_space<vmem>>
      %gather3A_1445 = tpu.vector_load_idx %gather3A_1444[%add3A_1433, %broadcast_in_dim3A_1381] : memref<64x128xf32, #tpu.memory_space<vmem>>[vector<16xi32>, vector<16xi32>], vector<16xf32>,
      %mul3A_1446 = arith.mulf %gather3A_1439, %gather3A_1445 : vector<16xf32>
      tpu.vector_store_idx %arg10[%add3A_1433, %broadcast_in_dim3A_1382], %mul3A_1446 : memref<64x512xf32, #tpu.memory_space<vmem>>[vector<16xi32>, vector<16xi32>], vector<16xf32>,
      %slice3A_1447 = vector.extract_strided_slice %get3A_149 {offsets = [11], sizes = [1], strides = [1]} : vector<16xi32> to vector<1xi32>
      %squeeze3A_1448 = vector.extract %slice3A_1447[0] : i32 from vector<1xi32>
      %slice3A_1449 = vector.extract_strided_slice %get3A_153 {offsets = [11], sizes = [1], strides = [1]} : vector<16xi32> to vector<1xi32>
      %squeeze3A_1450 = vector.extract %slice3A_1449[0] : i32 from vector<1xi32>
      %shift_right_arithmetic3A_1451 = arith.constant 7 : i32
      %shift_right_arithmetic3A_1452 = arith.shrsi %squeeze3A_1448, %shift_right_arithmetic3A_1451 : i32
      %mul3A_1453 = arith.constant 128 : i32
      %mul3A_1454 = arith.muli %shift_right_arithmetic3A_1452, %mul3A_1453 : i32
      %multiple_of3A_1455 = tpu.assume_multiple %mul3A_1454, 128 : i32
      %shift_right_arithmetic3A_1456 = arith.constant 7 : i32
      %shift_right_arithmetic3A_1457 = arith.shrsi %squeeze3A_1450, %shift_right_arithmetic3A_1456 : i32
      %mul3A_1458 = arith.constant 128 : i32
      %mul3A_1459 = arith.muli %shift_right_arithmetic3A_1457, %mul3A_1458 : i32
      %multiple_of3A_1460 = tpu.assume_multiple %mul3A_1459, 128 : i32
      %dma_start3A_1461 = arith.constant 3 : i32
      %dma_start3A_1462 = arith.constant 3 : i32
      %dma_start3A_1463 = arith.constant 0 : i32
      %dma_start3A_1464 = arith.constant 0 : i32
      %dma_start3A_1465 = tpu.memref_slice %arg8[%dma_start3A_1461, %dma_start3A_1463, %dma_start3A_1464] : memref<4x64x128xf32, #tpu.memory_space<vmem>> -> memref<1x64x128xf32, #tpu.memory_space<vmem>>
      %dma_start3A_1466 = tpu.memref_squeeze %dma_start3A_1465 : memref<1x64x128xf32, #tpu.memory_space<vmem>> -> memref<64x128xf32, #tpu.memory_space<vmem>>
      %dma_start3A_1467 = arith.constant 0 : i32
      %dma_start3A_1468 = tpu.memref_slice %arg2[%dma_start3A_1467, %multiple_of3A_1455] : memref<64x1000000xf32, #tpu.memory_space<hbm>> -> memref<64x128xf32, #tpu.memory_space<hbm>>
      %dma_start3A_1469 = tpu.memref_slice %arg11[%dma_start3A_1462] : memref<4x!tpu.dma_semaphore, #tpu.memory_space<semaphore_mem>> -> memref<1x!tpu.dma_semaphore, #tpu.memory_space<semaphore_mem>>
      %dma_start3A_1470 = tpu.memref_squeeze %dma_start3A_1469 : memref<1x!tpu.dma_semaphore, #tpu.memory_space<semaphore_mem>> -> memref<!tpu.dma_semaphore, #tpu.memory_space<semaphore_mem>>
      %dma_start3A_1471 = arith.constant 0 : i32
      %dma_start3A_1472 = arith.constant 0 : i32
      %dma_start3A_1473 = tpu.memref_slice %arg8[%dma_start3A_1461, %dma_start3A_1471, %dma_start3A_1472] : memref<4x64x128xf32, #tpu.memory_space<vmem>> -> memref<1x64x128xf32, #tpu.memory_space<vmem>>
      %dma_start3A_1474 = tpu.memref_squeeze %dma_start3A_1473 : memref<1x64x128xf32, #tpu.memory_space<vmem>> -> memref<64x128xf32, #tpu.memory_space<vmem>>
      %dma_start3A_1475 = arith.constant 0 : i32
      %dma_start3A_1476 = tpu.memref_slice %arg2[%dma_start3A_1475, %multiple_of3A_1455] : memref<64x1000000xf32, #tpu.memory_space<hbm>> -> memref<64x128xf32, #tpu.memory_space<hbm>>
      tpu.enqueue_dma source(%dma_start3A_1476 : memref<64x128xf32, #tpu.memory_space<hbm>>) target(%dma_start3A_1474 : memref<64x128xf32, #tpu.memory_space<vmem>>) target_semaphore(%dma_start3A_1470 : memref<!tpu.dma_semaphore, #tpu.memory_space<semaphore_mem>>)
      %dma_start3A_1477 = arith.constant 3 : i32
      %dma_start3A_1478 = arith.constant 3 : i32
      %dma_start3A_1479 = arith.constant 0 : i32
      %dma_start3A_1480 = arith.constant 0 : i32
      %dma_start3A_1481 = tpu.memref_slice %arg9[%dma_start3A_1477, %dma_start3A_1479, %dma_start3A_1480] : memref<4x64x128xf32, #tpu.memory_space<vmem>> -> memref<1x64x128xf32, #tpu.memory_space<vmem>>
      %dma_start3A_1482 = tpu.memref_squeeze %dma_start3A_1481 : memref<1x64x128xf32, #tpu.memory_space<vmem>> -> memref<64x128xf32, #tpu.memory_space<vmem>>
      %dma_start3A_1483 = arith.constant 0 : i32
      %dma_start3A_1484 = tpu.memref_slice %arg3[%dma_start3A_1483, %multiple_of3A_1460] : memref<64x1000000xf32, #tpu.memory_space<hbm>> -> memref<64x128xf32, #tpu.memory_space<hbm>>
      %dma_start3A_1485 = tpu.memref_slice %arg12[%dma_start3A_1478] : memref<4x!tpu.dma_semaphore, #tpu.memory_space<semaphore_mem>> -> memref<1x!tpu.dma_semaphore, #tpu.memory_space<semaphore_mem>>
      %dma_start3A_1486 = tpu.memref_squeeze %dma_start3A_1485 : memref<1x!tpu.dma_semaphore, #tpu.memory_space<semaphore_mem>> -> memref<!tpu.dma_semaphore, #tpu.memory_space<semaphore_mem>>
      %dma_start3A_1487 = arith.constant 0 : i32
      %dma_start3A_1488 = arith.constant 0 : i32
      %dma_start3A_1489 = tpu.memref_slice %arg9[%dma_start3A_1477, %dma_start3A_1487, %dma_start3A_1488] : memref<4x64x128xf32, #tpu.memory_space<vmem>> -> memref<1x64x128xf32, #tpu.memory_space<vmem>>
      %dma_start3A_1490 = tpu.memref_squeeze %dma_start3A_1489 : memref<1x64x128xf32, #tpu.memory_space<vmem>> -> memref<64x128xf32, #tpu.memory_space<vmem>>
      %dma_start3A_1491 = arith.constant 0 : i32
      %dma_start3A_1492 = tpu.memref_slice %arg3[%dma_start3A_1491, %multiple_of3A_1460] : memref<64x1000000xf32, #tpu.memory_space<hbm>> -> memref<64x128xf32, #tpu.memory_space<hbm>>
      tpu.enqueue_dma source(%dma_start3A_1492 : memref<64x128xf32, #tpu.memory_space<hbm>>) target(%dma_start3A_1490 : memref<64x128xf32, #tpu.memory_space<vmem>>) target_semaphore(%dma_start3A_1486 : memref<!tpu.dma_semaphore, #tpu.memory_space<semaphore_mem>>)
      %dma_wait3A_1493 = arith.constant 0 : i32
      %dma_wait3A_1494 = arith.constant 0 : i32
      %dma_wait3A_1495 = arith.constant 0 : i32
      %dma_wait3A_1496 = arith.constant 0 : i32
      %dma_wait3A_1497 = tpu.memref_slice %arg8[%dma_wait3A_1493, %dma_wait3A_1495, %dma_wait3A_1496] : memref<4x64x128xf32, #tpu.memory_space<vmem>> -> memref<1x64x128xf32, #tpu.memory_space<vmem>>
      %dma_wait3A_1498 = tpu.memref_squeeze %dma_wait3A_1497 : memref<1x64x128xf32, #tpu.memory_space<vmem>> -> memref<64x128xf32, #tpu.memory_space<vmem>>
      %dma_wait3A_1499 = arith.constant 0 : i32
      %dma_wait3A_1500 = arith.constant 0 : i32
      %dma_wait3A_1501 = tpu.memref_slice %arg2[%dma_wait3A_1499, %dma_wait3A_1500] : memref<64x1000000xf32, #tpu.memory_space<hbm>> -> memref<64x128xf32, #tpu.memory_space<hbm>>
      %dma_wait3A_1502 = tpu.memref_slice %arg11[%dma_wait3A_1494] : memref<4x!tpu.dma_semaphore, #tpu.memory_space<semaphore_mem>> -> memref<1x!tpu.dma_semaphore, #tpu.memory_space<semaphore_mem>>
      %dma_wait3A_1503 = tpu.memref_squeeze %dma_wait3A_1502 : memref<1x!tpu.dma_semaphore, #tpu.memory_space<semaphore_mem>> -> memref<!tpu.dma_semaphore, #tpu.memory_space<semaphore_mem>>
      %dma_wait3A_1504 = arith.constant 0 : i32
      %dma_wait3A_1505 = arith.constant 0 : i32
      %dma_wait3A_1506 = tpu.memref_slice %arg8[%dma_wait3A_1493, %dma_wait3A_1504, %dma_wait3A_1505] : memref<4x64x128xf32, #tpu.memory_space<vmem>> -> memref<1x64x128xf32, #tpu.memory_space<vmem>>
      %dma_wait3A_1507 = tpu.memref_squeeze %dma_wait3A_1506 : memref<1x64x128xf32, #tpu.memory_space<vmem>> -> memref<64x128xf32, #tpu.memory_space<vmem>>
      %dma_wait3A_1508 = arith.constant 0 : i32
      %dma_wait3A_1509 = arith.constant 0 : i32
      %dma_wait3A_1510 = tpu.memref_slice %arg2[%dma_wait3A_1508, %dma_wait3A_1509] : memref<64x1000000xf32, #tpu.memory_space<hbm>> -> memref<64x128xf32, #tpu.memory_space<hbm>>
      tpu.wait_dma2 semaphore(%dma_wait3A_1503 : memref<!tpu.dma_semaphore, #tpu.memory_space<semaphore_mem>>) src(%dma_wait3A_1510 : memref<64x128xf32, #tpu.memory_space<hbm>>) dst(%dma_wait3A_1507 : memref<64x128xf32, #tpu.memory_space<vmem>>)
      %dma_wait3A_1511 = arith.constant 0 : i32
      %dma_wait3A_1512 = arith.constant 0 : i32
      %dma_wait3A_1513 = arith.constant 0 : i32
      %dma_wait3A_1514 = arith.constant 0 : i32
      %dma_wait3A_1515 = tpu.memref_slice %arg9[%dma_wait3A_1511, %dma_wait3A_1513, %dma_wait3A_1514] : memref<4x64x128xf32, #tpu.memory_space<vmem>> -> memref<1x64x128xf32, #tpu.memory_space<vmem>>
      %dma_wait3A_1516 = tpu.memref_squeeze %dma_wait3A_1515 : memref<1x64x128xf32, #tpu.memory_space<vmem>> -> memref<64x128xf32, #tpu.memory_space<vmem>>
      %dma_wait3A_1517 = arith.constant 0 : i32
      %dma_wait3A_1518 = arith.constant 0 : i32
      %dma_wait3A_1519 = tpu.memref_slice %arg3[%dma_wait3A_1517, %dma_wait3A_1518] : memref<64x1000000xf32, #tpu.memory_space<hbm>> -> memref<64x128xf32, #tpu.memory_space<hbm>>
      %dma_wait3A_1520 = tpu.memref_slice %arg12[%dma_wait3A_1512] : memref<4x!tpu.dma_semaphore, #tpu.memory_space<semaphore_mem>> -> memref<1x!tpu.dma_semaphore, #tpu.memory_space<semaphore_mem>>
      %dma_wait3A_1521 = tpu.memref_squeeze %dma_wait3A_1520 : memref<1x!tpu.dma_semaphore, #tpu.memory_space<semaphore_mem>> -> memref<!tpu.dma_semaphore, #tpu.memory_space<semaphore_mem>>
      %dma_wait3A_1522 = arith.constant 0 : i32
      %dma_wait3A_1523 = arith.constant 0 : i32
      %dma_wait3A_1524 = tpu.memref_slice %arg9[%dma_wait3A_1511, %dma_wait3A_1522, %dma_wait3A_1523] : memref<4x64x128xf32, #tpu.memory_space<vmem>> -> memref<1x64x128xf32, #tpu.memory_space<vmem>>
      %dma_wait3A_1525 = tpu.memref_squeeze %dma_wait3A_1524 : memref<1x64x128xf32, #tpu.memory_space<vmem>> -> memref<64x128xf32, #tpu.memory_space<vmem>>
      %dma_wait3A_1526 = arith.constant 0 : i32
      %dma_wait3A_1527 = arith.constant 0 : i32
      %dma_wait3A_1528 = tpu.memref_slice %arg3[%dma_wait3A_1526, %dma_wait3A_1527] : memref<64x1000000xf32, #tpu.memory_space<hbm>> -> memref<64x128xf32, #tpu.memory_space<hbm>>
      tpu.wait_dma2 semaphore(%dma_wait3A_1521 : memref<!tpu.dma_semaphore, #tpu.memory_space<semaphore_mem>>) src(%dma_wait3A_1528 : memref<64x128xf32, #tpu.memory_space<hbm>>) dst(%dma_wait3A_1525 : memref<64x128xf32, #tpu.memory_space<vmem>>)
      %slice3A_1529 = vector.extract_strided_slice %get3A_149 {offsets = [8], sizes = [1], strides = [1]} : vector<16xi32> to vector<1xi32>
      %squeeze3A_1530 = vector.extract %slice3A_1529[0] : i32 from vector<1xi32>
      %slice3A_1531 = vector.extract_strided_slice %get3A_153 {offsets = [8], sizes = [1], strides = [1]} : vector<16xi32> to vector<1xi32>
      %squeeze3A_1532 = vector.extract %slice3A_1531[0] : i32 from vector<1xi32>
      %mul3A_1533 = arith.constant 16 : i32
      %mul3A_1534 = arith.muli %scan3A_145, %mul3A_1533 : i32
      %add3A_1535 = arith.constant 8 : i32
      %add3A_1536 = arith.addi %mul3A_1534, %add3A_1535 : i32
      %and3A_1537 = arith.constant 127 : i32
      %and3A_1538 = arith.andi %squeeze3A_1530, %and3A_1537 : i32
      %broadcast_in_dim3A_1539 = vector.broadcast %and3A_1538 : i32 to vector<16xi32>
      %and3A_1540 = arith.constant 127 : i32
      %and3A_1541 = arith.andi %squeeze3A_1532, %and3A_1540 : i32
      %broadcast_in_dim3A_1542 = vector.broadcast %and3A_1541 : i32 to vector<16xi32>
      %broadcast_in_dim3A_1543 = vector.broadcast %add3A_1536 : i32 to vector<16xi32>
      %add3A_1544 = arith.constant 0 : i32
      %add3A_1545 = vector.broadcast %add3A_1544 : i32 to vector<16xi32>
      %add3A_1546 = arith.addi %iota3A, %add3A_1545 : vector<16xi32>
      %gather3A_1547 = arith.constant 0 : i32
      %gather3A_1548 = arith.constant 0 : i32
      %gather3A_1549 = arith.constant 0 : i32
      %gather3A_1550 = tpu.memref_slice %arg8[%gather3A_1547, %gather3A_1548, %gather3A_1549] : memref<4x64x128xf32, #tpu.memory_space<vmem>> -> memref<1x64x128xf32, #tpu.memory_space<vmem>>
      %gather3A_1551 = tpu.memref_squeeze %gather3A_1550 : memref<1x64x128xf32, #tpu.memory_space<vmem>> -> memref<64x128xf32, #tpu.memory_space<vmem>>
      %gather3A_1552 = tpu.vector_load_idx %gather3A_1551[%add3A_1546, %broadcast_in_dim3A_1539] : memref<64x128xf32, #tpu.memory_space<vmem>>[vector<16xi32>, vector<16xi32>], vector<16xf32>,
      %gather3A_1553 = arith.constant 0 : i32
      %gather3A_1554 = arith.constant 0 : i32
      %gather3A_1555 = arith.constant 0 : i32
      %gather3A_1556 = tpu.memref_slice %arg9[%gather3A_1553, %gather3A_1554, %gather3A_1555] : memref<4x64x128xf32, #tpu.memory_space<vmem>> -> memref<1x64x128xf32, #tpu.memory_space<vmem>>
      %gather3A_1557 = tpu.memref_squeeze %gather3A_1556 : memref<1x64x128xf32, #tpu.memory_space<vmem>> -> memref<64x128xf32, #tpu.memory_space<vmem>>
      %gather3A_1558 = tpu.vector_load_idx %gather3A_1557[%add3A_1546, %broadcast_in_dim3A_1542] : memref<64x128xf32, #tpu.memory_space<vmem>>[vector<16xi32>, vector<16xi32>], vector<16xf32>,
      %mul3A_1559 = arith.mulf %gather3A_1552, %gather3A_1558 : vector<16xf32>
      tpu.vector_store_idx %arg10[%add3A_1546, %broadcast_in_dim3A_1543], %mul3A_1559 : memref<64x512xf32, #tpu.memory_space<vmem>>[vector<16xi32>, vector<16xi32>], vector<16xf32>,
      %add3A_1560 = arith.constant 16 : i32
      %add3A_1561 = vector.broadcast %add3A_1560 : i32 to vector<16xi32>
      %add3A_1562 = arith.addi %iota3A, %add3A_1561 : vector<16xi32>
      %gather3A_1563 = arith.constant 0 : i32
      %gather3A_1564 = arith.constant 0 : i32
      %gather3A_1565 = arith.constant 0 : i32
      %gather3A_1566 = tpu.memref_slice %arg8[%gather3A_1563, %gather3A_1564, %gather3A_1565] : memref<4x64x128xf32, #tpu.memory_space<vmem>> -> memref<1x64x128xf32, #tpu.memory_space<vmem>>
      %gather3A_1567 = tpu.memref_squeeze %gather3A_1566 : memref<1x64x128xf32, #tpu.memory_space<vmem>> -> memref<64x128xf32, #tpu.memory_space<vmem>>
      %gather3A_1568 = tpu.vector_load_idx %gather3A_1567[%add3A_1562, %broadcast_in_dim3A_1539] : memref<64x128xf32, #tpu.memory_space<vmem>>[vector<16xi32>, vector<16xi32>], vector<16xf32>,
      %gather3A_1569 = arith.constant 0 : i32
      %gather3A_1570 = arith.constant 0 : i32
      %gather3A_1571 = arith.constant 0 : i32
      %gather3A_1572 = tpu.memref_slice %arg9[%gather3A_1569, %gather3A_1570, %gather3A_1571] : memref<4x64x128xf32, #tpu.memory_space<vmem>> -> memref<1x64x128xf32, #tpu.memory_space<vmem>>
      %gather3A_1573 = tpu.memref_squeeze %gather3A_1572 : memref<1x64x128xf32, #tpu.memory_space<vmem>> -> memref<64x128xf32, #tpu.memory_space<vmem>>
      %gather3A_1574 = tpu.vector_load_idx %gather3A_1573[%add3A_1562, %broadcast_in_dim3A_1542] : memref<64x128xf32, #tpu.memory_space<vmem>>[vector<16xi32>, vector<16xi32>], vector<16xf32>,
      %mul3A_1575 = arith.mulf %gather3A_1568, %gather3A_1574 : vector<16xf32>
      tpu.vector_store_idx %arg10[%add3A_1562, %broadcast_in_dim3A_1543], %mul3A_1575 : memref<64x512xf32, #tpu.memory_space<vmem>>[vector<16xi32>, vector<16xi32>], vector<16xf32>,
      %add3A_1576 = arith.constant 32 : i32
      %add3A_1577 = vector.broadcast %add3A_1576 : i32 to vector<16xi32>
      %add3A_1578 = arith.addi %iota3A, %add3A_1577 : vector<16xi32>
      %gather3A_1579 = arith.constant 0 : i32
      %gather3A_1580 = arith.constant 0 : i32
      %gather3A_1581 = arith.constant 0 : i32
      %gather3A_1582 = tpu.memref_slice %arg8[%gather3A_1579, %gather3A_1580, %gather3A_1581] : memref<4x64x128xf32, #tpu.memory_space<vmem>> -> memref<1x64x128xf32, #tpu.memory_space<vmem>>
      %gather3A_1583 = tpu.memref_squeeze %gather3A_1582 : memref<1x64x128xf32, #tpu.memory_space<vmem>> -> memref<64x128xf32, #tpu.memory_space<vmem>>
      %gather3A_1584 = tpu.vector_load_idx %gather3A_1583[%add3A_1578, %broadcast_in_dim3A_1539] : memref<64x128xf32, #tpu.memory_space<vmem>>[vector<16xi32>, vector<16xi32>], vector<16xf32>,
      %gather3A_1585 = arith.constant 0 : i32
      %gather3A_1586 = arith.constant 0 : i32
      %gather3A_1587 = arith.constant 0 : i32
      %gather3A_1588 = tpu.memref_slice %arg9[%gather3A_1585, %gather3A_1586, %gather3A_1587] : memref<4x64x128xf32, #tpu.memory_space<vmem>> -> memref<1x64x128xf32, #tpu.memory_space<vmem>>
      %gather3A_1589 = tpu.memref_squeeze %gather3A_1588 : memref<1x64x128xf32, #tpu.memory_space<vmem>> -> memref<64x128xf32, #tpu.memory_space<vmem>>
      %gather3A_1590 = tpu.vector_load_idx %gather3A_1589[%add3A_1578, %broadcast_in_dim3A_1542] : memref<64x128xf32, #tpu.memory_space<vmem>>[vector<16xi32>, vector<16xi32>], vector<16xf32>,
      %mul3A_1591 = arith.mulf %gather3A_1584, %gather3A_1590 : vector<16xf32>
      tpu.vector_store_idx %arg10[%add3A_1578, %broadcast_in_dim3A_1543], %mul3A_1591 : memref<64x512xf32, #tpu.memory_space<vmem>>[vector<16xi32>, vector<16xi32>], vector<16xf32>,
      %add3A_1592 = arith.constant 48 : i32
      %add3A_1593 = vector.broadcast %add3A_1592 : i32 to vector<16xi32>
      %add3A_1594 = arith.addi %iota3A, %add3A_1593 : vector<16xi32>
      %gather3A_1595 = arith.constant 0 : i32
      %gather3A_1596 = arith.constant 0 : i32
      %gather3A_1597 = arith.constant 0 : i32
      %gather3A_1598 = tpu.memref_slice %arg8[%gather3A_1595, %gather3A_1596, %gather3A_1597] : memref<4x64x128xf32, #tpu.memory_space<vmem>> -> memref<1x64x128xf32, #tpu.memory_space<vmem>>
      %gather3A_1599 = tpu.memref_squeeze %gather3A_1598 : memref<1x64x128xf32, #tpu.memory_space<vmem>> -> memref<64x128xf32, #tpu.memory_space<vmem>>
      %gather3A_1600 = tpu.vector_load_idx %gather3A_1599[%add3A_1594, %broadcast_in_dim3A_1539] : memref<64x128xf32, #tpu.memory_space<vmem>>[vector<16xi32>, vector<16xi32>], vector<16xf32>,
      %gather3A_1601 = arith.constant 0 : i32
      %gather3A_1602 = arith.constant 0 : i32
      %gather3A_1603 = arith.constant 0 : i32
      %gather3A_1604 = tpu.memref_slice %arg9[%gather3A_1601, %gather3A_1602, %gather3A_1603] : memref<4x64x128xf32, #tpu.memory_space<vmem>> -> memref<1x64x128xf32, #tpu.memory_space<vmem>>
      %gather3A_1605 = tpu.memref_squeeze %gather3A_1604 : memref<1x64x128xf32, #tpu.memory_space<vmem>> -> memref<64x128xf32, #tpu.memory_space<vmem>>
      %gather3A_1606 = tpu.vector_load_idx %gather3A_1605[%add3A_1594, %broadcast_in_dim3A_1542] : memref<64x128xf32, #tpu.memory_space<vmem>>[vector<16xi32>, vector<16xi32>], vector<16xf32>,
      %mul3A_1607 = arith.mulf %gather3A_1600, %gather3A_1606 : vector<16xf32>
      tpu.vector_store_idx %arg10[%add3A_1594, %broadcast_in_dim3A_1543], %mul3A_1607 : memref<64x512xf32, #tpu.memory_space<vmem>>[vector<16xi32>, vector<16xi32>], vector<16xf32>,
      %slice3A_1608 = vector.extract_strided_slice %get3A_149 {offsets = [12], sizes = [1], strides = [1]} : vector<16xi32> to vector<1xi32>
      %squeeze3A_1609 = vector.extract %slice3A_1608[0] : i32 from vector<1xi32>
      %slice3A_1610 = vector.extract_strided_slice %get3A_153 {offsets = [12], sizes = [1], strides = [1]} : vector<16xi32> to vector<1xi32>
      %squeeze3A_1611 = vector.extract %slice3A_1610[0] : i32 from vector<1xi32>
      %shift_right_arithmetic3A_1612 = arith.constant 7 : i32
      %shift_right_arithmetic3A_1613 = arith.shrsi %squeeze3A_1609, %shift_right_arithmetic3A_1612 : i32
      %mul3A_1614 = arith.constant 128 : i32
      %mul3A_1615 = arith.muli %shift_right_arithmetic3A_1613, %mul3A_1614 : i32
      %multiple_of3A_1616 = tpu.assume_multiple %mul3A_1615, 128 : i32
      %shift_right_arithmetic3A_1617 = arith.constant 7 : i32
      %shift_right_arithmetic3A_1618 = arith.shrsi %squeeze3A_1611, %shift_right_arithmetic3A_1617 : i32
      %mul3A_1619 = arith.constant 128 : i32
      %mul3A_1620 = arith.muli %shift_right_arithmetic3A_1618, %mul3A_1619 : i32
      %multiple_of3A_1621 = tpu.assume_multiple %mul3A_1620, 128 : i32
      %dma_start3A_1622 = arith.constant 0 : i32
      %dma_start3A_1623 = arith.constant 0 : i32
      %dma_start3A_1624 = arith.constant 0 : i32
      %dma_start3A_1625 = arith.constant 0 : i32
      %dma_start3A_1626 = tpu.memref_slice %arg8[%dma_start3A_1622, %dma_start3A_1624, %dma_start3A_1625] : memref<4x64x128xf32, #tpu.memory_space<vmem>> -> memref<1x64x128xf32, #tpu.memory_space<vmem>>
      %dma_start3A_1627 = tpu.memref_squeeze %dma_start3A_1626 : memref<1x64x128xf32, #tpu.memory_space<vmem>> -> memref<64x128xf32, #tpu.memory_space<vmem>>
      %dma_start3A_1628 = arith.constant 0 : i32
      %dma_start3A_1629 = tpu.memref_slice %arg2[%dma_start3A_1628, %multiple_of3A_1616] : memref<64x1000000xf32, #tpu.memory_space<hbm>> -> memref<64x128xf32, #tpu.memory_space<hbm>>
      %dma_start3A_1630 = tpu.memref_slice %arg11[%dma_start3A_1623] : memref<4x!tpu.dma_semaphore, #tpu.memory_space<semaphore_mem>> -> memref<1x!tpu.dma_semaphore, #tpu.memory_space<semaphore_mem>>
      %dma_start3A_1631 = tpu.memref_squeeze %dma_start3A_1630 : memref<1x!tpu.dma_semaphore, #tpu.memory_space<semaphore_mem>> -> memref<!tpu.dma_semaphore, #tpu.memory_space<semaphore_mem>>
      %dma_start3A_1632 = arith.constant 0 : i32
      %dma_start3A_1633 = arith.constant 0 : i32
      %dma_start3A_1634 = tpu.memref_slice %arg8[%dma_start3A_1622, %dma_start3A_1632, %dma_start3A_1633] : memref<4x64x128xf32, #tpu.memory_space<vmem>> -> memref<1x64x128xf32, #tpu.memory_space<vmem>>
      %dma_start3A_1635 = tpu.memref_squeeze %dma_start3A_1634 : memref<1x64x128xf32, #tpu.memory_space<vmem>> -> memref<64x128xf32, #tpu.memory_space<vmem>>
      %dma_start3A_1636 = arith.constant 0 : i32
      %dma_start3A_1637 = tpu.memref_slice %arg2[%dma_start3A_1636, %multiple_of3A_1616] : memref<64x1000000xf32, #tpu.memory_space<hbm>> -> memref<64x128xf32, #tpu.memory_space<hbm>>
      tpu.enqueue_dma source(%dma_start3A_1637 : memref<64x128xf32, #tpu.memory_space<hbm>>) target(%dma_start3A_1635 : memref<64x128xf32, #tpu.memory_space<vmem>>) target_semaphore(%dma_start3A_1631 : memref<!tpu.dma_semaphore, #tpu.memory_space<semaphore_mem>>)
      %dma_start3A_1638 = arith.constant 0 : i32
      %dma_start3A_1639 = arith.constant 0 : i32
      %dma_start3A_1640 = arith.constant 0 : i32
      %dma_start3A_1641 = arith.constant 0 : i32
      %dma_start3A_1642 = tpu.memref_slice %arg9[%dma_start3A_1638, %dma_start3A_1640, %dma_start3A_1641] : memref<4x64x128xf32, #tpu.memory_space<vmem>> -> memref<1x64x128xf32, #tpu.memory_space<vmem>>
      %dma_start3A_1643 = tpu.memref_squeeze %dma_start3A_1642 : memref<1x64x128xf32, #tpu.memory_space<vmem>> -> memref<64x128xf32, #tpu.memory_space<vmem>>
      %dma_start3A_1644 = arith.constant 0 : i32
      %dma_start3A_1645 = tpu.memref_slice %arg3[%dma_start3A_1644, %multiple_of3A_1621] : memref<64x1000000xf32, #tpu.memory_space<hbm>> -> memref<64x128xf32, #tpu.memory_space<hbm>>
      %dma_start3A_1646 = tpu.memref_slice %arg12[%dma_start3A_1639] : memref<4x!tpu.dma_semaphore, #tpu.memory_space<semaphore_mem>> -> memref<1x!tpu.dma_semaphore, #tpu.memory_space<semaphore_mem>>
      %dma_start3A_1647 = tpu.memref_squeeze %dma_start3A_1646 : memref<1x!tpu.dma_semaphore, #tpu.memory_space<semaphore_mem>> -> memref<!tpu.dma_semaphore, #tpu.memory_space<semaphore_mem>>
      %dma_start3A_1648 = arith.constant 0 : i32
      %dma_start3A_1649 = arith.constant 0 : i32
      %dma_start3A_1650 = tpu.memref_slice %arg9[%dma_start3A_1638, %dma_start3A_1648, %dma_start3A_1649] : memref<4x64x128xf32, #tpu.memory_space<vmem>> -> memref<1x64x128xf32, #tpu.memory_space<vmem>>
      %dma_start3A_1651 = tpu.memref_squeeze %dma_start3A_1650 : memref<1x64x128xf32, #tpu.memory_space<vmem>> -> memref<64x128xf32, #tpu.memory_space<vmem>>
      %dma_start3A_1652 = arith.constant 0 : i32
      %dma_start3A_1653 = tpu.memref_slice %arg3[%dma_start3A_1652, %multiple_of3A_1621] : memref<64x1000000xf32, #tpu.memory_space<hbm>> -> memref<64x128xf32, #tpu.memory_space<hbm>>
      tpu.enqueue_dma source(%dma_start3A_1653 : memref<64x128xf32, #tpu.memory_space<hbm>>) target(%dma_start3A_1651 : memref<64x128xf32, #tpu.memory_space<vmem>>) target_semaphore(%dma_start3A_1647 : memref<!tpu.dma_semaphore, #tpu.memory_space<semaphore_mem>>)
      %dma_wait3A_1654 = arith.constant 1 : i32
      %dma_wait3A_1655 = arith.constant 1 : i32
      %dma_wait3A_1656 = arith.constant 0 : i32
      %dma_wait3A_1657 = arith.constant 0 : i32
      %dma_wait3A_1658 = tpu.memref_slice %arg8[%dma_wait3A_1654, %dma_wait3A_1656, %dma_wait3A_1657] : memref<4x64x128xf32, #tpu.memory_space<vmem>> -> memref<1x64x128xf32, #tpu.memory_space<vmem>>
      %dma_wait3A_1659 = tpu.memref_squeeze %dma_wait3A_1658 : memref<1x64x128xf32, #tpu.memory_space<vmem>> -> memref<64x128xf32, #tpu.memory_space<vmem>>
      %dma_wait3A_1660 = arith.constant 0 : i32
      %dma_wait3A_1661 = arith.constant 0 : i32
      %dma_wait3A_1662 = tpu.memref_slice %arg2[%dma_wait3A_1660, %dma_wait3A_1661] : memref<64x1000000xf32, #tpu.memory_space<hbm>> -> memref<64x128xf32, #tpu.memory_space<hbm>>
      %dma_wait3A_1663 = tpu.memref_slice %arg11[%dma_wait3A_1655] : memref<4x!tpu.dma_semaphore, #tpu.memory_space<semaphore_mem>> -> memref<1x!tpu.dma_semaphore, #tpu.memory_space<semaphore_mem>>
      %dma_wait3A_1664 = tpu.memref_squeeze %dma_wait3A_1663 : memref<1x!tpu.dma_semaphore, #tpu.memory_space<semaphore_mem>> -> memref<!tpu.dma_semaphore, #tpu.memory_space<semaphore_mem>>
      %dma_wait3A_1665 = arith.constant 0 : i32
      %dma_wait3A_1666 = arith.constant 0 : i32
      %dma_wait3A_1667 = tpu.memref_slice %arg8[%dma_wait3A_1654, %dma_wait3A_1665, %dma_wait3A_1666] : memref<4x64x128xf32, #tpu.memory_space<vmem>> -> memref<1x64x128xf32, #tpu.memory_space<vmem>>
      %dma_wait3A_1668 = tpu.memref_squeeze %dma_wait3A_1667 : memref<1x64x128xf32, #tpu.memory_space<vmem>> -> memref<64x128xf32, #tpu.memory_space<vmem>>
      %dma_wait3A_1669 = arith.constant 0 : i32
      %dma_wait3A_1670 = arith.constant 0 : i32
      %dma_wait3A_1671 = tpu.memref_slice %arg2[%dma_wait3A_1669, %dma_wait3A_1670] : memref<64x1000000xf32, #tpu.memory_space<hbm>> -> memref<64x128xf32, #tpu.memory_space<hbm>>
      tpu.wait_dma2 semaphore(%dma_wait3A_1664 : memref<!tpu.dma_semaphore, #tpu.memory_space<semaphore_mem>>) src(%dma_wait3A_1671 : memref<64x128xf32, #tpu.memory_space<hbm>>) dst(%dma_wait3A_1668 : memref<64x128xf32, #tpu.memory_space<vmem>>)
      %dma_wait3A_1672 = arith.constant 1 : i32
      %dma_wait3A_1673 = arith.constant 1 : i32
      %dma_wait3A_1674 = arith.constant 0 : i32
      %dma_wait3A_1675 = arith.constant 0 : i32
      %dma_wait3A_1676 = tpu.memref_slice %arg9[%dma_wait3A_1672, %dma_wait3A_1674, %dma_wait3A_1675] : memref<4x64x128xf32, #tpu.memory_space<vmem>> -> memref<1x64x128xf32, #tpu.memory_space<vmem>>
      %dma_wait3A_1677 = tpu.memref_squeeze %dma_wait3A_1676 : memref<1x64x128xf32, #tpu.memory_space<vmem>> -> memref<64x128xf32, #tpu.memory_space<vmem>>
      %dma_wait3A_1678 = arith.constant 0 : i32
      %dma_wait3A_1679 = arith.constant 0 : i32
      %dma_wait3A_1680 = tpu.memref_slice %arg3[%dma_wait3A_1678, %dma_wait3A_1679] : memref<64x1000000xf32, #tpu.memory_space<hbm>> -> memref<64x128xf32, #tpu.memory_space<hbm>>
      %dma_wait3A_1681 = tpu.memref_slice %arg12[%dma_wait3A_1673] : memref<4x!tpu.dma_semaphore, #tpu.memory_space<semaphore_mem>> -> memref<1x!tpu.dma_semaphore, #tpu.memory_space<semaphore_mem>>
      %dma_wait3A_1682 = tpu.memref_squeeze %dma_wait3A_1681 : memref<1x!tpu.dma_semaphore, #tpu.memory_space<semaphore_mem>> -> memref<!tpu.dma_semaphore, #tpu.memory_space<semaphore_mem>>
      %dma_wait3A_1683 = arith.constant 0 : i32
      %dma_wait3A_1684 = arith.constant 0 : i32
      %dma_wait3A_1685 = tpu.memref_slice %arg9[%dma_wait3A_1672, %dma_wait3A_1683, %dma_wait3A_1684] : memref<4x64x128xf32, #tpu.memory_space<vmem>> -> memref<1x64x128xf32, #tpu.memory_space<vmem>>
      %dma_wait3A_1686 = tpu.memref_squeeze %dma_wait3A_1685 : memref<1x64x128xf32, #tpu.memory_space<vmem>> -> memref<64x128xf32, #tpu.memory_space<vmem>>
      %dma_wait3A_1687 = arith.constant 0 : i32
      %dma_wait3A_1688 = arith.constant 0 : i32
      %dma_wait3A_1689 = tpu.memref_slice %arg3[%dma_wait3A_1687, %dma_wait3A_1688] : memref<64x1000000xf32, #tpu.memory_space<hbm>> -> memref<64x128xf32, #tpu.memory_space<hbm>>
      tpu.wait_dma2 semaphore(%dma_wait3A_1682 : memref<!tpu.dma_semaphore, #tpu.memory_space<semaphore_mem>>) src(%dma_wait3A_1689 : memref<64x128xf32, #tpu.memory_space<hbm>>) dst(%dma_wait3A_1686 : memref<64x128xf32, #tpu.memory_space<vmem>>)
      %slice3A_1690 = vector.extract_strided_slice %get3A_149 {offsets = [9], sizes = [1], strides = [1]} : vector<16xi32> to vector<1xi32>
      %squeeze3A_1691 = vector.extract %slice3A_1690[0] : i32 from vector<1xi32>
      %slice3A_1692 = vector.extract_strided_slice %get3A_153 {offsets = [9], sizes = [1], strides = [1]} : vector<16xi32> to vector<1xi32>
      %squeeze3A_1693 = vector.extract %slice3A_1692[0] : i32 from vector<1xi32>
      %mul3A_1694 = arith.constant 16 : i32
      %mul3A_1695 = arith.muli %scan3A_145, %mul3A_1694 : i32
      %add3A_1696 = arith.constant 9 : i32
      %add3A_1697 = arith.addi %mul3A_1695, %add3A_1696 : i32
      %and3A_1698 = arith.constant 127 : i32
      %and3A_1699 = arith.andi %squeeze3A_1691, %and3A_1698 : i32
      %broadcast_in_dim3A_1700 = vector.broadcast %and3A_1699 : i32 to vector<16xi32>
      %and3A_1701 = arith.constant 127 : i32
      %and3A_1702 = arith.andi %squeeze3A_1693, %and3A_1701 : i32
      %broadcast_in_dim3A_1703 = vector.broadcast %and3A_1702 : i32 to vector<16xi32>
      %broadcast_in_dim3A_1704 = vector.broadcast %add3A_1697 : i32 to vector<16xi32>
      %add3A_1705 = arith.constant 0 : i32
      %add3A_1706 = vector.broadcast %add3A_1705 : i32 to vector<16xi32>
      %add3A_1707 = arith.addi %iota3A, %add3A_1706 : vector<16xi32>
      %gather3A_1708 = arith.constant 1 : i32
      %gather3A_1709 = arith.constant 0 : i32
      %gather3A_1710 = arith.constant 0 : i32
      %gather3A_1711 = tpu.memref_slice %arg8[%gather3A_1708, %gather3A_1709, %gather3A_1710] : memref<4x64x128xf32, #tpu.memory_space<vmem>> -> memref<1x64x128xf32, #tpu.memory_space<vmem>>
      %gather3A_1712 = tpu.memref_squeeze %gather3A_1711 : memref<1x64x128xf32, #tpu.memory_space<vmem>> -> memref<64x128xf32, #tpu.memory_space<vmem>>
      %gather3A_1713 = tpu.vector_load_idx %gather3A_1712[%add3A_1707, %broadcast_in_dim3A_1700] : memref<64x128xf32, #tpu.memory_space<vmem>>[vector<16xi32>, vector<16xi32>], vector<16xf32>,
      %gather3A_1714 = arith.constant 1 : i32
      %gather3A_1715 = arith.constant 0 : i32
      %gather3A_1716 = arith.constant 0 : i32
      %gather3A_1717 = tpu.memref_slice %arg9[%gather3A_1714, %gather3A_1715, %gather3A_1716] : memref<4x64x128xf32, #tpu.memory_space<vmem>> -> memref<1x64x128xf32, #tpu.memory_space<vmem>>
      %gather3A_1718 = tpu.memref_squeeze %gather3A_1717 : memref<1x64x128xf32, #tpu.memory_space<vmem>> -> memref<64x128xf32, #tpu.memory_space<vmem>>
      %gather3A_1719 = tpu.vector_load_idx %gather3A_1718[%add3A_1707, %broadcast_in_dim3A_1703] : memref<64x128xf32, #tpu.memory_space<vmem>>[vector<16xi32>, vector<16xi32>], vector<16xf32>,
      %mul3A_1720 = arith.mulf %gather3A_1713, %gather3A_1719 : vector<16xf32>
      tpu.vector_store_idx %arg10[%add3A_1707, %broadcast_in_dim3A_1704], %mul3A_1720 : memref<64x512xf32, #tpu.memory_space<vmem>>[vector<16xi32>, vector<16xi32>], vector<16xf32>,
      %add3A_1721 = arith.constant 16 : i32
      %add3A_1722 = vector.broadcast %add3A_1721 : i32 to vector<16xi32>
      %add3A_1723 = arith.addi %iota3A, %add3A_1722 : vector<16xi32>
      %gather3A_1724 = arith.constant 1 : i32
      %gather3A_1725 = arith.constant 0 : i32
      %gather3A_1726 = arith.constant 0 : i32
      %gather3A_1727 = tpu.memref_slice %arg8[%gather3A_1724, %gather3A_1725, %gather3A_1726] : memref<4x64x128xf32, #tpu.memory_space<vmem>> -> memref<1x64x128xf32, #tpu.memory_space<vmem>>
      %gather3A_1728 = tpu.memref_squeeze %gather3A_1727 : memref<1x64x128xf32, #tpu.memory_space<vmem>> -> memref<64x128xf32, #tpu.memory_space<vmem>>
      %gather3A_1729 = tpu.vector_load_idx %gather3A_1728[%add3A_1723, %broadcast_in_dim3A_1700] : memref<64x128xf32, #tpu.memory_space<vmem>>[vector<16xi32>, vector<16xi32>], vector<16xf32>,
      %gather3A_1730 = arith.constant 1 : i32
      %gather3A_1731 = arith.constant 0 : i32
      %gather3A_1732 = arith.constant 0 : i32
      %gather3A_1733 = tpu.memref_slice %arg9[%gather3A_1730, %gather3A_1731, %gather3A_1732] : memref<4x64x128xf32, #tpu.memory_space<vmem>> -> memref<1x64x128xf32, #tpu.memory_space<vmem>>
      %gather3A_1734 = tpu.memref_squeeze %gather3A_1733 : memref<1x64x128xf32, #tpu.memory_space<vmem>> -> memref<64x128xf32, #tpu.memory_space<vmem>>
      %gather3A_1735 = tpu.vector_load_idx %gather3A_1734[%add3A_1723, %broadcast_in_dim3A_1703] : memref<64x128xf32, #tpu.memory_space<vmem>>[vector<16xi32>, vector<16xi32>], vector<16xf32>,
      %mul3A_1736 = arith.mulf %gather3A_1729, %gather3A_1735 : vector<16xf32>
      tpu.vector_store_idx %arg10[%add3A_1723, %broadcast_in_dim3A_1704], %mul3A_1736 : memref<64x512xf32, #tpu.memory_space<vmem>>[vector<16xi32>, vector<16xi32>], vector<16xf32>,
      %add3A_1737 = arith.constant 32 : i32
      %add3A_1738 = vector.broadcast %add3A_1737 : i32 to vector<16xi32>
      %add3A_1739 = arith.addi %iota3A, %add3A_1738 : vector<16xi32>
      %gather3A_1740 = arith.constant 1 : i32
      %gather3A_1741 = arith.constant 0 : i32
      %gather3A_1742 = arith.constant 0 : i32
      %gather3A_1743 = tpu.memref_slice %arg8[%gather3A_1740, %gather3A_1741, %gather3A_1742] : memref<4x64x128xf32, #tpu.memory_space<vmem>> -> memref<1x64x128xf32, #tpu.memory_space<vmem>>
      %gather3A_1744 = tpu.memref_squeeze %gather3A_1743 : memref<1x64x128xf32, #tpu.memory_space<vmem>> -> memref<64x128xf32, #tpu.memory_space<vmem>>
      %gather3A_1745 = tpu.vector_load_idx %gather3A_1744[%add3A_1739, %broadcast_in_dim3A_1700] : memref<64x128xf32, #tpu.memory_space<vmem>>[vector<16xi32>, vector<16xi32>], vector<16xf32>,
      %gather3A_1746 = arith.constant 1 : i32
      %gather3A_1747 = arith.constant 0 : i32
      %gather3A_1748 = arith.constant 0 : i32
      %gather3A_1749 = tpu.memref_slice %arg9[%gather3A_1746, %gather3A_1747, %gather3A_1748] : memref<4x64x128xf32, #tpu.memory_space<vmem>> -> memref<1x64x128xf32, #tpu.memory_space<vmem>>
      %gather3A_1750 = tpu.memref_squeeze %gather3A_1749 : memref<1x64x128xf32, #tpu.memory_space<vmem>> -> memref<64x128xf32, #tpu.memory_space<vmem>>
      %gather3A_1751 = tpu.vector_load_idx %gather3A_1750[%add3A_1739, %broadcast_in_dim3A_1703] : memref<64x128xf32, #tpu.memory_space<vmem>>[vector<16xi32>, vector<16xi32>], vector<16xf32>,
      %mul3A_1752 = arith.mulf %gather3A_1745, %gather3A_1751 : vector<16xf32>
      tpu.vector_store_idx %arg10[%add3A_1739, %broadcast_in_dim3A_1704], %mul3A_1752 : memref<64x512xf32, #tpu.memory_space<vmem>>[vector<16xi32>, vector<16xi32>], vector<16xf32>,
      %add3A_1753 = arith.constant 48 : i32
      %add3A_1754 = vector.broadcast %add3A_1753 : i32 to vector<16xi32>
      %add3A_1755 = arith.addi %iota3A, %add3A_1754 : vector<16xi32>
      %gather3A_1756 = arith.constant 1 : i32
      %gather3A_1757 = arith.constant 0 : i32
      %gather3A_1758 = arith.constant 0 : i32
      %gather3A_1759 = tpu.memref_slice %arg8[%gather3A_1756, %gather3A_1757, %gather3A_1758] : memref<4x64x128xf32, #tpu.memory_space<vmem>> -> memref<1x64x128xf32, #tpu.memory_space<vmem>>
      %gather3A_1760 = tpu.memref_squeeze %gather3A_1759 : memref<1x64x128xf32, #tpu.memory_space<vmem>> -> memref<64x128xf32, #tpu.memory_space<vmem>>
      %gather3A_1761 = tpu.vector_load_idx %gather3A_1760[%add3A_1755, %broadcast_in_dim3A_1700] : memref<64x128xf32, #tpu.memory_space<vmem>>[vector<16xi32>, vector<16xi32>], vector<16xf32>,
      %gather3A_1762 = arith.constant 1 : i32
      %gather3A_1763 = arith.constant 0 : i32
      %gather3A_1764 = arith.constant 0 : i32
      %gather3A_1765 = tpu.memref_slice %arg9[%gather3A_1762, %gather3A_1763, %gather3A_1764] : memref<4x64x128xf32, #tpu.memory_space<vmem>> -> memref<1x64x128xf32, #tpu.memory_space<vmem>>
      %gather3A_1766 = tpu.memref_squeeze %gather3A_1765 : memref<1x64x128xf32, #tpu.memory_space<vmem>> -> memref<64x128xf32, #tpu.memory_space<vmem>>
      %gather3A_1767 = tpu.vector_load_idx %gather3A_1766[%add3A_1755, %broadcast_in_dim3A_1703] : memref<64x128xf32, #tpu.memory_space<vmem>>[vector<16xi32>, vector<16xi32>], vector<16xf32>,
      %mul3A_1768 = arith.mulf %gather3A_1761, %gather3A_1767 : vector<16xf32>
      tpu.vector_store_idx %arg10[%add3A_1755, %broadcast_in_dim3A_1704], %mul3A_1768 : memref<64x512xf32, #tpu.memory_space<vmem>>[vector<16xi32>, vector<16xi32>], vector<16xf32>,
      %slice3A_1769 = vector.extract_strided_slice %get3A_149 {offsets = [13], sizes = [1], strides = [1]} : vector<16xi32> to vector<1xi32>
      %squeeze3A_1770 = vector.extract %slice3A_1769[0] : i32 from vector<1xi32>
      %slice3A_1771 = vector.extract_strided_slice %get3A_153 {offsets = [13], sizes = [1], strides = [1]} : vector<16xi32> to vector<1xi32>
      %squeeze3A_1772 = vector.extract %slice3A_1771[0] : i32 from vector<1xi32>
      %shift_right_arithmetic3A_1773 = arith.constant 7 : i32
      %shift_right_arithmetic3A_1774 = arith.shrsi %squeeze3A_1770, %shift_right_arithmetic3A_1773 : i32
      %mul3A_1775 = arith.constant 128 : i32
      %mul3A_1776 = arith.muli %shift_right_arithmetic3A_1774, %mul3A_1775 : i32
      %multiple_of3A_1777 = tpu.assume_multiple %mul3A_1776, 128 : i32
      %shift_right_arithmetic3A_1778 = arith.constant 7 : i32
      %shift_right_arithmetic3A_1779 = arith.shrsi %squeeze3A_1772, %shift_right_arithmetic3A_1778 : i32
      %mul3A_1780 = arith.constant 128 : i32
      %mul3A_1781 = arith.muli %shift_right_arithmetic3A_1779, %mul3A_1780 : i32
      %multiple_of3A_1782 = tpu.assume_multiple %mul3A_1781, 128 : i32
      %dma_start3A_1783 = arith.constant 1 : i32
      %dma_start3A_1784 = arith.constant 1 : i32
      %dma_start3A_1785 = arith.constant 0 : i32
      %dma_start3A_1786 = arith.constant 0 : i32
      %dma_start3A_1787 = tpu.memref_slice %arg8[%dma_start3A_1783, %dma_start3A_1785, %dma_start3A_1786] : memref<4x64x128xf32, #tpu.memory_space<vmem>> -> memref<1x64x128xf32, #tpu.memory_space<vmem>>
      %dma_start3A_1788 = tpu.memref_squeeze %dma_start3A_1787 : memref<1x64x128xf32, #tpu.memory_space<vmem>> -> memref<64x128xf32, #tpu.memory_space<vmem>>
      %dma_start3A_1789 = arith.constant 0 : i32
      %dma_start3A_1790 = tpu.memref_slice %arg2[%dma_start3A_1789, %multiple_of3A_1777] : memref<64x1000000xf32, #tpu.memory_space<hbm>> -> memref<64x128xf32, #tpu.memory_space<hbm>>
      %dma_start3A_1791 = tpu.memref_slice %arg11[%dma_start3A_1784] : memref<4x!tpu.dma_semaphore, #tpu.memory_space<semaphore_mem>> -> memref<1x!tpu.dma_semaphore, #tpu.memory_space<semaphore_mem>>
      %dma_start3A_1792 = tpu.memref_squeeze %dma_start3A_1791 : memref<1x!tpu.dma_semaphore, #tpu.memory_space<semaphore_mem>> -> memref<!tpu.dma_semaphore, #tpu.memory_space<semaphore_mem>>
      %dma_start3A_1793 = arith.constant 0 : i32
      %dma_start3A_1794 = arith.constant 0 : i32
      %dma_start3A_1795 = tpu.memref_slice %arg8[%dma_start3A_1783, %dma_start3A_1793, %dma_start3A_1794] : memref<4x64x128xf32, #tpu.memory_space<vmem>> -> memref<1x64x128xf32, #tpu.memory_space<vmem>>
      %dma_start3A_1796 = tpu.memref_squeeze %dma_start3A_1795 : memref<1x64x128xf32, #tpu.memory_space<vmem>> -> memref<64x128xf32, #tpu.memory_space<vmem>>
      %dma_start3A_1797 = arith.constant 0 : i32
      %dma_start3A_1798 = tpu.memref_slice %arg2[%dma_start3A_1797, %multiple_of3A_1777] : memref<64x1000000xf32, #tpu.memory_space<hbm>> -> memref<64x128xf32, #tpu.memory_space<hbm>>
      tpu.enqueue_dma source(%dma_start3A_1798 : memref<64x128xf32, #tpu.memory_space<hbm>>) target(%dma_start3A_1796 : memref<64x128xf32, #tpu.memory_space<vmem>>) target_semaphore(%dma_start3A_1792 : memref<!tpu.dma_semaphore, #tpu.memory_space<semaphore_mem>>)
      %dma_start3A_1799 = arith.constant 1 : i32
      %dma_start3A_1800 = arith.constant 1 : i32
      %dma_start3A_1801 = arith.constant 0 : i32
      %dma_start3A_1802 = arith.constant 0 : i32
      %dma_start3A_1803 = tpu.memref_slice %arg9[%dma_start3A_1799, %dma_start3A_1801, %dma_start3A_1802] : memref<4x64x128xf32, #tpu.memory_space<vmem>> -> memref<1x64x128xf32, #tpu.memory_space<vmem>>
      %dma_start3A_1804 = tpu.memref_squeeze %dma_start3A_1803 : memref<1x64x128xf32, #tpu.memory_space<vmem>> -> memref<64x128xf32, #tpu.memory_space<vmem>>
      %dma_start3A_1805 = arith.constant 0 : i32
      %dma_start3A_1806 = tpu.memref_slice %arg3[%dma_start3A_1805, %multiple_of3A_1782] : memref<64x1000000xf32, #tpu.memory_space<hbm>> -> memref<64x128xf32, #tpu.memory_space<hbm>>
      %dma_start3A_1807 = tpu.memref_slice %arg12[%dma_start3A_1800] : memref<4x!tpu.dma_semaphore, #tpu.memory_space<semaphore_mem>> -> memref<1x!tpu.dma_semaphore, #tpu.memory_space<semaphore_mem>>
      %dma_start3A_1808 = tpu.memref_squeeze %dma_start3A_1807 : memref<1x!tpu.dma_semaphore, #tpu.memory_space<semaphore_mem>> -> memref<!tpu.dma_semaphore, #tpu.memory_space<semaphore_mem>>
      %dma_start3A_1809 = arith.constant 0 : i32
      %dma_start3A_1810 = arith.constant 0 : i32
      %dma_start3A_1811 = tpu.memref_slice %arg9[%dma_start3A_1799, %dma_start3A_1809, %dma_start3A_1810] : memref<4x64x128xf32, #tpu.memory_space<vmem>> -> memref<1x64x128xf32, #tpu.memory_space<vmem>>
      %dma_start3A_1812 = tpu.memref_squeeze %dma_start3A_1811 : memref<1x64x128xf32, #tpu.memory_space<vmem>> -> memref<64x128xf32, #tpu.memory_space<vmem>>
      %dma_start3A_1813 = arith.constant 0 : i32
      %dma_start3A_1814 = tpu.memref_slice %arg3[%dma_start3A_1813, %multiple_of3A_1782] : memref<64x1000000xf32, #tpu.memory_space<hbm>> -> memref<64x128xf32, #tpu.memory_space<hbm>>
      tpu.enqueue_dma source(%dma_start3A_1814 : memref<64x128xf32, #tpu.memory_space<hbm>>) target(%dma_start3A_1812 : memref<64x128xf32, #tpu.memory_space<vmem>>) target_semaphore(%dma_start3A_1808 : memref<!tpu.dma_semaphore, #tpu.memory_space<semaphore_mem>>)
      %dma_wait3A_1815 = arith.constant 2 : i32
      %dma_wait3A_1816 = arith.constant 2 : i32
      %dma_wait3A_1817 = arith.constant 0 : i32
      %dma_wait3A_1818 = arith.constant 0 : i32
      %dma_wait3A_1819 = tpu.memref_slice %arg8[%dma_wait3A_1815, %dma_wait3A_1817, %dma_wait3A_1818] : memref<4x64x128xf32, #tpu.memory_space<vmem>> -> memref<1x64x128xf32, #tpu.memory_space<vmem>>
      %dma_wait3A_1820 = tpu.memref_squeeze %dma_wait3A_1819 : memref<1x64x128xf32, #tpu.memory_space<vmem>> -> memref<64x128xf32, #tpu.memory_space<vmem>>
      %dma_wait3A_1821 = arith.constant 0 : i32
      %dma_wait3A_1822 = arith.constant 0 : i32
      %dma_wait3A_1823 = tpu.memref_slice %arg2[%dma_wait3A_1821, %dma_wait3A_1822] : memref<64x1000000xf32, #tpu.memory_space<hbm>> -> memref<64x128xf32, #tpu.memory_space<hbm>>
      %dma_wait3A_1824 = tpu.memref_slice %arg11[%dma_wait3A_1816] : memref<4x!tpu.dma_semaphore, #tpu.memory_space<semaphore_mem>> -> memref<1x!tpu.dma_semaphore, #tpu.memory_space<semaphore_mem>>
      %dma_wait3A_1825 = tpu.memref_squeeze %dma_wait3A_1824 : memref<1x!tpu.dma_semaphore, #tpu.memory_space<semaphore_mem>> -> memref<!tpu.dma_semaphore, #tpu.memory_space<semaphore_mem>>
      %dma_wait3A_1826 = arith.constant 0 : i32
      %dma_wait3A_1827 = arith.constant 0 : i32
      %dma_wait3A_1828 = tpu.memref_slice %arg8[%dma_wait3A_1815, %dma_wait3A_1826, %dma_wait3A_1827] : memref<4x64x128xf32, #tpu.memory_space<vmem>> -> memref<1x64x128xf32, #tpu.memory_space<vmem>>
      %dma_wait3A_1829 = tpu.memref_squeeze %dma_wait3A_1828 : memref<1x64x128xf32, #tpu.memory_space<vmem>> -> memref<64x128xf32, #tpu.memory_space<vmem>>
      %dma_wait3A_1830 = arith.constant 0 : i32
      %dma_wait3A_1831 = arith.constant 0 : i32
      %dma_wait3A_1832 = tpu.memref_slice %arg2[%dma_wait3A_1830, %dma_wait3A_1831] : memref<64x1000000xf32, #tpu.memory_space<hbm>> -> memref<64x128xf32, #tpu.memory_space<hbm>>
      tpu.wait_dma2 semaphore(%dma_wait3A_1825 : memref<!tpu.dma_semaphore, #tpu.memory_space<semaphore_mem>>) src(%dma_wait3A_1832 : memref<64x128xf32, #tpu.memory_space<hbm>>) dst(%dma_wait3A_1829 : memref<64x128xf32, #tpu.memory_space<vmem>>)
      %dma_wait3A_1833 = arith.constant 2 : i32
      %dma_wait3A_1834 = arith.constant 2 : i32
      %dma_wait3A_1835 = arith.constant 0 : i32
      %dma_wait3A_1836 = arith.constant 0 : i32
      %dma_wait3A_1837 = tpu.memref_slice %arg9[%dma_wait3A_1833, %dma_wait3A_1835, %dma_wait3A_1836] : memref<4x64x128xf32, #tpu.memory_space<vmem>> -> memref<1x64x128xf32, #tpu.memory_space<vmem>>
      %dma_wait3A_1838 = tpu.memref_squeeze %dma_wait3A_1837 : memref<1x64x128xf32, #tpu.memory_space<vmem>> -> memref<64x128xf32, #tpu.memory_space<vmem>>
      %dma_wait3A_1839 = arith.constant 0 : i32
      %dma_wait3A_1840 = arith.constant 0 : i32
      %dma_wait3A_1841 = tpu.memref_slice %arg3[%dma_wait3A_1839, %dma_wait3A_1840] : memref<64x1000000xf32, #tpu.memory_space<hbm>> -> memref<64x128xf32, #tpu.memory_space<hbm>>
      %dma_wait3A_1842 = tpu.memref_slice %arg12[%dma_wait3A_1834] : memref<4x!tpu.dma_semaphore, #tpu.memory_space<semaphore_mem>> -> memref<1x!tpu.dma_semaphore, #tpu.memory_space<semaphore_mem>>
      %dma_wait3A_1843 = tpu.memref_squeeze %dma_wait3A_1842 : memref<1x!tpu.dma_semaphore, #tpu.memory_space<semaphore_mem>> -> memref<!tpu.dma_semaphore, #tpu.memory_space<semaphore_mem>>
      %dma_wait3A_1844 = arith.constant 0 : i32
      %dma_wait3A_1845 = arith.constant 0 : i32
      %dma_wait3A_1846 = tpu.memref_slice %arg9[%dma_wait3A_1833, %dma_wait3A_1844, %dma_wait3A_1845] : memref<4x64x128xf32, #tpu.memory_space<vmem>> -> memref<1x64x128xf32, #tpu.memory_space<vmem>>
      %dma_wait3A_1847 = tpu.memref_squeeze %dma_wait3A_1846 : memref<1x64x128xf32, #tpu.memory_space<vmem>> -> memref<64x128xf32, #tpu.memory_space<vmem>>
      %dma_wait3A_1848 = arith.constant 0 : i32
      %dma_wait3A_1849 = arith.constant 0 : i32
      %dma_wait3A_1850 = tpu.memref_slice %arg3[%dma_wait3A_1848, %dma_wait3A_1849] : memref<64x1000000xf32, #tpu.memory_space<hbm>> -> memref<64x128xf32, #tpu.memory_space<hbm>>
      tpu.wait_dma2 semaphore(%dma_wait3A_1843 : memref<!tpu.dma_semaphore, #tpu.memory_space<semaphore_mem>>) src(%dma_wait3A_1850 : memref<64x128xf32, #tpu.memory_space<hbm>>) dst(%dma_wait3A_1847 : memref<64x128xf32, #tpu.memory_space<vmem>>)
      %slice3A_1851 = vector.extract_strided_slice %get3A_149 {offsets = [10], sizes = [1], strides = [1]} : vector<16xi32> to vector<1xi32>
      %squeeze3A_1852 = vector.extract %slice3A_1851[0] : i32 from vector<1xi32>
      %slice3A_1853 = vector.extract_strided_slice %get3A_153 {offsets = [10], sizes = [1], strides = [1]} : vector<16xi32> to vector<1xi32>
      %squeeze3A_1854 = vector.extract %slice3A_1853[0] : i32 from vector<1xi32>
      %mul3A_1855 = arith.constant 16 : i32
      %mul3A_1856 = arith.muli %scan3A_145, %mul3A_1855 : i32
      %add3A_1857 = arith.constant 10 : i32
      %add3A_1858 = arith.addi %mul3A_1856, %add3A_1857 : i32
      %and3A_1859 = arith.constant 127 : i32
      %and3A_1860 = arith.andi %squeeze3A_1852, %and3A_1859 : i32
      %broadcast_in_dim3A_1861 = vector.broadcast %and3A_1860 : i32 to vector<16xi32>
      %and3A_1862 = arith.constant 127 : i32
      %and3A_1863 = arith.andi %squeeze3A_1854, %and3A_1862 : i32
      %broadcast_in_dim3A_1864 = vector.broadcast %and3A_1863 : i32 to vector<16xi32>
      %broadcast_in_dim3A_1865 = vector.broadcast %add3A_1858 : i32 to vector<16xi32>
      %add3A_1866 = arith.constant 0 : i32
      %add3A_1867 = vector.broadcast %add3A_1866 : i32 to vector<16xi32>
      %add3A_1868 = arith.addi %iota3A, %add3A_1867 : vector<16xi32>
      %gather3A_1869 = arith.constant 2 : i32
      %gather3A_1870 = arith.constant 0 : i32
      %gather3A_1871 = arith.constant 0 : i32
      %gather3A_1872 = tpu.memref_slice %arg8[%gather3A_1869, %gather3A_1870, %gather3A_1871] : memref<4x64x128xf32, #tpu.memory_space<vmem>> -> memref<1x64x128xf32, #tpu.memory_space<vmem>>
      %gather3A_1873 = tpu.memref_squeeze %gather3A_1872 : memref<1x64x128xf32, #tpu.memory_space<vmem>> -> memref<64x128xf32, #tpu.memory_space<vmem>>
      %gather3A_1874 = tpu.vector_load_idx %gather3A_1873[%add3A_1868, %broadcast_in_dim3A_1861] : memref<64x128xf32, #tpu.memory_space<vmem>>[vector<16xi32>, vector<16xi32>], vector<16xf32>,
      %gather3A_1875 = arith.constant 2 : i32
      %gather3A_1876 = arith.constant 0 : i32
      %gather3A_1877 = arith.constant 0 : i32
      %gather3A_1878 = tpu.memref_slice %arg9[%gather3A_1875, %gather3A_1876, %gather3A_1877] : memref<4x64x128xf32, #tpu.memory_space<vmem>> -> memref<1x64x128xf32, #tpu.memory_space<vmem>>
      %gather3A_1879 = tpu.memref_squeeze %gather3A_1878 : memref<1x64x128xf32, #tpu.memory_space<vmem>> -> memref<64x128xf32, #tpu.memory_space<vmem>>
      %gather3A_1880 = tpu.vector_load_idx %gather3A_1879[%add3A_1868, %broadcast_in_dim3A_1864] : memref<64x128xf32, #tpu.memory_space<vmem>>[vector<16xi32>, vector<16xi32>], vector<16xf32>,
      %mul3A_1881 = arith.mulf %gather3A_1874, %gather3A_1880 : vector<16xf32>
      tpu.vector_store_idx %arg10[%add3A_1868, %broadcast_in_dim3A_1865], %mul3A_1881 : memref<64x512xf32, #tpu.memory_space<vmem>>[vector<16xi32>, vector<16xi32>], vector<16xf32>,
      %add3A_1882 = arith.constant 16 : i32
      %add3A_1883 = vector.broadcast %add3A_1882 : i32 to vector<16xi32>
      %add3A_1884 = arith.addi %iota3A, %add3A_1883 : vector<16xi32>
      %gather3A_1885 = arith.constant 2 : i32
      %gather3A_1886 = arith.constant 0 : i32
      %gather3A_1887 = arith.constant 0 : i32
      %gather3A_1888 = tpu.memref_slice %arg8[%gather3A_1885, %gather3A_1886, %gather3A_1887] : memref<4x64x128xf32, #tpu.memory_space<vmem>> -> memref<1x64x128xf32, #tpu.memory_space<vmem>>
      %gather3A_1889 = tpu.memref_squeeze %gather3A_1888 : memref<1x64x128xf32, #tpu.memory_space<vmem>> -> memref<64x128xf32, #tpu.memory_space<vmem>>
      %gather3A_1890 = tpu.vector_load_idx %gather3A_1889[%add3A_1884, %broadcast_in_dim3A_1861] : memref<64x128xf32, #tpu.memory_space<vmem>>[vector<16xi32>, vector<16xi32>], vector<16xf32>,
      %gather3A_1891 = arith.constant 2 : i32
      %gather3A_1892 = arith.constant 0 : i32
      %gather3A_1893 = arith.constant 0 : i32
      %gather3A_1894 = tpu.memref_slice %arg9[%gather3A_1891, %gather3A_1892, %gather3A_1893] : memref<4x64x128xf32, #tpu.memory_space<vmem>> -> memref<1x64x128xf32, #tpu.memory_space<vmem>>
      %gather3A_1895 = tpu.memref_squeeze %gather3A_1894 : memref<1x64x128xf32, #tpu.memory_space<vmem>> -> memref<64x128xf32, #tpu.memory_space<vmem>>
      %gather3A_1896 = tpu.vector_load_idx %gather3A_1895[%add3A_1884, %broadcast_in_dim3A_1864] : memref<64x128xf32, #tpu.memory_space<vmem>>[vector<16xi32>, vector<16xi32>], vector<16xf32>,
      %mul3A_1897 = arith.mulf %gather3A_1890, %gather3A_1896 : vector<16xf32>
      tpu.vector_store_idx %arg10[%add3A_1884, %broadcast_in_dim3A_1865], %mul3A_1897 : memref<64x512xf32, #tpu.memory_space<vmem>>[vector<16xi32>, vector<16xi32>], vector<16xf32>,
      %add3A_1898 = arith.constant 32 : i32
      %add3A_1899 = vector.broadcast %add3A_1898 : i32 to vector<16xi32>
      %add3A_1900 = arith.addi %iota3A, %add3A_1899 : vector<16xi32>
      %gather3A_1901 = arith.constant 2 : i32
      %gather3A_1902 = arith.constant 0 : i32
      %gather3A_1903 = arith.constant 0 : i32
      %gather3A_1904 = tpu.memref_slice %arg8[%gather3A_1901, %gather3A_1902, %gather3A_1903] : memref<4x64x128xf32, #tpu.memory_space<vmem>> -> memref<1x64x128xf32, #tpu.memory_space<vmem>>
      %gather3A_1905 = tpu.memref_squeeze %gather3A_1904 : memref<1x64x128xf32, #tpu.memory_space<vmem>> -> memref<64x128xf32, #tpu.memory_space<vmem>>
      %gather3A_1906 = tpu.vector_load_idx %gather3A_1905[%add3A_1900, %broadcast_in_dim3A_1861] : memref<64x128xf32, #tpu.memory_space<vmem>>[vector<16xi32>, vector<16xi32>], vector<16xf32>,
      %gather3A_1907 = arith.constant 2 : i32
      %gather3A_1908 = arith.constant 0 : i32
      %gather3A_1909 = arith.constant 0 : i32
      %gather3A_1910 = tpu.memref_slice %arg9[%gather3A_1907, %gather3A_1908, %gather3A_1909] : memref<4x64x128xf32, #tpu.memory_space<vmem>> -> memref<1x64x128xf32, #tpu.memory_space<vmem>>
      %gather3A_1911 = tpu.memref_squeeze %gather3A_1910 : memref<1x64x128xf32, #tpu.memory_space<vmem>> -> memref<64x128xf32, #tpu.memory_space<vmem>>
      %gather3A_1912 = tpu.vector_load_idx %gather3A_1911[%add3A_1900, %broadcast_in_dim3A_1864] : memref<64x128xf32, #tpu.memory_space<vmem>>[vector<16xi32>, vector<16xi32>], vector<16xf32>,
      %mul3A_1913 = arith.mulf %gather3A_1906, %gather3A_1912 : vector<16xf32>
      tpu.vector_store_idx %arg10[%add3A_1900, %broadcast_in_dim3A_1865], %mul3A_1913 : memref<64x512xf32, #tpu.memory_space<vmem>>[vector<16xi32>, vector<16xi32>], vector<16xf32>,
      %add3A_1914 = arith.constant 48 : i32
      %add3A_1915 = vector.broadcast %add3A_1914 : i32 to vector<16xi32>
      %add3A_1916 = arith.addi %iota3A, %add3A_1915 : vector<16xi32>
      %gather3A_1917 = arith.constant 2 : i32
      %gather3A_1918 = arith.constant 0 : i32
      %gather3A_1919 = arith.constant 0 : i32
      %gather3A_1920 = tpu.memref_slice %arg8[%gather3A_1917, %gather3A_1918, %gather3A_1919] : memref<4x64x128xf32, #tpu.memory_space<vmem>> -> memref<1x64x128xf32, #tpu.memory_space<vmem>>
      %gather3A_1921 = tpu.memref_squeeze %gather3A_1920 : memref<1x64x128xf32, #tpu.memory_space<vmem>> -> memref<64x128xf32, #tpu.memory_space<vmem>>
      %gather3A_1922 = tpu.vector_load_idx %gather3A_1921[%add3A_1916, %broadcast_in_dim3A_1861] : memref<64x128xf32, #tpu.memory_space<vmem>>[vector<16xi32>, vector<16xi32>], vector<16xf32>,
      %gather3A_1923 = arith.constant 2 : i32
      %gather3A_1924 = arith.constant 0 : i32
      %gather3A_1925 = arith.constant 0 : i32
      %gather3A_1926 = tpu.memref_slice %arg9[%gather3A_1923, %gather3A_1924, %gather3A_1925] : memref<4x64x128xf32, #tpu.memory_space<vmem>> -> memref<1x64x128xf32, #tpu.memory_space<vmem>>
      %gather3A_1927 = tpu.memref_squeeze %gather3A_1926 : memref<1x64x128xf32, #tpu.memory_space<vmem>> -> memref<64x128xf32, #tpu.memory_space<vmem>>
      %gather3A_1928 = tpu.vector_load_idx %gather3A_1927[%add3A_1916, %broadcast_in_dim3A_1864] : memref<64x128xf32, #tpu.memory_space<vmem>>[vector<16xi32>, vector<16xi32>], vector<16xf32>,
      %mul3A_1929 = arith.mulf %gather3A_1922, %gather3A_1928 : vector<16xf32>
      tpu.vector_store_idx %arg10[%add3A_1916, %broadcast_in_dim3A_1865], %mul3A_1929 : memref<64x512xf32, #tpu.memory_space<vmem>>[vector<16xi32>, vector<16xi32>], vector<16xf32>,
      %slice3A_1930 = vector.extract_strided_slice %get3A_149 {offsets = [14], sizes = [1], strides = [1]} : vector<16xi32> to vector<1xi32>
      %squeeze3A_1931 = vector.extract %slice3A_1930[0] : i32 from vector<1xi32>
      %slice3A_1932 = vector.extract_strided_slice %get3A_153 {offsets = [14], sizes = [1], strides = [1]} : vector<16xi32> to vector<1xi32>
      %squeeze3A_1933 = vector.extract %slice3A_1932[0] : i32 from vector<1xi32>
      %shift_right_arithmetic3A_1934 = arith.constant 7 : i32
      %shift_right_arithmetic3A_1935 = arith.shrsi %squeeze3A_1931, %shift_right_arithmetic3A_1934 : i32
      %mul3A_1936 = arith.constant 128 : i32
      %mul3A_1937 = arith.muli %shift_right_arithmetic3A_1935, %mul3A_1936 : i32
      %multiple_of3A_1938 = tpu.assume_multiple %mul3A_1937, 128 : i32
      %shift_right_arithmetic3A_1939 = arith.constant 7 : i32
      %shift_right_arithmetic3A_1940 = arith.shrsi %squeeze3A_1933, %shift_right_arithmetic3A_1939 : i32
      %mul3A_1941 = arith.constant 128 : i32
      %mul3A_1942 = arith.muli %shift_right_arithmetic3A_1940, %mul3A_1941 : i32
      %multiple_of3A_1943 = tpu.assume_multiple %mul3A_1942, 128 : i32
      %dma_start3A_1944 = arith.constant 2 : i32
      %dma_start3A_1945 = arith.constant 2 : i32
      %dma_start3A_1946 = arith.constant 0 : i32
      %dma_start3A_1947 = arith.constant 0 : i32
      %dma_start3A_1948 = tpu.memref_slice %arg8[%dma_start3A_1944, %dma_start3A_1946, %dma_start3A_1947] : memref<4x64x128xf32, #tpu.memory_space<vmem>> -> memref<1x64x128xf32, #tpu.memory_space<vmem>>
      %dma_start3A_1949 = tpu.memref_squeeze %dma_start3A_1948 : memref<1x64x128xf32, #tpu.memory_space<vmem>> -> memref<64x128xf32, #tpu.memory_space<vmem>>
      %dma_start3A_1950 = arith.constant 0 : i32
      %dma_start3A_1951 = tpu.memref_slice %arg2[%dma_start3A_1950, %multiple_of3A_1938] : memref<64x1000000xf32, #tpu.memory_space<hbm>> -> memref<64x128xf32, #tpu.memory_space<hbm>>
      %dma_start3A_1952 = tpu.memref_slice %arg11[%dma_start3A_1945] : memref<4x!tpu.dma_semaphore, #tpu.memory_space<semaphore_mem>> -> memref<1x!tpu.dma_semaphore, #tpu.memory_space<semaphore_mem>>
      %dma_start3A_1953 = tpu.memref_squeeze %dma_start3A_1952 : memref<1x!tpu.dma_semaphore, #tpu.memory_space<semaphore_mem>> -> memref<!tpu.dma_semaphore, #tpu.memory_space<semaphore_mem>>
      %dma_start3A_1954 = arith.constant 0 : i32
      %dma_start3A_1955 = arith.constant 0 : i32
      %dma_start3A_1956 = tpu.memref_slice %arg8[%dma_start3A_1944, %dma_start3A_1954, %dma_start3A_1955] : memref<4x64x128xf32, #tpu.memory_space<vmem>> -> memref<1x64x128xf32, #tpu.memory_space<vmem>>
      %dma_start3A_1957 = tpu.memref_squeeze %dma_start3A_1956 : memref<1x64x128xf32, #tpu.memory_space<vmem>> -> memref<64x128xf32, #tpu.memory_space<vmem>>
      %dma_start3A_1958 = arith.constant 0 : i32
      %dma_start3A_1959 = tpu.memref_slice %arg2[%dma_start3A_1958, %multiple_of3A_1938] : memref<64x1000000xf32, #tpu.memory_space<hbm>> -> memref<64x128xf32, #tpu.memory_space<hbm>>
      tpu.enqueue_dma source(%dma_start3A_1959 : memref<64x128xf32, #tpu.memory_space<hbm>>) target(%dma_start3A_1957 : memref<64x128xf32, #tpu.memory_space<vmem>>) target_semaphore(%dma_start3A_1953 : memref<!tpu.dma_semaphore, #tpu.memory_space<semaphore_mem>>)
      %dma_start3A_1960 = arith.constant 2 : i32
      %dma_start3A_1961 = arith.constant 2 : i32
      %dma_start3A_1962 = arith.constant 0 : i32
      %dma_start3A_1963 = arith.constant 0 : i32
      %dma_start3A_1964 = tpu.memref_slice %arg9[%dma_start3A_1960, %dma_start3A_1962, %dma_start3A_1963] : memref<4x64x128xf32, #tpu.memory_space<vmem>> -> memref<1x64x128xf32, #tpu.memory_space<vmem>>
      %dma_start3A_1965 = tpu.memref_squeeze %dma_start3A_1964 : memref<1x64x128xf32, #tpu.memory_space<vmem>> -> memref<64x128xf32, #tpu.memory_space<vmem>>
      %dma_start3A_1966 = arith.constant 0 : i32
      %dma_start3A_1967 = tpu.memref_slice %arg3[%dma_start3A_1966, %multiple_of3A_1943] : memref<64x1000000xf32, #tpu.memory_space<hbm>> -> memref<64x128xf32, #tpu.memory_space<hbm>>
      %dma_start3A_1968 = tpu.memref_slice %arg12[%dma_start3A_1961] : memref<4x!tpu.dma_semaphore, #tpu.memory_space<semaphore_mem>> -> memref<1x!tpu.dma_semaphore, #tpu.memory_space<semaphore_mem>>
      %dma_start3A_1969 = tpu.memref_squeeze %dma_start3A_1968 : memref<1x!tpu.dma_semaphore, #tpu.memory_space<semaphore_mem>> -> memref<!tpu.dma_semaphore, #tpu.memory_space<semaphore_mem>>
      %dma_start3A_1970 = arith.constant 0 : i32
      %dma_start3A_1971 = arith.constant 0 : i32
      %dma_start3A_1972 = tpu.memref_slice %arg9[%dma_start3A_1960, %dma_start3A_1970, %dma_start3A_1971] : memref<4x64x128xf32, #tpu.memory_space<vmem>> -> memref<1x64x128xf32, #tpu.memory_space<vmem>>
      %dma_start3A_1973 = tpu.memref_squeeze %dma_start3A_1972 : memref<1x64x128xf32, #tpu.memory_space<vmem>> -> memref<64x128xf32, #tpu.memory_space<vmem>>
      %dma_start3A_1974 = arith.constant 0 : i32
      %dma_start3A_1975 = tpu.memref_slice %arg3[%dma_start3A_1974, %multiple_of3A_1943] : memref<64x1000000xf32, #tpu.memory_space<hbm>> -> memref<64x128xf32, #tpu.memory_space<hbm>>
      tpu.enqueue_dma source(%dma_start3A_1975 : memref<64x128xf32, #tpu.memory_space<hbm>>) target(%dma_start3A_1973 : memref<64x128xf32, #tpu.memory_space<vmem>>) target_semaphore(%dma_start3A_1969 : memref<!tpu.dma_semaphore, #tpu.memory_space<semaphore_mem>>)
      %dma_wait3A_1976 = arith.constant 3 : i32
      %dma_wait3A_1977 = arith.constant 3 : i32
      %dma_wait3A_1978 = arith.constant 0 : i32
      %dma_wait3A_1979 = arith.constant 0 : i32
      %dma_wait3A_1980 = tpu.memref_slice %arg8[%dma_wait3A_1976, %dma_wait3A_1978, %dma_wait3A_1979] : memref<4x64x128xf32, #tpu.memory_space<vmem>> -> memref<1x64x128xf32, #tpu.memory_space<vmem>>
      %dma_wait3A_1981 = tpu.memref_squeeze %dma_wait3A_1980 : memref<1x64x128xf32, #tpu.memory_space<vmem>> -> memref<64x128xf32, #tpu.memory_space<vmem>>
      %dma_wait3A_1982 = arith.constant 0 : i32
      %dma_wait3A_1983 = arith.constant 0 : i32
      %dma_wait3A_1984 = tpu.memref_slice %arg2[%dma_wait3A_1982, %dma_wait3A_1983] : memref<64x1000000xf32, #tpu.memory_space<hbm>> -> memref<64x128xf32, #tpu.memory_space<hbm>>
      %dma_wait3A_1985 = tpu.memref_slice %arg11[%dma_wait3A_1977] : memref<4x!tpu.dma_semaphore, #tpu.memory_space<semaphore_mem>> -> memref<1x!tpu.dma_semaphore, #tpu.memory_space<semaphore_mem>>
      %dma_wait3A_1986 = tpu.memref_squeeze %dma_wait3A_1985 : memref<1x!tpu.dma_semaphore, #tpu.memory_space<semaphore_mem>> -> memref<!tpu.dma_semaphore, #tpu.memory_space<semaphore_mem>>
      %dma_wait3A_1987 = arith.constant 0 : i32
      %dma_wait3A_1988 = arith.constant 0 : i32
      %dma_wait3A_1989 = tpu.memref_slice %arg8[%dma_wait3A_1976, %dma_wait3A_1987, %dma_wait3A_1988] : memref<4x64x128xf32, #tpu.memory_space<vmem>> -> memref<1x64x128xf32, #tpu.memory_space<vmem>>
      %dma_wait3A_1990 = tpu.memref_squeeze %dma_wait3A_1989 : memref<1x64x128xf32, #tpu.memory_space<vmem>> -> memref<64x128xf32, #tpu.memory_space<vmem>>
      %dma_wait3A_1991 = arith.constant 0 : i32
      %dma_wait3A_1992 = arith.constant 0 : i32
      %dma_wait3A_1993 = tpu.memref_slice %arg2[%dma_wait3A_1991, %dma_wait3A_1992] : memref<64x1000000xf32, #tpu.memory_space<hbm>> -> memref<64x128xf32, #tpu.memory_space<hbm>>
      tpu.wait_dma2 semaphore(%dma_wait3A_1986 : memref<!tpu.dma_semaphore, #tpu.memory_space<semaphore_mem>>) src(%dma_wait3A_1993 : memref<64x128xf32, #tpu.memory_space<hbm>>) dst(%dma_wait3A_1990 : memref<64x128xf32, #tpu.memory_space<vmem>>)
      %dma_wait3A_1994 = arith.constant 3 : i32
      %dma_wait3A_1995 = arith.constant 3 : i32
      %dma_wait3A_1996 = arith.constant 0 : i32
      %dma_wait3A_1997 = arith.constant 0 : i32
      %dma_wait3A_1998 = tpu.memref_slice %arg9[%dma_wait3A_1994, %dma_wait3A_1996, %dma_wait3A_1997] : memref<4x64x128xf32, #tpu.memory_space<vmem>> -> memref<1x64x128xf32, #tpu.memory_space<vmem>>
      %dma_wait3A_1999 = tpu.memref_squeeze %dma_wait3A_1998 : memref<1x64x128xf32, #tpu.memory_space<vmem>> -> memref<64x128xf32, #tpu.memory_space<vmem>>
      %dma_wait3A_2000 = arith.constant 0 : i32
      %dma_wait3A_2001 = arith.constant 0 : i32
      %dma_wait3A_2002 = tpu.memref_slice %arg3[%dma_wait3A_2000, %dma_wait3A_2001] : memref<64x1000000xf32, #tpu.memory_space<hbm>> -> memref<64x128xf32, #tpu.memory_space<hbm>>
      %dma_wait3A_2003 = tpu.memref_slice %arg12[%dma_wait3A_1995] : memref<4x!tpu.dma_semaphore, #tpu.memory_space<semaphore_mem>> -> memref<1x!tpu.dma_semaphore, #tpu.memory_space<semaphore_mem>>
      %dma_wait3A_2004 = tpu.memref_squeeze %dma_wait3A_2003 : memref<1x!tpu.dma_semaphore, #tpu.memory_space<semaphore_mem>> -> memref<!tpu.dma_semaphore, #tpu.memory_space<semaphore_mem>>
      %dma_wait3A_2005 = arith.constant 0 : i32
      %dma_wait3A_2006 = arith.constant 0 : i32
      %dma_wait3A_2007 = tpu.memref_slice %arg9[%dma_wait3A_1994, %dma_wait3A_2005, %dma_wait3A_2006] : memref<4x64x128xf32, #tpu.memory_space<vmem>> -> memref<1x64x128xf32, #tpu.memory_space<vmem>>
      %dma_wait3A_2008 = tpu.memref_squeeze %dma_wait3A_2007 : memref<1x64x128xf32, #tpu.memory_space<vmem>> -> memref<64x128xf32, #tpu.memory_space<vmem>>
      %dma_wait3A_2009 = arith.constant 0 : i32
      %dma_wait3A_2010 = arith.constant 0 : i32
      %dma_wait3A_2011 = tpu.memref_slice %arg3[%dma_wait3A_2009, %dma_wait3A_2010] : memref<64x1000000xf32, #tpu.memory_space<hbm>> -> memref<64x128xf32, #tpu.memory_space<hbm>>
      tpu.wait_dma2 semaphore(%dma_wait3A_2004 : memref<!tpu.dma_semaphore, #tpu.memory_space<semaphore_mem>>) src(%dma_wait3A_2011 : memref<64x128xf32, #tpu.memory_space<hbm>>) dst(%dma_wait3A_2008 : memref<64x128xf32, #tpu.memory_space<vmem>>)
      %slice3A_2012 = vector.extract_strided_slice %get3A_149 {offsets = [11], sizes = [1], strides = [1]} : vector<16xi32> to vector<1xi32>
      %squeeze3A_2013 = vector.extract %slice3A_2012[0] : i32 from vector<1xi32>
      %slice3A_2014 = vector.extract_strided_slice %get3A_153 {offsets = [11], sizes = [1], strides = [1]} : vector<16xi32> to vector<1xi32>
      %squeeze3A_2015 = vector.extract %slice3A_2014[0] : i32 from vector<1xi32>
      %mul3A_2016 = arith.constant 16 : i32
      %mul3A_2017 = arith.muli %scan3A_145, %mul3A_2016 : i32
      %add3A_2018 = arith.constant 11 : i32
      %add3A_2019 = arith.addi %mul3A_2017, %add3A_2018 : i32
      %and3A_2020 = arith.constant 127 : i32
      %and3A_2021 = arith.andi %squeeze3A_2013, %and3A_2020 : i32
      %broadcast_in_dim3A_2022 = vector.broadcast %and3A_2021 : i32 to vector<16xi32>
      %and3A_2023 = arith.constant 127 : i32
      %and3A_2024 = arith.andi %squeeze3A_2015, %and3A_2023 : i32
      %broadcast_in_dim3A_2025 = vector.broadcast %and3A_2024 : i32 to vector<16xi32>
      %broadcast_in_dim3A_2026 = vector.broadcast %add3A_2019 : i32 to vector<16xi32>
      %add3A_2027 = arith.constant 0 : i32
      %add3A_2028 = vector.broadcast %add3A_2027 : i32 to vector<16xi32>
      %add3A_2029 = arith.addi %iota3A, %add3A_2028 : vector<16xi32>
      %gather3A_2030 = arith.constant 3 : i32
      %gather3A_2031 = arith.constant 0 : i32
      %gather3A_2032 = arith.constant 0 : i32
      %gather3A_2033 = tpu.memref_slice %arg8[%gather3A_2030, %gather3A_2031, %gather3A_2032] : memref<4x64x128xf32, #tpu.memory_space<vmem>> -> memref<1x64x128xf32, #tpu.memory_space<vmem>>
      %gather3A_2034 = tpu.memref_squeeze %gather3A_2033 : memref<1x64x128xf32, #tpu.memory_space<vmem>> -> memref<64x128xf32, #tpu.memory_space<vmem>>
      %gather3A_2035 = tpu.vector_load_idx %gather3A_2034[%add3A_2029, %broadcast_in_dim3A_2022] : memref<64x128xf32, #tpu.memory_space<vmem>>[vector<16xi32>, vector<16xi32>], vector<16xf32>,
      %gather3A_2036 = arith.constant 3 : i32
      %gather3A_2037 = arith.constant 0 : i32
      %gather3A_2038 = arith.constant 0 : i32
      %gather3A_2039 = tpu.memref_slice %arg9[%gather3A_2036, %gather3A_2037, %gather3A_2038] : memref<4x64x128xf32, #tpu.memory_space<vmem>> -> memref<1x64x128xf32, #tpu.memory_space<vmem>>
      %gather3A_2040 = tpu.memref_squeeze %gather3A_2039 : memref<1x64x128xf32, #tpu.memory_space<vmem>> -> memref<64x128xf32, #tpu.memory_space<vmem>>
      %gather3A_2041 = tpu.vector_load_idx %gather3A_2040[%add3A_2029, %broadcast_in_dim3A_2025] : memref<64x128xf32, #tpu.memory_space<vmem>>[vector<16xi32>, vector<16xi32>], vector<16xf32>,
      %mul3A_2042 = arith.mulf %gather3A_2035, %gather3A_2041 : vector<16xf32>
      tpu.vector_store_idx %arg10[%add3A_2029, %broadcast_in_dim3A_2026], %mul3A_2042 : memref<64x512xf32, #tpu.memory_space<vmem>>[vector<16xi32>, vector<16xi32>], vector<16xf32>,
      %add3A_2043 = arith.constant 16 : i32
      %add3A_2044 = vector.broadcast %add3A_2043 : i32 to vector<16xi32>
      %add3A_2045 = arith.addi %iota3A, %add3A_2044 : vector<16xi32>
      %gather3A_2046 = arith.constant 3 : i32
      %gather3A_2047 = arith.constant 0 : i32
      %gather3A_2048 = arith.constant 0 : i32
      %gather3A_2049 = tpu.memref_slice %arg8[%gather3A_2046, %gather3A_2047, %gather3A_2048] : memref<4x64x128xf32, #tpu.memory_space<vmem>> -> memref<1x64x128xf32, #tpu.memory_space<vmem>>
      %gather3A_2050 = tpu.memref_squeeze %gather3A_2049 : memref<1x64x128xf32, #tpu.memory_space<vmem>> -> memref<64x128xf32, #tpu.memory_space<vmem>>
      %gather3A_2051 = tpu.vector_load_idx %gather3A_2050[%add3A_2045, %broadcast_in_dim3A_2022] : memref<64x128xf32, #tpu.memory_space<vmem>>[vector<16xi32>, vector<16xi32>], vector<16xf32>,
      %gather3A_2052 = arith.constant 3 : i32
      %gather3A_2053 = arith.constant 0 : i32
      %gather3A_2054 = arith.constant 0 : i32
      %gather3A_2055 = tpu.memref_slice %arg9[%gather3A_2052, %gather3A_2053, %gather3A_2054] : memref<4x64x128xf32, #tpu.memory_space<vmem>> -> memref<1x64x128xf32, #tpu.memory_space<vmem>>
      %gather3A_2056 = tpu.memref_squeeze %gather3A_2055 : memref<1x64x128xf32, #tpu.memory_space<vmem>> -> memref<64x128xf32, #tpu.memory_space<vmem>>
      %gather3A_2057 = tpu.vector_load_idx %gather3A_2056[%add3A_2045, %broadcast_in_dim3A_2025] : memref<64x128xf32, #tpu.memory_space<vmem>>[vector<16xi32>, vector<16xi32>], vector<16xf32>,
      %mul3A_2058 = arith.mulf %gather3A_2051, %gather3A_2057 : vector<16xf32>
      tpu.vector_store_idx %arg10[%add3A_2045, %broadcast_in_dim3A_2026], %mul3A_2058 : memref<64x512xf32, #tpu.memory_space<vmem>>[vector<16xi32>, vector<16xi32>], vector<16xf32>,
      %add3A_2059 = arith.constant 32 : i32
      %add3A_2060 = vector.broadcast %add3A_2059 : i32 to vector<16xi32>
      %add3A_2061 = arith.addi %iota3A, %add3A_2060 : vector<16xi32>
      %gather3A_2062 = arith.constant 3 : i32
      %gather3A_2063 = arith.constant 0 : i32
      %gather3A_2064 = arith.constant 0 : i32
      %gather3A_2065 = tpu.memref_slice %arg8[%gather3A_2062, %gather3A_2063, %gather3A_2064] : memref<4x64x128xf32, #tpu.memory_space<vmem>> -> memref<1x64x128xf32, #tpu.memory_space<vmem>>
      %gather3A_2066 = tpu.memref_squeeze %gather3A_2065 : memref<1x64x128xf32, #tpu.memory_space<vmem>> -> memref<64x128xf32, #tpu.memory_space<vmem>>
      %gather3A_2067 = tpu.vector_load_idx %gather3A_2066[%add3A_2061, %broadcast_in_dim3A_2022] : memref<64x128xf32, #tpu.memory_space<vmem>>[vector<16xi32>, vector<16xi32>], vector<16xf32>,
      %gather3A_2068 = arith.constant 3 : i32
      %gather3A_2069 = arith.constant 0 : i32
      %gather3A_2070 = arith.constant 0 : i32
      %gather3A_2071 = tpu.memref_slice %arg9[%gather3A_2068, %gather3A_2069, %gather3A_2070] : memref<4x64x128xf32, #tpu.memory_space<vmem>> -> memref<1x64x128xf32, #tpu.memory_space<vmem>>
      %gather3A_2072 = tpu.memref_squeeze %gather3A_2071 : memref<1x64x128xf32, #tpu.memory_space<vmem>> -> memref<64x128xf32, #tpu.memory_space<vmem>>
      %gather3A_2073 = tpu.vector_load_idx %gather3A_2072[%add3A_2061, %broadcast_in_dim3A_2025] : memref<64x128xf32, #tpu.memory_space<vmem>>[vector<16xi32>, vector<16xi32>], vector<16xf32>,
      %mul3A_2074 = arith.mulf %gather3A_2067, %gather3A_2073 : vector<16xf32>
      tpu.vector_store_idx %arg10[%add3A_2061, %broadcast_in_dim3A_2026], %mul3A_2074 : memref<64x512xf32, #tpu.memory_space<vmem>>[vector<16xi32>, vector<16xi32>], vector<16xf32>,
      %add3A_2075 = arith.constant 48 : i32
      %add3A_2076 = vector.broadcast %add3A_2075 : i32 to vector<16xi32>
      %add3A_2077 = arith.addi %iota3A, %add3A_2076 : vector<16xi32>
      %gather3A_2078 = arith.constant 3 : i32
      %gather3A_2079 = arith.constant 0 : i32
      %gather3A_2080 = arith.constant 0 : i32
      %gather3A_2081 = tpu.memref_slice %arg8[%gather3A_2078, %gather3A_2079, %gather3A_2080] : memref<4x64x128xf32, #tpu.memory_space<vmem>> -> memref<1x64x128xf32, #tpu.memory_space<vmem>>
      %gather3A_2082 = tpu.memref_squeeze %gather3A_2081 : memref<1x64x128xf32, #tpu.memory_space<vmem>> -> memref<64x128xf32, #tpu.memory_space<vmem>>
      %gather3A_2083 = tpu.vector_load_idx %gather3A_2082[%add3A_2077, %broadcast_in_dim3A_2022] : memref<64x128xf32, #tpu.memory_space<vmem>>[vector<16xi32>, vector<16xi32>], vector<16xf32>,
      %gather3A_2084 = arith.constant 3 : i32
      %gather3A_2085 = arith.constant 0 : i32
      %gather3A_2086 = arith.constant 0 : i32
      %gather3A_2087 = tpu.memref_slice %arg9[%gather3A_2084, %gather3A_2085, %gather3A_2086] : memref<4x64x128xf32, #tpu.memory_space<vmem>> -> memref<1x64x128xf32, #tpu.memory_space<vmem>>
      %gather3A_2088 = tpu.memref_squeeze %gather3A_2087 : memref<1x64x128xf32, #tpu.memory_space<vmem>> -> memref<64x128xf32, #tpu.memory_space<vmem>>
      %gather3A_2089 = tpu.vector_load_idx %gather3A_2088[%add3A_2077, %broadcast_in_dim3A_2025] : memref<64x128xf32, #tpu.memory_space<vmem>>[vector<16xi32>, vector<16xi32>], vector<16xf32>,
      %mul3A_2090 = arith.mulf %gather3A_2083, %gather3A_2089 : vector<16xf32>
      tpu.vector_store_idx %arg10[%add3A_2077, %broadcast_in_dim3A_2026], %mul3A_2090 : memref<64x512xf32, #tpu.memory_space<vmem>>[vector<16xi32>, vector<16xi32>], vector<16xf32>,
      %slice3A_2091 = vector.extract_strided_slice %get3A_149 {offsets = [15], sizes = [1], strides = [1]} : vector<16xi32> to vector<1xi32>
      %squeeze3A_2092 = vector.extract %slice3A_2091[0] : i32 from vector<1xi32>
      %slice3A_2093 = vector.extract_strided_slice %get3A_153 {offsets = [15], sizes = [1], strides = [1]} : vector<16xi32> to vector<1xi32>
      %squeeze3A_2094 = vector.extract %slice3A_2093[0] : i32 from vector<1xi32>
      %shift_right_arithmetic3A_2095 = arith.constant 7 : i32
      %shift_right_arithmetic3A_2096 = arith.shrsi %squeeze3A_2092, %shift_right_arithmetic3A_2095 : i32
      %mul3A_2097 = arith.constant 128 : i32
      %mul3A_2098 = arith.muli %shift_right_arithmetic3A_2096, %mul3A_2097 : i32
      %multiple_of3A_2099 = tpu.assume_multiple %mul3A_2098, 128 : i32
      %shift_right_arithmetic3A_2100 = arith.constant 7 : i32
      %shift_right_arithmetic3A_2101 = arith.shrsi %squeeze3A_2094, %shift_right_arithmetic3A_2100 : i32
      %mul3A_2102 = arith.constant 128 : i32
      %mul3A_2103 = arith.muli %shift_right_arithmetic3A_2101, %mul3A_2102 : i32
      %multiple_of3A_2104 = tpu.assume_multiple %mul3A_2103, 128 : i32
      %dma_start3A_2105 = arith.constant 3 : i32
      %dma_start3A_2106 = arith.constant 3 : i32
      %dma_start3A_2107 = arith.constant 0 : i32
      %dma_start3A_2108 = arith.constant 0 : i32
      %dma_start3A_2109 = tpu.memref_slice %arg8[%dma_start3A_2105, %dma_start3A_2107, %dma_start3A_2108] : memref<4x64x128xf32, #tpu.memory_space<vmem>> -> memref<1x64x128xf32, #tpu.memory_space<vmem>>
      %dma_start3A_2110 = tpu.memref_squeeze %dma_start3A_2109 : memref<1x64x128xf32, #tpu.memory_space<vmem>> -> memref<64x128xf32, #tpu.memory_space<vmem>>
      %dma_start3A_2111 = arith.constant 0 : i32
      %dma_start3A_2112 = tpu.memref_slice %arg2[%dma_start3A_2111, %multiple_of3A_2099] : memref<64x1000000xf32, #tpu.memory_space<hbm>> -> memref<64x128xf32, #tpu.memory_space<hbm>>
      %dma_start3A_2113 = tpu.memref_slice %arg11[%dma_start3A_2106] : memref<4x!tpu.dma_semaphore, #tpu.memory_space<semaphore_mem>> -> memref<1x!tpu.dma_semaphore, #tpu.memory_space<semaphore_mem>>
      %dma_start3A_2114 = tpu.memref_squeeze %dma_start3A_2113 : memref<1x!tpu.dma_semaphore, #tpu.memory_space<semaphore_mem>> -> memref<!tpu.dma_semaphore, #tpu.memory_space<semaphore_mem>>
      %dma_start3A_2115 = arith.constant 0 : i32
      %dma_start3A_2116 = arith.constant 0 : i32
      %dma_start3A_2117 = tpu.memref_slice %arg8[%dma_start3A_2105, %dma_start3A_2115, %dma_start3A_2116] : memref<4x64x128xf32, #tpu.memory_space<vmem>> -> memref<1x64x128xf32, #tpu.memory_space<vmem>>
      %dma_start3A_2118 = tpu.memref_squeeze %dma_start3A_2117 : memref<1x64x128xf32, #tpu.memory_space<vmem>> -> memref<64x128xf32, #tpu.memory_space<vmem>>
      %dma_start3A_2119 = arith.constant 0 : i32
      %dma_start3A_2120 = tpu.memref_slice %arg2[%dma_start3A_2119, %multiple_of3A_2099] : memref<64x1000000xf32, #tpu.memory_space<hbm>> -> memref<64x128xf32, #tpu.memory_space<hbm>>
      tpu.enqueue_dma source(%dma_start3A_2120 : memref<64x128xf32, #tpu.memory_space<hbm>>) target(%dma_start3A_2118 : memref<64x128xf32, #tpu.memory_space<vmem>>) target_semaphore(%dma_start3A_2114 : memref<!tpu.dma_semaphore, #tpu.memory_space<semaphore_mem>>)
      %dma_start3A_2121 = arith.constant 3 : i32
      %dma_start3A_2122 = arith.constant 3 : i32
      %dma_start3A_2123 = arith.constant 0 : i32
      %dma_start3A_2124 = arith.constant 0 : i32
      %dma_start3A_2125 = tpu.memref_slice %arg9[%dma_start3A_2121, %dma_start3A_2123, %dma_start3A_2124] : memref<4x64x128xf32, #tpu.memory_space<vmem>> -> memref<1x64x128xf32, #tpu.memory_space<vmem>>
      %dma_start3A_2126 = tpu.memref_squeeze %dma_start3A_2125 : memref<1x64x128xf32, #tpu.memory_space<vmem>> -> memref<64x128xf32, #tpu.memory_space<vmem>>
      %dma_start3A_2127 = arith.constant 0 : i32
      %dma_start3A_2128 = tpu.memref_slice %arg3[%dma_start3A_2127, %multiple_of3A_2104] : memref<64x1000000xf32, #tpu.memory_space<hbm>> -> memref<64x128xf32, #tpu.memory_space<hbm>>
      %dma_start3A_2129 = tpu.memref_slice %arg12[%dma_start3A_2122] : memref<4x!tpu.dma_semaphore, #tpu.memory_space<semaphore_mem>> -> memref<1x!tpu.dma_semaphore, #tpu.memory_space<semaphore_mem>>
      %dma_start3A_2130 = tpu.memref_squeeze %dma_start3A_2129 : memref<1x!tpu.dma_semaphore, #tpu.memory_space<semaphore_mem>> -> memref<!tpu.dma_semaphore, #tpu.memory_space<semaphore_mem>>
      %dma_start3A_2131 = arith.constant 0 : i32
      %dma_start3A_2132 = arith.constant 0 : i32
      %dma_start3A_2133 = tpu.memref_slice %arg9[%dma_start3A_2121, %dma_start3A_2131, %dma_start3A_2132] : memref<4x64x128xf32, #tpu.memory_space<vmem>> -> memref<1x64x128xf32, #tpu.memory_space<vmem>>
      %dma_start3A_2134 = tpu.memref_squeeze %dma_start3A_2133 : memref<1x64x128xf32, #tpu.memory_space<vmem>> -> memref<64x128xf32, #tpu.memory_space<vmem>>
      %dma_start3A_2135 = arith.constant 0 : i32
      %dma_start3A_2136 = tpu.memref_slice %arg3[%dma_start3A_2135, %multiple_of3A_2104] : memref<64x1000000xf32, #tpu.memory_space<hbm>> -> memref<64x128xf32, #tpu.memory_space<hbm>>
      tpu.enqueue_dma source(%dma_start3A_2136 : memref<64x128xf32, #tpu.memory_space<hbm>>) target(%dma_start3A_2134 : memref<64x128xf32, #tpu.memory_space<vmem>>) target_semaphore(%dma_start3A_2130 : memref<!tpu.dma_semaphore, #tpu.memory_space<semaphore_mem>>)
      %dma_wait3A_2137 = arith.constant 0 : i32
      %dma_wait3A_2138 = arith.constant 0 : i32
      %dma_wait3A_2139 = arith.constant 0 : i32
      %dma_wait3A_2140 = arith.constant 0 : i32
      %dma_wait3A_2141 = tpu.memref_slice %arg8[%dma_wait3A_2137, %dma_wait3A_2139, %dma_wait3A_2140] : memref<4x64x128xf32, #tpu.memory_space<vmem>> -> memref<1x64x128xf32, #tpu.memory_space<vmem>>
      %dma_wait3A_2142 = tpu.memref_squeeze %dma_wait3A_2141 : memref<1x64x128xf32, #tpu.memory_space<vmem>> -> memref<64x128xf32, #tpu.memory_space<vmem>>
      %dma_wait3A_2143 = arith.constant 0 : i32
      %dma_wait3A_2144 = arith.constant 0 : i32
      %dma_wait3A_2145 = tpu.memref_slice %arg2[%dma_wait3A_2143, %dma_wait3A_2144] : memref<64x1000000xf32, #tpu.memory_space<hbm>> -> memref<64x128xf32, #tpu.memory_space<hbm>>
      %dma_wait3A_2146 = tpu.memref_slice %arg11[%dma_wait3A_2138] : memref<4x!tpu.dma_semaphore, #tpu.memory_space<semaphore_mem>> -> memref<1x!tpu.dma_semaphore, #tpu.memory_space<semaphore_mem>>
      %dma_wait3A_2147 = tpu.memref_squeeze %dma_wait3A_2146 : memref<1x!tpu.dma_semaphore, #tpu.memory_space<semaphore_mem>> -> memref<!tpu.dma_semaphore, #tpu.memory_space<semaphore_mem>>
      %dma_wait3A_2148 = arith.constant 0 : i32
      %dma_wait3A_2149 = arith.constant 0 : i32
      %dma_wait3A_2150 = tpu.memref_slice %arg8[%dma_wait3A_2137, %dma_wait3A_2148, %dma_wait3A_2149] : memref<4x64x128xf32, #tpu.memory_space<vmem>> -> memref<1x64x128xf32, #tpu.memory_space<vmem>>
      %dma_wait3A_2151 = tpu.memref_squeeze %dma_wait3A_2150 : memref<1x64x128xf32, #tpu.memory_space<vmem>> -> memref<64x128xf32, #tpu.memory_space<vmem>>
      %dma_wait3A_2152 = arith.constant 0 : i32
      %dma_wait3A_2153 = arith.constant 0 : i32
      %dma_wait3A_2154 = tpu.memref_slice %arg2[%dma_wait3A_2152, %dma_wait3A_2153] : memref<64x1000000xf32, #tpu.memory_space<hbm>> -> memref<64x128xf32, #tpu.memory_space<hbm>>
      tpu.wait_dma2 semaphore(%dma_wait3A_2147 : memref<!tpu.dma_semaphore, #tpu.memory_space<semaphore_mem>>) src(%dma_wait3A_2154 : memref<64x128xf32, #tpu.memory_space<hbm>>) dst(%dma_wait3A_2151 : memref<64x128xf32, #tpu.memory_space<vmem>>)
      %dma_wait3A_2155 = arith.constant 0 : i32
      %dma_wait3A_2156 = arith.constant 0 : i32
      %dma_wait3A_2157 = arith.constant 0 : i32
      %dma_wait3A_2158 = arith.constant 0 : i32
      %dma_wait3A_2159 = tpu.memref_slice %arg9[%dma_wait3A_2155, %dma_wait3A_2157, %dma_wait3A_2158] : memref<4x64x128xf32, #tpu.memory_space<vmem>> -> memref<1x64x128xf32, #tpu.memory_space<vmem>>
      %dma_wait3A_2160 = tpu.memref_squeeze %dma_wait3A_2159 : memref<1x64x128xf32, #tpu.memory_space<vmem>> -> memref<64x128xf32, #tpu.memory_space<vmem>>
      %dma_wait3A_2161 = arith.constant 0 : i32
      %dma_wait3A_2162 = arith.constant 0 : i32
      %dma_wait3A_2163 = tpu.memref_slice %arg3[%dma_wait3A_2161, %dma_wait3A_2162] : memref<64x1000000xf32, #tpu.memory_space<hbm>> -> memref<64x128xf32, #tpu.memory_space<hbm>>
      %dma_wait3A_2164 = tpu.memref_slice %arg12[%dma_wait3A_2156] : memref<4x!tpu.dma_semaphore, #tpu.memory_space<semaphore_mem>> -> memref<1x!tpu.dma_semaphore, #tpu.memory_space<semaphore_mem>>
      %dma_wait3A_2165 = tpu.memref_squeeze %dma_wait3A_2164 : memref<1x!tpu.dma_semaphore, #tpu.memory_space<semaphore_mem>> -> memref<!tpu.dma_semaphore, #tpu.memory_space<semaphore_mem>>
      %dma_wait3A_2166 = arith.constant 0 : i32
      %dma_wait3A_2167 = arith.constant 0 : i32
      %dma_wait3A_2168 = tpu.memref_slice %arg9[%dma_wait3A_2155, %dma_wait3A_2166, %dma_wait3A_2167] : memref<4x64x128xf32, #tpu.memory_space<vmem>> -> memref<1x64x128xf32, #tpu.memory_space<vmem>>
      %dma_wait3A_2169 = tpu.memref_squeeze %dma_wait3A_2168 : memref<1x64x128xf32, #tpu.memory_space<vmem>> -> memref<64x128xf32, #tpu.memory_space<vmem>>
      %dma_wait3A_2170 = arith.constant 0 : i32
      %dma_wait3A_2171 = arith.constant 0 : i32
      %dma_wait3A_2172 = tpu.memref_slice %arg3[%dma_wait3A_2170, %dma_wait3A_2171] : memref<64x1000000xf32, #tpu.memory_space<hbm>> -> memref<64x128xf32, #tpu.memory_space<hbm>>
      tpu.wait_dma2 semaphore(%dma_wait3A_2165 : memref<!tpu.dma_semaphore, #tpu.memory_space<semaphore_mem>>) src(%dma_wait3A_2172 : memref<64x128xf32, #tpu.memory_space<hbm>>) dst(%dma_wait3A_2169 : memref<64x128xf32, #tpu.memory_space<vmem>>)
      %slice3A_2173 = vector.extract_strided_slice %get3A_149 {offsets = [12], sizes = [1], strides = [1]} : vector<16xi32> to vector<1xi32>
      %squeeze3A_2174 = vector.extract %slice3A_2173[0] : i32 from vector<1xi32>
      %slice3A_2175 = vector.extract_strided_slice %get3A_153 {offsets = [12], sizes = [1], strides = [1]} : vector<16xi32> to vector<1xi32>
      %squeeze3A_2176 = vector.extract %slice3A_2175[0] : i32 from vector<1xi32>
      %mul3A_2177 = arith.constant 16 : i32
      %mul3A_2178 = arith.muli %scan3A_145, %mul3A_2177 : i32
      %add3A_2179 = arith.constant 12 : i32
      %add3A_2180 = arith.addi %mul3A_2178, %add3A_2179 : i32
      %and3A_2181 = arith.constant 127 : i32
      %and3A_2182 = arith.andi %squeeze3A_2174, %and3A_2181 : i32
      %broadcast_in_dim3A_2183 = vector.broadcast %and3A_2182 : i32 to vector<16xi32>
      %and3A_2184 = arith.constant 127 : i32
      %and3A_2185 = arith.andi %squeeze3A_2176, %and3A_2184 : i32
      %broadcast_in_dim3A_2186 = vector.broadcast %and3A_2185 : i32 to vector<16xi32>
      %broadcast_in_dim3A_2187 = vector.broadcast %add3A_2180 : i32 to vector<16xi32>
      %add3A_2188 = arith.constant 0 : i32
      %add3A_2189 = vector.broadcast %add3A_2188 : i32 to vector<16xi32>
      %add3A_2190 = arith.addi %iota3A, %add3A_2189 : vector<16xi32>
      %gather3A_2191 = arith.constant 0 : i32
      %gather3A_2192 = arith.constant 0 : i32
      %gather3A_2193 = arith.constant 0 : i32
      %gather3A_2194 = tpu.memref_slice %arg8[%gather3A_2191, %gather3A_2192, %gather3A_2193] : memref<4x64x128xf32, #tpu.memory_space<vmem>> -> memref<1x64x128xf32, #tpu.memory_space<vmem>>
      %gather3A_2195 = tpu.memref_squeeze %gather3A_2194 : memref<1x64x128xf32, #tpu.memory_space<vmem>> -> memref<64x128xf32, #tpu.memory_space<vmem>>
      %gather3A_2196 = tpu.vector_load_idx %gather3A_2195[%add3A_2190, %broadcast_in_dim3A_2183] : memref<64x128xf32, #tpu.memory_space<vmem>>[vector<16xi32>, vector<16xi32>], vector<16xf32>,
      %gather3A_2197 = arith.constant 0 : i32
      %gather3A_2198 = arith.constant 0 : i32
      %gather3A_2199 = arith.constant 0 : i32
      %gather3A_2200 = tpu.memref_slice %arg9[%gather3A_2197, %gather3A_2198, %gather3A_2199] : memref<4x64x128xf32, #tpu.memory_space<vmem>> -> memref<1x64x128xf32, #tpu.memory_space<vmem>>
      %gather3A_2201 = tpu.memref_squeeze %gather3A_2200 : memref<1x64x128xf32, #tpu.memory_space<vmem>> -> memref<64x128xf32, #tpu.memory_space<vmem>>
      %gather3A_2202 = tpu.vector_load_idx %gather3A_2201[%add3A_2190, %broadcast_in_dim3A_2186] : memref<64x128xf32, #tpu.memory_space<vmem>>[vector<16xi32>, vector<16xi32>], vector<16xf32>,
      %mul3A_2203 = arith.mulf %gather3A_2196, %gather3A_2202 : vector<16xf32>
      tpu.vector_store_idx %arg10[%add3A_2190, %broadcast_in_dim3A_2187], %mul3A_2203 : memref<64x512xf32, #tpu.memory_space<vmem>>[vector<16xi32>, vector<16xi32>], vector<16xf32>,
      %add3A_2204 = arith.constant 16 : i32
      %add3A_2205 = vector.broadcast %add3A_2204 : i32 to vector<16xi32>
      %add3A_2206 = arith.addi %iota3A, %add3A_2205 : vector<16xi32>
      %gather3A_2207 = arith.constant 0 : i32
      %gather3A_2208 = arith.constant 0 : i32
      %gather3A_2209 = arith.constant 0 : i32
      %gather3A_2210 = tpu.memref_slice %arg8[%gather3A_2207, %gather3A_2208, %gather3A_2209] : memref<4x64x128xf32, #tpu.memory_space<vmem>> -> memref<1x64x128xf32, #tpu.memory_space<vmem>>
      %gather3A_2211 = tpu.memref_squeeze %gather3A_2210 : memref<1x64x128xf32, #tpu.memory_space<vmem>> -> memref<64x128xf32, #tpu.memory_space<vmem>>
      %gather3A_2212 = tpu.vector_load_idx %gather3A_2211[%add3A_2206, %broadcast_in_dim3A_2183] : memref<64x128xf32, #tpu.memory_space<vmem>>[vector<16xi32>, vector<16xi32>], vector<16xf32>,
      %gather3A_2213 = arith.constant 0 : i32
      %gather3A_2214 = arith.constant 0 : i32
      %gather3A_2215 = arith.constant 0 : i32
      %gather3A_2216 = tpu.memref_slice %arg9[%gather3A_2213, %gather3A_2214, %gather3A_2215] : memref<4x64x128xf32, #tpu.memory_space<vmem>> -> memref<1x64x128xf32, #tpu.memory_space<vmem>>
      %gather3A_2217 = tpu.memref_squeeze %gather3A_2216 : memref<1x64x128xf32, #tpu.memory_space<vmem>> -> memref<64x128xf32, #tpu.memory_space<vmem>>
      %gather3A_2218 = tpu.vector_load_idx %gather3A_2217[%add3A_2206, %broadcast_in_dim3A_2186] : memref<64x128xf32, #tpu.memory_space<vmem>>[vector<16xi32>, vector<16xi32>], vector<16xf32>,
      %mul3A_2219 = arith.mulf %gather3A_2212, %gather3A_2218 : vector<16xf32>
      tpu.vector_store_idx %arg10[%add3A_2206, %broadcast_in_dim3A_2187], %mul3A_2219 : memref<64x512xf32, #tpu.memory_space<vmem>>[vector<16xi32>, vector<16xi32>], vector<16xf32>,
      %add3A_2220 = arith.constant 32 : i32
      %add3A_2221 = vector.broadcast %add3A_2220 : i32 to vector<16xi32>
      %add3A_2222 = arith.addi %iota3A, %add3A_2221 : vector<16xi32>
      %gather3A_2223 = arith.constant 0 : i32
      %gather3A_2224 = arith.constant 0 : i32
      %gather3A_2225 = arith.constant 0 : i32
      %gather3A_2226 = tpu.memref_slice %arg8[%gather3A_2223, %gather3A_2224, %gather3A_2225] : memref<4x64x128xf32, #tpu.memory_space<vmem>> -> memref<1x64x128xf32, #tpu.memory_space<vmem>>
      %gather3A_2227 = tpu.memref_squeeze %gather3A_2226 : memref<1x64x128xf32, #tpu.memory_space<vmem>> -> memref<64x128xf32, #tpu.memory_space<vmem>>
      %gather3A_2228 = tpu.vector_load_idx %gather3A_2227[%add3A_2222, %broadcast_in_dim3A_2183] : memref<64x128xf32, #tpu.memory_space<vmem>>[vector<16xi32>, vector<16xi32>], vector<16xf32>,
      %gather3A_2229 = arith.constant 0 : i32
      %gather3A_2230 = arith.constant 0 : i32
      %gather3A_2231 = arith.constant 0 : i32
      %gather3A_2232 = tpu.memref_slice %arg9[%gather3A_2229, %gather3A_2230, %gather3A_2231] : memref<4x64x128xf32, #tpu.memory_space<vmem>> -> memref<1x64x128xf32, #tpu.memory_space<vmem>>
      %gather3A_2233 = tpu.memref_squeeze %gather3A_2232 : memref<1x64x128xf32, #tpu.memory_space<vmem>> -> memref<64x128xf32, #tpu.memory_space<vmem>>
      %gather3A_2234 = tpu.vector_load_idx %gather3A_2233[%add3A_2222, %broadcast_in_dim3A_2186] : memref<64x128xf32, #tpu.memory_space<vmem>>[vector<16xi32>, vector<16xi32>], vector<16xf32>,
      %mul3A_2235 = arith.mulf %gather3A_2228, %gather3A_2234 : vector<16xf32>
      tpu.vector_store_idx %arg10[%add3A_2222, %broadcast_in_dim3A_2187], %mul3A_2235 : memref<64x512xf32, #tpu.memory_space<vmem>>[vector<16xi32>, vector<16xi32>], vector<16xf32>,
      %add3A_2236 = arith.constant 48 : i32
      %add3A_2237 = vector.broadcast %add3A_2236 : i32 to vector<16xi32>
      %add3A_2238 = arith.addi %iota3A, %add3A_2237 : vector<16xi32>
      %gather3A_2239 = arith.constant 0 : i32
      %gather3A_2240 = arith.constant 0 : i32
      %gather3A_2241 = arith.constant 0 : i32
      %gather3A_2242 = tpu.memref_slice %arg8[%gather3A_2239, %gather3A_2240, %gather3A_2241] : memref<4x64x128xf32, #tpu.memory_space<vmem>> -> memref<1x64x128xf32, #tpu.memory_space<vmem>>
      %gather3A_2243 = tpu.memref_squeeze %gather3A_2242 : memref<1x64x128xf32, #tpu.memory_space<vmem>> -> memref<64x128xf32, #tpu.memory_space<vmem>>
      %gather3A_2244 = tpu.vector_load_idx %gather3A_2243[%add3A_2238, %broadcast_in_dim3A_2183] : memref<64x128xf32, #tpu.memory_space<vmem>>[vector<16xi32>, vector<16xi32>], vector<16xf32>,
      %gather3A_2245 = arith.constant 0 : i32
      %gather3A_2246 = arith.constant 0 : i32
      %gather3A_2247 = arith.constant 0 : i32
      %gather3A_2248 = tpu.memref_slice %arg9[%gather3A_2245, %gather3A_2246, %gather3A_2247] : memref<4x64x128xf32, #tpu.memory_space<vmem>> -> memref<1x64x128xf32, #tpu.memory_space<vmem>>
      %gather3A_2249 = tpu.memref_squeeze %gather3A_2248 : memref<1x64x128xf32, #tpu.memory_space<vmem>> -> memref<64x128xf32, #tpu.memory_space<vmem>>
      %gather3A_2250 = tpu.vector_load_idx %gather3A_2249[%add3A_2238, %broadcast_in_dim3A_2186] : memref<64x128xf32, #tpu.memory_space<vmem>>[vector<16xi32>, vector<16xi32>], vector<16xf32>,
      %mul3A_2251 = arith.mulf %gather3A_2244, %gather3A_2250 : vector<16xf32>
      tpu.vector_store_idx %arg10[%add3A_2238, %broadcast_in_dim3A_2187], %mul3A_2251 : memref<64x512xf32, #tpu.memory_space<vmem>>[vector<16xi32>, vector<16xi32>], vector<16xf32>,
      %lt3A = arith.constant 31 : i32
      %lt3A_2252 = arith.cmpi slt, %scan3A_145, %lt3A : i32
      %convert_element_type3A = arith.extui %lt3A_2252 : i1 to i32
      %cond3A = arith.constant 0 : i32
      %cond3A_2253 = arith.cmpi ne, %convert_element_type3A, %cond3A : i32
      scf.if %cond3A_2253 {
        %slice3A_2609 = vector.extract_strided_slice %get3A_160 {offsets = [0], sizes = [1], strides = [1]} : vector<16xi32> to vector<1xi32>
        %squeeze3A_2610 = vector.extract %slice3A_2609[0] : i32 from vector<1xi32>
        %slice3A_2611 = vector.extract_strided_slice %get3A_162 {offsets = [0], sizes = [1], strides = [1]} : vector<16xi32> to vector<1xi32>
        %squeeze3A_2612 = vector.extract %slice3A_2611[0] : i32 from vector<1xi32>
        %shift_right_arithmetic3A_2613 = arith.constant 7 : i32
        %shift_right_arithmetic3A_2614 = arith.shrsi %squeeze3A_2610, %shift_right_arithmetic3A_2613 : i32
        %mul3A_2615 = arith.constant 128 : i32
        %mul3A_2616 = arith.muli %shift_right_arithmetic3A_2614, %mul3A_2615 : i32
        %multiple_of3A_2617 = tpu.assume_multiple %mul3A_2616, 128 : i32
        %shift_right_arithmetic3A_2618 = arith.constant 7 : i32
        %shift_right_arithmetic3A_2619 = arith.shrsi %squeeze3A_2612, %shift_right_arithmetic3A_2618 : i32
        %mul3A_2620 = arith.constant 128 : i32
        %mul3A_2621 = arith.muli %shift_right_arithmetic3A_2619, %mul3A_2620 : i32
        %multiple_of3A_2622 = tpu.assume_multiple %mul3A_2621, 128 : i32
        %dma_start3A_2623 = arith.constant 0 : i32
        %dma_start3A_2624 = arith.constant 0 : i32
        %dma_start3A_2625 = arith.constant 0 : i32
        %dma_start3A_2626 = arith.constant 0 : i32
        %dma_start3A_2627 = tpu.memref_slice %arg8[%dma_start3A_2623, %dma_start3A_2625, %dma_start3A_2626] : memref<4x64x128xf32, #tpu.memory_space<vmem>> -> memref<1x64x128xf32, #tpu.memory_space<vmem>>
        %dma_start3A_2628 = tpu.memref_squeeze %dma_start3A_2627 : memref<1x64x128xf32, #tpu.memory_space<vmem>> -> memref<64x128xf32, #tpu.memory_space<vmem>>
        %dma_start3A_2629 = arith.constant 0 : i32
        %dma_start3A_2630 = tpu.memref_slice %arg2[%dma_start3A_2629, %multiple_of3A_2617] : memref<64x1000000xf32, #tpu.memory_space<hbm>> -> memref<64x128xf32, #tpu.memory_space<hbm>>
        %dma_start3A_2631 = tpu.memref_slice %arg11[%dma_start3A_2624] : memref<4x!tpu.dma_semaphore, #tpu.memory_space<semaphore_mem>> -> memref<1x!tpu.dma_semaphore, #tpu.memory_space<semaphore_mem>>
        %dma_start3A_2632 = tpu.memref_squeeze %dma_start3A_2631 : memref<1x!tpu.dma_semaphore, #tpu.memory_space<semaphore_mem>> -> memref<!tpu.dma_semaphore, #tpu.memory_space<semaphore_mem>>
        %dma_start3A_2633 = arith.constant 0 : i32
        %dma_start3A_2634 = arith.constant 0 : i32
        %dma_start3A_2635 = tpu.memref_slice %arg8[%dma_start3A_2623, %dma_start3A_2633, %dma_start3A_2634] : memref<4x64x128xf32, #tpu.memory_space<vmem>> -> memref<1x64x128xf32, #tpu.memory_space<vmem>>
        %dma_start3A_2636 = tpu.memref_squeeze %dma_start3A_2635 : memref<1x64x128xf32, #tpu.memory_space<vmem>> -> memref<64x128xf32, #tpu.memory_space<vmem>>
        %dma_start3A_2637 = arith.constant 0 : i32
        %dma_start3A_2638 = tpu.memref_slice %arg2[%dma_start3A_2637, %multiple_of3A_2617] : memref<64x1000000xf32, #tpu.memory_space<hbm>> -> memref<64x128xf32, #tpu.memory_space<hbm>>
        tpu.enqueue_dma source(%dma_start3A_2638 : memref<64x128xf32, #tpu.memory_space<hbm>>) target(%dma_start3A_2636 : memref<64x128xf32, #tpu.memory_space<vmem>>) target_semaphore(%dma_start3A_2632 : memref<!tpu.dma_semaphore, #tpu.memory_space<semaphore_mem>>)
        %dma_start3A_2639 = arith.constant 0 : i32
        %dma_start3A_2640 = arith.constant 0 : i32
        %dma_start3A_2641 = arith.constant 0 : i32
        %dma_start3A_2642 = arith.constant 0 : i32
        %dma_start3A_2643 = tpu.memref_slice %arg9[%dma_start3A_2639, %dma_start3A_2641, %dma_start3A_2642] : memref<4x64x128xf32, #tpu.memory_space<vmem>> -> memref<1x64x128xf32, #tpu.memory_space<vmem>>
        %dma_start3A_2644 = tpu.memref_squeeze %dma_start3A_2643 : memref<1x64x128xf32, #tpu.memory_space<vmem>> -> memref<64x128xf32, #tpu.memory_space<vmem>>
        %dma_start3A_2645 = arith.constant 0 : i32
        %dma_start3A_2646 = tpu.memref_slice %arg3[%dma_start3A_2645, %multiple_of3A_2622] : memref<64x1000000xf32, #tpu.memory_space<hbm>> -> memref<64x128xf32, #tpu.memory_space<hbm>>
        %dma_start3A_2647 = tpu.memref_slice %arg12[%dma_start3A_2640] : memref<4x!tpu.dma_semaphore, #tpu.memory_space<semaphore_mem>> -> memref<1x!tpu.dma_semaphore, #tpu.memory_space<semaphore_mem>>
        %dma_start3A_2648 = tpu.memref_squeeze %dma_start3A_2647 : memref<1x!tpu.dma_semaphore, #tpu.memory_space<semaphore_mem>> -> memref<!tpu.dma_semaphore, #tpu.memory_space<semaphore_mem>>
        %dma_start3A_2649 = arith.constant 0 : i32
        %dma_start3A_2650 = arith.constant 0 : i32
        %dma_start3A_2651 = tpu.memref_slice %arg9[%dma_start3A_2639, %dma_start3A_2649, %dma_start3A_2650] : memref<4x64x128xf32, #tpu.memory_space<vmem>> -> memref<1x64x128xf32, #tpu.memory_space<vmem>>
        %dma_start3A_2652 = tpu.memref_squeeze %dma_start3A_2651 : memref<1x64x128xf32, #tpu.memory_space<vmem>> -> memref<64x128xf32, #tpu.memory_space<vmem>>
        %dma_start3A_2653 = arith.constant 0 : i32
        %dma_start3A_2654 = tpu.memref_slice %arg3[%dma_start3A_2653, %multiple_of3A_2622] : memref<64x1000000xf32, #tpu.memory_space<hbm>> -> memref<64x128xf32, #tpu.memory_space<hbm>>
        tpu.enqueue_dma source(%dma_start3A_2654 : memref<64x128xf32, #tpu.memory_space<hbm>>) target(%dma_start3A_2652 : memref<64x128xf32, #tpu.memory_space<vmem>>) target_semaphore(%dma_start3A_2648 : memref<!tpu.dma_semaphore, #tpu.memory_space<semaphore_mem>>)
      } else {
      }
      %dma_wait3A_2254 = arith.constant 1 : i32
      %dma_wait3A_2255 = arith.constant 1 : i32
      %dma_wait3A_2256 = arith.constant 0 : i32
      %dma_wait3A_2257 = arith.constant 0 : i32
      %dma_wait3A_2258 = tpu.memref_slice %arg8[%dma_wait3A_2254, %dma_wait3A_2256, %dma_wait3A_2257] : memref<4x64x128xf32, #tpu.memory_space<vmem>> -> memref<1x64x128xf32, #tpu.memory_space<vmem>>
      %dma_wait3A_2259 = tpu.memref_squeeze %dma_wait3A_2258 : memref<1x64x128xf32, #tpu.memory_space<vmem>> -> memref<64x128xf32, #tpu.memory_space<vmem>>
      %dma_wait3A_2260 = arith.constant 0 : i32
      %dma_wait3A_2261 = arith.constant 0 : i32
      %dma_wait3A_2262 = tpu.memref_slice %arg2[%dma_wait3A_2260, %dma_wait3A_2261] : memref<64x1000000xf32, #tpu.memory_space<hbm>> -> memref<64x128xf32, #tpu.memory_space<hbm>>
      %dma_wait3A_2263 = tpu.memref_slice %arg11[%dma_wait3A_2255] : memref<4x!tpu.dma_semaphore, #tpu.memory_space<semaphore_mem>> -> memref<1x!tpu.dma_semaphore, #tpu.memory_space<semaphore_mem>>
      %dma_wait3A_2264 = tpu.memref_squeeze %dma_wait3A_2263 : memref<1x!tpu.dma_semaphore, #tpu.memory_space<semaphore_mem>> -> memref<!tpu.dma_semaphore, #tpu.memory_space<semaphore_mem>>
      %dma_wait3A_2265 = arith.constant 0 : i32
      %dma_wait3A_2266 = arith.constant 0 : i32
      %dma_wait3A_2267 = tpu.memref_slice %arg8[%dma_wait3A_2254, %dma_wait3A_2265, %dma_wait3A_2266] : memref<4x64x128xf32, #tpu.memory_space<vmem>> -> memref<1x64x128xf32, #tpu.memory_space<vmem>>
      %dma_wait3A_2268 = tpu.memref_squeeze %dma_wait3A_2267 : memref<1x64x128xf32, #tpu.memory_space<vmem>> -> memref<64x128xf32, #tpu.memory_space<vmem>>
      %dma_wait3A_2269 = arith.constant 0 : i32
      %dma_wait3A_2270 = arith.constant 0 : i32
      %dma_wait3A_2271 = tpu.memref_slice %arg2[%dma_wait3A_2269, %dma_wait3A_2270] : memref<64x1000000xf32, #tpu.memory_space<hbm>> -> memref<64x128xf32, #tpu.memory_space<hbm>>
      tpu.wait_dma2 semaphore(%dma_wait3A_2264 : memref<!tpu.dma_semaphore, #tpu.memory_space<semaphore_mem>>) src(%dma_wait3A_2271 : memref<64x128xf32, #tpu.memory_space<hbm>>) dst(%dma_wait3A_2268 : memref<64x128xf32, #tpu.memory_space<vmem>>)
      %dma_wait3A_2272 = arith.constant 1 : i32
      %dma_wait3A_2273 = arith.constant 1 : i32
      %dma_wait3A_2274 = arith.constant 0 : i32
      %dma_wait3A_2275 = arith.constant 0 : i32
      %dma_wait3A_2276 = tpu.memref_slice %arg9[%dma_wait3A_2272, %dma_wait3A_2274, %dma_wait3A_2275] : memref<4x64x128xf32, #tpu.memory_space<vmem>> -> memref<1x64x128xf32, #tpu.memory_space<vmem>>
      %dma_wait3A_2277 = tpu.memref_squeeze %dma_wait3A_2276 : memref<1x64x128xf32, #tpu.memory_space<vmem>> -> memref<64x128xf32, #tpu.memory_space<vmem>>
      %dma_wait3A_2278 = arith.constant 0 : i32
      %dma_wait3A_2279 = arith.constant 0 : i32
      %dma_wait3A_2280 = tpu.memref_slice %arg3[%dma_wait3A_2278, %dma_wait3A_2279] : memref<64x1000000xf32, #tpu.memory_space<hbm>> -> memref<64x128xf32, #tpu.memory_space<hbm>>
      %dma_wait3A_2281 = tpu.memref_slice %arg12[%dma_wait3A_2273] : memref<4x!tpu.dma_semaphore, #tpu.memory_space<semaphore_mem>> -> memref<1x!tpu.dma_semaphore, #tpu.memory_space<semaphore_mem>>
      %dma_wait3A_2282 = tpu.memref_squeeze %dma_wait3A_2281 : memref<1x!tpu.dma_semaphore, #tpu.memory_space<semaphore_mem>> -> memref<!tpu.dma_semaphore, #tpu.memory_space<semaphore_mem>>
      %dma_wait3A_2283 = arith.constant 0 : i32
      %dma_wait3A_2284 = arith.constant 0 : i32
      %dma_wait3A_2285 = tpu.memref_slice %arg9[%dma_wait3A_2272, %dma_wait3A_2283, %dma_wait3A_2284] : memref<4x64x128xf32, #tpu.memory_space<vmem>> -> memref<1x64x128xf32, #tpu.memory_space<vmem>>
      %dma_wait3A_2286 = tpu.memref_squeeze %dma_wait3A_2285 : memref<1x64x128xf32, #tpu.memory_space<vmem>> -> memref<64x128xf32, #tpu.memory_space<vmem>>
      %dma_wait3A_2287 = arith.constant 0 : i32
      %dma_wait3A_2288 = arith.constant 0 : i32
      %dma_wait3A_2289 = tpu.memref_slice %arg3[%dma_wait3A_2287, %dma_wait3A_2288] : memref<64x1000000xf32, #tpu.memory_space<hbm>> -> memref<64x128xf32, #tpu.memory_space<hbm>>
      tpu.wait_dma2 semaphore(%dma_wait3A_2282 : memref<!tpu.dma_semaphore, #tpu.memory_space<semaphore_mem>>) src(%dma_wait3A_2289 : memref<64x128xf32, #tpu.memory_space<hbm>>) dst(%dma_wait3A_2286 : memref<64x128xf32, #tpu.memory_space<vmem>>)
      %slice3A_2290 = vector.extract_strided_slice %get3A_149 {offsets = [13], sizes = [1], strides = [1]} : vector<16xi32> to vector<1xi32>
      %squeeze3A_2291 = vector.extract %slice3A_2290[0] : i32 from vector<1xi32>
      %slice3A_2292 = vector.extract_strided_slice %get3A_153 {offsets = [13], sizes = [1], strides = [1]} : vector<16xi32> to vector<1xi32>
      %squeeze3A_2293 = vector.extract %slice3A_2292[0] : i32 from vector<1xi32>
      %mul3A_2294 = arith.constant 16 : i32
      %mul3A_2295 = arith.muli %scan3A_145, %mul3A_2294 : i32
      %add3A_2296 = arith.constant 13 : i32
      %add3A_2297 = arith.addi %mul3A_2295, %add3A_2296 : i32
      %and3A_2298 = arith.constant 127 : i32
      %and3A_2299 = arith.andi %squeeze3A_2291, %and3A_2298 : i32
      %broadcast_in_dim3A_2300 = vector.broadcast %and3A_2299 : i32 to vector<16xi32>
      %and3A_2301 = arith.constant 127 : i32
      %and3A_2302 = arith.andi %squeeze3A_2293, %and3A_2301 : i32
      %broadcast_in_dim3A_2303 = vector.broadcast %and3A_2302 : i32 to vector<16xi32>
      %broadcast_in_dim3A_2304 = vector.broadcast %add3A_2297 : i32 to vector<16xi32>
      %add3A_2305 = arith.constant 0 : i32
      %add3A_2306 = vector.broadcast %add3A_2305 : i32 to vector<16xi32>
      %add3A_2307 = arith.addi %iota3A, %add3A_2306 : vector<16xi32>
      %gather3A_2308 = arith.constant 1 : i32
      %gather3A_2309 = arith.constant 0 : i32
      %gather3A_2310 = arith.constant 0 : i32
      %gather3A_2311 = tpu.memref_slice %arg8[%gather3A_2308, %gather3A_2309, %gather3A_2310] : memref<4x64x128xf32, #tpu.memory_space<vmem>> -> memref<1x64x128xf32, #tpu.memory_space<vmem>>
      %gather3A_2312 = tpu.memref_squeeze %gather3A_2311 : memref<1x64x128xf32, #tpu.memory_space<vmem>> -> memref<64x128xf32, #tpu.memory_space<vmem>>
      %gather3A_2313 = tpu.vector_load_idx %gather3A_2312[%add3A_2307, %broadcast_in_dim3A_2300] : memref<64x128xf32, #tpu.memory_space<vmem>>[vector<16xi32>, vector<16xi32>], vector<16xf32>,
      %gather3A_2314 = arith.constant 1 : i32
      %gather3A_2315 = arith.constant 0 : i32
      %gather3A_2316 = arith.constant 0 : i32
      %gather3A_2317 = tpu.memref_slice %arg9[%gather3A_2314, %gather3A_2315, %gather3A_2316] : memref<4x64x128xf32, #tpu.memory_space<vmem>> -> memref<1x64x128xf32, #tpu.memory_space<vmem>>
      %gather3A_2318 = tpu.memref_squeeze %gather3A_2317 : memref<1x64x128xf32, #tpu.memory_space<vmem>> -> memref<64x128xf32, #tpu.memory_space<vmem>>
      %gather3A_2319 = tpu.vector_load_idx %gather3A_2318[%add3A_2307, %broadcast_in_dim3A_2303] : memref<64x128xf32, #tpu.memory_space<vmem>>[vector<16xi32>, vector<16xi32>], vector<16xf32>,
      %mul3A_2320 = arith.mulf %gather3A_2313, %gather3A_2319 : vector<16xf32>
      tpu.vector_store_idx %arg10[%add3A_2307, %broadcast_in_dim3A_2304], %mul3A_2320 : memref<64x512xf32, #tpu.memory_space<vmem>>[vector<16xi32>, vector<16xi32>], vector<16xf32>,
      %add3A_2321 = arith.constant 16 : i32
      %add3A_2322 = vector.broadcast %add3A_2321 : i32 to vector<16xi32>
      %add3A_2323 = arith.addi %iota3A, %add3A_2322 : vector<16xi32>
      %gather3A_2324 = arith.constant 1 : i32
      %gather3A_2325 = arith.constant 0 : i32
      %gather3A_2326 = arith.constant 0 : i32
      %gather3A_2327 = tpu.memref_slice %arg8[%gather3A_2324, %gather3A_2325, %gather3A_2326] : memref<4x64x128xf32, #tpu.memory_space<vmem>> -> memref<1x64x128xf32, #tpu.memory_space<vmem>>
      %gather3A_2328 = tpu.memref_squeeze %gather3A_2327 : memref<1x64x128xf32, #tpu.memory_space<vmem>> -> memref<64x128xf32, #tpu.memory_space<vmem>>
      %gather3A_2329 = tpu.vector_load_idx %gather3A_2328[%add3A_2323, %broadcast_in_dim3A_2300] : memref<64x128xf32, #tpu.memory_space<vmem>>[vector<16xi32>, vector<16xi32>], vector<16xf32>,
      %gather3A_2330 = arith.constant 1 : i32
      %gather3A_2331 = arith.constant 0 : i32
      %gather3A_2332 = arith.constant 0 : i32
      %gather3A_2333 = tpu.memref_slice %arg9[%gather3A_2330, %gather3A_2331, %gather3A_2332] : memref<4x64x128xf32, #tpu.memory_space<vmem>> -> memref<1x64x128xf32, #tpu.memory_space<vmem>>
      %gather3A_2334 = tpu.memref_squeeze %gather3A_2333 : memref<1x64x128xf32, #tpu.memory_space<vmem>> -> memref<64x128xf32, #tpu.memory_space<vmem>>
      %gather3A_2335 = tpu.vector_load_idx %gather3A_2334[%add3A_2323, %broadcast_in_dim3A_2303] : memref<64x128xf32, #tpu.memory_space<vmem>>[vector<16xi32>, vector<16xi32>], vector<16xf32>,
      %mul3A_2336 = arith.mulf %gather3A_2329, %gather3A_2335 : vector<16xf32>
      tpu.vector_store_idx %arg10[%add3A_2323, %broadcast_in_dim3A_2304], %mul3A_2336 : memref<64x512xf32, #tpu.memory_space<vmem>>[vector<16xi32>, vector<16xi32>], vector<16xf32>,
      %add3A_2337 = arith.constant 32 : i32
      %add3A_2338 = vector.broadcast %add3A_2337 : i32 to vector<16xi32>
      %add3A_2339 = arith.addi %iota3A, %add3A_2338 : vector<16xi32>
      %gather3A_2340 = arith.constant 1 : i32
      %gather3A_2341 = arith.constant 0 : i32
      %gather3A_2342 = arith.constant 0 : i32
      %gather3A_2343 = tpu.memref_slice %arg8[%gather3A_2340, %gather3A_2341, %gather3A_2342] : memref<4x64x128xf32, #tpu.memory_space<vmem>> -> memref<1x64x128xf32, #tpu.memory_space<vmem>>
      %gather3A_2344 = tpu.memref_squeeze %gather3A_2343 : memref<1x64x128xf32, #tpu.memory_space<vmem>> -> memref<64x128xf32, #tpu.memory_space<vmem>>
      %gather3A_2345 = tpu.vector_load_idx %gather3A_2344[%add3A_2339, %broadcast_in_dim3A_2300] : memref<64x128xf32, #tpu.memory_space<vmem>>[vector<16xi32>, vector<16xi32>], vector<16xf32>,
      %gather3A_2346 = arith.constant 1 : i32
      %gather3A_2347 = arith.constant 0 : i32
      %gather3A_2348 = arith.constant 0 : i32
      %gather3A_2349 = tpu.memref_slice %arg9[%gather3A_2346, %gather3A_2347, %gather3A_2348] : memref<4x64x128xf32, #tpu.memory_space<vmem>> -> memref<1x64x128xf32, #tpu.memory_space<vmem>>
      %gather3A_2350 = tpu.memref_squeeze %gather3A_2349 : memref<1x64x128xf32, #tpu.memory_space<vmem>> -> memref<64x128xf32, #tpu.memory_space<vmem>>
      %gather3A_2351 = tpu.vector_load_idx %gather3A_2350[%add3A_2339, %broadcast_in_dim3A_2303] : memref<64x128xf32, #tpu.memory_space<vmem>>[vector<16xi32>, vector<16xi32>], vector<16xf32>,
      %mul3A_2352 = arith.mulf %gather3A_2345, %gather3A_2351 : vector<16xf32>
      tpu.vector_store_idx %arg10[%add3A_2339, %broadcast_in_dim3A_2304], %mul3A_2352 : memref<64x512xf32, #tpu.memory_space<vmem>>[vector<16xi32>, vector<16xi32>], vector<16xf32>,
      %add3A_2353 = arith.constant 48 : i32
      %add3A_2354 = vector.broadcast %add3A_2353 : i32 to vector<16xi32>
      %add3A_2355 = arith.addi %iota3A, %add3A_2354 : vector<16xi32>
      %gather3A_2356 = arith.constant 1 : i32
      %gather3A_2357 = arith.constant 0 : i32
      %gather3A_2358 = arith.constant 0 : i32
      %gather3A_2359 = tpu.memref_slice %arg8[%gather3A_2356, %gather3A_2357, %gather3A_2358] : memref<4x64x128xf32, #tpu.memory_space<vmem>> -> memref<1x64x128xf32, #tpu.memory_space<vmem>>
      %gather3A_2360 = tpu.memref_squeeze %gather3A_2359 : memref<1x64x128xf32, #tpu.memory_space<vmem>> -> memref<64x128xf32, #tpu.memory_space<vmem>>
      %gather3A_2361 = tpu.vector_load_idx %gather3A_2360[%add3A_2355, %broadcast_in_dim3A_2300] : memref<64x128xf32, #tpu.memory_space<vmem>>[vector<16xi32>, vector<16xi32>], vector<16xf32>,
      %gather3A_2362 = arith.constant 1 : i32
      %gather3A_2363 = arith.constant 0 : i32
      %gather3A_2364 = arith.constant 0 : i32
      %gather3A_2365 = tpu.memref_slice %arg9[%gather3A_2362, %gather3A_2363, %gather3A_2364] : memref<4x64x128xf32, #tpu.memory_space<vmem>> -> memref<1x64x128xf32, #tpu.memory_space<vmem>>
      %gather3A_2366 = tpu.memref_squeeze %gather3A_2365 : memref<1x64x128xf32, #tpu.memory_space<vmem>> -> memref<64x128xf32, #tpu.memory_space<vmem>>
      %gather3A_2367 = tpu.vector_load_idx %gather3A_2366[%add3A_2355, %broadcast_in_dim3A_2303] : memref<64x128xf32, #tpu.memory_space<vmem>>[vector<16xi32>, vector<16xi32>], vector<16xf32>,
      %mul3A_2368 = arith.mulf %gather3A_2361, %gather3A_2367 : vector<16xf32>
      tpu.vector_store_idx %arg10[%add3A_2355, %broadcast_in_dim3A_2304], %mul3A_2368 : memref<64x512xf32, #tpu.memory_space<vmem>>[vector<16xi32>, vector<16xi32>], vector<16xf32>,
      %lt3A_2369 = arith.constant 31 : i32
      %lt3A_2370 = arith.cmpi slt, %scan3A_145, %lt3A_2369 : i32
      %convert_element_type3A_2371 = arith.extui %lt3A_2370 : i1 to i32
      %cond3A_2372 = arith.constant 0 : i32
      %cond3A_2373 = arith.cmpi ne, %convert_element_type3A_2371, %cond3A_2372 : i32
      scf.if %cond3A_2373 {
        %slice3A_2609 = vector.extract_strided_slice %get3A_160 {offsets = [1], sizes = [1], strides = [1]} : vector<16xi32> to vector<1xi32>
        %squeeze3A_2610 = vector.extract %slice3A_2609[0] : i32 from vector<1xi32>
        %slice3A_2611 = vector.extract_strided_slice %get3A_162 {offsets = [1], sizes = [1], strides = [1]} : vector<16xi32> to vector<1xi32>
        %squeeze3A_2612 = vector.extract %slice3A_2611[0] : i32 from vector<1xi32>
        %shift_right_arithmetic3A_2613 = arith.constant 7 : i32
        %shift_right_arithmetic3A_2614 = arith.shrsi %squeeze3A_2610, %shift_right_arithmetic3A_2613 : i32
        %mul3A_2615 = arith.constant 128 : i32
        %mul3A_2616 = arith.muli %shift_right_arithmetic3A_2614, %mul3A_2615 : i32
        %multiple_of3A_2617 = tpu.assume_multiple %mul3A_2616, 128 : i32
        %shift_right_arithmetic3A_2618 = arith.constant 7 : i32
        %shift_right_arithmetic3A_2619 = arith.shrsi %squeeze3A_2612, %shift_right_arithmetic3A_2618 : i32
        %mul3A_2620 = arith.constant 128 : i32
        %mul3A_2621 = arith.muli %shift_right_arithmetic3A_2619, %mul3A_2620 : i32
        %multiple_of3A_2622 = tpu.assume_multiple %mul3A_2621, 128 : i32
        %dma_start3A_2623 = arith.constant 1 : i32
        %dma_start3A_2624 = arith.constant 1 : i32
        %dma_start3A_2625 = arith.constant 0 : i32
        %dma_start3A_2626 = arith.constant 0 : i32
        %dma_start3A_2627 = tpu.memref_slice %arg8[%dma_start3A_2623, %dma_start3A_2625, %dma_start3A_2626] : memref<4x64x128xf32, #tpu.memory_space<vmem>> -> memref<1x64x128xf32, #tpu.memory_space<vmem>>
        %dma_start3A_2628 = tpu.memref_squeeze %dma_start3A_2627 : memref<1x64x128xf32, #tpu.memory_space<vmem>> -> memref<64x128xf32, #tpu.memory_space<vmem>>
        %dma_start3A_2629 = arith.constant 0 : i32
        %dma_start3A_2630 = tpu.memref_slice %arg2[%dma_start3A_2629, %multiple_of3A_2617] : memref<64x1000000xf32, #tpu.memory_space<hbm>> -> memref<64x128xf32, #tpu.memory_space<hbm>>
        %dma_start3A_2631 = tpu.memref_slice %arg11[%dma_start3A_2624] : memref<4x!tpu.dma_semaphore, #tpu.memory_space<semaphore_mem>> -> memref<1x!tpu.dma_semaphore, #tpu.memory_space<semaphore_mem>>
        %dma_start3A_2632 = tpu.memref_squeeze %dma_start3A_2631 : memref<1x!tpu.dma_semaphore, #tpu.memory_space<semaphore_mem>> -> memref<!tpu.dma_semaphore, #tpu.memory_space<semaphore_mem>>
        %dma_start3A_2633 = arith.constant 0 : i32
        %dma_start3A_2634 = arith.constant 0 : i32
        %dma_start3A_2635 = tpu.memref_slice %arg8[%dma_start3A_2623, %dma_start3A_2633, %dma_start3A_2634] : memref<4x64x128xf32, #tpu.memory_space<vmem>> -> memref<1x64x128xf32, #tpu.memory_space<vmem>>
        %dma_start3A_2636 = tpu.memref_squeeze %dma_start3A_2635 : memref<1x64x128xf32, #tpu.memory_space<vmem>> -> memref<64x128xf32, #tpu.memory_space<vmem>>
        %dma_start3A_2637 = arith.constant 0 : i32
        %dma_start3A_2638 = tpu.memref_slice %arg2[%dma_start3A_2637, %multiple_of3A_2617] : memref<64x1000000xf32, #tpu.memory_space<hbm>> -> memref<64x128xf32, #tpu.memory_space<hbm>>
        tpu.enqueue_dma source(%dma_start3A_2638 : memref<64x128xf32, #tpu.memory_space<hbm>>) target(%dma_start3A_2636 : memref<64x128xf32, #tpu.memory_space<vmem>>) target_semaphore(%dma_start3A_2632 : memref<!tpu.dma_semaphore, #tpu.memory_space<semaphore_mem>>)
        %dma_start3A_2639 = arith.constant 1 : i32
        %dma_start3A_2640 = arith.constant 1 : i32
        %dma_start3A_2641 = arith.constant 0 : i32
        %dma_start3A_2642 = arith.constant 0 : i32
        %dma_start3A_2643 = tpu.memref_slice %arg9[%dma_start3A_2639, %dma_start3A_2641, %dma_start3A_2642] : memref<4x64x128xf32, #tpu.memory_space<vmem>> -> memref<1x64x128xf32, #tpu.memory_space<vmem>>
        %dma_start3A_2644 = tpu.memref_squeeze %dma_start3A_2643 : memref<1x64x128xf32, #tpu.memory_space<vmem>> -> memref<64x128xf32, #tpu.memory_space<vmem>>
        %dma_start3A_2645 = arith.constant 0 : i32
        %dma_start3A_2646 = tpu.memref_slice %arg3[%dma_start3A_2645, %multiple_of3A_2622] : memref<64x1000000xf32, #tpu.memory_space<hbm>> -> memref<64x128xf32, #tpu.memory_space<hbm>>
        %dma_start3A_2647 = tpu.memref_slice %arg12[%dma_start3A_2640] : memref<4x!tpu.dma_semaphore, #tpu.memory_space<semaphore_mem>> -> memref<1x!tpu.dma_semaphore, #tpu.memory_space<semaphore_mem>>
        %dma_start3A_2648 = tpu.memref_squeeze %dma_start3A_2647 : memref<1x!tpu.dma_semaphore, #tpu.memory_space<semaphore_mem>> -> memref<!tpu.dma_semaphore, #tpu.memory_space<semaphore_mem>>
        %dma_start3A_2649 = arith.constant 0 : i32
        %dma_start3A_2650 = arith.constant 0 : i32
        %dma_start3A_2651 = tpu.memref_slice %arg9[%dma_start3A_2639, %dma_start3A_2649, %dma_start3A_2650] : memref<4x64x128xf32, #tpu.memory_space<vmem>> -> memref<1x64x128xf32, #tpu.memory_space<vmem>>
        %dma_start3A_2652 = tpu.memref_squeeze %dma_start3A_2651 : memref<1x64x128xf32, #tpu.memory_space<vmem>> -> memref<64x128xf32, #tpu.memory_space<vmem>>
        %dma_start3A_2653 = arith.constant 0 : i32
        %dma_start3A_2654 = tpu.memref_slice %arg3[%dma_start3A_2653, %multiple_of3A_2622] : memref<64x1000000xf32, #tpu.memory_space<hbm>> -> memref<64x128xf32, #tpu.memory_space<hbm>>
        tpu.enqueue_dma source(%dma_start3A_2654 : memref<64x128xf32, #tpu.memory_space<hbm>>) target(%dma_start3A_2652 : memref<64x128xf32, #tpu.memory_space<vmem>>) target_semaphore(%dma_start3A_2648 : memref<!tpu.dma_semaphore, #tpu.memory_space<semaphore_mem>>)
      } else {
      }
      %dma_wait3A_2374 = arith.constant 2 : i32
      %dma_wait3A_2375 = arith.constant 2 : i32
      %dma_wait3A_2376 = arith.constant 0 : i32
      %dma_wait3A_2377 = arith.constant 0 : i32
      %dma_wait3A_2378 = tpu.memref_slice %arg8[%dma_wait3A_2374, %dma_wait3A_2376, %dma_wait3A_2377] : memref<4x64x128xf32, #tpu.memory_space<vmem>> -> memref<1x64x128xf32, #tpu.memory_space<vmem>>
      %dma_wait3A_2379 = tpu.memref_squeeze %dma_wait3A_2378 : memref<1x64x128xf32, #tpu.memory_space<vmem>> -> memref<64x128xf32, #tpu.memory_space<vmem>>
      %dma_wait3A_2380 = arith.constant 0 : i32
      %dma_wait3A_2381 = arith.constant 0 : i32
      %dma_wait3A_2382 = tpu.memref_slice %arg2[%dma_wait3A_2380, %dma_wait3A_2381] : memref<64x1000000xf32, #tpu.memory_space<hbm>> -> memref<64x128xf32, #tpu.memory_space<hbm>>
      %dma_wait3A_2383 = tpu.memref_slice %arg11[%dma_wait3A_2375] : memref<4x!tpu.dma_semaphore, #tpu.memory_space<semaphore_mem>> -> memref<1x!tpu.dma_semaphore, #tpu.memory_space<semaphore_mem>>
      %dma_wait3A_2384 = tpu.memref_squeeze %dma_wait3A_2383 : memref<1x!tpu.dma_semaphore, #tpu.memory_space<semaphore_mem>> -> memref<!tpu.dma_semaphore, #tpu.memory_space<semaphore_mem>>
      %dma_wait3A_2385 = arith.constant 0 : i32
      %dma_wait3A_2386 = arith.constant 0 : i32
      %dma_wait3A_2387 = tpu.memref_slice %arg8[%dma_wait3A_2374, %dma_wait3A_2385, %dma_wait3A_2386] : memref<4x64x128xf32, #tpu.memory_space<vmem>> -> memref<1x64x128xf32, #tpu.memory_space<vmem>>
      %dma_wait3A_2388 = tpu.memref_squeeze %dma_wait3A_2387 : memref<1x64x128xf32, #tpu.memory_space<vmem>> -> memref<64x128xf32, #tpu.memory_space<vmem>>
      %dma_wait3A_2389 = arith.constant 0 : i32
      %dma_wait3A_2390 = arith.constant 0 : i32
      %dma_wait3A_2391 = tpu.memref_slice %arg2[%dma_wait3A_2389, %dma_wait3A_2390] : memref<64x1000000xf32, #tpu.memory_space<hbm>> -> memref<64x128xf32, #tpu.memory_space<hbm>>
      tpu.wait_dma2 semaphore(%dma_wait3A_2384 : memref<!tpu.dma_semaphore, #tpu.memory_space<semaphore_mem>>) src(%dma_wait3A_2391 : memref<64x128xf32, #tpu.memory_space<hbm>>) dst(%dma_wait3A_2388 : memref<64x128xf32, #tpu.memory_space<vmem>>)
      %dma_wait3A_2392 = arith.constant 2 : i32
      %dma_wait3A_2393 = arith.constant 2 : i32
      %dma_wait3A_2394 = arith.constant 0 : i32
      %dma_wait3A_2395 = arith.constant 0 : i32
      %dma_wait3A_2396 = tpu.memref_slice %arg9[%dma_wait3A_2392, %dma_wait3A_2394, %dma_wait3A_2395] : memref<4x64x128xf32, #tpu.memory_space<vmem>> -> memref<1x64x128xf32, #tpu.memory_space<vmem>>
      %dma_wait3A_2397 = tpu.memref_squeeze %dma_wait3A_2396 : memref<1x64x128xf32, #tpu.memory_space<vmem>> -> memref<64x128xf32, #tpu.memory_space<vmem>>
      %dma_wait3A_2398 = arith.constant 0 : i32
      %dma_wait3A_2399 = arith.constant 0 : i32
      %dma_wait3A_2400 = tpu.memref_slice %arg3[%dma_wait3A_2398, %dma_wait3A_2399] : memref<64x1000000xf32, #tpu.memory_space<hbm>> -> memref<64x128xf32, #tpu.memory_space<hbm>>
      %dma_wait3A_2401 = tpu.memref_slice %arg12[%dma_wait3A_2393] : memref<4x!tpu.dma_semaphore, #tpu.memory_space<semaphore_mem>> -> memref<1x!tpu.dma_semaphore, #tpu.memory_space<semaphore_mem>>
      %dma_wait3A_2402 = tpu.memref_squeeze %dma_wait3A_2401 : memref<1x!tpu.dma_semaphore, #tpu.memory_space<semaphore_mem>> -> memref<!tpu.dma_semaphore, #tpu.memory_space<semaphore_mem>>
      %dma_wait3A_2403 = arith.constant 0 : i32
      %dma_wait3A_2404 = arith.constant 0 : i32
      %dma_wait3A_2405 = tpu.memref_slice %arg9[%dma_wait3A_2392, %dma_wait3A_2403, %dma_wait3A_2404] : memref<4x64x128xf32, #tpu.memory_space<vmem>> -> memref<1x64x128xf32, #tpu.memory_space<vmem>>
      %dma_wait3A_2406 = tpu.memref_squeeze %dma_wait3A_2405 : memref<1x64x128xf32, #tpu.memory_space<vmem>> -> memref<64x128xf32, #tpu.memory_space<vmem>>
      %dma_wait3A_2407 = arith.constant 0 : i32
      %dma_wait3A_2408 = arith.constant 0 : i32
      %dma_wait3A_2409 = tpu.memref_slice %arg3[%dma_wait3A_2407, %dma_wait3A_2408] : memref<64x1000000xf32, #tpu.memory_space<hbm>> -> memref<64x128xf32, #tpu.memory_space<hbm>>
      tpu.wait_dma2 semaphore(%dma_wait3A_2402 : memref<!tpu.dma_semaphore, #tpu.memory_space<semaphore_mem>>) src(%dma_wait3A_2409 : memref<64x128xf32, #tpu.memory_space<hbm>>) dst(%dma_wait3A_2406 : memref<64x128xf32, #tpu.memory_space<vmem>>)
      %slice3A_2410 = vector.extract_strided_slice %get3A_149 {offsets = [14], sizes = [1], strides = [1]} : vector<16xi32> to vector<1xi32>
      %squeeze3A_2411 = vector.extract %slice3A_2410[0] : i32 from vector<1xi32>
      %slice3A_2412 = vector.extract_strided_slice %get3A_153 {offsets = [14], sizes = [1], strides = [1]} : vector<16xi32> to vector<1xi32>
      %squeeze3A_2413 = vector.extract %slice3A_2412[0] : i32 from vector<1xi32>
      %mul3A_2414 = arith.constant 16 : i32
      %mul3A_2415 = arith.muli %scan3A_145, %mul3A_2414 : i32
      %add3A_2416 = arith.constant 14 : i32
      %add3A_2417 = arith.addi %mul3A_2415, %add3A_2416 : i32
      %and3A_2418 = arith.constant 127 : i32
      %and3A_2419 = arith.andi %squeeze3A_2411, %and3A_2418 : i32
      %broadcast_in_dim3A_2420 = vector.broadcast %and3A_2419 : i32 to vector<16xi32>
      %and3A_2421 = arith.constant 127 : i32
      %and3A_2422 = arith.andi %squeeze3A_2413, %and3A_2421 : i32
      %broadcast_in_dim3A_2423 = vector.broadcast %and3A_2422 : i32 to vector<16xi32>
      %broadcast_in_dim3A_2424 = vector.broadcast %add3A_2417 : i32 to vector<16xi32>
      %add3A_2425 = arith.constant 0 : i32
      %add3A_2426 = vector.broadcast %add3A_2425 : i32 to vector<16xi32>
      %add3A_2427 = arith.addi %iota3A, %add3A_2426 : vector<16xi32>
      %gather3A_2428 = arith.constant 2 : i32
      %gather3A_2429 = arith.constant 0 : i32
      %gather3A_2430 = arith.constant 0 : i32
      %gather3A_2431 = tpu.memref_slice %arg8[%gather3A_2428, %gather3A_2429, %gather3A_2430] : memref<4x64x128xf32, #tpu.memory_space<vmem>> -> memref<1x64x128xf32, #tpu.memory_space<vmem>>
      %gather3A_2432 = tpu.memref_squeeze %gather3A_2431 : memref<1x64x128xf32, #tpu.memory_space<vmem>> -> memref<64x128xf32, #tpu.memory_space<vmem>>
      %gather3A_2433 = tpu.vector_load_idx %gather3A_2432[%add3A_2427, %broadcast_in_dim3A_2420] : memref<64x128xf32, #tpu.memory_space<vmem>>[vector<16xi32>, vector<16xi32>], vector<16xf32>,
      %gather3A_2434 = arith.constant 2 : i32
      %gather3A_2435 = arith.constant 0 : i32
      %gather3A_2436 = arith.constant 0 : i32
      %gather3A_2437 = tpu.memref_slice %arg9[%gather3A_2434, %gather3A_2435, %gather3A_2436] : memref<4x64x128xf32, #tpu.memory_space<vmem>> -> memref<1x64x128xf32, #tpu.memory_space<vmem>>
      %gather3A_2438 = tpu.memref_squeeze %gather3A_2437 : memref<1x64x128xf32, #tpu.memory_space<vmem>> -> memref<64x128xf32, #tpu.memory_space<vmem>>
      %gather3A_2439 = tpu.vector_load_idx %gather3A_2438[%add3A_2427, %broadcast_in_dim3A_2423] : memref<64x128xf32, #tpu.memory_space<vmem>>[vector<16xi32>, vector<16xi32>], vector<16xf32>,
      %mul3A_2440 = arith.mulf %gather3A_2433, %gather3A_2439 : vector<16xf32>
      tpu.vector_store_idx %arg10[%add3A_2427, %broadcast_in_dim3A_2424], %mul3A_2440 : memref<64x512xf32, #tpu.memory_space<vmem>>[vector<16xi32>, vector<16xi32>], vector<16xf32>,
      %add3A_2441 = arith.constant 16 : i32
      %add3A_2442 = vector.broadcast %add3A_2441 : i32 to vector<16xi32>
      %add3A_2443 = arith.addi %iota3A, %add3A_2442 : vector<16xi32>
      %gather3A_2444 = arith.constant 2 : i32
      %gather3A_2445 = arith.constant 0 : i32
      %gather3A_2446 = arith.constant 0 : i32
      %gather3A_2447 = tpu.memref_slice %arg8[%gather3A_2444, %gather3A_2445, %gather3A_2446] : memref<4x64x128xf32, #tpu.memory_space<vmem>> -> memref<1x64x128xf32, #tpu.memory_space<vmem>>
      %gather3A_2448 = tpu.memref_squeeze %gather3A_2447 : memref<1x64x128xf32, #tpu.memory_space<vmem>> -> memref<64x128xf32, #tpu.memory_space<vmem>>
      %gather3A_2449 = tpu.vector_load_idx %gather3A_2448[%add3A_2443, %broadcast_in_dim3A_2420] : memref<64x128xf32, #tpu.memory_space<vmem>>[vector<16xi32>, vector<16xi32>], vector<16xf32>,
      %gather3A_2450 = arith.constant 2 : i32
      %gather3A_2451 = arith.constant 0 : i32
      %gather3A_2452 = arith.constant 0 : i32
      %gather3A_2453 = tpu.memref_slice %arg9[%gather3A_2450, %gather3A_2451, %gather3A_2452] : memref<4x64x128xf32, #tpu.memory_space<vmem>> -> memref<1x64x128xf32, #tpu.memory_space<vmem>>
      %gather3A_2454 = tpu.memref_squeeze %gather3A_2453 : memref<1x64x128xf32, #tpu.memory_space<vmem>> -> memref<64x128xf32, #tpu.memory_space<vmem>>
      %gather3A_2455 = tpu.vector_load_idx %gather3A_2454[%add3A_2443, %broadcast_in_dim3A_2423] : memref<64x128xf32, #tpu.memory_space<vmem>>[vector<16xi32>, vector<16xi32>], vector<16xf32>,
      %mul3A_2456 = arith.mulf %gather3A_2449, %gather3A_2455 : vector<16xf32>
      tpu.vector_store_idx %arg10[%add3A_2443, %broadcast_in_dim3A_2424], %mul3A_2456 : memref<64x512xf32, #tpu.memory_space<vmem>>[vector<16xi32>, vector<16xi32>], vector<16xf32>,
      %add3A_2457 = arith.constant 32 : i32
      %add3A_2458 = vector.broadcast %add3A_2457 : i32 to vector<16xi32>
      %add3A_2459 = arith.addi %iota3A, %add3A_2458 : vector<16xi32>
      %gather3A_2460 = arith.constant 2 : i32
      %gather3A_2461 = arith.constant 0 : i32
      %gather3A_2462 = arith.constant 0 : i32
      %gather3A_2463 = tpu.memref_slice %arg8[%gather3A_2460, %gather3A_2461, %gather3A_2462] : memref<4x64x128xf32, #tpu.memory_space<vmem>> -> memref<1x64x128xf32, #tpu.memory_space<vmem>>
      %gather3A_2464 = tpu.memref_squeeze %gather3A_2463 : memref<1x64x128xf32, #tpu.memory_space<vmem>> -> memref<64x128xf32, #tpu.memory_space<vmem>>
      %gather3A_2465 = tpu.vector_load_idx %gather3A_2464[%add3A_2459, %broadcast_in_dim3A_2420] : memref<64x128xf32, #tpu.memory_space<vmem>>[vector<16xi32>, vector<16xi32>], vector<16xf32>,
      %gather3A_2466 = arith.constant 2 : i32
      %gather3A_2467 = arith.constant 0 : i32
      %gather3A_2468 = arith.constant 0 : i32
      %gather3A_2469 = tpu.memref_slice %arg9[%gather3A_2466, %gather3A_2467, %gather3A_2468] : memref<4x64x128xf32, #tpu.memory_space<vmem>> -> memref<1x64x128xf32, #tpu.memory_space<vmem>>
      %gather3A_2470 = tpu.memref_squeeze %gather3A_2469 : memref<1x64x128xf32, #tpu.memory_space<vmem>> -> memref<64x128xf32, #tpu.memory_space<vmem>>
      %gather3A_2471 = tpu.vector_load_idx %gather3A_2470[%add3A_2459, %broadcast_in_dim3A_2423] : memref<64x128xf32, #tpu.memory_space<vmem>>[vector<16xi32>, vector<16xi32>], vector<16xf32>,
      %mul3A_2472 = arith.mulf %gather3A_2465, %gather3A_2471 : vector<16xf32>
      tpu.vector_store_idx %arg10[%add3A_2459, %broadcast_in_dim3A_2424], %mul3A_2472 : memref<64x512xf32, #tpu.memory_space<vmem>>[vector<16xi32>, vector<16xi32>], vector<16xf32>,
      %add3A_2473 = arith.constant 48 : i32
      %add3A_2474 = vector.broadcast %add3A_2473 : i32 to vector<16xi32>
      %add3A_2475 = arith.addi %iota3A, %add3A_2474 : vector<16xi32>
      %gather3A_2476 = arith.constant 2 : i32
      %gather3A_2477 = arith.constant 0 : i32
      %gather3A_2478 = arith.constant 0 : i32
      %gather3A_2479 = tpu.memref_slice %arg8[%gather3A_2476, %gather3A_2477, %gather3A_2478] : memref<4x64x128xf32, #tpu.memory_space<vmem>> -> memref<1x64x128xf32, #tpu.memory_space<vmem>>
      %gather3A_2480 = tpu.memref_squeeze %gather3A_2479 : memref<1x64x128xf32, #tpu.memory_space<vmem>> -> memref<64x128xf32, #tpu.memory_space<vmem>>
      %gather3A_2481 = tpu.vector_load_idx %gather3A_2480[%add3A_2475, %broadcast_in_dim3A_2420] : memref<64x128xf32, #tpu.memory_space<vmem>>[vector<16xi32>, vector<16xi32>], vector<16xf32>,
      %gather3A_2482 = arith.constant 2 : i32
      %gather3A_2483 = arith.constant 0 : i32
      %gather3A_2484 = arith.constant 0 : i32
      %gather3A_2485 = tpu.memref_slice %arg9[%gather3A_2482, %gather3A_2483, %gather3A_2484] : memref<4x64x128xf32, #tpu.memory_space<vmem>> -> memref<1x64x128xf32, #tpu.memory_space<vmem>>
      %gather3A_2486 = tpu.memref_squeeze %gather3A_2485 : memref<1x64x128xf32, #tpu.memory_space<vmem>> -> memref<64x128xf32, #tpu.memory_space<vmem>>
      %gather3A_2487 = tpu.vector_load_idx %gather3A_2486[%add3A_2475, %broadcast_in_dim3A_2423] : memref<64x128xf32, #tpu.memory_space<vmem>>[vector<16xi32>, vector<16xi32>], vector<16xf32>,
      %mul3A_2488 = arith.mulf %gather3A_2481, %gather3A_2487 : vector<16xf32>
      tpu.vector_store_idx %arg10[%add3A_2475, %broadcast_in_dim3A_2424], %mul3A_2488 : memref<64x512xf32, #tpu.memory_space<vmem>>[vector<16xi32>, vector<16xi32>], vector<16xf32>,
      %lt3A_2489 = arith.constant 31 : i32
      %lt3A_2490 = arith.cmpi slt, %scan3A_145, %lt3A_2489 : i32
      %convert_element_type3A_2491 = arith.extui %lt3A_2490 : i1 to i32
      %cond3A_2492 = arith.constant 0 : i32
      %cond3A_2493 = arith.cmpi ne, %convert_element_type3A_2491, %cond3A_2492 : i32
      scf.if %cond3A_2493 {
        %slice3A_2609 = vector.extract_strided_slice %get3A_160 {offsets = [2], sizes = [1], strides = [1]} : vector<16xi32> to vector<1xi32>
        %squeeze3A_2610 = vector.extract %slice3A_2609[0] : i32 from vector<1xi32>
        %slice3A_2611 = vector.extract_strided_slice %get3A_162 {offsets = [2], sizes = [1], strides = [1]} : vector<16xi32> to vector<1xi32>
        %squeeze3A_2612 = vector.extract %slice3A_2611[0] : i32 from vector<1xi32>
        %shift_right_arithmetic3A_2613 = arith.constant 7 : i32
        %shift_right_arithmetic3A_2614 = arith.shrsi %squeeze3A_2610, %shift_right_arithmetic3A_2613 : i32
        %mul3A_2615 = arith.constant 128 : i32
        %mul3A_2616 = arith.muli %shift_right_arithmetic3A_2614, %mul3A_2615 : i32
        %multiple_of3A_2617 = tpu.assume_multiple %mul3A_2616, 128 : i32
        %shift_right_arithmetic3A_2618 = arith.constant 7 : i32
        %shift_right_arithmetic3A_2619 = arith.shrsi %squeeze3A_2612, %shift_right_arithmetic3A_2618 : i32
        %mul3A_2620 = arith.constant 128 : i32
        %mul3A_2621 = arith.muli %shift_right_arithmetic3A_2619, %mul3A_2620 : i32
        %multiple_of3A_2622 = tpu.assume_multiple %mul3A_2621, 128 : i32
        %dma_start3A_2623 = arith.constant 2 : i32
        %dma_start3A_2624 = arith.constant 2 : i32
        %dma_start3A_2625 = arith.constant 0 : i32
        %dma_start3A_2626 = arith.constant 0 : i32
        %dma_start3A_2627 = tpu.memref_slice %arg8[%dma_start3A_2623, %dma_start3A_2625, %dma_start3A_2626] : memref<4x64x128xf32, #tpu.memory_space<vmem>> -> memref<1x64x128xf32, #tpu.memory_space<vmem>>
        %dma_start3A_2628 = tpu.memref_squeeze %dma_start3A_2627 : memref<1x64x128xf32, #tpu.memory_space<vmem>> -> memref<64x128xf32, #tpu.memory_space<vmem>>
        %dma_start3A_2629 = arith.constant 0 : i32
        %dma_start3A_2630 = tpu.memref_slice %arg2[%dma_start3A_2629, %multiple_of3A_2617] : memref<64x1000000xf32, #tpu.memory_space<hbm>> -> memref<64x128xf32, #tpu.memory_space<hbm>>
        %dma_start3A_2631 = tpu.memref_slice %arg11[%dma_start3A_2624] : memref<4x!tpu.dma_semaphore, #tpu.memory_space<semaphore_mem>> -> memref<1x!tpu.dma_semaphore, #tpu.memory_space<semaphore_mem>>
        %dma_start3A_2632 = tpu.memref_squeeze %dma_start3A_2631 : memref<1x!tpu.dma_semaphore, #tpu.memory_space<semaphore_mem>> -> memref<!tpu.dma_semaphore, #tpu.memory_space<semaphore_mem>>
        %dma_start3A_2633 = arith.constant 0 : i32
        %dma_start3A_2634 = arith.constant 0 : i32
        %dma_start3A_2635 = tpu.memref_slice %arg8[%dma_start3A_2623, %dma_start3A_2633, %dma_start3A_2634] : memref<4x64x128xf32, #tpu.memory_space<vmem>> -> memref<1x64x128xf32, #tpu.memory_space<vmem>>
        %dma_start3A_2636 = tpu.memref_squeeze %dma_start3A_2635 : memref<1x64x128xf32, #tpu.memory_space<vmem>> -> memref<64x128xf32, #tpu.memory_space<vmem>>
        %dma_start3A_2637 = arith.constant 0 : i32
        %dma_start3A_2638 = tpu.memref_slice %arg2[%dma_start3A_2637, %multiple_of3A_2617] : memref<64x1000000xf32, #tpu.memory_space<hbm>> -> memref<64x128xf32, #tpu.memory_space<hbm>>
        tpu.enqueue_dma source(%dma_start3A_2638 : memref<64x128xf32, #tpu.memory_space<hbm>>) target(%dma_start3A_2636 : memref<64x128xf32, #tpu.memory_space<vmem>>) target_semaphore(%dma_start3A_2632 : memref<!tpu.dma_semaphore, #tpu.memory_space<semaphore_mem>>)
        %dma_start3A_2639 = arith.constant 2 : i32
        %dma_start3A_2640 = arith.constant 2 : i32
        %dma_start3A_2641 = arith.constant 0 : i32
        %dma_start3A_2642 = arith.constant 0 : i32
        %dma_start3A_2643 = tpu.memref_slice %arg9[%dma_start3A_2639, %dma_start3A_2641, %dma_start3A_2642] : memref<4x64x128xf32, #tpu.memory_space<vmem>> -> memref<1x64x128xf32, #tpu.memory_space<vmem>>
        %dma_start3A_2644 = tpu.memref_squeeze %dma_start3A_2643 : memref<1x64x128xf32, #tpu.memory_space<vmem>> -> memref<64x128xf32, #tpu.memory_space<vmem>>
        %dma_start3A_2645 = arith.constant 0 : i32
        %dma_start3A_2646 = tpu.memref_slice %arg3[%dma_start3A_2645, %multiple_of3A_2622] : memref<64x1000000xf32, #tpu.memory_space<hbm>> -> memref<64x128xf32, #tpu.memory_space<hbm>>
        %dma_start3A_2647 = tpu.memref_slice %arg12[%dma_start3A_2640] : memref<4x!tpu.dma_semaphore, #tpu.memory_space<semaphore_mem>> -> memref<1x!tpu.dma_semaphore, #tpu.memory_space<semaphore_mem>>
        %dma_start3A_2648 = tpu.memref_squeeze %dma_start3A_2647 : memref<1x!tpu.dma_semaphore, #tpu.memory_space<semaphore_mem>> -> memref<!tpu.dma_semaphore, #tpu.memory_space<semaphore_mem>>
        %dma_start3A_2649 = arith.constant 0 : i32
        %dma_start3A_2650 = arith.constant 0 : i32
        %dma_start3A_2651 = tpu.memref_slice %arg9[%dma_start3A_2639, %dma_start3A_2649, %dma_start3A_2650] : memref<4x64x128xf32, #tpu.memory_space<vmem>> -> memref<1x64x128xf32, #tpu.memory_space<vmem>>
        %dma_start3A_2652 = tpu.memref_squeeze %dma_start3A_2651 : memref<1x64x128xf32, #tpu.memory_space<vmem>> -> memref<64x128xf32, #tpu.memory_space<vmem>>
        %dma_start3A_2653 = arith.constant 0 : i32
        %dma_start3A_2654 = tpu.memref_slice %arg3[%dma_start3A_2653, %multiple_of3A_2622] : memref<64x1000000xf32, #tpu.memory_space<hbm>> -> memref<64x128xf32, #tpu.memory_space<hbm>>
        tpu.enqueue_dma source(%dma_start3A_2654 : memref<64x128xf32, #tpu.memory_space<hbm>>) target(%dma_start3A_2652 : memref<64x128xf32, #tpu.memory_space<vmem>>) target_semaphore(%dma_start3A_2648 : memref<!tpu.dma_semaphore, #tpu.memory_space<semaphore_mem>>)
      } else {
      }
      %dma_wait3A_2494 = arith.constant 3 : i32
      %dma_wait3A_2495 = arith.constant 3 : i32
      %dma_wait3A_2496 = arith.constant 0 : i32
      %dma_wait3A_2497 = arith.constant 0 : i32
      %dma_wait3A_2498 = tpu.memref_slice %arg8[%dma_wait3A_2494, %dma_wait3A_2496, %dma_wait3A_2497] : memref<4x64x128xf32, #tpu.memory_space<vmem>> -> memref<1x64x128xf32, #tpu.memory_space<vmem>>
      %dma_wait3A_2499 = tpu.memref_squeeze %dma_wait3A_2498 : memref<1x64x128xf32, #tpu.memory_space<vmem>> -> memref<64x128xf32, #tpu.memory_space<vmem>>
      %dma_wait3A_2500 = arith.constant 0 : i32
      %dma_wait3A_2501 = arith.constant 0 : i32
      %dma_wait3A_2502 = tpu.memref_slice %arg2[%dma_wait3A_2500, %dma_wait3A_2501] : memref<64x1000000xf32, #tpu.memory_space<hbm>> -> memref<64x128xf32, #tpu.memory_space<hbm>>
      %dma_wait3A_2503 = tpu.memref_slice %arg11[%dma_wait3A_2495] : memref<4x!tpu.dma_semaphore, #tpu.memory_space<semaphore_mem>> -> memref<1x!tpu.dma_semaphore, #tpu.memory_space<semaphore_mem>>
      %dma_wait3A_2504 = tpu.memref_squeeze %dma_wait3A_2503 : memref<1x!tpu.dma_semaphore, #tpu.memory_space<semaphore_mem>> -> memref<!tpu.dma_semaphore, #tpu.memory_space<semaphore_mem>>
      %dma_wait3A_2505 = arith.constant 0 : i32
      %dma_wait3A_2506 = arith.constant 0 : i32
      %dma_wait3A_2507 = tpu.memref_slice %arg8[%dma_wait3A_2494, %dma_wait3A_2505, %dma_wait3A_2506] : memref<4x64x128xf32, #tpu.memory_space<vmem>> -> memref<1x64x128xf32, #tpu.memory_space<vmem>>
      %dma_wait3A_2508 = tpu.memref_squeeze %dma_wait3A_2507 : memref<1x64x128xf32, #tpu.memory_space<vmem>> -> memref<64x128xf32, #tpu.memory_space<vmem>>
      %dma_wait3A_2509 = arith.constant 0 : i32
      %dma_wait3A_2510 = arith.constant 0 : i32
      %dma_wait3A_2511 = tpu.memref_slice %arg2[%dma_wait3A_2509, %dma_wait3A_2510] : memref<64x1000000xf32, #tpu.memory_space<hbm>> -> memref<64x128xf32, #tpu.memory_space<hbm>>
      tpu.wait_dma2 semaphore(%dma_wait3A_2504 : memref<!tpu.dma_semaphore, #tpu.memory_space<semaphore_mem>>) src(%dma_wait3A_2511 : memref<64x128xf32, #tpu.memory_space<hbm>>) dst(%dma_wait3A_2508 : memref<64x128xf32, #tpu.memory_space<vmem>>)
      %dma_wait3A_2512 = arith.constant 3 : i32
      %dma_wait3A_2513 = arith.constant 3 : i32
      %dma_wait3A_2514 = arith.constant 0 : i32
      %dma_wait3A_2515 = arith.constant 0 : i32
      %dma_wait3A_2516 = tpu.memref_slice %arg9[%dma_wait3A_2512, %dma_wait3A_2514, %dma_wait3A_2515] : memref<4x64x128xf32, #tpu.memory_space<vmem>> -> memref<1x64x128xf32, #tpu.memory_space<vmem>>
      %dma_wait3A_2517 = tpu.memref_squeeze %dma_wait3A_2516 : memref<1x64x128xf32, #tpu.memory_space<vmem>> -> memref<64x128xf32, #tpu.memory_space<vmem>>
      %dma_wait3A_2518 = arith.constant 0 : i32
      %dma_wait3A_2519 = arith.constant 0 : i32
      %dma_wait3A_2520 = tpu.memref_slice %arg3[%dma_wait3A_2518, %dma_wait3A_2519] : memref<64x1000000xf32, #tpu.memory_space<hbm>> -> memref<64x128xf32, #tpu.memory_space<hbm>>
      %dma_wait3A_2521 = tpu.memref_slice %arg12[%dma_wait3A_2513] : memref<4x!tpu.dma_semaphore, #tpu.memory_space<semaphore_mem>> -> memref<1x!tpu.dma_semaphore, #tpu.memory_space<semaphore_mem>>
      %dma_wait3A_2522 = tpu.memref_squeeze %dma_wait3A_2521 : memref<1x!tpu.dma_semaphore, #tpu.memory_space<semaphore_mem>> -> memref<!tpu.dma_semaphore, #tpu.memory_space<semaphore_mem>>
      %dma_wait3A_2523 = arith.constant 0 : i32
      %dma_wait3A_2524 = arith.constant 0 : i32
      %dma_wait3A_2525 = tpu.memref_slice %arg9[%dma_wait3A_2512, %dma_wait3A_2523, %dma_wait3A_2524] : memref<4x64x128xf32, #tpu.memory_space<vmem>> -> memref<1x64x128xf32, #tpu.memory_space<vmem>>
      %dma_wait3A_2526 = tpu.memref_squeeze %dma_wait3A_2525 : memref<1x64x128xf32, #tpu.memory_space<vmem>> -> memref<64x128xf32, #tpu.memory_space<vmem>>
      %dma_wait3A_2527 = arith.constant 0 : i32
      %dma_wait3A_2528 = arith.constant 0 : i32
      %dma_wait3A_2529 = tpu.memref_slice %arg3[%dma_wait3A_2527, %dma_wait3A_2528] : memref<64x1000000xf32, #tpu.memory_space<hbm>> -> memref<64x128xf32, #tpu.memory_space<hbm>>
      tpu.wait_dma2 semaphore(%dma_wait3A_2522 : memref<!tpu.dma_semaphore, #tpu.memory_space<semaphore_mem>>) src(%dma_wait3A_2529 : memref<64x128xf32, #tpu.memory_space<hbm>>) dst(%dma_wait3A_2526 : memref<64x128xf32, #tpu.memory_space<vmem>>)
      %slice3A_2530 = vector.extract_strided_slice %get3A_149 {offsets = [15], sizes = [1], strides = [1]} : vector<16xi32> to vector<1xi32>
      %squeeze3A_2531 = vector.extract %slice3A_2530[0] : i32 from vector<1xi32>
      %slice3A_2532 = vector.extract_strided_slice %get3A_153 {offsets = [15], sizes = [1], strides = [1]} : vector<16xi32> to vector<1xi32>
      %squeeze3A_2533 = vector.extract %slice3A_2532[0] : i32 from vector<1xi32>
      %mul3A_2534 = arith.constant 16 : i32
      %mul3A_2535 = arith.muli %scan3A_145, %mul3A_2534 : i32
      %add3A_2536 = arith.constant 15 : i32
      %add3A_2537 = arith.addi %mul3A_2535, %add3A_2536 : i32
      %and3A_2538 = arith.constant 127 : i32
      %and3A_2539 = arith.andi %squeeze3A_2531, %and3A_2538 : i32
      %broadcast_in_dim3A_2540 = vector.broadcast %and3A_2539 : i32 to vector<16xi32>
      %and3A_2541 = arith.constant 127 : i32
      %and3A_2542 = arith.andi %squeeze3A_2533, %and3A_2541 : i32
      %broadcast_in_dim3A_2543 = vector.broadcast %and3A_2542 : i32 to vector<16xi32>
      %broadcast_in_dim3A_2544 = vector.broadcast %add3A_2537 : i32 to vector<16xi32>
      %add3A_2545 = arith.constant 0 : i32
      %add3A_2546 = vector.broadcast %add3A_2545 : i32 to vector<16xi32>
      %add3A_2547 = arith.addi %iota3A, %add3A_2546 : vector<16xi32>
      %gather3A_2548 = arith.constant 3 : i32
      %gather3A_2549 = arith.constant 0 : i32
      %gather3A_2550 = arith.constant 0 : i32
      %gather3A_2551 = tpu.memref_slice %arg8[%gather3A_2548, %gather3A_2549, %gather3A_2550] : memref<4x64x128xf32, #tpu.memory_space<vmem>> -> memref<1x64x128xf32, #tpu.memory_space<vmem>>
      %gather3A_2552 = tpu.memref_squeeze %gather3A_2551 : memref<1x64x128xf32, #tpu.memory_space<vmem>> -> memref<64x128xf32, #tpu.memory_space<vmem>>
      %gather3A_2553 = tpu.vector_load_idx %gather3A_2552[%add3A_2547, %broadcast_in_dim3A_2540] : memref<64x128xf32, #tpu.memory_space<vmem>>[vector<16xi32>, vector<16xi32>], vector<16xf32>,
      %gather3A_2554 = arith.constant 3 : i32
      %gather3A_2555 = arith.constant 0 : i32
      %gather3A_2556 = arith.constant 0 : i32
      %gather3A_2557 = tpu.memref_slice %arg9[%gather3A_2554, %gather3A_2555, %gather3A_2556] : memref<4x64x128xf32, #tpu.memory_space<vmem>> -> memref<1x64x128xf32, #tpu.memory_space<vmem>>
      %gather3A_2558 = tpu.memref_squeeze %gather3A_2557 : memref<1x64x128xf32, #tpu.memory_space<vmem>> -> memref<64x128xf32, #tpu.memory_space<vmem>>
      %gather3A_2559 = tpu.vector_load_idx %gather3A_2558[%add3A_2547, %broadcast_in_dim3A_2543] : memref<64x128xf32, #tpu.memory_space<vmem>>[vector<16xi32>, vector<16xi32>], vector<16xf32>,
      %mul3A_2560 = arith.mulf %gather3A_2553, %gather3A_2559 : vector<16xf32>
      tpu.vector_store_idx %arg10[%add3A_2547, %broadcast_in_dim3A_2544], %mul3A_2560 : memref<64x512xf32, #tpu.memory_space<vmem>>[vector<16xi32>, vector<16xi32>], vector<16xf32>,
      %add3A_2561 = arith.constant 16 : i32
      %add3A_2562 = vector.broadcast %add3A_2561 : i32 to vector<16xi32>
      %add3A_2563 = arith.addi %iota3A, %add3A_2562 : vector<16xi32>
      %gather3A_2564 = arith.constant 3 : i32
      %gather3A_2565 = arith.constant 0 : i32
      %gather3A_2566 = arith.constant 0 : i32
      %gather3A_2567 = tpu.memref_slice %arg8[%gather3A_2564, %gather3A_2565, %gather3A_2566] : memref<4x64x128xf32, #tpu.memory_space<vmem>> -> memref<1x64x128xf32, #tpu.memory_space<vmem>>
      %gather3A_2568 = tpu.memref_squeeze %gather3A_2567 : memref<1x64x128xf32, #tpu.memory_space<vmem>> -> memref<64x128xf32, #tpu.memory_space<vmem>>
      %gather3A_2569 = tpu.vector_load_idx %gather3A_2568[%add3A_2563, %broadcast_in_dim3A_2540] : memref<64x128xf32, #tpu.memory_space<vmem>>[vector<16xi32>, vector<16xi32>], vector<16xf32>,
      %gather3A_2570 = arith.constant 3 : i32
      %gather3A_2571 = arith.constant 0 : i32
      %gather3A_2572 = arith.constant 0 : i32
      %gather3A_2573 = tpu.memref_slice %arg9[%gather3A_2570, %gather3A_2571, %gather3A_2572] : memref<4x64x128xf32, #tpu.memory_space<vmem>> -> memref<1x64x128xf32, #tpu.memory_space<vmem>>
      %gather3A_2574 = tpu.memref_squeeze %gather3A_2573 : memref<1x64x128xf32, #tpu.memory_space<vmem>> -> memref<64x128xf32, #tpu.memory_space<vmem>>
      %gather3A_2575 = tpu.vector_load_idx %gather3A_2574[%add3A_2563, %broadcast_in_dim3A_2543] : memref<64x128xf32, #tpu.memory_space<vmem>>[vector<16xi32>, vector<16xi32>], vector<16xf32>,
      %mul3A_2576 = arith.mulf %gather3A_2569, %gather3A_2575 : vector<16xf32>
      tpu.vector_store_idx %arg10[%add3A_2563, %broadcast_in_dim3A_2544], %mul3A_2576 : memref<64x512xf32, #tpu.memory_space<vmem>>[vector<16xi32>, vector<16xi32>], vector<16xf32>,
      %add3A_2577 = arith.constant 32 : i32
      %add3A_2578 = vector.broadcast %add3A_2577 : i32 to vector<16xi32>
      %add3A_2579 = arith.addi %iota3A, %add3A_2578 : vector<16xi32>
      %gather3A_2580 = arith.constant 3 : i32
      %gather3A_2581 = arith.constant 0 : i32
      %gather3A_2582 = arith.constant 0 : i32
      %gather3A_2583 = tpu.memref_slice %arg8[%gather3A_2580, %gather3A_2581, %gather3A_2582] : memref<4x64x128xf32, #tpu.memory_space<vmem>> -> memref<1x64x128xf32, #tpu.memory_space<vmem>>
      %gather3A_2584 = tpu.memref_squeeze %gather3A_2583 : memref<1x64x128xf32, #tpu.memory_space<vmem>> -> memref<64x128xf32, #tpu.memory_space<vmem>>
      %gather3A_2585 = tpu.vector_load_idx %gather3A_2584[%add3A_2579, %broadcast_in_dim3A_2540] : memref<64x128xf32, #tpu.memory_space<vmem>>[vector<16xi32>, vector<16xi32>], vector<16xf32>,
      %gather3A_2586 = arith.constant 3 : i32
      %gather3A_2587 = arith.constant 0 : i32
      %gather3A_2588 = arith.constant 0 : i32
      %gather3A_2589 = tpu.memref_slice %arg9[%gather3A_2586, %gather3A_2587, %gather3A_2588] : memref<4x64x128xf32, #tpu.memory_space<vmem>> -> memref<1x64x128xf32, #tpu.memory_space<vmem>>
      %gather3A_2590 = tpu.memref_squeeze %gather3A_2589 : memref<1x64x128xf32, #tpu.memory_space<vmem>> -> memref<64x128xf32, #tpu.memory_space<vmem>>
      %gather3A_2591 = tpu.vector_load_idx %gather3A_2590[%add3A_2579, %broadcast_in_dim3A_2543] : memref<64x128xf32, #tpu.memory_space<vmem>>[vector<16xi32>, vector<16xi32>], vector<16xf32>,
      %mul3A_2592 = arith.mulf %gather3A_2585, %gather3A_2591 : vector<16xf32>
      tpu.vector_store_idx %arg10[%add3A_2579, %broadcast_in_dim3A_2544], %mul3A_2592 : memref<64x512xf32, #tpu.memory_space<vmem>>[vector<16xi32>, vector<16xi32>], vector<16xf32>,
      %add3A_2593 = arith.constant 48 : i32
      %add3A_2594 = vector.broadcast %add3A_2593 : i32 to vector<16xi32>
      %add3A_2595 = arith.addi %iota3A, %add3A_2594 : vector<16xi32>
      %gather3A_2596 = arith.constant 3 : i32
      %gather3A_2597 = arith.constant 0 : i32
      %gather3A_2598 = arith.constant 0 : i32
      %gather3A_2599 = tpu.memref_slice %arg8[%gather3A_2596, %gather3A_2597, %gather3A_2598] : memref<4x64x128xf32, #tpu.memory_space<vmem>> -> memref<1x64x128xf32, #tpu.memory_space<vmem>>
      %gather3A_2600 = tpu.memref_squeeze %gather3A_2599 : memref<1x64x128xf32, #tpu.memory_space<vmem>> -> memref<64x128xf32, #tpu.memory_space<vmem>>
      %gather3A_2601 = tpu.vector_load_idx %gather3A_2600[%add3A_2595, %broadcast_in_dim3A_2540] : memref<64x128xf32, #tpu.memory_space<vmem>>[vector<16xi32>, vector<16xi32>], vector<16xf32>,
      %gather3A_2602 = arith.constant 3 : i32
      %gather3A_2603 = arith.constant 0 : i32
      %gather3A_2604 = arith.constant 0 : i32
      %gather3A_2605 = tpu.memref_slice %arg9[%gather3A_2602, %gather3A_2603, %gather3A_2604] : memref<4x64x128xf32, #tpu.memory_space<vmem>> -> memref<1x64x128xf32, #tpu.memory_space<vmem>>
      %gather3A_2606 = tpu.memref_squeeze %gather3A_2605 : memref<1x64x128xf32, #tpu.memory_space<vmem>> -> memref<64x128xf32, #tpu.memory_space<vmem>>
      %gather3A_2607 = tpu.vector_load_idx %gather3A_2606[%add3A_2595, %broadcast_in_dim3A_2543] : memref<64x128xf32, #tpu.memory_space<vmem>>[vector<16xi32>, vector<16xi32>], vector<16xf32>,
      %mul3A_2608 = arith.mulf %gather3A_2601, %gather3A_2607 : vector<16xf32>
      tpu.vector_store_idx %arg10[%add3A_2595, %broadcast_in_dim3A_2544], %mul3A_2608 : memref<64x512xf32, #tpu.memory_space<vmem>>[vector<16xi32>, vector<16xi32>], vector<16xf32>,
    }
    %scan3A_144 = arith.constant 32 : i32
    "tpu.region"() ({
      %run_scoped3A_145 = tpu.sem_alloc : memref<!tpu.dma_semaphore, #tpu.memory_space<semaphore_mem>>
      %dma_start3A_146 = arith.constant 0 : i32
      %dma_start3A_147 = tpu.memref_slice %arg5[%dma_start3A_146, %mul3A_2] : memref<64x16384xf32, #tpu.memory_space<hbm>> -> memref<64x512xf32, #tpu.memory_space<hbm>>
      %dma_start3A_148 = arith.constant 0 : i32
      %dma_start3A_149 = tpu.memref_slice %arg5[%dma_start3A_148, %mul3A_2] : memref<64x16384xf32, #tpu.memory_space<hbm>> -> memref<64x512xf32, #tpu.memory_space<hbm>>
      tpu.enqueue_dma source(%arg10 : memref<64x512xf32, #tpu.memory_space<vmem>>) target(%dma_start3A_149 : memref<64x512xf32, #tpu.memory_space<hbm>>) target_semaphore(%run_scoped3A_145 : memref<!tpu.dma_semaphore, #tpu.memory_space<semaphore_mem>>)
      %dma_wait3A = arith.constant 0 : i32
      %dma_wait3A_150 = tpu.memref_slice %arg5[%dma_wait3A, %mul3A_2] : memref<64x16384xf32, #tpu.memory_space<hbm>> -> memref<64x512xf32, #tpu.memory_space<hbm>>
      %dma_wait3A_151 = arith.constant 0 : i32
      %dma_wait3A_152 = tpu.memref_slice %arg5[%dma_wait3A_151, %mul3A_2] : memref<64x16384xf32, #tpu.memory_space<hbm>> -> memref<64x512xf32, #tpu.memory_space<hbm>>
      tpu.wait_dma2 semaphore(%run_scoped3A_145 : memref<!tpu.dma_semaphore, #tpu.memory_space<semaphore_mem>>) src(%arg10 : memref<64x512xf32, #tpu.memory_space<vmem>>) dst(%dma_wait3A_152 : memref<64x512xf32, #tpu.memory_space<hbm>>)
      tpu.yield
    }) : () -> ()
    return
  }
}

</mosaic_0001>

<sc_bundles>
// kernel: kernel.3.cloned.1.call-start
scs
__scs_entry_jumppad:
0x0: {  	(pc) =	sbr.rel $0x88, $3  }
0x1: {  	(tag) =	ssettag $0x0;
	lr =	simm.s32 $0x1  }
0x2: {  	[smem:$0x3F9E] =	sst lr;
	_ =	strace $0xD0000000  }
0x3: {  	_ = 	snop  }
0x4: {  	_ = 	snop  }
0x5: {  	_ = 	snop  }
0x6: {  	_ = 	snop  }
0x7: {  	_ = 	snop  }
__scs_overlays_trampoline_lowered:
0x8: {  	[smem:$0x3FAD] =	sst s0  }
0x9: {  	[smem:$0x3FAE] =	sst s1  }
0xa: {  	[smem:$0x3FAF] =	sst s2  }
0xb: {  	[smem:$0x3FB0] =	sst s3  }
0xc: {  	[smem:$0x3FB1] =	sst s4  }
0xd: {  	[smem:$0x3FB2] =	sst s5  }
0xe: {  	[smem:$0x3FB3] =	sst s6  }
0xf: {  	[smem:$0x3FB4] =	sst s7  }
0x10: {  	[smem:$0x3FB5] =	sst s8  }
0x11: {  	[smem:$0x3FB6] =	sst s9;
	s0 =	simm.s32 @!p0 $0x0  }
0x12: {  	s1 =	sld [smem:$0x3F9C];
	s0 =	simm.s32 @p0 $0x1  }
0x13: {  	[smem:$0x3FB7] =	sst s0;
	s0 =	simm.s32 @!p1 $0x0  }
0x14: {  	s2 =	sld [smem:$0x3F9B];
	s0 =	simm.s32 @p1 $0x1  }
0x15: {  	[smem:$0x3FB8] =	sst s0;
	s0 =	simm.s32 @!p2 $0x0  }
0x16: {  	s3 =	sld [smem:$0x3FDB];
	s0 =	simm.s32 @p2 $0x1  }
0x17: {  	s4 =	simm.s32 $0x1BF5;
	[smem:$0x3FBA] =	sst s0  }
0x18: {  	s0 =	sld [smem:$0x3F9D];
	_ =	swait.ge [sflag:s4], $0x0  }
0x19: {  	s7 =	sld [smem:$0x3F9E]  }
0x1a: {  	s8 =	sadd.s32 $0xFFFFE003, lr  }
0x1b: {  	s9 =	sadd.s32 $0xFFFFFEF7, lr;
	s5 =	simm.s32 $0xFFFFFFFF;
	p2 =	slt.u32 s8, $0xFFFFF086  }
0x1c: {  	p1 =	slt.u32 s9, $0xF7A;
	s5 =	simm.s32 @!p2 $0x0  }
0x1d: {  	s5 =	simm.s32 @p1 $0x1;
	p0 =	seq.s32 s7, s2  }
0x1e: {  	s7 =	smul.u32 @!p0 $0xF7A, s2;
	p2 =	seq.s32 @!p0 s5, $0x0  }
0x1f: {  	s9 =	smul.u32 $0xF7A, s1;
	s8 =	simm.s32 @!p0 $0x1BF5;
	p2 =	por !p2, p0  }
0x20: {  	[sflag:s8] =	ssyncset.s32 @!p0 $0xFFFFF086;
	s6 =	sadd.s32 @!p0 s3, s7;
	s7 =	simm.s32 @!p0 $0x108  }
0x21: {  	s3 =	sadd.s32 s3, s9;
	s6 =	sadd.s32 @!p0 $0x88, s6;
	s7 =	simm.s32 @p2 $0x1082  }
0x22: {  	[simem:s7], [sflag:s8] =	dma.local @!p0 [hbm:s6], $0xF7A  }
0x23: {  	s9 =	sor.u32 $0xD0000000, s2;
	s6 =	simm.s32 $0x108;
	_ =	swait.ge @!p0 [sflag:s8], $0x0  }
0x24: {  	s3 =	sadd.s32 $0x88, s3;
	s6 =	simm.s32 @!p1 $0x1082;
	[sflag:s4] =	ssyncset.s32 $0xFFFFF086  }
0x25: {  	[simem:s6], [sflag:s4] =	dma.local [hbm:s3], $0xF7A  }
0x26: {  	[smem:$0x3F9E] =	sst s1;
	(tag) =	ssettag s2;
	_ =	strace s9  }
0x27: {  	s1 =	sld [smem:$0x3FAE]  }
0x28: {  	s2 =	sld [smem:$0x3FAF]  }
0x29: {  	s4 =	sld [smem:$0x3FB1]  }
0x2a: {  	p0 =	seq.s32 s5, $0x0;
	s5 =	sld [smem:$0x3FB2]  }
0x2b: {  	s6 =	sld [smem:$0x3FB3]  }
0x2c: {  	s7 =	sld [smem:$0x3FB4]  }
0x2d: {  	s3 =	simm.s32 $0x108;
	s8 =	sld [smem:$0x3FB5]  }
0x2e: {  	s3 =	simm.s32 @!p0 $0x1082;
	s9 =	sld [smem:$0x3FB6]  }
0x2f: {  	lr =	sadd.s32 s0, s3;
	s0 =	sld [smem:$0x3FAD]  }
0x30: {  	s3 =	sld [smem:$0x3FB0]  }
0x31: {  	[smem:$0x3FB9] =	sst s10  }
0x32: {  	s10 =	sld [smem:$0x3FB7];
	_ =	sdelay $0x3  }
0x33: {  	p0 =	seq.s32 s10, $0x1;
	s10 =	sld [smem:$0x3FB9];
	_ =	sdelay $0x3  }
0x34: {  	[smem:$0x3FB9] =	sst s10  }
0x35: {  	s10 =	sld [smem:$0x3FB8];
	_ =	sdelay $0x3  }
0x36: {  	p1 =	seq.s32 s10, $0x1;
	s10 =	sld [smem:$0x3FB9];
	_ =	sdelay $0x3  }
0x37: {  	[smem:$0x3FB9] =	sst s10  }
0x38: {  	s10 =	sld [smem:$0x3FBA]  }
0x39: {  	_ = 	snop;
	(pc) =	sbr.ind lr, $3  }
0x3a: {  	_ = 	snop  }
0x3b: {  	_ = 	snop  }
0x3c: {  	p2 =	seq.s32 s10, $0x1;
	s10 =	sld [smem:$0x3FB9]  }
0x3d: {  	_ =	shalt  }
0x3e: {  	_ =	shalt  }
0x3f: {  	_ =	shalt  }
0x40: {  	_ =	shalt  }
0x41: {  	_ =	shalt  }
0x42: {  	_ =	shalt  }
0x43: {  	_ =	shalt  }
0x44: {  	_ =	shalt  }
0x45: {  	_ =	shalt  }
0x46: {  	_ =	shalt  }
0x47: {  	_ =	shalt  }
0x48: {  	_ =	shalt  }
0x49: {  	_ =	shalt  }
0x4a: {  	_ =	shalt  }
0x4b: {  	_ =	shalt  }
0x4c: {  	_ =	shalt  }
0x4d: {  	_ =	shalt  }
0x4e: {  	_ =	shalt  }
0x4f: {  	_ =	shalt  }
0x50: {  	_ =	shalt  }
0x51: {  	_ =	shalt  }
0x52: {  	_ =	shalt  }
0x53: {  	_ =	shalt  }
0x54: {  	_ =	shalt  }
0x55: {  	_ =	shalt  }
0x56: {  	_ =	shalt  }
0x57: {  	_ =	shalt  }
0x58: {  	_ =	shalt  }
0x59: {  	_ =	shalt  }
0x5a: {  	_ =	shalt  }
0x5b: {  	_ =	shalt  }
0x5c: {  	_ =	shalt  }
0x5d: {  	_ =	shalt  }
0x5e: {  	_ =	shalt  }
0x5f: {  	_ =	shalt  }
0x60: {  	_ =	shalt  }
0x61: {  	_ =	shalt  }
0x62: {  	_ =	shalt  }
0x63: {  	_ =	shalt  }
0x64: {  	_ =	shalt  }
0x65: {  	_ =	shalt  }
0x66: {  	_ =	shalt  }
0x67: {  	_ =	shalt  }
0x68: {  	_ =	shalt  }
0x69: {  	_ =	shalt  }
0x6a: {  	_ =	shalt  }
0x6b: {  	_ =	shalt  }
0x6c: {  	_ =	shalt  }
0x6d: {  	_ =	shalt  }
0x6e: {  	_ =	shalt  }
0x6f: {  	_ =	shalt  }
0x70: {  	_ =	shalt  }
0x71: {  	_ =	shalt  }
0x72: {  	_ =	shalt  }
0x73: {  	_ =	shalt  }
0x74: {  	_ =	shalt  }
0x75: {  	_ =	shalt  }
0x76: {  	_ =	shalt  }
0x77: {  	_ =	shalt  }
0x78: {  	_ =	shalt  }
0x79: {  	_ =	shalt  }
0x7a: {  	_ =	shalt  }
0x7b: {  	_ =	shalt  }
0x7c: {  	_ =	shalt  }
0x7d: {  	_ =	shalt  }
0x7e: {  	_ =	shalt  }
0x7f: {  	_ =	shalt  }
0x80: {  	_ =	shalt  }
0x81: {  	_ =	shalt  }
0x82: {  	_ =	shalt  }
0x83: {  	_ =	shalt  }
0x84: {  	_ =	shalt  }
0x85: {  	_ =	shalt  }
0x86: {  	_ =	shalt  }
0x87: {  	_ =	shalt  }
.Lfunc_end0:
.L_simem_size_0:
called_computation_lowered:
.L_overlay_start_0:
0x88: {  	s2 =	sld [smem:$0x3FD9]  }
0x89: {  	s3 =	sld [smem:$0x3FFE];
	_ =	sdelay $0x1  }
0x8a: {  	s1 =	srdreg.scid  }
0x8b: {  	s0 =	sand.u32 $0x1, s1  }
0x8c: {  	s18 =	sshll.u32 s0, $0xA;
	s2 =	sadd.s32 s3, s2  }
0x8d: {  	s2 =	sadd.s32 s2, s18  }
0x8e: {  	[smem:$0x3FC5] =	sst s2  }
0x8f: {  	_ = 	snop  }
0x90: {  	s2 =	sld [smem:$0x3FC9]  }
0x91: {  	s19 =	sld [smem:$0x3FC8]  }
0x92: {  	s4 =	sld [smem:$0x3FC7]  }
0x93: {  	s5 =	sld [smem:$0x3FD0];
	(tm) =	ssettm $0x1  }
0x94: {  	s6 =	sld [smem:$0x3FFB];
	_ =	sdelay $0x3  }
0x95: {  	_ =	strace s6  }
0x96: {  	s6 =	sld [smem:$0x3FFC];
	_ =	sdelay $0x3  }
0x97: {  	_ =	strace s6  }
0x98: {  	s6 =	sld [smem:$0x3FFD];
	_ =	sdelay $0x3  }
0x99: {  	_ =	strace s6  }
0x9a: {  	_ =	strace $0x8FFFFFFF  }
0x9b: {  	s20 =	sld [smem:$0x3FDB];
	_ =	sdelay $0x1  }
0x9c: {  	s7 =	simm.s32 $_scs_section_size  }
0x9d: {  	s8 =	simm.s32 $_size__tile_overlayer_lowered;
	s9 =	simm.s32 $_tile_overlayer_lowered  }
0x9e: {  	s23 =	simm.s32 $0x1BFF;
	s22 =	sshll.u32 s9, $0x1;
	s6 =	sadd.s32 s7, s20  }
0x9f: {  	s10 =	simm.s32 $0x0;
	s21 =	sshll.u32 s8, $0x1;
	s8 =	sadd.s32 s22, s6  }
0xa0: {  	[timem:s10], [sflag:s23] =	dma.local [hbm:s8], s21  }
0xa1: {  	_ =	swait.ge [sflag:s23], s21  }
0xa2: {  	s7 =	ssub.s32 $0x0, s21;
	[sflag:s23] =	ssyncset.done $0x0  }
0xa3: {  	[sflag:s23] =	ssyncadd.s32 s7;
	_ =	sdelay $0x1  }
0xa4: {  	s24 =	simm.s32 $0x1B8B  }
0xa5: {  	_ =	swait.ge [sflag:s24], $0x1  }
0xa6: {  	[sflag:s24] =	ssyncset.done $0x0  }
0xa7: {  	s25 =	simm.s32 $0x1B8E;
	[sflag:s24] =	ssyncadd.s32 $0xFFFFFFFF  }
0xa8: {  	s26 =	simm.s32 $execute0_lowered;
	[smem:$0x3FD2] =	sst s25  }
0xa9: {  	s7 =	sshll.u32 s26, $0x1;
	_ =	strace $0x80000046;
	[dreg:$0x1] =	wrdreg $0xFFFFFFFF  }
0xaa: {  	s28 =	simm.s32 $_size_execute0_lowered;
	s6 =	sadd.s32 s6, s7;
	[dreg:$0x0] =	wrdreg $0x0  }
0xab: {  	s7 =	sshll.u32 s28, $0x1;
	[dreg:$0x2] =	wrdreg s6  }
0xac: {  	[dreg:$0x3] =	wrdreg s7  }
0xad: {  	[dreg:$0x4] =	wrdreg $0xC0  }
0xae: {  	_ =	task [dreg:s10], $0x5FFFF  }
0xaf: {  	[dreg:$0x1] =	wrdreg $0xFFFFFFFF  }
0xb0: {  	[dreg:$0x0] =	wrdreg $0x60  }
0xb1: {  	[dreg:$0x2] =	wrdreg s19  }
0xb2: {  	[dreg:$0x3] =	wrdreg s4  }
0xb3: {  	[dreg:$0x4] =	wrdreg s2  }
0xb4: {  	[dreg:$0x5] =	wrdreg s5  }
0xb5: {  	[dreg:$0x6] =	wrdreg $0x9  }
0xb6: {  	_ =	task.clear_ibuf [dreg:s10], $0x7FFFF;
	_ =	strace $0x90000046  }
0xb7: {  	s29 =	simm.s32 $0x9;
	_ =	strace $0x80000048  }
0xb8: {  	_ =	swait.ge [sflag:s29], $0x1  }
0xb9: {  	[sflag:s29] =	ssyncadd.s32 $0xFFFFFFFF  }
0xba: {  	_ =	strace $0x90000048  }
0xbb: {  	_ =	sfence  }
0xbc: {  	s30 =	sld [smem:$0x0];
	_ =	sdelay $0x2  }
0xbd: {  	s31 =	sshll.u32 s1, $0xD;
	s1 =	sshrl.u32 s1, $0x2  }
0xbe: {  	s3 =	sand.u32 $0x4000, s31;
	s1 =	sadd.s32 s1, s30  }
0xbf: {  	s0 =	sor.u32 s3, s0;
	s1 =	sshll.u32 s1, $0x11  }
0xc0: {  	s0 =	sor.u32 s1, s0  }
0xc1: {  	s0 =	sadd.s32 $0x8F2B, s0  }
0xc2: {  	[sflag:s0] =	ssyncadd.remote.s32 $0x1  }
0xc3: {  	_ =	sfence.sel $0xFFFF  }
0xc4: {  	[dreg:$0x0] =	wrdreg $0xFFFFFFFF;
	(pc) =	sbr.abs _section_cstart, $3  }
0xc5: {  	[dreg:$0x1] =	wrdreg $0xFFFFFFFF  }
0xc6: {  	_ =	task.clear_ibuf [dreg:s10], $0x2FFFF;
	_ =	strace $0x9FFFFFFF  }
0xc7: {  	(tm) =	ssettm $0x7FFFFFFF  }
tec
execute0_lowered:
.L_overlay_start_1:
0x0: {  	(tag) =	ssettag $0x1  }
0x1: {  	v0 =	vimm.s32 $0x1380;
	vm14 =	vcmask $0x300;
	vm13 =	vcmask $0x704  }
0x2: {  	vm12 =	vcmask $0xB08;
	vm11 =	vcmask $0xF0C;
	vm10 =	vcmask $0x1310  }
0x3: {  	vm9 =	vcmask $0x1714;
	vm8 =	vcmask $0x1B18;
	vm7 =	vcmask $0x1F1C  }
0x4: {  	vm6 =	vcmask $0x2320;
	vm5 =	vcmask $0x2724;
	vm4 =	vcmask $0x2B28  }
0x5: {  	vm2 =	vcmask $0x2F2C;
	v1 =	vlaneseq.u32;
	vm3 =	vcmask $0x3330  }
0x6: {  	vm1 =	vcmask $0x3734;
	vm0 =	vcmask $0x3B38;
	v3 =	vimm.s32 $0x3380  }
0x7: {  	v4 =	vimm.s32 $0x5380;
	v5 =	vimm.s32 $0x7380;
	v0 =	vsel vm14, $0x0, v0  }
0x8: {  	v3 =	vsel vm14, $0x2000, v3;
	v4 =	vsel vm14, $0x4000, v4;
	v5 =	vsel vm14, $0x6000, v5  }
0x9: {  	v0 =	vsel vm13, $0x80, v0;
	v3 =	vsel vm13, $0x2080, v3;
	v4 =	vsel vm13, $0x4080, v4  }
0xa: {  	v5 =	vsel vm13, $0x6080, v5;
	v0 =	vsel vm12, $0x100, v0;
	v3 =	vsel vm12, $0x2100, v3  }
0xb: {  	v4 =	vsel vm12, $0x4100, v4;
	v5 =	vsel vm12, $0x6100, v5;
	v0 =	vsel vm11, $0x180, v0  }
0xc: {  	s1 =	rddreg [dreg:$0x0];
	v3 =	vsel vm11, $0x2180, v3;
	v4 =	vsel vm11, $0x4180, v4;
	v5 =	vsel vm11, $0x6180, v5  }
0xd: {  	s12 =	rddreg [dreg:$0x1];
	v0 =	vsel vm10, $0x200, v0;
	v3 =	vsel vm10, $0x2200, v3;
	v4 =	vsel vm10, $0x4200, v4  }
0xe: {  	s2 =	rddreg [dreg:$0x2];
	v5 =	vsel vm10, $0x6200, v5;
	v0 =	vsel vm9, $0x280, v0;
	v3 =	vsel vm9, $0x2280, v3  }
0xf: {  	s3 =	srdreg.scid;
	s4 =	rddreg [dreg:$0x3];
	v4 =	vsel vm9, $0x4280, v4;
	v5 =	vsel vm9, $0x6280, v5;
	v0 =	vsel vm8, $0x300, v0  }
0x10: {  	s5 =	stileid.u32;
	s7 =	simm.s32 $0x0;
	s11 =	simm.s32 $0x7A1400;
	v3 =	vsel vm8, $0x2300, v3;
	v4 =	vsel vm8, $0x4300, v4;
	v5 =	vsel vm8, $0x6300, v5  }
0x11: {  	s13 =	simm.s32 $0x400;
	s14 =	simm.s32 $0x8400;
	s15 =	simm.s32 $0x2400;
	v0 =	vsel vm7, $0x380, v0;
	v3 =	vsel vm7, $0x2380, v3;
	v4 =	vsel vm7, $0x4380, v4  }
0x12: {  	s16 =	simm.s32 $0xA400;
	s17 =	simm.s32 $0x4400;
	s18 =	simm.s32 $0xC400;
	v5 =	vsel vm7, $0x6380, v5;
	v0 =	vsel vm6, $0x1000, v0;
	v3 =	vsel vm6, $0x3000, v3  }
0x13: {  	s19 =	simm.s32 $0x6400;
	s20 =	simm.s32 $0xE400;
	s23 =	simm.s32 $0x10400;
	v4 =	vsel vm6, $0x5000, v4;
	v5 =	vsel vm6, $0x7000, v5;
	v0 =	vsel vm5, $0x1080, v0  }
0x14: {  	s22 =	simm.s32 $0x6;
	s28 =	simm.s32 $0x3;
	s29 =	simm.s32 $0x7;
	v3 =	vsel vm5, $0x3080, v3;
	v4 =	vsel vm5, $0x5080, v4;
	v5 =	vsel vm5, $0x7080, v5  }
0x15: {  	s0 =	simm.s32 $0x0;
	s30 =	simm.s32 $0x7;
	s3 =	sand.u32 $0x1, s3;
	v0 =	vsel vm4, $0x1100, v0;
	v3 =	vsel vm4, $0x3100, v3;
	v4 =	vsel vm4, $0x5100, v4  }
0x16: {  	s5 =	sshll.u32 s5, $0xA;
	[smem:$0x7FF] =	sst s7;
	s6 =	sshll.u32 s3, $0x9;
	v5 =	vsel vm4, $0x7100, v5;
	v2 =	vsel vm2, $0x1180, v0;
	v0 =	vmul.u32 $0x80, v1  }
0x17: {  	s3 =	ssub.s32 $0x2, s3;
	_ =	strace $0x80000047;
	s5 =	sor.u32 s6, s5;
	v3 =	vsel vm2, $0x3180, v3;
	v4 =	vsel vm2, $0x5180, v4;
	v5 =	vsel vm2, $0x7180, v5  }
0x18: {  	s24 =	sshrl.u32 s3, $0x1;
	s25 =	sshrl.u32 s5, $0x2;
	s26 =	sadd.s32 s4, s5;
	v1 =	vsel vm3, $0x1200, v2;
	v3 =	vsel vm3, $0x3200, v3;
	v6 =	vsel vm3, $0x5200, v4  }
0x19: {  	s3 =	ssub.s32 s3, s24;
	s2 =	sadd.s32 s2, s25;
	[dreg:$0x7] =	wrdreg s26;
	v5 =	vsel vm3, $0x7200, v5;
	v1 =	vsel vm1, $0x1280, v1;
	v2 =	vor.u32 $0x800, v0  }
0x1a: {  	s7 =	simm.s32 $0x9;
	s31 =	smax.u32 s3, $0x1;
	[dreg:$0x5] =	wrdreg s2;
	v3 =	vsel vm1, $0x3280, v3;
	v4 =	vor.u32 $0x1000, v0;
	v6 =	vsel vm1, $0x5280, v6  }
0x1b: {  	s24 =	simm.s32 $0x2;
	s2 =	sadd.s32 $0x10, s2;
	[dreg:$0x8] =	wrdreg s31;
	v7 =	vsel vm1, $0x7280, v5;
	v1 =	vsel vm0, $0x1300, v1;
	v3 =	vsel vm0, $0x3300, v3  }
0x1c: {  	s25 =	simm.s32 $0x1;
	s26 =	simm.s32 $0x5;
	[dreg:$0x6] =	wrdreg s2;
	v5 =	vsel vm0, $0x5300, v6;
	v6 =	vor.u32 $0x1800, v0;
	v7 =	vsel vm0, $0x7300, v7  }
.LBB2_1:
0x1d: {  	[dreg:$0x9] =	wrdreg s0;
	s2 =	simm.s32 $0x0  }
0x1e: {  	s3 =	rddreg [dreg:$0x5];
	s5 =	simm.s32 $0x80;
	s6 =	simm.s32 $0x100  }
0x1f: {  	[tilespmem:s2], [sflag:$0x9] =	stream.strided.gather [hbm4b:s3+s5], $0x200, s6, s5, $0x38;
	[tilespmem:$0x18400] =	vst v63  }
0x20: {  	_ =	swait.ge [sflag:s7], $0x200  }
0x21: {  	[sflag:s7] =	ssyncset.done $0x0  }
0x22: {  	s0 =	simm.s32 $0x200;
	s9 =	rddreg [dreg:$0x6];
	[sflag:s7] =	ssyncadd.s32 $0xFFFFFE00  }
0x23: {  	[tilespmem:s0], [sflag:$0x9] =	stream.strided.gather [hbm4b:s9+s5], $0x200, s6, s5, $0x38;
	[tilespmem:$0x18400] =	vst v63  }
0x24: {  	_ =	swait.ge [sflag:s7], $0x200  }
0x25: {  	[sflag:s7] =	ssyncset.done $0x0  }
0x26: {  	[sflag:s7] =	ssyncadd.s32 $0xFFFFFE00  }
0x27: {  	v8 =	vld [tilespmem:$0x0];
	_ =	sdelay $0x3  }
0x28: {  	v9 =	vld [tilespmem:$0x200]  }
0x29: {  	(v2sf) =	vpush v8, $0x0;
	_ =	sdelay $0x3  }
0x2a: {  	(v2sf) =	vpush v9, $0x0  }
0x2b: {  	(v2sf) =	vpush v8, $0x1;
	_ =	sdelay $0x1  }
0x2c: {  	(v2sf) =	vpush v9, $0x1;
	_ =	sdelay $0x1  }
0x2d: {  	(v2sf) =	vpush v8, $0x2;
	_ =	sdelay $0x5  }
0x2e: {  	s10 =	spop (v2sf);
	(v2sf) =	vpush v9, $0x2;
	_ =	sdelay $0x3  }
0x2f: {  	s2 =	sand.u32 $0xFFFFF80, s10;
	s21 =	spop (v2sf)  }
0x30: {  	s2 =	sadd.s32 s1, s2;
	s4 =	sand.u32 $0xFFFFF80, s21;
	s5 =	spop (v2sf)  }
0x31: {  	[tilespmem:s13], [sflag:$0x1] =	stream.strided.gather [hbm4b:s2+s13], $0x2000, s11, s13, $0x38;
	[tilespmem:$0x18400] =	vst v63  }
0x32: {  	s2 =	sadd.s32 s12, s4;
	s6 =	sand.u32 $0xFFFFF80, s5;
	s7 =	spop (v2sf)  }
0x33: {  	[tilespmem:s14], [sflag:$0x5] =	stream.strided.gather [hbm4b:s2+s13], $0x2000, s11, s13, $0x38;
	[tilespmem:$0x18400] =	vst v63  }
0x34: {  	s8 =	sand.u32 $0xFFFFF80, s7;
	s9 =	spop (v2sf);
	s2 =	sadd.s32 s1, s6  }
0x35: {  	[tilespmem:s15], [sflag:$0x2] =	stream.strided.gather [hbm4b:s2+s13], $0x2000, s11, s13, $0x38;
	[tilespmem:$0x18400] =	vst v63  }
0x36: {  	s10 =	sand.u32 $0xFFFFF80, s9;
	s2 =	sadd.s32 s12, s8  }
0x37: {  	[tilespmem:s16], [sflag:$0x6] =	stream.strided.gather [hbm4b:s2+s13], $0x2000, s11, s13, $0x38;
	[tilespmem:$0x18400] =	vst v63  }
0x38: {  	s2 =	sadd.s32 s1, s10  }
0x39: {  	[tilespmem:s17], [sflag:$0x3] =	stream.strided.gather [hbm4b:s2+s13], $0x2000, s11, s13, $0x38;
	[tilespmem:$0x18400] =	vst v63  }
0x3a: {  	s21 =	spop (v2sf)  }
0x3b: {  	s2 =	sand.u32 $0xFFFFF80, s21  }
0x3c: {  	s2 =	sadd.s32 s12, s2  }
0x3d: {  	[tilespmem:s18], [sflag:$0x7] =	stream.strided.gather [hbm4b:s2+s13], $0x2000, s11, s13, $0x38;
	[tilespmem:$0x18400] =	vst v63  }
0x3e: {  	s31 =	simm.s32 $0xF;
	s9 =	simm.s32 $0x1;
	s2 =	simm.s32 $0x0  }
.LBB2_2:
0x3f: {  	v11 =	vld [tilespmem:s2+$0x0]  }
0x40: {  	v10 =	vld [tilespmem:s0+$0x0];
	_ =	sdelay $0x3  }
0x41: {  	(v2sf) =	vpush v11, $0x3  }
0x42: {  	(v2sf) =	vpush v10, $0x3;
	_ =	sdelay $0xd  }
0x43: {  	[dreg:$0xb] =	wrdreg s2;
	s6 =	smin.u32 s9, $0x1F;
	s10 =	spop (v2sf)  }
0x44: {  	s2 =	sshll.u32 s6, $0x4;
	s5 =	sand.u32 $0xFFFFF80, s10;
	s6 =	spop (v2sf)  }
0x45: {  	v9 =	vld [tilespmem:s2+$0x0];
	s7 =	sadd.s32 s1, s5;
	s8 =	sand.u32 $0xFFFFF80, s6  }
0x46: {  	v8 =	vld [tilespmem:s2+$0x200];
	[tilespmem:s19], [sflag:$0x4] =	stream.strided.gather [hbm4b:s7+s13], $0x2000, s11, s13, $0x38  }
0x47: {  	[dreg:$0xa] =	wrdreg s0;
	s2 =	sadd.s32 s12, s8  }
0x48: {  	[tilespmem:s20], [sflag:$0x8] =	stream.strided.gather [hbm4b:s2+s13], $0x2000, s11, s13, $0x38;
	[tilespmem:$0x18400] =	vst v63  }
0x49: {  	_ =	swait.ge [sflag:s25], $0x2000  }
0x4a: {  	[sflag:s25] =	ssyncset.done $0x0  }
0x4b: {  	[sflag:s25] =	ssyncadd.s32 $0xFFFFE000  }
0x4c: {  	_ =	swait.ge [sflag:s26], $0x2000  }
0x4d: {  	(v2sf) =	vpush v11, $0x0  }
0x4e: {  	(v2sf) =	vpush v10, $0x0;
	_ =	sdelay $0xd  }
0x4f: {  	s21 =	spop (v2sf)  }
0x50: {  	s0 =	spop (v2sf);
	s2 =	sand.u32 $0x7F, s21  }
0x51: {  	s5 =	sand.u32 $0x7F, s0;
	v12 =	vor.u32 s2, v0  }
0x52: {  	v13 =	vor.u32 s5, v0;
	_ =	sdelay $0x1  }
0x53: {  	s7 =	sadd.s32 $0xFFFFFFF1, s31;
	[sflag:s26] =	ssyncset.done $0x0  }
0x54: {  	v14 =	vmov s7;
	[sflag:s26] =	ssyncadd.s32 $0xFFFFE000  }
0x55: {  	v15 =	vshll.u32 v14, $0x3;
	v12 =	vld.idx.msk [tilespmem:v12+s13+$0x0], $0xffff  }
0x56: {  	v14 =	vand.u32 $0x70, v14;
	v15 =	vand.u32 $0xC00, v15;
	v13 =	vld.idx.msk [tilespmem:v13+s14+$0x0], $0xffff  }
0x57: {  	v14 =	vor.u32 v14, v15  }
0x58: {  	v15 =	vor.u32 v1, v14  }
0x59: {  	v16 =	vor.u32 s2, v2  }
0x5a: {  	v17 =	vor.u32 s5, v2  }
0x5b: {  	v12 =	vmul.f32 v13, v12;
	_ =	sdelay $0x1  }
0x5c: {  	[tilespmem:v15+s23+$0x0] =	vst.idx.msk $0xffff, v12  }
0x5d: {  	v12 =	vld.idx.msk [tilespmem:v16+s13+$0x0], $0xffff  }
0x5e: {  	v56 =	vld.idx.msk [tilespmem:v17+s14+$0x0], $0xffff;
	_ =	sdelay $0x1  }
0x5f: {  	v57 =	vor.u32 v3, v14  }
0x60: {  	v58 =	vor.u32 s2, v4  }
0x61: {  	v59 =	vor.u32 s5, v4  }
0x62: {  	v12 =	vmul.f32 v56, v12;
	_ =	sdelay $0x1  }
0x63: {  	[tilespmem:v57+s23+$0x0] =	vst.idx.msk $0xffff, v12  }
0x64: {  	(v2sf) =	vpush v11, $0x4;
	v12 =	vld.idx.msk [tilespmem:v58+s13+$0x0], $0xffff  }
0x65: {  	(v2sf) =	vpush v10, $0x4;
	v60 =	vld.idx.msk [tilespmem:v59+s14+$0x0], $0xffff;
	_ =	sdelay $0x1  }
0x66: {  	v61 =	vor.u32 v5, v14  }
0x67: {  	v62 =	vor.u32 s2, v6  }
0x68: {  	v63 =	vor.u32 s5, v6  }
0x69: {  	v12 =	vmul.f32 v60, v12;
	_ =	sdelay $0x1  }
0x6a: {  	[tilespmem:v61+s23+$0x0] =	vst.idx.msk $0xffff, v12  }
0x6b: {  	v12 =	vld.idx.msk [tilespmem:v62+s13+$0x0], $0xffff  }
0x6c: {  	v19 =	vld.idx.msk [tilespmem:v63+s14+$0x0], $0xffff;
	_ =	sdelay $0x1  }
0x6d: {  	v14 =	vor.u32 v7, v14;
	_ =	sdelay $0x2  }
0x6e: {  	s7 =	spop (v2sf);
	v12 =	vmul.f32 v19, v12  }
0x6f: {  	s3 =	sand.u32 $0xFFFFF80, s7;
	s8 =	spop (v2sf)  }
0x70: {  	s2 =	sadd.s32 s1, s3;
	s5 =	sand.u32 $0xFFFFF80, s8;
	[tilespmem:v14+s23+$0x0] =	vst.idx.msk $0xffff, v12  }
0x71: {  	[tilespmem:s13], [sflag:$0x1] =	stream.strided.gather [hbm4b:s2+s13], $0x2000, s11, s13, $0x38;
	[tilespmem:$0x18400] =	vst v63  }
0x72: {  	s2 =	sadd.s32 s12, s5  }
0x73: {  	[tilespmem:s14], [sflag:$0x5] =	stream.strided.gather [hbm4b:s2+s13], $0x2000, s11, s13, $0x38;
	[tilespmem:$0x18400] =	vst v63  }
0x74: {  	_ =	swait.ge [sflag:s24], $0x2000  }
0x75: {  	[sflag:s24] =	ssyncset.done $0x0  }
0x76: {  	[sflag:s24] =	ssyncadd.s32 $0xFFFFE000  }
0x77: {  	_ =	swait.ge [sflag:s22], $0x2000  }
0x78: {  	(v2sf) =	vpush v11, $0x1  }
0x79: {  	(v2sf) =	vpush v10, $0x1;
	_ =	sdelay $0xd  }
0x7a: {  	s21 =	spop (v2sf)  }
0x7b: {  	s3 =	spop (v2sf);
	s2 =	sand.u32 $0x7F, s21  }
0x7c: {  	s5 =	sand.u32 $0x7F, s3;
	v20 =	vor.u32 s2, v0  }
0x7d: {  	v21 =	vor.u32 s5, v0;
	_ =	sdelay $0x1  }
0x7e: {  	[sflag:s22] =	ssyncset.done $0x0;
	s21 =	sadd.s32 $0xFFFFFFF2, s31  }
0x7f: {  	[sflag:s22] =	ssyncadd.s32 $0xFFFFE000;
	v22 =	vmov s21  }
0x80: {  	v23 =	vshll.u32 v22, $0x3;
	v12 =	vld.idx.msk [tilespmem:v20+s15+$0x0], $0xffff  }
0x81: {  	v14 =	vand.u32 $0x71, v22;
	v15 =	vand.u32 $0xC00, v23;
	v13 =	vld.idx.msk [tilespmem:v21+s16+$0x0], $0xffff  }
0x82: {  	v14 =	vor.u32 v14, v15  }
0x83: {  	v15 =	vor.u32 v1, v14  }
0x84: {  	v24 =	vor.u32 s2, v2  }
0x85: {  	v25 =	vor.u32 s5, v2  }
0x86: {  	v12 =	vmul.f32 v13, v12;
	_ =	sdelay $0x1  }
0x87: {  	[tilespmem:v15+s23+$0x0] =	vst.idx.msk $0xffff, v12  }
0x88: {  	v12 =	vld.idx.msk [tilespmem:v24+s15+$0x0], $0xffff  }
0x89: {  	v26 =	vld.idx.msk [tilespmem:v25+s16+$0x0], $0xffff;
	_ =	sdelay $0x1  }
0x8a: {  	v27 =	vor.u32 v3, v14  }
0x8b: {  	v28 =	vor.u32 s2, v4  }
0x8c: {  	v29 =	vor.u32 s5, v4  }
0x8d: {  	v12 =	vmul.f32 v26, v12;
	_ =	sdelay $0x1  }
0x8e: {  	[tilespmem:v27+s23+$0x0] =	vst.idx.msk $0xffff, v12  }
0x8f: {  	(v2sf) =	vpush v11, $0x5;
	v12 =	vld.idx.msk [tilespmem:v28+s15+$0x0], $0xffff  }
0x90: {  	(v2sf) =	vpush v10, $0x5;
	v30 =	vld.idx.msk [tilespmem:v29+s16+$0x0], $0xffff;
	_ =	sdelay $0x1  }
0x91: {  	v31 =	vor.u32 v5, v14  }
0x92: {  	v32 =	vor.u32 s2, v6  }
0x93: {  	v33 =	vor.u32 s5, v6  }
0x94: {  	v12 =	vmul.f32 v30, v12;
	_ =	sdelay $0x1  }
0x95: {  	[tilespmem:v31+s23+$0x0] =	vst.idx.msk $0xffff, v12  }
0x96: {  	v12 =	vld.idx.msk [tilespmem:v32+s15+$0x0], $0xffff  }
0x97: {  	v34 =	vld.idx.msk [tilespmem:v33+s16+$0x0], $0xffff;
	_ =	sdelay $0x1  }
0x98: {  	v14 =	vor.u32 v7, v14;
	_ =	sdelay $0x2  }
0x99: {  	s5 =	spop (v2sf);
	v12 =	vmul.f32 v34, v12  }
0x9a: {  	s3 =	smov.u32 s12;
	s22 =	sand.u32 $0xFFFFF80, s5;
	s12 =	spop (v2sf)  }
0x9b: {  	s2 =	sadd.s32 s1, s22;
	s21 =	sand.u32 $0xFFFFF80, s12;
	[tilespmem:v14+s23+$0x0] =	vst.idx.msk $0xffff, v12  }
0x9c: {  	[tilespmem:s15], [sflag:$0x2] =	stream.strided.gather [hbm4b:s2+s13], $0x2000, s11, s13, $0x38;
	[tilespmem:$0x18400] =	vst v63  }
0x9d: {  	s2 =	sadd.s32 s3, s21  }
0x9e: {  	[tilespmem:s16], [sflag:$0x6] =	stream.strided.gather [hbm4b:s2+s13], $0x2000, s11, s13, $0x38;
	[tilespmem:$0x18400] =	vst v63  }
0x9f: {  	_ =	swait.ge [sflag:s28], $0x2000  }
0xa0: {  	[sflag:s28] =	ssyncset.done $0x0  }
0xa1: {  	[sflag:s28] =	ssyncadd.s32 $0xFFFFE000  }
0xa2: {  	_ =	swait.ge [sflag:s29], $0x2000  }
0xa3: {  	(v2sf) =	vpush v11, $0x2  }
0xa4: {  	(v2sf) =	vpush v10, $0x2;
	_ =	sdelay $0xd  }
0xa5: {  	s22 =	spop (v2sf)  }
0xa6: {  	s21 =	spop (v2sf);
	s2 =	sand.u32 $0x7F, s22  }
0xa7: {  	s21 =	sand.u32 $0x7F, s21;
	v35 =	vor.u32 s2, v0  }
0xa8: {  	v36 =	vor.u32 s21, v0;
	_ =	sdelay $0x1  }
0xa9: {  	[sflag:s29] =	ssyncset.done $0x0;
	s22 =	sadd.s32 $0xFFFFFFF3, s31  }
0xaa: {  	[sflag:s30] =	ssyncadd.s32 $0xFFFFE000;
	v37 =	vmov s22  }
0xab: {  	v38 =	vshll.u32 v37, $0x3;
	v12 =	vld.idx.msk [tilespmem:v35+s17+$0x0], $0xffff  }
0xac: {  	v14 =	vand.u32 $0x72, v37;
	v15 =	vand.u32 $0xC00, v38;
	v13 =	vld.idx.msk [tilespmem:v36+s18+$0x0], $0xffff  }
0xad: {  	v14 =	vor.u32 v14, v15  }
0xae: {  	v15 =	vor.u32 v1, v14  }
0xaf: {  	v39 =	vor.u32 s2, v2  }
0xb0: {  	v40 =	vor.u32 s21, v2  }
0xb1: {  	v12 =	vmul.f32 v13, v12;
	_ =	sdelay $0x1  }
0xb2: {  	[tilespmem:v15+s23+$0x0] =	vst.idx.msk $0xffff, v12  }
0xb3: {  	v12 =	vld.idx.msk [tilespmem:v39+s17+$0x0], $0xffff  }
0xb4: {  	v41 =	vld.idx.msk [tilespmem:v40+s18+$0x0], $0xffff;
	_ =	sdelay $0x1  }
0xb5: {  	v42 =	vor.u32 v3, v14  }
0xb6: {  	v43 =	vor.u32 s2, v4  }
0xb7: {  	v44 =	vor.u32 s21, v4  }
0xb8: {  	v12 =	vmul.f32 v41, v12;
	_ =	sdelay $0x1  }
0xb9: {  	[tilespmem:v42+s23+$0x0] =	vst.idx.msk $0xffff, v12  }
0xba: {  	(v2sf) =	vpush v11, $0x6;
	v12 =	vld.idx.msk [tilespmem:v43+s17+$0x0], $0xffff  }
0xbb: {  	v45 =	vld.idx.msk [tilespmem:v44+s18+$0x0], $0xffff  }
0xbc: {  	(v2sf) =	vpush v10, $0x6  }
0xbd: {  	v46 =	vor.u32 v5, v14  }
0xbe: {  	v47 =	vor.u32 s2, v6  }
0xbf: {  	v48 =	vor.u32 s21, v6  }
0xc0: {  	v12 =	vmul.f32 v45, v12;
	_ =	sdelay $0x1  }
0xc1: {  	[tilespmem:v46+s23+$0x0] =	vst.idx.msk $0xffff, v12  }
0xc2: {  	v12 =	vld.idx.msk [tilespmem:v47+s17+$0x0], $0xffff  }
0xc3: {  	v49 =	vld.idx.msk [tilespmem:v48+s18+$0x0], $0xffff;
	_ =	sdelay $0x1  }
0xc4: {  	v14 =	vor.u32 v7, v14;
	_ =	sdelay $0x2  }
0xc5: {  	s2 =	spop (v2sf);
	v12 =	vmul.f32 v49, v12  }
0xc6: {  	s22 =	sand.u32 $0xFFFFF80, s2  }
0xc7: {  	s21 =	spop (v2sf);
	s22 =	sadd.s32 s1, s22;
	[tilespmem:v14+s23+$0x0] =	vst.idx.msk $0xffff, v12  }
0xc8: {  	[tilespmem:s17], [sflag:$0x3] =	stream.strided.gather [hbm4b:s22+s13], $0x2000, s11, s13, $0x38;
	[tilespmem:$0x18400] =	vst v63  }
0xc9: {  	s22 =	sand.u32 $0xFFFFF80, s21  }
0xca: {  	s4 =	simm.s32 $0x4;
	s22 =	sadd.s32 s3, s22  }
0xcb: {  	[tilespmem:s18], [sflag:$0x7] =	stream.strided.gather [hbm4b:s22+s13], $0x2000, s11, s13, $0x38;
	[tilespmem:$0x18400] =	vst v63  }
0xcc: {  	s10 =	sand.u32 $0x7F, s10;
	_ =	swait.ge [sflag:s4], $0x2000  }
0xcd: {  	s6 =	sand.u32 $0x7F, s6;
	v50 =	vor.u32 s10, v0;
	[sflag:s4] =	ssyncset.done $0x0  }
0xce: {  	v51 =	vor.u32 s6, v0;
	s0 =	simm.s32 $0x8;
	[sflag:s4] =	ssyncadd.s32 $0xFFFFE000  }
0xcf: {  	_ =	swait.ge [sflag:s0], $0x2000  }
0xd0: {  	s22 =	sadd.s32 $0xFFFFFFF4, s31;
	[sflag:s0] =	ssyncset.done $0x0  }
0xd1: {  	v52 =	vmov s22;
	[sflag:s0] =	ssyncadd.s32 $0xFFFFE000  }
0xd2: {  	v53 =	vshll.u32 v52, $0x3;
	v12 =	vld.idx.msk [tilespmem:v50+s19+$0x0], $0xffff  }
0xd3: {  	v14 =	vand.u32 $0x73, v52;
	v15 =	vand.u32 $0xC00, v53;
	v13 =	vld.idx.msk [tilespmem:v51+s20+$0x0], $0xffff  }
0xd4: {  	v14 =	vor.u32 v14, v15  }
0xd5: {  	v15 =	vor.u32 v1, v14  }
0xd6: {  	v54 =	vor.u32 s10, v2  }
0xd7: {  	v55 =	vor.u32 s6, v2  }
0xd8: {  	v12 =	vmul.f32 v13, v12;
	_ =	sdelay $0x1  }
0xd9: {  	[tilespmem:v15+s23+$0x0] =	vst.idx.msk $0xffff, v12  }
0xda: {  	v12 =	vld.idx.msk [tilespmem:v54+s19+$0x0], $0xffff  }
0xdb: {  	v56 =	vld.idx.msk [tilespmem:v55+s20+$0x0], $0xffff;
	_ =	sdelay $0x1  }
0xdc: {  	v57 =	vor.u32 v3, v14  }
0xdd: {  	v58 =	vor.u32 s10, v4  }
0xde: {  	v59 =	vor.u32 s6, v4  }
0xdf: {  	v12 =	vmul.f32 v56, v12;
	_ =	sdelay $0x1  }
0xe0: {  	[tilespmem:v57+s23+$0x0] =	vst.idx.msk $0xffff, v12  }
0xe1: {  	(v2sf) =	vpush v11, $0x7;
	v12 =	vld.idx.msk [tilespmem:v58+s19+$0x0], $0xffff  }
0xe2: {  	v60 =	vld.idx.msk [tilespmem:v59+s20+$0x0], $0xffff  }
0xe3: {  	(v2sf) =	vpush v10, $0x7  }
0xe4: {  	v61 =	vor.u32 v5, v14  }
0xe5: {  	v62 =	vor.u32 s10, v6  }
0xe6: {  	v63 =	vor.u32 s6, v6  }
0xe7: {  	v12 =	vmul.f32 v60, v12;
	_ =	sdelay $0x1  }
0xe8: {  	[tilespmem:v61+s23+$0x0] =	vst.idx.msk $0xffff, v12  }
0xe9: {  	v12 =	vld.idx.msk [tilespmem:v62+s19+$0x0], $0xffff  }
0xea: {  	v19 =	vld.idx.msk [tilespmem:v63+s20+$0x0], $0xffff;
	_ =	sdelay $0x1  }
0xeb: {  	v14 =	vor.u32 v7, v14;
	_ =	sdelay $0x2  }
0xec: {  	s6 =	spop (v2sf);
	v12 =	vmul.f32 v19, v12  }
0xed: {  	s22 =	sand.u32 $0xFFFFF80, s6  }
0xee: {  	s10 =	spop (v2sf);
	s22 =	sadd.s32 s1, s22;
	[tilespmem:v14+s23+$0x0] =	vst.idx.msk $0xffff, v12  }
0xef: {  	[tilespmem:s19], [sflag:$0x4] =	stream.strided.gather [hbm4b:s22+s13], $0x2000, s11, s13, $0x38;
	[tilespmem:$0x18400] =	vst v63  }
0xf0: {  	s22 =	sand.u32 $0xFFFFF80, s10  }
0xf1: {  	s22 =	sadd.s32 s3, s22  }
0xf2: {  	[tilespmem:s20], [sflag:$0x8] =	stream.strided.gather [hbm4b:s22+s13], $0x2000, s11, s13, $0x38;
	[tilespmem:$0x18400] =	vst v63  }
0xf3: {  	s7 =	sand.u32 $0x7F, s7;
	_ =	swait.ge [sflag:s25], $0x2000  }
0xf4: {  	s8 =	sand.u32 $0x7F, s8;
	v20 =	vor.u32 s7, v0;
	[sflag:s25] =	ssyncset.done $0x0  }
0xf5: {  	v21 =	vor.u32 s8, v0;
	[sflag:s25] =	ssyncadd.s32 $0xFFFFE000  }
0xf6: {  	_ =	swait.ge [sflag:s26], $0x2000  }
0xf7: {  	s22 =	sadd.s32 $0xFFFFFFF5, s31;
	[sflag:s26] =	ssyncset.done $0x0  }
0xf8: {  	v22 =	vmov s22;
	[sflag:s26] =	ssyncadd.s32 $0xFFFFE000  }
0xf9: {  	v23 =	vshll.u32 v22, $0x3;
	v12 =	vld.idx.msk [tilespmem:v20+s13+$0x0], $0xffff  }
0xfa: {  	v14 =	vand.u32 $0x74, v22;
	v15 =	vand.u32 $0xC00, v23;
	v13 =	vld.idx.msk [tilespmem:v21+s14+$0x0], $0xffff  }
0xfb: {  	v14 =	vor.u32 v14, v15  }
0xfc: {  	v15 =	vor.u32 v1, v14  }
0xfd: {  	v24 =	vor.u32 s7, v2  }
0xfe: {  	v25 =	vor.u32 s8, v2  }
0xff: {  	v12 =	vmul.f32 v13, v12;
	_ =	sdelay $0x1  }
0x100: {  	[tilespmem:v15+s23+$0x0] =	vst.idx.msk $0xffff, v12  }
0x101: {  	v12 =	vld.idx.msk [tilespmem:v24+s13+$0x0], $0xffff  }
0x102: {  	v26 =	vld.idx.msk [tilespmem:v25+s14+$0x0], $0xffff;
	_ =	sdelay $0x1  }
0x103: {  	v27 =	vor.u32 v3, v14  }
0x104: {  	v28 =	vor.u32 s7, v4  }
0x105: {  	v29 =	vor.u32 s8, v4  }
0x106: {  	v12 =	vmul.f32 v26, v12;
	_ =	sdelay $0x1  }
0x107: {  	[tilespmem:v27+s23+$0x0] =	vst.idx.msk $0xffff, v12  }
0x108: {  	(v2sf) =	vpush v11, $0x8;
	v12 =	vld.idx.msk [tilespmem:v28+s13+$0x0], $0xffff  }
0x109: {  	v30 =	vld.idx.msk [tilespmem:v29+s14+$0x0], $0xffff  }
0x10a: {  	(v2sf) =	vpush v10, $0x8  }
0x10b: {  	v31 =	vor.u32 v5, v14  }
0x10c: {  	v32 =	vor.u32 s7, v6  }
0x10d: {  	v33 =	vor.u32 s8, v6  }
0x10e: {  	v12 =	vmul.f32 v30, v12;
	_ =	sdelay $0x1  }
0x10f: {  	[tilespmem:v31+s23+$0x0] =	vst.idx.msk $0xffff, v12  }
0x110: {  	v12 =	vld.idx.msk [tilespmem:v32+s13+$0x0], $0xffff  }
0x111: {  	v34 =	vld.idx.msk [tilespmem:v33+s14+$0x0], $0xffff;
	_ =	sdelay $0x1  }
0x112: {  	v14 =	vor.u32 v7, v14;
	_ =	sdelay $0x2  }
0x113: {  	s7 =	spop (v2sf);
	v12 =	vmul.f32 v34, v12  }
0x114: {  	s22 =	sand.u32 $0xFFFFF80, s7  }
0x115: {  	s8 =	spop (v2sf);
	s22 =	sadd.s32 s1, s22;
	[tilespmem:v14+s23+$0x0] =	vst.idx.msk $0xffff, v12  }
0x116: {  	[tilespmem:s13], [sflag:$0x1] =	stream.strided.gather [hbm4b:s22+s13], $0x2000, s11, s13, $0x38;
	[tilespmem:$0x18400] =	vst v63  }
0x117: {  	s22 =	sand.u32 $0xFFFFF80, s8  }
0x118: {  	s22 =	sadd.s32 s3, s22  }
0x119: {  	[tilespmem:s14], [sflag:$0x5] =	stream.strided.gather [hbm4b:s22+s13], $0x2000, s11, s13, $0x38;
	[tilespmem:$0x18400] =	vst v63  }
0x11a: {  	s5 =	sand.u32 $0x7F, s5;
	_ =	swait.ge [sflag:s24], $0x2000  }
0x11b: {  	s12 =	sand.u32 $0x7F, s12;
	v35 =	vor.u32 s5, v0;
	[sflag:s24] =	ssyncset.done $0x0  }
0x11c: {  	s29 =	simm.s32 $0x6;
	v36 =	vor.u32 s12, v0;
	[sflag:s24] =	ssyncadd.s32 $0xFFFFE000  }
0x11d: {  	_ =	swait.ge [sflag:s29], $0x2000  }
0x11e: {  	s24 =	sadd.s32 $0xFFFFFFF6, s31;
	[sflag:s29] =	ssyncset.done $0x0  }
0x11f: {  	v37 =	vmov s24;
	[sflag:s29] =	ssyncadd.s32 $0xFFFFE000  }
0x120: {  	v38 =	vshll.u32 v37, $0x3;
	v12 =	vld.idx.msk [tilespmem:v35+s15+$0x0], $0xffff  }
0x121: {  	v14 =	vand.u32 $0x75, v37;
	v15 =	vand.u32 $0xC00, v38;
	v13 =	vld.idx.msk [tilespmem:v36+s16+$0x0], $0xffff  }
0x122: {  	v14 =	vor.u32 v14, v15  }
0x123: {  	v15 =	vor.u32 v1, v14  }
0x124: {  	v39 =	vor.u32 s5, v2  }
0x125: {  	v40 =	vor.u32 s12, v2  }
0x126: {  	v12 =	vmul.f32 v13, v12;
	_ =	sdelay $0x1  }
0x127: {  	[tilespmem:v15+s23+$0x0] =	vst.idx.msk $0xffff, v12  }
0x128: {  	v12 =	vld.idx.msk [tilespmem:v39+s15+$0x0], $0xffff  }
0x129: {  	v41 =	vld.idx.msk [tilespmem:v40+s16+$0x0], $0xffff;
	_ =	sdelay $0x1  }
0x12a: {  	v42 =	vor.u32 v3, v14  }
0x12b: {  	v43 =	vor.u32 s5, v4  }
0x12c: {  	v44 =	vor.u32 s12, v4  }
0x12d: {  	v12 =	vmul.f32 v41, v12;
	_ =	sdelay $0x1  }
0x12e: {  	[tilespmem:v42+s23+$0x0] =	vst.idx.msk $0xffff, v12  }
0x12f: {  	(v2sf) =	vpush v11, $0x9;
	v12 =	vld.idx.msk [tilespmem:v43+s15+$0x0], $0xffff  }
0x130: {  	(v2sf) =	vpush v10, $0x9;
	v45 =	vld.idx.msk [tilespmem:v44+s16+$0x0], $0xffff;
	_ =	sdelay $0x1  }
0x131: {  	v46 =	vor.u32 v5, v14  }
0x132: {  	v47 =	vor.u32 s5, v6  }
0x133: {  	v48 =	vor.u32 s12, v6  }
0x134: {  	v12 =	vmul.f32 v45, v12;
	_ =	sdelay $0x1  }
0x135: {  	[tilespmem:v46+s23+$0x0] =	vst.idx.msk $0xffff, v12  }
0x136: {  	v12 =	vld.idx.msk [tilespmem:v47+s15+$0x0], $0xffff  }
0x137: {  	v49 =	vld.idx.msk [tilespmem:v48+s16+$0x0], $0xffff;
	_ =	sdelay $0x1  }
0x138: {  	v14 =	vor.u32 v7, v14;
	_ =	sdelay $0x2  }
0x139: {  	s5 =	spop (v2sf);
	v12 =	vmul.f32 v49, v12  }
0x13a: {  	s24 =	sand.u32 $0xFFFFF80, s5;
	s12 =	spop (v2sf)  }
0x13b: {  	s22 =	sadd.s32 s1, s24;
	s24 =	sand.u32 $0xFFFFF80, s12;
	[tilespmem:v14+s23+$0x0] =	vst.idx.msk $0xffff, v12  }
0x13c: {  	[tilespmem:s15], [sflag:$0x2] =	stream.strided.gather [hbm4b:s22+s13], $0x2000, s11, s13, $0x38;
	[tilespmem:$0x18400] =	vst v63  }
0x13d: {  	s22 =	sadd.s32 s3, s24  }
0x13e: {  	[tilespmem:s16], [sflag:$0x6] =	stream.strided.gather [hbm4b:s22+s13], $0x2000, s11, s13, $0x38;
	[tilespmem:$0x18400] =	vst v63  }
0x13f: {  	s2 =	sand.u32 $0x7F, s2;
	_ =	swait.ge [sflag:s28], $0x2000  }
0x140: {  	s21 =	sand.u32 $0x7F, s21;
	v50 =	vor.u32 s2, v0;
	[sflag:s28] =	ssyncset.done $0x0  }
0x141: {  	v51 =	vor.u32 s21, v0;
	[sflag:s28] =	ssyncadd.s32 $0xFFFFE000  }
0x142: {  	_ =	swait.ge [sflag:s30], $0x2000  }
0x143: {  	s24 =	sadd.s32 $0xFFFFFFF7, s31;
	[sflag:s30] =	ssyncset.done $0x0  }
0x144: {  	v52 =	vmov s24;
	[sflag:s30] =	ssyncadd.s32 $0xFFFFE000  }
0x145: {  	v53 =	vshll.u32 v52, $0x3;
	v12 =	vld.idx.msk [tilespmem:v50+s17+$0x0], $0xffff  }
0x146: {  	v14 =	vand.u32 $0x76, v52;
	v15 =	vand.u32 $0xC00, v53;
	v13 =	vld.idx.msk [tilespmem:v51+s18+$0x0], $0xffff  }
0x147: {  	v14 =	vor.u32 v14, v15  }
0x148: {  	v15 =	vor.u32 v1, v14  }
0x149: {  	v54 =	vor.u32 s2, v2  }
0x14a: {  	v55 =	vor.u32 s21, v2  }
0x14b: {  	v12 =	vmul.f32 v13, v12;
	_ =	sdelay $0x1  }
0x14c: {  	[tilespmem:v15+s23+$0x0] =	vst.idx.msk $0xffff, v12  }
0x14d: {  	v12 =	vld.idx.msk [tilespmem:v54+s17+$0x0], $0xffff  }
0x14e: {  	v56 =	vld.idx.msk [tilespmem:v55+s18+$0x0], $0xffff;
	_ =	sdelay $0x1  }
0x14f: {  	v57 =	vor.u32 v3, v14  }
0x150: {  	v58 =	vor.u32 s2, v4  }
0x151: {  	v59 =	vor.u32 s21, v4  }
0x152: {  	v12 =	vmul.f32 v56, v12;
	_ =	sdelay $0x1  }
0x153: {  	[tilespmem:v57+s23+$0x0] =	vst.idx.msk $0xffff, v12  }
0x154: {  	(v2sf) =	vpush v11, $0xA;
	v12 =	vld.idx.msk [tilespmem:v58+s17+$0x0], $0xffff  }
0x155: {  	(v2sf) =	vpush v10, $0xA;
	v60 =	vld.idx.msk [tilespmem:v59+s18+$0x0], $0xffff;
	_ =	sdelay $0x1  }
0x156: {  	v61 =	vor.u32 v5, v14  }
0x157: {  	v62 =	vor.u32 s2, v6  }
0x158: {  	v63 =	vor.u32 s21, v6  }
0x159: {  	v12 =	vmul.f32 v60, v12;
	_ =	sdelay $0x1  }
0x15a: {  	[tilespmem:v61+s23+$0x0] =	vst.idx.msk $0xffff, v12  }
0x15b: {  	v12 =	vld.idx.msk [tilespmem:v62+s17+$0x0], $0xffff  }
0x15c: {  	v20 =	vld.idx.msk [tilespmem:v63+s18+$0x0], $0xffff;
	_ =	sdelay $0x1  }
0x15d: {  	v14 =	vor.u32 v7, v14;
	_ =	sdelay $0x2  }
0x15e: {  	s2 =	spop (v2sf);
	v12 =	vmul.f32 v20, v12  }
0x15f: {  	s24 =	sand.u32 $0xFFFFF80, s2;
	s22 =	spop (v2sf)  }
0x160: {  	s21 =	sadd.s32 s1, s24;
	s24 =	sand.u32 $0xFFFFF80, s22;
	[tilespmem:v14+s23+$0x0] =	vst.idx.msk $0xffff, v12  }
0x161: {  	[tilespmem:s17], [sflag:$0x3] =	stream.strided.gather [hbm4b:s21+s13], $0x2000, s11, s13, $0x38;
	[tilespmem:$0x18400] =	vst v63  }
0x162: {  	s21 =	sadd.s32 s3, s24  }
0x163: {  	[tilespmem:s18], [sflag:$0x7] =	stream.strided.gather [hbm4b:s21+s13], $0x2000, s11, s13, $0x38;
	[tilespmem:$0x18400] =	vst v63  }
0x164: {  	s6 =	sand.u32 $0x7F, s6;
	_ =	swait.ge [sflag:s4], $0x2000  }
0x165: {  	s10 =	sand.u32 $0x7F, s10;
	v21 =	vor.u32 s6, v0;
	[sflag:s4] =	ssyncset.done $0x0  }
0x166: {  	v22 =	vor.u32 s10, v0;
	[sflag:s4] =	ssyncadd.s32 $0xFFFFE000  }
0x167: {  	_ =	swait.ge [sflag:s0], $0x2000  }
0x168: {  	s24 =	sadd.s32 $0xFFFFFFF8, s31;
	[sflag:s0] =	ssyncset.done $0x0  }
0x169: {  	v23 =	vmov s24;
	[sflag:s0] =	ssyncadd.s32 $0xFFFFE000  }
0x16a: {  	v24 =	vshll.u32 v23, $0x3;
	v12 =	vld.idx.msk [tilespmem:v21+s19+$0x0], $0xffff  }
0x16b: {  	v14 =	vand.u32 $0x77, v23;
	v15 =	vand.u32 $0xC00, v24;
	v13 =	vld.idx.msk [tilespmem:v22+s20+$0x0], $0xffff  }
0x16c: {  	v14 =	vor.u32 v14, v15  }
0x16d: {  	v15 =	vor.u32 v1, v14  }
0x16e: {  	v25 =	vor.u32 s6, v2  }
0x16f: {  	v26 =	vor.u32 s10, v2  }
0x170: {  	v12 =	vmul.f32 v13, v12;
	_ =	sdelay $0x1  }
0x171: {  	[tilespmem:v15+s23+$0x0] =	vst.idx.msk $0xffff, v12  }
0x172: {  	v12 =	vld.idx.msk [tilespmem:v25+s19+$0x0], $0xffff  }
0x173: {  	v27 =	vld.idx.msk [tilespmem:v26+s20+$0x0], $0xffff;
	_ =	sdelay $0x1  }
0x174: {  	v28 =	vor.u32 v3, v14  }
0x175: {  	v29 =	vor.u32 s6, v4  }
0x176: {  	v30 =	vor.u32 s10, v4  }
0x177: {  	v12 =	vmul.f32 v27, v12;
	_ =	sdelay $0x1  }
0x178: {  	[tilespmem:v28+s23+$0x0] =	vst.idx.msk $0xffff, v12  }
0x179: {  	(v2sf) =	vpush v11, $0xB;
	v12 =	vld.idx.msk [tilespmem:v29+s19+$0x0], $0xffff  }
0x17a: {  	(v2sf) =	vpush v10, $0xB;
	v31 =	vld.idx.msk [tilespmem:v30+s20+$0x0], $0xffff;
	_ =	sdelay $0x1  }
0x17b: {  	v32 =	vor.u32 v5, v14  }
0x17c: {  	v33 =	vor.u32 s6, v6  }
0x17d: {  	v34 =	vor.u32 s10, v6  }
0x17e: {  	v12 =	vmul.f32 v31, v12;
	_ =	sdelay $0x1  }
0x17f: {  	[tilespmem:v32+s23+$0x0] =	vst.idx.msk $0xffff, v12  }
0x180: {  	v12 =	vld.idx.msk [tilespmem:v33+s19+$0x0], $0xffff  }
0x181: {  	v35 =	vld.idx.msk [tilespmem:v34+s20+$0x0], $0xffff;
	_ =	sdelay $0x1  }
0x182: {  	v14 =	vor.u32 v7, v14;
	_ =	sdelay $0x2  }
0x183: {  	s6 =	spop (v2sf);
	v12 =	vmul.f32 v35, v12  }
0x184: {  	s21 =	sand.u32 $0xFFFFF80, s6;
	s24 =	spop (v2sf)  }
0x185: {  	s10 =	sadd.s32 s1, s21;
	s21 =	sand.u32 $0xFFFFF80, s24;
	[tilespmem:v14+s23+$0x0] =	vst.idx.msk $0xffff, v12  }
0x186: {  	[tilespmem:s19], [sflag:$0x4] =	stream.strided.gather [hbm4b:s10+s13], $0x2000, s11, s13, $0x38;
	[tilespmem:$0x18400] =	vst v63  }
0x187: {  	s10 =	sadd.s32 s3, s21  }
0x188: {  	[tilespmem:s20], [sflag:$0x8] =	stream.strided.gather [hbm4b:s10+s13], $0x2000, s11, s13, $0x38;
	[tilespmem:$0x18400] =	vst v63  }
0x189: {  	s7 =	sand.u32 $0x7F, s7;
	_ =	swait.ge [sflag:s25], $0x2000  }
0x18a: {  	s8 =	sand.u32 $0x7F, s8;
	v36 =	vor.u32 s7, v0;
	[sflag:s25] =	ssyncset.done $0x0  }
0x18b: {  	v37 =	vor.u32 s8, v0;
	[sflag:s25] =	ssyncadd.s32 $0xFFFFE000  }
0x18c: {  	_ =	swait.ge [sflag:s26], $0x2000  }
0x18d: {  	s25 =	sadd.s32 $0xFFFFFFF9, s31;
	[sflag:s26] =	ssyncset.done $0x0  }
0x18e: {  	v38 =	vmov s25;
	[sflag:s26] =	ssyncadd.s32 $0xFFFFE000  }
0x18f: {  	v39 =	vshll.u32 v38, $0x3;
	v12 =	vld.idx.msk [tilespmem:v36+s13+$0x0], $0xffff  }
0x190: {  	v14 =	vand.u32 $0x78, v38;
	v15 =	vand.u32 $0xC00, v39;
	v13 =	vld.idx.msk [tilespmem:v37+s14+$0x0], $0xffff  }
0x191: {  	v14 =	vor.u32 v14, v15  }
0x192: {  	v15 =	vor.u32 v1, v14  }
0x193: {  	v40 =	vor.u32 s7, v2  }
0x194: {  	v41 =	vor.u32 s8, v2  }
0x195: {  	v12 =	vmul.f32 v13, v12;
	_ =	sdelay $0x1  }
0x196: {  	[tilespmem:v15+s23+$0x0] =	vst.idx.msk $0xffff, v12  }
0x197: {  	v12 =	vld.idx.msk [tilespmem:v40+s13+$0x0], $0xffff  }
0x198: {  	v42 =	vld.idx.msk [tilespmem:v41+s14+$0x0], $0xffff;
	_ =	sdelay $0x1  }
0x199: {  	v43 =	vor.u32 v3, v14  }
0x19a: {  	v44 =	vor.u32 s7, v4  }
0x19b: {  	v45 =	vor.u32 s8, v4  }
0x19c: {  	v12 =	vmul.f32 v42, v12;
	_ =	sdelay $0x1  }
0x19d: {  	[tilespmem:v43+s23+$0x0] =	vst.idx.msk $0xffff, v12  }
0x19e: {  	(v2sf) =	vpush v11, $0xC;
	v12 =	vld.idx.msk [tilespmem:v44+s13+$0x0], $0xffff  }
0x19f: {  	(v2sf) =	vpush v10, $0xC;
	v46 =	vld.idx.msk [tilespmem:v45+s14+$0x0], $0xffff;
	_ =	sdelay $0x1  }
0x1a0: {  	v47 =	vor.u32 v5, v14  }
0x1a1: {  	v48 =	vor.u32 s7, v6  }
0x1a2: {  	v49 =	vor.u32 s8, v6  }
0x1a3: {  	v12 =	vmul.f32 v46, v12;
	_ =	sdelay $0x1  }
0x1a4: {  	[tilespmem:v47+s23+$0x0] =	vst.idx.msk $0xffff, v12  }
0x1a5: {  	v12 =	vld.idx.msk [tilespmem:v48+s13+$0x0], $0xffff  }
0x1a6: {  	v50 =	vld.idx.msk [tilespmem:v49+s14+$0x0], $0xffff;
	_ =	sdelay $0x1  }
0x1a7: {  	v14 =	vor.u32 v7, v14;
	_ =	sdelay $0x2  }
0x1a8: {  	s21 =	spop (v2sf);
	v12 =	vmul.f32 v50, v12  }
0x1a9: {  	s10 =	sand.u32 $0xFFFFF80, s21;
	s25 =	spop (v2sf)  }
0x1aa: {  	s7 =	sadd.s32 s1, s10;
	s8 =	sand.u32 $0xFFFFF80, s25;
	[tilespmem:v14+s23+$0x0] =	vst.idx.msk $0xffff, v12  }
0x1ab: {  	[tilespmem:s13], [sflag:$0x1] =	stream.strided.gather [hbm4b:s7+s13], $0x2000, s11, s13, $0x38;
	[tilespmem:$0x18400] =	vst v63  }
0x1ac: {  	s28 =	simm.s32 $0x2;
	s7 =	sadd.s32 s3, s8  }
0x1ad: {  	[tilespmem:s14], [sflag:$0x5] =	stream.strided.gather [hbm4b:s7+s13], $0x2000, s11, s13, $0x38;
	[tilespmem:$0x18400] =	vst v63  }
0x1ae: {  	s5 =	sand.u32 $0x7F, s5;
	_ =	swait.ge [sflag:s28], $0x2000  }
0x1af: {  	v51 =	vor.u32 s5, v0;
	s10 =	sand.u32 $0x7F, s12;
	[sflag:s28] =	ssyncset.done $0x0  }
0x1b0: {  	v52 =	vor.u32 s10, v0;
	[sflag:s28] =	ssyncadd.s32 $0xFFFFE000  }
0x1b1: {  	_ =	swait.ge [sflag:s29], $0x2000  }
0x1b2: {  	s12 =	sadd.s32 $0xFFFFFFFA, s31;
	[sflag:s29] =	ssyncset.done $0x0  }
0x1b3: {  	v53 =	vmov s12;
	[sflag:s29] =	ssyncadd.s32 $0xFFFFE000  }
0x1b4: {  	v54 =	vshll.u32 v53, $0x3;
	v12 =	vld.idx.msk [tilespmem:v51+s15+$0x0], $0xffff  }
0x1b5: {  	v15 =	vand.u32 $0xC00, v54;
	v14 =	vand.u32 $0x79, v53;
	v13 =	vld.idx.msk [tilespmem:v52+s16+$0x0], $0xffff  }
0x1b6: {  	v14 =	vor.u32 v14, v15  }
0x1b7: {  	v15 =	vor.u32 v1, v14  }
0x1b8: {  	v55 =	vor.u32 s5, v2  }
0x1b9: {  	v56 =	vor.u32 s10, v2  }
0x1ba: {  	v12 =	vmul.f32 v13, v12;
	_ =	sdelay $0x1  }
0x1bb: {  	[tilespmem:v15+s23+$0x0] =	vst.idx.msk $0xffff, v12  }
0x1bc: {  	v12 =	vld.idx.msk [tilespmem:v55+s15+$0x0], $0xffff  }
0x1bd: {  	v57 =	vld.idx.msk [tilespmem:v56+s16+$0x0], $0xffff;
	_ =	sdelay $0x1  }
0x1be: {  	v58 =	vor.u32 v3, v14  }
0x1bf: {  	v59 =	vor.u32 s5, v4  }
0x1c0: {  	v60 =	vor.u32 s10, v4  }
0x1c1: {  	v12 =	vmul.f32 v57, v12;
	_ =	sdelay $0x1  }
0x1c2: {  	[tilespmem:v58+s23+$0x0] =	vst.idx.msk $0xffff, v12  }
0x1c3: {  	(v2sf) =	vpush v11, $0xD;
	v12 =	vld.idx.msk [tilespmem:v59+s15+$0x0], $0xffff  }
0x1c4: {  	(v2sf) =	vpush v10, $0xD;
	v61 =	vld.idx.msk [tilespmem:v60+s16+$0x0], $0xffff;
	_ =	sdelay $0x1  }
0x1c5: {  	v62 =	vor.u32 v5, v14  }
0x1c6: {  	v63 =	vor.u32 s5, v6  }
0x1c7: {  	v20 =	vor.u32 s10, v6  }
0x1c8: {  	v12 =	vmul.f32 v61, v12;
	_ =	sdelay $0x1  }
0x1c9: {  	[tilespmem:v62+s23+$0x0] =	vst.idx.msk $0xffff, v12  }
0x1ca: {  	v12 =	vld.idx.msk [tilespmem:v63+s15+$0x0], $0xffff  }
0x1cb: {  	v21 =	vld.idx.msk [tilespmem:v20+s16+$0x0], $0xffff;
	_ =	sdelay $0x1  }
0x1cc: {  	v14 =	vor.u32 v7, v14;
	_ =	sdelay $0x2  }
0x1cd: {  	s5 =	spop (v2sf);
	v12 =	vmul.f32 v21, v12  }
0x1ce: {  	s10 =	sand.u32 $0xFFFFF80, s5;
	s12 =	spop (v2sf)  }
0x1cf: {  	s7 =	sadd.s32 s1, s10;
	s8 =	sand.u32 $0xFFFFF80, s12;
	[tilespmem:v14+s23+$0x0] =	vst.idx.msk $0xffff, v12  }
0x1d0: {  	[tilespmem:s15], [sflag:$0x2] =	stream.strided.gather [hbm4b:s7+s13], $0x2000, s11, s13, $0x38;
	[tilespmem:$0x18400] =	vst v63  }
0x1d1: {  	s28 =	simm.s32 $0x3;
	s7 =	sadd.s32 s3, s8  }
0x1d2: {  	[tilespmem:s16], [sflag:$0x6] =	stream.strided.gather [hbm4b:s7+s13], $0x2000, s11, s13, $0x38;
	[tilespmem:$0x18400] =	vst v63  }
0x1d3: {  	s2 =	sand.u32 $0x7F, s2;
	_ =	swait.ge [sflag:s28], $0x2000  }
0x1d4: {  	v22 =	vor.u32 s2, v0;
	s10 =	sand.u32 $0x7F, s22;
	[sflag:s28] =	ssyncset.done $0x0  }
0x1d5: {  	v23 =	vor.u32 s10, v0;
	[sflag:s28] =	ssyncadd.s32 $0xFFFFE000  }
0x1d6: {  	_ =	swait.ge [sflag:s30], $0x2000  }
0x1d7: {  	s22 =	sadd.s32 $0xFFFFFFFB, s31;
	[sflag:s30] =	ssyncset.done $0x0  }
0x1d8: {  	v24 =	vmov s22;
	[sflag:s30] =	ssyncadd.s32 $0xFFFFE000  }
0x1d9: {  	v25 =	vshll.u32 v24, $0x3;
	v12 =	vld.idx.msk [tilespmem:v22+s17+$0x0], $0xffff  }
0x1da: {  	v15 =	vand.u32 $0xC00, v25;
	v14 =	vand.u32 $0x7A, v24;
	v13 =	vld.idx.msk [tilespmem:v23+s18+$0x0], $0xffff  }
0x1db: {  	v14 =	vor.u32 v14, v15  }
0x1dc: {  	v15 =	vor.u32 v1, v14  }
0x1dd: {  	v26 =	vor.u32 s2, v2  }
0x1de: {  	v27 =	vor.u32 s10, v2  }
0x1df: {  	v12 =	vmul.f32 v13, v12;
	_ =	sdelay $0x1  }
0x1e0: {  	[tilespmem:v15+s23+$0x0] =	vst.idx.msk $0xffff, v12  }
0x1e1: {  	v12 =	vld.idx.msk [tilespmem:v26+s17+$0x0], $0xffff  }
0x1e2: {  	v28 =	vld.idx.msk [tilespmem:v27+s18+$0x0], $0xffff;
	_ =	sdelay $0x1  }
0x1e3: {  	v29 =	vor.u32 v3, v14  }
0x1e4: {  	v30 =	vor.u32 s2, v4  }
0x1e5: {  	v31 =	vor.u32 s10, v4  }
0x1e6: {  	v12 =	vmul.f32 v28, v12;
	_ =	sdelay $0x1  }
0x1e7: {  	[tilespmem:v29+s23+$0x0] =	vst.idx.msk $0xffff, v12  }
0x1e8: {  	(v2sf) =	vpush v11, $0xE;
	v12 =	vld.idx.msk [tilespmem:v30+s17+$0x0], $0xffff  }
0x1e9: {  	(v2sf) =	vpush v10, $0xE;
	v32 =	vld.idx.msk [tilespmem:v31+s18+$0x0], $0xffff;
	_ =	sdelay $0x1  }
0x1ea: {  	v33 =	vor.u32 v5, v14  }
0x1eb: {  	v34 =	vor.u32 s2, v6  }
0x1ec: {  	v35 =	vor.u32 s10, v6  }
0x1ed: {  	v12 =	vmul.f32 v32, v12;
	_ =	sdelay $0x1  }
0x1ee: {  	[tilespmem:v33+s23+$0x0] =	vst.idx.msk $0xffff, v12  }
0x1ef: {  	v12 =	vld.idx.msk [tilespmem:v34+s17+$0x0], $0xffff  }
0x1f0: {  	v36 =	vld.idx.msk [tilespmem:v35+s18+$0x0], $0xffff;
	_ =	sdelay $0x1  }
0x1f1: {  	v14 =	vor.u32 v7, v14;
	_ =	sdelay $0x2  }
0x1f2: {  	s8 =	spop (v2sf);
	v12 =	vmul.f32 v36, v12  }
0x1f3: {  	s7 =	sand.u32 $0xFFFFF80, s8;
	s10 =	spop (v2sf)  }
0x1f4: {  	s2 =	sadd.s32 s1, s7;
	s22 =	sand.u32 $0xFFFFF80, s10;
	[tilespmem:v14+s23+$0x0] =	vst.idx.msk $0xffff, v12  }
0x1f5: {  	[tilespmem:s17], [sflag:$0x3] =	stream.strided.gather [hbm4b:s2+s13], $0x2000, s11, s13, $0x38;
	[tilespmem:$0x18400] =	vst v63  }
0x1f6: {  	s2 =	sadd.s32 s3, s22  }
0x1f7: {  	[tilespmem:s18], [sflag:$0x7] =	stream.strided.gather [hbm4b:s2+s13], $0x2000, s11, s13, $0x38;
	[tilespmem:$0x18400] =	vst v63  }
0x1f8: {  	s6 =	sand.u32 $0x7F, s6;
	_ =	swait.ge [sflag:s4], $0x2000  }
0x1f9: {  	v37 =	vor.u32 s6, v0;
	s22 =	sand.u32 $0x7F, s24;
	[sflag:s4] =	ssyncset.done $0x0  }
0x1fa: {  	v38 =	vor.u32 s22, v0;
	[sflag:s4] =	ssyncadd.s32 $0xFFFFE000  }
0x1fb: {  	_ =	swait.ge [sflag:s0], $0x2000  }
0x1fc: {  	s24 =	sadd.s32 $0xFFFFFFFC, s31;
	[sflag:s0] =	ssyncset.done $0x0  }
0x1fd: {  	v39 =	vmov s24;
	[sflag:s0] =	ssyncadd.s32 $0xFFFFE000  }
0x1fe: {  	v40 =	vshll.u32 v39, $0x3;
	v12 =	vld.idx.msk [tilespmem:v37+s19+$0x0], $0xffff  }
0x1ff: {  	v14 =	vand.u32 $0x7B, v39;
	v15 =	vand.u32 $0xC00, v40;
	v13 =	vld.idx.msk [tilespmem:v38+s20+$0x0], $0xffff  }
0x200: {  	v14 =	vor.u32 v14, v15  }
0x201: {  	v15 =	vor.u32 v1, v14  }
0x202: {  	v41 =	vor.u32 s6, v2  }
0x203: {  	v42 =	vor.u32 s22, v2  }
0x204: {  	v12 =	vmul.f32 v13, v12;
	_ =	sdelay $0x1  }
0x205: {  	[tilespmem:v15+s23+$0x0] =	vst.idx.msk $0xffff, v12  }
0x206: {  	v12 =	vld.idx.msk [tilespmem:v41+s19+$0x0], $0xffff  }
0x207: {  	v43 =	vld.idx.msk [tilespmem:v42+s20+$0x0], $0xffff;
	_ =	sdelay $0x1  }
0x208: {  	v44 =	vor.u32 v3, v14  }
0x209: {  	v45 =	vor.u32 s6, v4  }
0x20a: {  	v46 =	vor.u32 s22, v4  }
0x20b: {  	v12 =	vmul.f32 v43, v12;
	_ =	sdelay $0x1  }
0x20c: {  	[tilespmem:v44+s23+$0x0] =	vst.idx.msk $0xffff, v12  }
0x20d: {  	(v2sf) =	vpush v11, $0xF;
	v12 =	vld.idx.msk [tilespmem:v45+s19+$0x0], $0xffff  }
0x20e: {  	(v2sf) =	vpush v10, $0xF;
	v47 =	vld.idx.msk [tilespmem:v46+s20+$0x0], $0xffff;
	_ =	sdelay $0x1  }
0x20f: {  	v48 =	vor.u32 v5, v14  }
0x210: {  	v49 =	vor.u32 s6, v6  }
0x211: {  	v50 =	vor.u32 s22, v6  }
0x212: {  	v11 =	vmul.f32 v47, v12;
	_ =	sdelay $0x1  }
0x213: {  	[tilespmem:v48+s23+$0x0] =	vst.idx.msk $0xffff, v11  }
0x214: {  	v10 =	vld.idx.msk [tilespmem:v49+s19+$0x0], $0xffff  }
0x215: {  	v11 =	vld.idx.msk [tilespmem:v50+s20+$0x0], $0xffff;
	_ =	sdelay $0x1  }
0x216: {  	v51 =	vor.u32 v7, v14;
	_ =	sdelay $0x2  }
0x217: {  	s6 =	spop (v2sf);
	v10 =	vmul.f32 v11, v10  }
0x218: {  	s0 =	sand.u32 $0xFFFFF80, s6;
	s7 =	spop (v2sf)  }
0x219: {  	s2 =	sadd.s32 s1, s0;
	s4 =	sand.u32 $0xFFFFF80, s7;
	[tilespmem:v51+s23+$0x0] =	vst.idx.msk $0xffff, v10  }
0x21a: {  	[tilespmem:s19], [sflag:$0x4] =	stream.strided.gather [hbm4b:s2+s13], $0x2000, s11, s13, $0x38;
	[tilespmem:$0x18400] =	vst v63  }
0x21b: {  	s26 =	simm.s32 $0x1;
	s2 =	sadd.s32 s3, s4  }
0x21c: {  	[tilespmem:s20], [sflag:$0x8] =	stream.strided.gather [hbm4b:s2+s13], $0x2000, s11, s13, $0x38;
	[tilespmem:$0x18400] =	vst v63  }
0x21d: {  	s21 =	sand.u32 $0x7F, s21;
	_ =	swait.ge [sflag:s26], $0x2000  }
0x21e: {  	v52 =	vor.u32 s21, v0;
	s24 =	sand.u32 $0x7F, s25;
	s25 =	simm.s32 $0x1;
	[sflag:s26] =	ssyncset.done $0x0  }
0x21f: {  	v53 =	vor.u32 s24, v0;
	s26 =	simm.s32 $0x5;
	[sflag:s25] =	ssyncadd.s32 $0xFFFFE000  }
0x220: {  	_ =	swait.ge [sflag:s26], $0x2000  }
0x221: {  	s0 =	sadd.s32 $0xFFFFFFFD, s31;
	[sflag:s26] =	ssyncset.done $0x0  }
0x222: {  	v54 =	vmov s0;
	[sflag:s26] =	ssyncadd.s32 $0xFFFFE000  }
0x223: {  	v55 =	vshll.u32 v54, $0x3;
	v10 =	vld.idx.msk [tilespmem:v52+s13+$0x0], $0xffff  }
0x224: {  	v13 =	vand.u32 $0xC00, v55;
	v12 =	vand.u32 $0x7C, v54;
	v11 =	vld.idx.msk [tilespmem:v53+s14+$0x0], $0xffff  }
0x225: {  	v12 =	vor.u32 v12, v13  }
0x226: {  	v13 =	vor.u32 v1, v12  }
0x227: {  	v56 =	vor.u32 s21, v2  }
0x228: {  	v57 =	vor.u32 s24, v2  }
0x229: {  	v10 =	vmul.f32 v11, v10;
	_ =	sdelay $0x1  }
0x22a: {  	[tilespmem:v13+s23+$0x0] =	vst.idx.msk $0xffff, v10  }
0x22b: {  	v10 =	vld.idx.msk [tilespmem:v56+s13+$0x0], $0xffff  }
0x22c: {  	v58 =	vld.idx.msk [tilespmem:v57+s14+$0x0], $0xffff;
	_ =	sdelay $0x1  }
0x22d: {  	v59 =	vor.u32 v3, v12  }
0x22e: {  	v60 =	vor.u32 s21, v4  }
0x22f: {  	v61 =	vor.u32 s24, v4  }
0x230: {  	v10 =	vmul.f32 v58, v10;
	_ =	sdelay $0x1  }
0x231: {  	p0 =	seq.s32 s31, $0x1FF;
	[tilespmem:v59+s23+$0x0] =	vst.idx.msk $0xffff, v10  }
0x232: {  	(v2sf) =	vpush @!p0 v9, $0x0;
	v10 =	vld.idx.msk [tilespmem:v60+s13+$0x0], $0xffff  }
0x233: {  	v62 =	vld.idx.msk [tilespmem:v61+s14+$0x0], $0xffff;
	_ =	sdelay $0x1  }
0x234: {  	v63 =	vor.u32 v5, v12  }
0x235: {  	v18 =	vor.u32 s21, v6;
	(v2sf) =	vpush @!p0 v8, $0x0  }
0x236: {  	v19 =	vor.u32 s24, v6  }
0x237: {  	v10 =	vmul.f32 v62, v10;
	_ =	sdelay $0x1  }
0x238: {  	[tilespmem:v63+s23+$0x0] =	vst.idx.msk $0xffff, v10  }
0x239: {  	v10 =	vld.idx.msk [tilespmem:v18+s13+$0x0], $0xffff  }
0x23a: {  	v20 =	vld.idx.msk [tilespmem:v19+s14+$0x0], $0xffff;
	_ =	sdelay $0x1  }
0x23b: {  	v12 =	vor.u32 v7, v12;
	_ =	sdelay $0x2  }
0x23c: {  	s2 =	spop @!p0 (v2sf);
	v10 =	vmul.f32 v20, v10  }
0x23d: {  	s2 =	sand.u32 @!p0 $0xFFFFF80, s2  }
0x23e: {  	s21 =	simm.s32 @!p0 $0x400;
	s22 =	sadd.s32 @!p0 s1, s2;
	s2 =	simm.s32 @!p0 $0x7A1400;
	[tilespmem:v12+s23+$0x0] =	vst.idx.msk $0xffff, v10  }
0x23f: {  	[tilespmem:s21], [sflag:$0x1] =	stream.strided.gather @!p0 [hbm4b:s22+s21], $0x2000, s2, s21, $0x38;
	[tilespmem:$0x18400] =	vst v63  }
0x240: {  	s22 =	spop @!p0 (v2sf)  }
0x241: {  	s22 =	sand.u32 @!p0 $0xFFFFF80, s22  }
0x242: {  	s24 =	simm.s32 @!p0 $0x8400;
	s22 =	sadd.s32 @!p0 s3, s22  }
0x243: {  	[tilespmem:s24], [sflag:$0x5] =	stream.strided.gather @!p0 [hbm4b:s22+s21], $0x2000, s2, s21, $0x38;
	[tilespmem:$0x18400] =	vst v63  }
0x244: {  	s24 =	simm.s32 $0x2  }
0x245: {  	s5 =	sand.u32 $0x7F, s5;
	_ =	swait.ge [sflag:s24], $0x2000  }
0x246: {  	s12 =	sand.u32 $0x7F, s12;
	v21 =	vor.u32 s5, v0;
	[sflag:s24] =	ssyncset.done $0x0  }
0x247: {  	v22 =	vor.u32 s12, v0;
	[sflag:s24] =	ssyncadd.s32 $0xFFFFE000  }
0x248: {  	_ =	swait.ge [sflag:s29], $0x2000  }
0x249: {  	s4 =	sadd.s32 $0xFFFFFFFE, s31;
	s22 =	simm.s32 $0x6;
	[sflag:s29] =	ssyncset.done $0x0  }
0x24a: {  	v23 =	vmov s4;
	[sflag:s22] =	ssyncadd.s32 $0xFFFFE000  }
0x24b: {  	v24 =	vshll.u32 v23, $0x3;
	v10 =	vld.idx.msk [tilespmem:v21+s15+$0x0], $0xffff  }
0x24c: {  	v13 =	vand.u32 $0xC00, v24;
	v12 =	vand.u32 $0x7D, v23;
	v11 =	vld.idx.msk [tilespmem:v22+s16+$0x0], $0xffff  }
0x24d: {  	v12 =	vor.u32 v12, v13  }
0x24e: {  	v13 =	vor.u32 v1, v12  }
0x24f: {  	v25 =	vor.u32 s5, v2  }
0x250: {  	v26 =	vor.u32 s12, v2  }
0x251: {  	v10 =	vmul.f32 v11, v10;
	_ =	sdelay $0x1  }
0x252: {  	[tilespmem:v13+s23+$0x0] =	vst.idx.msk $0xffff, v10  }
0x253: {  	v10 =	vld.idx.msk [tilespmem:v25+s15+$0x0], $0xffff  }
0x254: {  	v27 =	vld.idx.msk [tilespmem:v26+s16+$0x0], $0xffff;
	_ =	sdelay $0x1  }
0x255: {  	v28 =	vor.u32 v3, v12  }
0x256: {  	v29 =	vor.u32 s5, v4  }
0x257: {  	v30 =	vor.u32 s12, v4  }
0x258: {  	v10 =	vmul.f32 v27, v10;
	_ =	sdelay $0x1  }
0x259: {  	[tilespmem:v28+s23+$0x0] =	vst.idx.msk $0xffff, v10  }
0x25a: {  	(v2sf) =	vpush @!p0 v9, $0x1;
	v10 =	vld.idx.msk [tilespmem:v29+s15+$0x0], $0xffff  }
0x25b: {  	v31 =	vld.idx.msk [tilespmem:v30+s16+$0x0], $0xffff;
	_ =	sdelay $0x1  }
0x25c: {  	v32 =	vor.u32 v5, v12  }
0x25d: {  	v33 =	vor.u32 s5, v6;
	(v2sf) =	vpush @!p0 v8, $0x1  }
0x25e: {  	v34 =	vor.u32 s12, v6  }
0x25f: {  	v10 =	vmul.f32 v31, v10;
	_ =	sdelay $0x1  }
0x260: {  	[tilespmem:v32+s23+$0x0] =	vst.idx.msk $0xffff, v10  }
0x261: {  	v10 =	vld.idx.msk [tilespmem:v33+s15+$0x0], $0xffff  }
0x262: {  	v35 =	vld.idx.msk [tilespmem:v34+s16+$0x0], $0xffff;
	_ =	sdelay $0x1  }
0x263: {  	v12 =	vor.u32 v7, v12;
	_ =	sdelay $0x2  }
0x264: {  	s5 =	spop @!p0 (v2sf);
	v10 =	vmul.f32 v35, v10  }
0x265: {  	s5 =	sand.u32 @!p0 $0xFFFFF80, s5  }
0x266: {  	s12 =	simm.s32 @!p0 $0x2400;
	s5 =	sadd.s32 @!p0 s1, s5;
	[tilespmem:v12+s23+$0x0] =	vst.idx.msk $0xffff, v10  }
0x267: {  	[tilespmem:s12], [sflag:$0x2] =	stream.strided.gather @!p0 [hbm4b:s5+s21], $0x2000, s2, s21, $0x38;
	[tilespmem:$0x18400] =	vst v63  }
0x268: {  	s5 =	spop @!p0 (v2sf)  }
0x269: {  	s5 =	sand.u32 @!p0 $0xFFFFF80, s5  }
0x26a: {  	s12 =	simm.s32 @!p0 $0xA400;
	s5 =	sadd.s32 @!p0 s3, s5  }
0x26b: {  	[tilespmem:s12], [sflag:$0x6] =	stream.strided.gather @!p0 [hbm4b:s5+s21], $0x2000, s2, s21, $0x38;
	[tilespmem:$0x18400] =	vst v63  }
0x26c: {  	s8 =	sand.u32 $0x7F, s8;
	_ =	swait.ge [sflag:s28], $0x2000  }
0x26d: {  	v36 =	vor.u32 s8, v0;
	s0 =	sand.u32 $0x7F, s10;
	[sflag:s28] =	ssyncset.done $0x0  }
0x26e: {  	v37 =	vor.u32 s0, v0;
	s29 =	simm.s32 $0x7;
	[sflag:s28] =	ssyncadd.s32 $0xFFFFE000  }
0x26f: {  	_ =	swait.ge [sflag:s29], $0x2000  }
0x270: {  	s4 =	sadd.s32 $0xFFFFFFFF, s31;
	[sflag:s29] =	ssyncset.done $0x0  }
0x271: {  	v38 =	vmov s4;
	[sflag:s29] =	ssyncadd.s32 $0xFFFFE000  }
0x272: {  	v39 =	vshll.u32 v38, $0x3;
	v10 =	vld.idx.msk [tilespmem:v36+s17+$0x0], $0xffff  }
0x273: {  	v13 =	vand.u32 $0xC00, v39;
	v12 =	vand.u32 $0x7E, v38;
	v11 =	vld.idx.msk [tilespmem:v37+s18+$0x0], $0xffff  }
0x274: {  	v12 =	vor.u32 v12, v13  }
0x275: {  	v13 =	vor.u32 v1, v12  }
0x276: {  	v40 =	vor.u32 s8, v2  }
0x277: {  	v41 =	vor.u32 s0, v2  }
0x278: {  	v10 =	vmul.f32 v11, v10;
	_ =	sdelay $0x1  }
0x279: {  	[tilespmem:v13+s23+$0x0] =	vst.idx.msk $0xffff, v10  }
0x27a: {  	v10 =	vld.idx.msk [tilespmem:v40+s17+$0x0], $0xffff  }
0x27b: {  	v42 =	vld.idx.msk [tilespmem:v41+s18+$0x0], $0xffff;
	_ =	sdelay $0x1  }
0x27c: {  	v43 =	vor.u32 v3, v12  }
0x27d: {  	v44 =	vor.u32 s8, v4  }
0x27e: {  	v45 =	vor.u32 s0, v4  }
0x27f: {  	v10 =	vmul.f32 v42, v10;
	_ =	sdelay $0x1  }
0x280: {  	[tilespmem:v43+s23+$0x0] =	vst.idx.msk $0xffff, v10  }
0x281: {  	(v2sf) =	vpush @!p0 v9, $0x2;
	v10 =	vld.idx.msk [tilespmem:v44+s17+$0x0], $0xffff  }
0x282: {  	v46 =	vld.idx.msk [tilespmem:v45+s18+$0x0], $0xffff;
	_ =	sdelay $0x1  }
0x283: {  	v47 =	vor.u32 v5, v12  }
0x284: {  	v48 =	vor.u32 s8, v6;
	(v2sf) =	vpush @!p0 v8, $0x2  }
0x285: {  	v8 =	vor.u32 s0, v6  }
0x286: {  	v9 =	vmul.f32 v46, v10;
	_ =	sdelay $0x1  }
0x287: {  	[tilespmem:v47+s23+$0x0] =	vst.idx.msk $0xffff, v9  }
0x288: {  	v9 =	vld.idx.msk [tilespmem:v48+s17+$0x0], $0xffff  }
0x289: {  	v8 =	vld.idx.msk [tilespmem:v8+s18+$0x0], $0xffff;
	_ =	sdelay $0x1  }
0x28a: {  	v49 =	vor.u32 v7, v12;
	_ =	sdelay $0x2  }
0x28b: {  	s5 =	spop @!p0 (v2sf);
	v8 =	vmul.f32 v8, v9  }
0x28c: {  	s5 =	sand.u32 @!p0 $0xFFFFF80, s5  }
0x28d: {  	s8 =	simm.s32 @!p0 $0x4400;
	s5 =	sadd.s32 @!p0 s1, s5;
	[tilespmem:v49+s23+$0x0] =	vst.idx.msk $0xffff, v8  }
0x28e: {  	[tilespmem:s8], [sflag:$0x3] =	stream.strided.gather @!p0 [hbm4b:s5+s21], $0x2000, s2, s21, $0x38;
	[tilespmem:$0x18400] =	vst v63  }
0x28f: {  	s5 =	spop @!p0 (v2sf)  }
0x290: {  	s5 =	sand.u32 @!p0 $0xFFFFF80, s5  }
0x291: {  	s8 =	simm.s32 @!p0 $0xC400;
	s5 =	sadd.s32 @!p0 s3, s5  }
0x292: {  	[tilespmem:s8], [sflag:$0x7] =	stream.strided.gather @!p0 [hbm4b:s5+s21], $0x2000, s2, s21, $0x38;
	[tilespmem:$0x18400] =	vst v63  }
0x293: {  	s5 =	simm.s32 $0x4  }
0x294: {  	s6 =	sand.u32 $0x7F, s6;
	_ =	swait.ge [sflag:s5], $0x2000  }
0x295: {  	s7 =	sand.u32 $0x7F, s7;
	v8 =	vor.u32 s6, v0;
	[sflag:s5] =	ssyncset.done $0x0  }
0x296: {  	v50 =	vor.u32 s7, v0;
	s8 =	simm.s32 $0x8;
	[sflag:s5] =	ssyncadd.s32 $0xFFFFE000  }
0x297: {  	_ =	swait.ge [sflag:s8], $0x2000  }
0x298: {  	[sflag:s8] =	ssyncset.done $0x0  }
0x299: {  	v51 =	vmov s31;
	[sflag:s8] =	ssyncadd.s32 $0xFFFFE000  }
0x29a: {  	v52 =	vshll.u32 v51, $0x3;
	v8 =	vld.idx.msk [tilespmem:v8+s19+$0x0], $0xffff  }
0x29b: {  	v11 =	vand.u32 $0xC00, v52;
	v10 =	vand.u32 $0x7F, v51;
	v9 =	vld.idx.msk [tilespmem:v50+s20+$0x0], $0xffff  }
0x29c: {  	v10 =	vor.u32 v10, v11  }
0x29d: {  	v11 =	vor.u32 v1, v10  }
0x29e: {  	v53 =	vor.u32 s6, v2  }
0x29f: {  	v54 =	vor.u32 s7, v2  }
0x2a0: {  	v8 =	vmul.f32 v9, v8;
	_ =	sdelay $0x1  }
0x2a1: {  	[tilespmem:v11+s23+$0x0] =	vst.idx.msk $0xffff, v8  }
0x2a2: {  	v8 =	vld.idx.msk [tilespmem:v53+s19+$0x0], $0xffff  }
0x2a3: {  	v55 =	vld.idx.msk [tilespmem:v54+s20+$0x0], $0xffff;
	_ =	sdelay $0x1  }
0x2a4: {  	v56 =	vor.u32 v3, v10  }
0x2a5: {  	v57 =	vor.u32 s6, v4  }
0x2a6: {  	v58 =	vor.u32 s7, v4  }
0x2a7: {  	v8 =	vmul.f32 v55, v8;
	_ =	sdelay $0x1  }
0x2a8: {  	[tilespmem:v56+s23+$0x0] =	vst.idx.msk $0xffff, v8  }
0x2a9: {  	v8 =	vld.idx.msk [tilespmem:v57+s19+$0x0], $0xffff  }
0x2aa: {  	v59 =	vld.idx.msk [tilespmem:v58+s20+$0x0], $0xffff;
	_ =	sdelay $0x1  }
0x2ab: {  	v60 =	vor.u32 v5, v10  }
0x2ac: {  	v61 =	vor.u32 s6, v6  }
0x2ad: {  	v62 =	vor.u32 s7, v6  }
0x2ae: {  	v8 =	vmul.f32 v59, v8;
	_ =	sdelay $0x1  }
0x2af: {  	[tilespmem:v60+s23+$0x0] =	vst.idx.msk $0xffff, v8  }
0x2b0: {  	v8 =	vld.idx.msk [tilespmem:v61+s19+$0x0], $0xffff  }
0x2b1: {  	v63 =	vld.idx.msk [tilespmem:v62+s20+$0x0], $0xffff  }
0x2b2: {  	s31 =	sadd.s32 $0x10, s31  }
0x2b3: {  	v10 =	vor.u32 v7, v10;
	p0 =	sne.s32 s31, $0x20F  }
.Ltmp0:
0x2b4: {  	_ = 	snop;
	(pc) =	sbr.rel @p0 .LBB2_2-.Ltmp0, $4  }
0x2b5: {  	_ = 	snop  }
0x2b6: {  	s10 =	rddreg [dreg:$0xa];
	v8 =	vmul.f32 v63, v8  }
0x2b7: {  	s9 =	sadd.s32 $0x1, s9;
	s21 =	rddreg [dreg:$0xb]  }
0x2b8: {  	s12 =	smov.u32 s3;
	s2 =	sadd.s32 $0x10, s21;
	s0 =	sadd.s32 $0x10, s10;
	[tilespmem:v10+s23+$0x0] =	vst.idx.msk $0xffff, v8  }
0x2b9: {  	s2 =	rddreg [dreg:$0x7]  }
0x2ba: {  	s0 =	simm.s32 $0x1000;
	s3 =	simm.s32 $0x20000;
	s7 =	simm.s32 $0x9  }
0x2bb: {  	[hbm4b:s2+s0] =	stream.strided.scatter [tilespmem:s23], [sflag:$0x9], $0x8000, s3, s0, $0x38;
	[tilespmem:$0x18400] =	vst v63  }
0x2bc: {  	_ =	swait.ge [sflag:s7], $0x8000  }
0x2bd: {  	s21 =	rddreg [dreg:$0x9]  }
0x2be: {  	s31 =	rddreg [dreg:$0x8];
	s0 =	sadd.s32 $0x1, s21  }
0x2bf: {  	p0 =	sne.s32 s0, s31  }
.Ltmp1:
0x2c0: {  	_ = 	snop;
	(pc) =	sbr.rel @p0 .LBB2_1-.Ltmp1, $3  }
0x2c1: {  	_ =	sdelay $0x1  }
0x2c2: {  	[sflag:s7] =	ssyncset.done $0x0  }
0x2c3: {  	[sflag:s7] =	ssyncadd.s32 $0xFFFF8000  }
0x2c4: {  	_ =	sfence.sel $0x180000  }
0x2c5: {  	[bflag:$0x0] =	sbarrier.arrive $0xFFFF  }
0x2c6: {  	_ =	strace $0x90000047  }
0x2c7: {  	s0 =	stileid.u32;
	[bflag:$0x2] =	sbarrier.arrive $0xFFFF  }
0x2c8: {  	p0 =	sne.s32 s0, $0x0;
	s0 =	rddreg [dreg:$0x4]  }
0x2c9: {  	s0 =	sadd.s32 @!p0 $0x100000, s0  }
0x2ca: {  	[sflag:s0] =	ssyncadd.tile.s32 @!p0 $0x1;
	_ =	shalt  }
.Lfunc_end2:
_tile_overlayer_lowered:
.L_overlay_start_2:
0x2cb: {  	(tag) =	ssettag $0x2  }
0x2cc: {  	s0 =	rddreg [dreg:$0x0];
	s2 =	stileid.u32  }
0x2cd: {  	s1 =	rddreg [dreg:$0x1];
	p0 =	sne.s32 s2, $0x0  }
0x2ce: {  	s3 =	rddreg [dreg:$0x2];
	[bflag:$0x3] =	sbarrier.arrive $0xFFFF;
	s2 =	simm.s32 @!p0 $0x1C09  }
0x2cf: {  	[timem:s3], [sflag:s2] =	dma.local @!p0 [hbm:s0], s1  }
0x2d0: {  	s0 =	simm.s32 @!p0 $0x9  }
0x2d1: {  	_ =	swait.ge @!p0 [sflag:s0], s1  }
0x2d2: {  	s1 =	ssub.s32 @!p0 $0x0, s1;
	[sflag:s0] =	ssyncset.done @!p0 $0x0  }
0x2d3: {  	[sflag:s0] =	ssyncadd.s32 @!p0 s1  }
0x2d4: {  	[bflag:$0x3] =	sbarrier.arrive $0xFFFF  }
0x2d5: {  	_ =	shalt  }

</sc_bundles>
